<compile_context>
chip_gen: v7x
topology: tpu7x:2x2x1
jax: 0.10.2.dev20260603
libtpu: 0.0.44.dev20260713+nightly
codegen_flags: <defaults>
</compile_context>

<pallas_src>
import dataclasses

import numpy as np

import jax
import jax.numpy as jnp
from jax import lax
from jax.experimental import pallas as pl
from jax.experimental.pallas import tpu as pltpu
from jax.experimental.pallas import tpu_sc as plsc

N = 10000
E = 320000
D = 128
ALPHA = 0.2

NC = 2
NS = 16
NW = NC * NS
K = 48
NCH = 210
EP = NW * NCH * K
NPAD = 10240
RPT = NPAD // NS
RV = RPT // 16

_GDN = lax.GatherDimensionNumbers(offset_dims=(), collapsed_slice_dims=(0,),
                                  start_index_map=(0,))


def _lane_perm(x, idx):
    return lax.gather(x, idx[:, None], _GDN, slice_sizes=(1,),
                      mode=lax.GatherScatterMode.PROMISE_IN_BOUNDS)


def _loop_i32(n, body, unroll=1):
    def sbody(g, _):
        body(g)
        return g + jnp.int32(1), None
    lax.scan(sbody, jnp.int32(0), None, length=n, unroll=unroll)


def _matmul_body(x_ref, w_ref, o_ref):
    o_ref[...] = jnp.dot(x_ref[...], w_ref[...],
                         preferred_element_type=jnp.float32,
                         precision=lax.Precision.HIGHEST)


def _combine_body(p_ref, rs_ref, o_ref):
    p = p_ref[...]
    num = p[0, :N] + p[1, :N]
    r = rs_ref[...]
    rsum = r[0] + r[1]
    den = jnp.reshape(rsum, (NPAD, 1))[:N] + 1e-8
    hp = num / den
    o_ref[...] = jnp.where(hp > 0, hp, jnp.exp(hp) - 1.0)


def _edge_body(h_hbm, src_hbm, dst_hbm, zero_hbm, out_hbm, rs_hbm, rst_hbm,
               es0, es1, es2, ed0, ed1, ed2, ar0, ar1, ar2, br0, br1, br2,
               rsum, rtmp, racc, acc,
               si0, si1, si2, sg0, sg1, sg2, ss0, ss1, ss2):
    ebs = [es0, es1, es2]
    ebd = [ed0, ed1, ed2]
    arows = [ar0, ar1, ar2]
    brows = [br0, br1, br2]
    sem_i = [si0, si1, si2]
    sem_g = [sg0, sg1, sg2]
    sem_s = [ss0, ss1, ss2]

    cid = lax.convert_element_type(lax.axis_index("c"), jnp.int32)
    sid = lax.convert_element_type(lax.axis_index("s"), jnp.int32)
    wid = sid * jnp.int32(NC) + cid
    cbase = wid * jnp.int32(NCH)
    zvec = jnp.zeros((16,), jnp.float32)
    z16 = jnp.zeros((16,), jnp.int32)
    i16 = lax.iota(jnp.int32, 16)
    lane0 = i16 == 0
    rots = [(i16 + jnp.int32(s)) & jnp.int32(15) for s in (8, 4, 2, 1)]

    def fire_idx(p, c):
        off = (cbase + c) * jnp.int32(K)
        pltpu.async_copy(src_hbm.at[pl.ds(off, K)], ebs[p], sem_i[p])
        pltpu.async_copy(dst_hbm.at[pl.ds(off, K)], ebd[p], sem_i[p])

    def wait_idx(p):
        pltpu.make_async_copy(src_hbm.at[pl.ds(0, K)], ebs[p],
                              sem_i[p]).wait()
        pltpu.make_async_copy(dst_hbm.at[pl.ds(0, K)], ebd[p],
                              sem_i[p]).wait()

    def fire_gather(p):
        pltpu.async_copy(h_hbm.at[ebs[p]], arows[p], sem_g[p])
        pltpu.async_copy(h_hbm.at[ebd[p]], brows[p], sem_g[p])

    def wait_gather(p):
        pltpu.make_async_copy(h_hbm.at[ebs[p]], arows[p],
                              sem_g[p]).wait()
        pltpu.make_async_copy(h_hbm.at[ebd[p]], brows[p],
                              sem_g[p]).wait()

    def fire_scatter(p):
        pltpu.async_copy(brows[p], acc.at[ebs[p]], sem_s[p], add=True)

    def wait_scatter(p):
        pltpu.make_async_copy(brows[p], acc.at[ebs[p]],
                              sem_s[p]).wait()

    def compute(p):
        ap, bp, ep = arows[p], brows[p], ebs[p]

        def edge_body(j):
            av = [ap[j, pl.ds(16 * k, 16)] for k in range(D // 16)]
            bv = [bp[j, pl.ds(16 * k, 16)] for k in range(D // 16)]
            dp = av[0] * bv[0]
            for k in range(1, D // 16):
                dp = dp + av[k] * bv[k]
            for r in rots:
                dp = dp + _lane_perm(dp, r)
            ev = jnp.exp(-jnp.maximum(dp, ALPHA * dp))
            for k in range(D // 16):
                bp[j, pl.ds(16 * k, 16)] = bv[k] * ev
            srcv = plsc.load_gather(ep, [jnp.full((16,), j, jnp.int32)])
            plsc.addupdate_scatter(rsum, [srcv], ev, mask=lane0)

        _loop_i32(K, edge_body, unroll=8)

    rbase = sid * jnp.int32(RPT)
    pltpu.sync_copy(zero_hbm.at[pl.ds(rbase, RPT)],
                    acc.at[pl.ds(rbase, RPT)])

    def zero_body(i):
        rsum[pl.ds(i * jnp.int32(16), 16)] = zvec
    _loop_i32(NPAD // 16, zero_body)
    plsc.subcore_barrier()

    def iter_body(i):
        for u in range(3):
            c = i * jnp.int32(3) + jnp.int32(u) - jnp.int32(3)
            p, pn, pnn = u, (u + 1) % 3, (u + 2) % 3

            @pl.when(c >= jnp.int32(0))
            def _():
                wait_gather(p)

            @pl.when((c >= jnp.int32(-1)) & (c < jnp.int32(NCH - 1)))
            def _():
                wait_idx(pn)
                fire_gather(pn)

            @pl.when(c >= jnp.int32(0))
            def _():
                compute(p)
                fire_scatter(p)

            @pl.when(c >= jnp.int32(1))
            def _():
                wait_scatter(pnn)

            @pl.when((c >= jnp.int32(-2)) & (c < jnp.int32(NCH - 2)))
            def _():
                fire_idx(pnn, c + jnp.int32(2))

    _loop_i32(NCH // 3 + 1, iter_body)
    wait_scatter((NCH - 1) % 3)

    cslab = cid * jnp.int32(NS * NPAD)
    pltpu.sync_copy(rsum, rst_hbm.at[pl.ds(cslab + sid * jnp.int32(NPAD),
                                           NPAD)])
    plsc.subcore_barrier()

    pltpu.sync_copy(rst_hbm.at[pl.ds(cslab + rbase, RPT)], racc)

    def rs_reduce(t):
        off = cslab + (t + jnp.int32(1)) * jnp.int32(NPAD) + rbase
        pltpu.sync_copy(rst_hbm.at[pl.ds(off, RPT)], rtmp)

        def add_body(i):
            o = pl.ds(i * jnp.int32(16), 16)
            racc[o] = racc[o] + rtmp[o]
        _loop_i32(RV, add_body)
    _loop_i32(NS - 1, rs_reduce)

    obase = cid * jnp.int32(NPAD) + rbase
    pltpu.sync_copy(acc.at[pl.ds(rbase, RPT)],
                    out_hbm.at[pl.ds(obase, RPT)])
    pltpu.sync_copy(racc, rs_hbm.at[pl.ds(obase, RPT)])


def kernel(x, edge_index, W):
    out_dtype = jnp.result_type(x.dtype, W.dtype)
    x = x.astype(jnp.float32)
    W = W.astype(jnp.float32)
    src = edge_index[0].astype(jnp.int32)
    dst = edge_index[1].astype(jnp.int32)
    pad = jnp.full((EP - E,), NPAD - 1, dtype=jnp.int32)
    src = jnp.concatenate([src, pad])
    dst = jnp.concatenate([dst, pad])
    xp = jnp.pad(x, ((0, NPAD - N), (0, 0)))
    zeros = jnp.zeros((NPAD, D), dtype=jnp.float32)

    h = pl.pallas_call(
        _matmul_body,
        out_shape=jax.ShapeDtypeStruct((NPAD, D), jnp.float32),
    )(xp, W)

    mesh = plsc.VectorSubcoreMesh(core_axis_name="c", subcore_axis_name="s")
    cp = pltpu.CompilerParams()
    if "needs_layout_passes" in pltpu.CompilerParams.__dataclass_fields__:
        cp = dataclasses.replace(cp, needs_layout_passes=False)
    edge_kernel = pl.kernel(
        _edge_body,
        compiler_params=cp,
        out_type=(
            jax.ShapeDtypeStruct((NC * NPAD, D), jnp.float32),
            jax.ShapeDtypeStruct((NC * NPAD,), jnp.float32),
            jax.ShapeDtypeStruct((NC * NS * NPAD,), jnp.float32),
        ),
        mesh=mesh,
        scratch_types=[
            pltpu.VMEM((K,), jnp.int32),
            pltpu.VMEM((K,), jnp.int32),
            pltpu.VMEM((K,), jnp.int32),
            pltpu.VMEM((K,), jnp.int32),
            pltpu.VMEM((K,), jnp.int32),
            pltpu.VMEM((K,), jnp.int32),
            pltpu.VMEM((K, D), jnp.float32),
            pltpu.VMEM((K, D), jnp.float32),
            pltpu.VMEM((K, D), jnp.float32),
            pltpu.VMEM((K, D), jnp.float32),
            pltpu.VMEM((K, D), jnp.float32),
            pltpu.VMEM((K, D), jnp.float32),
            pltpu.VMEM((NPAD,), jnp.float32),
            pltpu.VMEM((RPT,), jnp.float32),
            pltpu.VMEM((RPT,), jnp.float32),
            pltpu.VMEM_SHARED((NPAD, D), jnp.float32),
            pltpu.SemaphoreType.DMA,
            pltpu.SemaphoreType.DMA,
            pltpu.SemaphoreType.DMA,
            pltpu.SemaphoreType.DMA,
            pltpu.SemaphoreType.DMA,
            pltpu.SemaphoreType.DMA,
            pltpu.SemaphoreType.DMA,
            pltpu.SemaphoreType.DMA,
            pltpu.SemaphoreType.DMA,
        ],
    )
    feat, rs, _ = edge_kernel(h, src, dst, zeros)
    feat = feat.reshape(NC, NPAD, D)
    rs = rs.reshape(NC, NPAD)

    out = pl.pallas_call(
        _combine_body,
        out_shape=jax.ShapeDtypeStruct((N, D), jnp.float32),
    )(feat, rs)
    return out.astype(out_dtype)

# --- scband reference (transcript-rebuilt; emitter-appended) ---
"""Pipeline reference for scband-sp-hop-attention-layer-62706522522387 (READ-ONLY COPY).

The authoritative reference and input builder live on the scoring server;
editing this copy changes nothing except your own understanding.
"""

import jax
jax.config.update("jax_enable_x64", True)
import jax.numpy as jnp
import numpy as np

N = 10000
E = 320000
D_IN = 128
D_OUT = 128
ALPHA = 0.2


def setup_inputs(seed: int = 0) -> dict:
    key = jax.random.key(seed)
    k1, k2, k3 = jax.random.split(key, 3)
    x = jax.random.normal(k1, (N, D_IN), dtype=jnp.float32)
    edge_index = jax.random.randint(k2, (2, E), 0, N, dtype=jnp.int64)
    # xavier_normal with gain=1.414 for W [in_features, out_features]
    std = 1.414 * np.sqrt(2.0 / (D_IN + D_OUT))
    W = jax.random.normal(k3, (D_IN, D_OUT), dtype=jnp.float32) * std
    return {"x": x, "edge_index": edge_index, "W": W}


def reference(x, edge_index, W):
    # h = input @ W
    h = jnp.dot(x, W)
    src = edge_index[0]
    dst = edge_index[1]
    # att_type == 'dp': dot-product attention on edges
    conv = h[src] * h[dst]                      # gather (SparseCore)
    e_scores = conv.sum(axis=1)
    edge_e = jnp.exp(-jax.nn.leaky_relu(e_scores, negative_slope=ALPHA))
    # e_rowsum = spmm(edge, edge_e, [N,N], ones(N,1)) -> segment sum over rows
    e_rowsum = jax.ops.segment_sum(edge_e, src, num_segments=N)[:, None]
    # dropout p=0.0 -> identity
    # h_prime = spmm(edge, edge_e, [N,N], h) -> scatter-add of edge_e * h[dst] into rows src
    h_prime = jax.ops.segment_sum(edge_e[:, None] * h[dst], src, num_segments=N)
    e_rowsum = e_rowsum + 1e-08
    h_prime = h_prime / e_rowsum
    # concat=True -> ELU
    return jax.nn.elu(h_prime)

if __name__ == "__main__":
    import jax
    _d = setup_inputs()
    print(jax.jit(kernel)(*tuple(_d.values())))

</pallas_src>

<mosaic_0001>
#map = affine_map<(d0, d1) -> (0, 0)>
#map1 = affine_map<(d0, d1) -> (0)>
module attributes {stable_mosaic.version = 14 : i64} {
  func.func @_edge_body(%arg0: i32, %arg1: i32, %arg2: memref<10240x128xf32, #tpu.memory_space<hbm>>, %arg3: memref<322560xi32, #tpu.memory_space<hbm>>, %arg4: memref<322560xi32, #tpu.memory_space<hbm>>, %arg5: memref<10240x128xf32, #tpu.memory_space<hbm>>, %arg6: memref<20480x128xf32, #tpu.memory_space<hbm>>, %arg7: memref<20480xf32, #tpu.memory_space<hbm>>, %arg8: memref<327680xf32, #tpu.memory_space<hbm>>, %arg9: memref<48xi32, #tpu.memory_space<vmem>>, %arg10: memref<48xi32, #tpu.memory_space<vmem>>, %arg11: memref<48xi32, #tpu.memory_space<vmem>>, %arg12: memref<48xi32, #tpu.memory_space<vmem>>, %arg13: memref<48xi32, #tpu.memory_space<vmem>>, %arg14: memref<48xi32, #tpu.memory_space<vmem>>, %arg15: memref<48x128xf32, #tpu.memory_space<vmem>>, %arg16: memref<48x128xf32, #tpu.memory_space<vmem>>, %arg17: memref<48x128xf32, #tpu.memory_space<vmem>>, %arg18: memref<48x128xf32, #tpu.memory_space<vmem>>, %arg19: memref<48x128xf32, #tpu.memory_space<vmem>>, %arg20: memref<48x128xf32, #tpu.memory_space<vmem>>, %arg21: memref<10240xf32, #tpu.memory_space<vmem>>, %arg22: memref<640xf32, #tpu.memory_space<vmem>>, %arg23: memref<640xf32, #tpu.memory_space<vmem>>, %arg24: memref<10240x128xf32, #tpu.memory_space<vmem_shared>>, %arg25: memref<!tpu.dma_semaphore, #tpu.memory_space<semaphore_mem>>, %arg26: memref<!tpu.dma_semaphore, #tpu.memory_space<semaphore_mem>>, %arg27: memref<!tpu.dma_semaphore, #tpu.memory_space<semaphore_mem>>, %arg28: memref<!tpu.dma_semaphore, #tpu.memory_space<semaphore_mem>>, %arg29: memref<!tpu.dma_semaphore, #tpu.memory_space<semaphore_mem>>, %arg30: memref<!tpu.dma_semaphore, #tpu.memory_space<semaphore_mem>>, %arg31: memref<!tpu.dma_semaphore, #tpu.memory_space<semaphore_mem>>, %arg32: memref<!tpu.dma_semaphore, #tpu.memory_space<semaphore_mem>>, %arg33: memref<!tpu.dma_semaphore, #tpu.memory_space<semaphore_mem>>) attributes {dimension_semantics = [#tpu.dimension_semantics<core_parallel>, #tpu.dimension_semantics<subcore_parallel>], iteration_bounds = array<i64: 2, 16>, scalar_prefetch = 0 : i64, scratch_operands = 25 : i64, tpu.core_type = #tpu.core_type<sc_vector_subcore>, window_params = [{transform_indices = #map}, {transform_indices = #map1}, {transform_indices = #map1}, {transform_indices = #map}, {transform_indices = #map}, {transform_indices = #map1}, {transform_indices = #map1}]} {
    %mul3A = arith.constant 2 : i32
    %mul3A_0 = arith.muli %arg1, %mul3A : i32
    %add3A = arith.addi %mul3A_0, %arg0 : i32
    %mul3A_1 = arith.constant 210 : i32
    %mul3A_2 = arith.muli %add3A, %mul3A_1 : i32
    %broadcast_in_dim3A = arith.constant 0.000000e+00 : f32
    %broadcast_in_dim3A_3 = vector.broadcast %broadcast_in_dim3A : f32 to vector<16xf32>
    %broadcast_in_dim3A_4 = arith.constant 0 : i32
    %broadcast_in_dim3A_5 = vector.broadcast %broadcast_in_dim3A_4 : i32 to vector<16xi32>
    %iota3A = tpu.iota {dimensions = array<i32: 0>} : vector<16xi32>
    %eq3A = arith.constant 0 : i32
    %eq3A_6 = vector.broadcast %eq3A : i32 to vector<16xi32>
    %eq3A_7 = arith.cmpi eq, %iota3A, %eq3A_6 : vector<16xi32>
    %add3A_8 = arith.constant 8 : i32
    %add3A_9 = vector.broadcast %add3A_8 : i32 to vector<16xi32>
    %add3A_10 = arith.addi %iota3A, %add3A_9 : vector<16xi32>
    %and3A = arith.constant 15 : i32
    %and3A_11 = vector.broadcast %and3A : i32 to vector<16xi32>
    %and3A_12 = arith.andi %add3A_10, %and3A_11 : vector<16xi32>
    %add3A_13 = arith.constant 4 : i32
    %add3A_14 = vector.broadcast %add3A_13 : i32 to vector<16xi32>
    %add3A_15 = arith.addi %iota3A, %add3A_14 : vector<16xi32>
    %and3A_16 = arith.constant 15 : i32
    %and3A_17 = vector.broadcast %and3A_16 : i32 to vector<16xi32>
    %and3A_18 = arith.andi %add3A_15, %and3A_17 : vector<16xi32>
    %add3A_19 = arith.constant 2 : i32
    %add3A_20 = vector.broadcast %add3A_19 : i32 to vector<16xi32>
    %add3A_21 = arith.addi %iota3A, %add3A_20 : vector<16xi32>
    %and3A_22 = arith.constant 15 : i32
    %and3A_23 = vector.broadcast %and3A_22 : i32 to vector<16xi32>
    %and3A_24 = arith.andi %add3A_21, %and3A_23 : vector<16xi32>
    %add3A_25 = arith.constant 1 : i32
    %add3A_26 = vector.broadcast %add3A_25 : i32 to vector<16xi32>
    %add3A_27 = arith.addi %iota3A, %add3A_26 : vector<16xi32>
    %and3A_28 = arith.constant 15 : i32
    %and3A_29 = vector.broadcast %and3A_28 : i32 to vector<16xi32>
    %and3A_30 = arith.andi %add3A_27, %and3A_29 : vector<16xi32>
    %mul3A_31 = arith.constant 640 : i32
    %mul3A_32 = arith.muli %arg1, %mul3A_31 : i32
    "tpu.region"() ({
      %run_scoped3A = tpu.sem_alloc : memref<!tpu.dma_semaphore, #tpu.memory_space<semaphore_mem>>
      %dma_start3A = arith.constant 0 : i32
      %dma_start3A_59 = tpu.memref_slice %arg24[%mul3A_32, %dma_start3A] : memref<10240x128xf32, #tpu.memory_space<vmem_shared>> -> memref<640x128xf32, #tpu.memory_space<vmem_shared>>
      %dma_start3A_60 = arith.constant 0 : i32
      %dma_start3A_61 = tpu.memref_slice %arg5[%mul3A_32, %dma_start3A_60] : memref<10240x128xf32, #tpu.memory_space<hbm>> -> memref<640x128xf32, #tpu.memory_space<hbm>>
      tpu.enqueue_dma source(%dma_start3A_61 : memref<640x128xf32, #tpu.memory_space<hbm>>) target(%dma_start3A_59 : memref<640x128xf32, #tpu.memory_space<vmem_shared>>) target_semaphore(%run_scoped3A : memref<!tpu.dma_semaphore, #tpu.memory_space<semaphore_mem>>)
      %dma_wait3A_62 = arith.constant 0 : i32
      %dma_wait3A_63 = tpu.memref_slice %arg24[%mul3A_32, %dma_wait3A_62] : memref<10240x128xf32, #tpu.memory_space<vmem_shared>> -> memref<640x128xf32, #tpu.memory_space<vmem_shared>>
      %dma_wait3A_64 = arith.constant 0 : i32
      %dma_wait3A_65 = tpu.memref_slice %arg5[%mul3A_32, %dma_wait3A_64] : memref<10240x128xf32, #tpu.memory_space<hbm>> -> memref<640x128xf32, #tpu.memory_space<hbm>>
      tpu.wait_dma2 semaphore(%run_scoped3A : memref<!tpu.dma_semaphore, #tpu.memory_space<semaphore_mem>>) src(%dma_wait3A_65 : memref<640x128xf32, #tpu.memory_space<hbm>>) dst(%dma_wait3A_63 : memref<640x128xf32, #tpu.memory_space<vmem_shared>>)
      tpu.yield
    }) : () -> ()
    %scan3A = arith.constant 0 : i32
    %scan3A_33 = arith.constant 640 : i32
    %scan3A_34 = arith.addi %scan3A, %scan3A_33 : i32
    %scan3A_35 = arith.constant 1 : i32
    scf.for %scan3A_59 = %scan3A to %scan3A_34 step %scan3A_35  : i32 {
      %mul3A_60 = arith.constant 16 : i32
      %mul3A_61 = arith.muli %scan3A_59, %mul3A_60 : i32
      %swap3A = arith.index_cast %mul3A_61 : i32 to index
      %swap3A_62 = tpu.vector_load %arg21[%swap3A] {strides = array<i32>} : memref<10240xf32, #tpu.memory_space<vmem>>, vector<16xf32>,
      tpu.vector_store %arg21[%swap3A], %broadcast_in_dim3A_3 {strides = array<i32>} : memref<10240xf32, #tpu.memory_space<vmem>>, vector<16xf32>,
    }
    %scan3A_36 = arith.constant 640 : i32
    %barrier3A = arith.constant 0 : index
    tpu.barrier barrier_id(%barrier3A)
    %scan3A_37 = arith.constant 0 : i32
    %scan3A_38 = arith.constant 71 : i32
    %scan3A_39 = arith.addi %scan3A_37, %scan3A_38 : i32
    %scan3A_40 = arith.constant 1 : i32
    scf.for %scan3A_59 = %scan3A_37 to %scan3A_39 step %scan3A_40  : i32 {
      %mul3A_60 = arith.constant 3 : i32
      %mul3A_61 = arith.muli %scan3A_59, %mul3A_60 : i32
      %add3A_62 = arith.constant 0 : i32
      %add3A_63 = arith.addi %mul3A_61, %add3A_62 : i32
      %sub3A = arith.constant 3 : i32
      %sub3A_64 = arith.subi %add3A_63, %sub3A : i32
      %ge3A = arith.constant 0 : i32
      %ge3A_65 = arith.cmpi sge, %sub3A_64, %ge3A : i32
      %convert_element_type3A = arith.extui %ge3A_65 : i1 to i32
      %cond3A = arith.constant 0 : i32
      %cond3A_66 = arith.cmpi ne, %convert_element_type3A, %cond3A : i32
      scf.if %cond3A_66 {
        %dma_wait3A_166 = arith.constant 0 : i32
        %dma_wait3A_167 = arith.constant 0 : i32
        %dma_wait3A_168 = tpu.memref_slice %arg2[%dma_wait3A_166, %dma_wait3A_167] : memref<10240x128xf32, #tpu.memory_space<hbm>> -> memref<10240x128xf32, #tpu.memory_space<hbm>>
        tpu.wait_indirect_dma semaphore(%arg28 : memref<!tpu.dma_semaphore, #tpu.memory_space<semaphore_mem>>) src(%dma_wait3A_168 : memref<10240x128xf32, #tpu.memory_space<hbm>>) dst(%arg15 : memref<48x128xf32, #tpu.memory_space<vmem>>)
        %dma_wait3A_169 = arith.constant 0 : i32
        %dma_wait3A_170 = arith.constant 0 : i32
        %dma_wait3A_171 = tpu.memref_slice %arg2[%dma_wait3A_169, %dma_wait3A_170] : memref<10240x128xf32, #tpu.memory_space<hbm>> -> memref<10240x128xf32, #tpu.memory_space<hbm>>
        tpu.wait_indirect_dma semaphore(%arg28 : memref<!tpu.dma_semaphore, #tpu.memory_space<semaphore_mem>>) src(%dma_wait3A_171 : memref<10240x128xf32, #tpu.memory_space<hbm>>) dst(%arg18 : memref<48x128xf32, #tpu.memory_space<vmem>>)
      } else {
      }
      %ge3A_67 = arith.constant -1 : i32
      %ge3A_68 = arith.cmpi sge, %sub3A_64, %ge3A_67 : i32
      %lt3A = arith.constant 209 : i32
      %lt3A_69 = arith.cmpi slt, %sub3A_64, %lt3A : i32
      %and3A_70 = arith.andi %ge3A_68, %lt3A_69 : i1
      %convert_element_type3A_71 = arith.extui %and3A_70 : i1 to i32
      %cond3A_72 = arith.constant 0 : i32
      %cond3A_73 = arith.cmpi ne, %convert_element_type3A_71, %cond3A_72 : i32
      scf.if %cond3A_73 {
        %dma_wait3A_166 = arith.constant 0 : i32
        %dma_wait3A_167 = tpu.memref_slice %arg3[%dma_wait3A_166] : memref<322560xi32, #tpu.memory_space<hbm>> -> memref<48xi32, #tpu.memory_space<hbm>>
        %dma_wait3A_168 = arith.constant 0 : i32
        %dma_wait3A_169 = tpu.memref_slice %arg3[%dma_wait3A_168] : memref<322560xi32, #tpu.memory_space<hbm>> -> memref<48xi32, #tpu.memory_space<hbm>>
        tpu.wait_dma2 semaphore(%arg26 : memref<!tpu.dma_semaphore, #tpu.memory_space<semaphore_mem>>) src(%dma_wait3A_169 : memref<48xi32, #tpu.memory_space<hbm>>) dst(%arg10 : memref<48xi32, #tpu.memory_space<vmem>>)
        %dma_wait3A_170 = arith.constant 0 : i32
        %dma_wait3A_171 = tpu.memref_slice %arg4[%dma_wait3A_170] : memref<322560xi32, #tpu.memory_space<hbm>> -> memref<48xi32, #tpu.memory_space<hbm>>
        %dma_wait3A_172 = arith.constant 0 : i32
        %dma_wait3A_173 = tpu.memref_slice %arg4[%dma_wait3A_172] : memref<322560xi32, #tpu.memory_space<hbm>> -> memref<48xi32, #tpu.memory_space<hbm>>
        tpu.wait_dma2 semaphore(%arg26 : memref<!tpu.dma_semaphore, #tpu.memory_space<semaphore_mem>>) src(%dma_wait3A_173 : memref<48xi32, #tpu.memory_space<hbm>>) dst(%arg13 : memref<48xi32, #tpu.memory_space<vmem>>)
        %dma_start3A = arith.constant 0 : i32
        %dma_start3A_174 = arith.constant 0 : i32
        %dma_start3A_175 = tpu.memref_slice %arg2[%dma_start3A, %dma_start3A_174] : memref<10240x128xf32, #tpu.memory_space<hbm>> -> memref<10240x128xf32, #tpu.memory_space<hbm>>
        tpu.enqueue_indirect_dma source(%dma_start3A_175 : memref<10240x128xf32, #tpu.memory_space<hbm>>) target(%arg16 : memref<48x128xf32, #tpu.memory_space<vmem>>) offsets(%arg10 : memref<48xi32, #tpu.memory_space<vmem>>) semaphore(%arg29 : memref<!tpu.dma_semaphore, #tpu.memory_space<semaphore_mem>>)
        %dma_start3A_176 = arith.constant 0 : i32
        %dma_start3A_177 = arith.constant 0 : i32
        %dma_start3A_178 = tpu.memref_slice %arg2[%dma_start3A_176, %dma_start3A_177] : memref<10240x128xf32, #tpu.memory_space<hbm>> -> memref<10240x128xf32, #tpu.memory_space<hbm>>
        tpu.enqueue_indirect_dma source(%dma_start3A_178 : memref<10240x128xf32, #tpu.memory_space<hbm>>) target(%arg19 : memref<48x128xf32, #tpu.memory_space<vmem>>) offsets(%arg13 : memref<48xi32, #tpu.memory_space<vmem>>) semaphore(%arg29 : memref<!tpu.dma_semaphore, #tpu.memory_space<semaphore_mem>>)
      } else {
      }
      %ge3A_74 = arith.constant 0 : i32
      %ge3A_75 = arith.cmpi sge, %sub3A_64, %ge3A_74 : i32
      %convert_element_type3A_76 = arith.extui %ge3A_75 : i1 to i32
      %cond3A_77 = arith.constant 0 : i32
      %cond3A_78 = arith.cmpi ne, %convert_element_type3A_76, %cond3A_77 : i32
      scf.if %cond3A_78 {
        %scan3A_166 = arith.constant 0 : i32
        %scan3A_167 = arith.constant 48 : i32
        %scan3A_168 = arith.addi %scan3A_166, %scan3A_167 : i32
        %scan3A_169 = arith.constant 8 : i32
        scf.for %scan3A_173 = %scan3A_166 to %scan3A_168 step %scan3A_169  : i32 {
          %get3A = arith.index_cast %scan3A_173 : i32 to index
          %get3A_174 = arith.constant 0 : index
          %get3A_175 = tpu.vector_load %arg15[%get3A, %get3A_174] {strides = array<i32>} : memref<48x128xf32, #tpu.memory_space<vmem>>, vector<16xf32>,
          %get3A_176 = arith.index_cast %scan3A_173 : i32 to index
          %get3A_177 = arith.constant 16 : index
          %get3A_178 = tpu.vector_load %arg15[%get3A_176, %get3A_177] {strides = array<i32>} : memref<48x128xf32, #tpu.memory_space<vmem>>, vector<16xf32>,
          %get3A_179 = arith.index_cast %scan3A_173 : i32 to index
          %get3A_180 = arith.constant 32 : index
          %get3A_181 = tpu.vector_load %arg15[%get3A_179, %get3A_180] {strides = array<i32>} : memref<48x128xf32, #tpu.memory_space<vmem>>, vector<16xf32>,
          %get3A_182 = arith.index_cast %scan3A_173 : i32 to index
          %get3A_183 = arith.constant 48 : index
          %get3A_184 = tpu.vector_load %arg15[%get3A_182, %get3A_183] {strides = array<i32>} : memref<48x128xf32, #tpu.memory_space<vmem>>, vector<16xf32>,
          %get3A_185 = arith.index_cast %scan3A_173 : i32 to index
          %get3A_186 = arith.constant 64 : index
          %get3A_187 = tpu.vector_load %arg15[%get3A_185, %get3A_186] {strides = array<i32>} : memref<48x128xf32, #tpu.memory_space<vmem>>, vector<16xf32>,
          %get3A_188 = arith.index_cast %scan3A_173 : i32 to index
          %get3A_189 = arith.constant 80 : index
          %get3A_190 = tpu.vector_load %arg15[%get3A_188, %get3A_189] {strides = array<i32>} : memref<48x128xf32, #tpu.memory_space<vmem>>, vector<16xf32>,
          %get3A_191 = arith.index_cast %scan3A_173 : i32 to index
          %get3A_192 = arith.constant 96 : index
          %get3A_193 = tpu.vector_load %arg15[%get3A_191, %get3A_192] {strides = array<i32>} : memref<48x128xf32, #tpu.memory_space<vmem>>, vector<16xf32>,
          %get3A_194 = arith.index_cast %scan3A_173 : i32 to index
          %get3A_195 = arith.constant 112 : index
          %get3A_196 = tpu.vector_load %arg15[%get3A_194, %get3A_195] {strides = array<i32>} : memref<48x128xf32, #tpu.memory_space<vmem>>, vector<16xf32>,
          %get3A_197 = arith.index_cast %scan3A_173 : i32 to index
          %get3A_198 = arith.constant 0 : index
          %get3A_199 = tpu.vector_load %arg18[%get3A_197, %get3A_198] {strides = array<i32>} : memref<48x128xf32, #tpu.memory_space<vmem>>, vector<16xf32>,
          %get3A_200 = arith.index_cast %scan3A_173 : i32 to index
          %get3A_201 = arith.constant 16 : index
          %get3A_202 = tpu.vector_load %arg18[%get3A_200, %get3A_201] {strides = array<i32>} : memref<48x128xf32, #tpu.memory_space<vmem>>, vector<16xf32>,
          %get3A_203 = arith.index_cast %scan3A_173 : i32 to index
          %get3A_204 = arith.constant 32 : index
          %get3A_205 = tpu.vector_load %arg18[%get3A_203, %get3A_204] {strides = array<i32>} : memref<48x128xf32, #tpu.memory_space<vmem>>, vector<16xf32>,
          %get3A_206 = arith.index_cast %scan3A_173 : i32 to index
          %get3A_207 = arith.constant 48 : index
          %get3A_208 = tpu.vector_load %arg18[%get3A_206, %get3A_207] {strides = array<i32>} : memref<48x128xf32, #tpu.memory_space<vmem>>, vector<16xf32>,
          %get3A_209 = arith.index_cast %scan3A_173 : i32 to index
          %get3A_210 = arith.constant 64 : index
          %get3A_211 = tpu.vector_load %arg18[%get3A_209, %get3A_210] {strides = array<i32>} : memref<48x128xf32, #tpu.memory_space<vmem>>, vector<16xf32>,
          %get3A_212 = arith.index_cast %scan3A_173 : i32 to index
          %get3A_213 = arith.constant 80 : index
          %get3A_214 = tpu.vector_load %arg18[%get3A_212, %get3A_213] {strides = array<i32>} : memref<48x128xf32, #tpu.memory_space<vmem>>, vector<16xf32>,
          %get3A_215 = arith.index_cast %scan3A_173 : i32 to index
          %get3A_216 = arith.constant 96 : index
          %get3A_217 = tpu.vector_load %arg18[%get3A_215, %get3A_216] {strides = array<i32>} : memref<48x128xf32, #tpu.memory_space<vmem>>, vector<16xf32>,
          %get3A_218 = arith.index_cast %scan3A_173 : i32 to index
          %get3A_219 = arith.constant 112 : index
          %get3A_220 = tpu.vector_load %arg18[%get3A_218, %get3A_219] {strides = array<i32>} : memref<48x128xf32, #tpu.memory_space<vmem>>, vector<16xf32>,
          %mul3A_221 = arith.mulf %get3A_175, %get3A_199 : vector<16xf32>
          %mul3A_222 = arith.mulf %get3A_178, %get3A_202 : vector<16xf32>
          %add3A_223 = arith.addf %mul3A_221, %mul3A_222 : vector<16xf32>
          %mul3A_224 = arith.mulf %get3A_181, %get3A_205 : vector<16xf32>
          %add3A_225 = arith.addf %add3A_223, %mul3A_224 : vector<16xf32>
          %mul3A_226 = arith.mulf %get3A_184, %get3A_208 : vector<16xf32>
          %add3A_227 = arith.addf %add3A_225, %mul3A_226 : vector<16xf32>
          %mul3A_228 = arith.mulf %get3A_187, %get3A_211 : vector<16xf32>
          %add3A_229 = arith.addf %add3A_227, %mul3A_228 : vector<16xf32>
          %mul3A_230 = arith.mulf %get3A_190, %get3A_214 : vector<16xf32>
          %add3A_231 = arith.addf %add3A_229, %mul3A_230 : vector<16xf32>
          %mul3A_232 = arith.mulf %get3A_193, %get3A_217 : vector<16xf32>
          %add3A_233 = arith.addf %add3A_231, %mul3A_232 : vector<16xf32>
          %mul3A_234 = arith.mulf %get3A_196, %get3A_220 : vector<16xf32>
          %add3A_235 = arith.addf %add3A_233, %mul3A_234 : vector<16xf32>
          %broadcast_in_dim3A_236 = vector.shape_cast %and3A_12 : vector<16xi32> to vector<16x1xi32>
          %gather3A = vector.shape_cast %broadcast_in_dim3A_236 : vector<16x1xi32> to vector<16xi32>
          %gather3A_237 = tpu.dynamic_gather %add3A_235[%gather3A] in [0] : vector<16xf32>, vector<16xi32> -> vector<16xf32>
          %add3A_238 = arith.addf %add3A_235, %gather3A_237 : vector<16xf32>
          %broadcast_in_dim3A_239 = vector.shape_cast %and3A_18 : vector<16xi32> to vector<16x1xi32>
          %gather3A_240 = vector.shape_cast %broadcast_in_dim3A_239 : vector<16x1xi32> to vector<16xi32>
          %gather3A_241 = tpu.dynamic_gather %add3A_238[%gather3A_240] in [0] : vector<16xf32>, vector<16xi32> -> vector<16xf32>
          %add3A_242 = arith.addf %add3A_238, %gather3A_241 : vector<16xf32>
          %broadcast_in_dim3A_243 = vector.shape_cast %and3A_24 : vector<16xi32> to vector<16x1xi32>
          %gather3A_244 = vector.shape_cast %broadcast_in_dim3A_243 : vector<16x1xi32> to vector<16xi32>
          %gather3A_245 = tpu.dynamic_gather %add3A_242[%gather3A_244] in [0] : vector<16xf32>, vector<16xi32> -> vector<16xf32>
          %add3A_246 = arith.addf %add3A_242, %gather3A_245 : vector<16xf32>
          %broadcast_in_dim3A_247 = vector.shape_cast %and3A_30 : vector<16xi32> to vector<16x1xi32>
          %gather3A_248 = vector.shape_cast %broadcast_in_dim3A_247 : vector<16x1xi32> to vector<16xi32>
          %gather3A_249 = tpu.dynamic_gather %add3A_246[%gather3A_248] in [0] : vector<16xf32>, vector<16xi32> -> vector<16xf32>
          %add3A_250 = arith.addf %add3A_246, %gather3A_249 : vector<16xf32>
          %mul3A_251 = arith.constant 2.000000e-01 : f32
          %mul3A_252 = vector.broadcast %mul3A_251 : f32 to vector<16xf32>
          %mul3A_253 = arith.mulf %mul3A_252, %add3A_250 : vector<16xf32>
          %max3A = arith.maximumf %add3A_250, %mul3A_253 : vector<16xf32>
          %neg3A = arith.constant 0.000000e+00 : f32
          %neg3A_254 = vector.broadcast %neg3A : f32 to vector<16xf32>
          %neg3A_255 = arith.subf %neg3A_254, %max3A : vector<16xf32>
          %exp3A = math.exp %neg3A_255 : vector<16xf32>
          %mul3A_256 = arith.mulf %get3A_199, %exp3A : vector<16xf32>
          %swap3A = arith.index_cast %scan3A_173 : i32 to index
          %swap3A_257 = arith.constant 0 : index
          %swap3A_258 = tpu.vector_load %arg18[%swap3A, %swap3A_257] {strides = array<i32>} : memref<48x128xf32, #tpu.memory_space<vmem>>, vector<16xf32>,
          tpu.vector_store %arg18[%swap3A, %swap3A_257], %mul3A_256 {strides = array<i32>} : memref<48x128xf32, #tpu.memory_space<vmem>>, vector<16xf32>,
          %mul3A_259 = arith.mulf %get3A_202, %exp3A : vector<16xf32>
          %swap3A_260 = arith.index_cast %scan3A_173 : i32 to index
          %swap3A_261 = arith.constant 16 : index
          %swap3A_262 = tpu.vector_load %arg18[%swap3A_260, %swap3A_261] {strides = array<i32>} : memref<48x128xf32, #tpu.memory_space<vmem>>, vector<16xf32>,
          tpu.vector_store %arg18[%swap3A_260, %swap3A_261], %mul3A_259 {strides = array<i32>} : memref<48x128xf32, #tpu.memory_space<vmem>>, vector<16xf32>,
          %mul3A_263 = arith.mulf %get3A_205, %exp3A : vector<16xf32>
          %swap3A_264 = arith.index_cast %scan3A_173 : i32 to index
          %swap3A_265 = arith.constant 32 : index
          %swap3A_266 = tpu.vector_load %arg18[%swap3A_264, %swap3A_265] {strides = array<i32>} : memref<48x128xf32, #tpu.memory_space<vmem>>, vector<16xf32>,
          tpu.vector_store %arg18[%swap3A_264, %swap3A_265], %mul3A_263 {strides = array<i32>} : memref<48x128xf32, #tpu.memory_space<vmem>>, vector<16xf32>,
          %mul3A_267 = arith.mulf %get3A_208, %exp3A : vector<16xf32>
          %swap3A_268 = arith.index_cast %scan3A_173 : i32 to index
          %swap3A_269 = arith.constant 48 : index
          %swap3A_270 = tpu.vector_load %arg18[%swap3A_268, %swap3A_269] {strides = array<i32>} : memref<48x128xf32, #tpu.memory_space<vmem>>, vector<16xf32>,
          tpu.vector_store %arg18[%swap3A_268, %swap3A_269], %mul3A_267 {strides = array<i32>} : memref<48x128xf32, #tpu.memory_space<vmem>>, vector<16xf32>,
          %mul3A_271 = arith.mulf %get3A_211, %exp3A : vector<16xf32>
          %swap3A_272 = arith.index_cast %scan3A_173 : i32 to index
          %swap3A_273 = arith.constant 64 : index
          %swap3A_274 = tpu.vector_load %arg18[%swap3A_272, %swap3A_273] {strides = array<i32>} : memref<48x128xf32, #tpu.memory_space<vmem>>, vector<16xf32>,
          tpu.vector_store %arg18[%swap3A_272, %swap3A_273], %mul3A_271 {strides = array<i32>} : memref<48x128xf32, #tpu.memory_space<vmem>>, vector<16xf32>,
          %mul3A_275 = arith.mulf %get3A_214, %exp3A : vector<16xf32>
          %swap3A_276 = arith.index_cast %scan3A_173 : i32 to index
          %swap3A_277 = arith.constant 80 : index
          %swap3A_278 = tpu.vector_load %arg18[%swap3A_276, %swap3A_277] {strides = array<i32>} : memref<48x128xf32, #tpu.memory_space<vmem>>, vector<16xf32>,
          tpu.vector_store %arg18[%swap3A_276, %swap3A_277], %mul3A_275 {strides = array<i32>} : memref<48x128xf32, #tpu.memory_space<vmem>>, vector<16xf32>,
          %mul3A_279 = arith.mulf %get3A_217, %exp3A : vector<16xf32>
          %swap3A_280 = arith.index_cast %scan3A_173 : i32 to index
          %swap3A_281 = arith.constant 96 : index
          %swap3A_282 = tpu.vector_load %arg18[%swap3A_280, %swap3A_281] {strides = array<i32>} : memref<48x128xf32, #tpu.memory_space<vmem>>, vector<16xf32>,
          tpu.vector_store %arg18[%swap3A_280, %swap3A_281], %mul3A_279 {strides = array<i32>} : memref<48x128xf32, #tpu.memory_space<vmem>>, vector<16xf32>,
          %mul3A_283 = arith.mulf %get3A_220, %exp3A : vector<16xf32>
          %swap3A_284 = arith.index_cast %scan3A_173 : i32 to index
          %swap3A_285 = arith.constant 112 : index
          %swap3A_286 = tpu.vector_load %arg18[%swap3A_284, %swap3A_285] {strides = array<i32>} : memref<48x128xf32, #tpu.memory_space<vmem>>, vector<16xf32>,
          tpu.vector_store %arg18[%swap3A_284, %swap3A_285], %mul3A_283 {strides = array<i32>} : memref<48x128xf32, #tpu.memory_space<vmem>>, vector<16xf32>,
          %broadcast_in_dim3A_287 = vector.broadcast %scan3A_173 : i32 to vector<16xi32>
          %gather3A_288 = tpu.vector_load_idx %arg9[%broadcast_in_dim3A_287] : memref<48xi32, #tpu.memory_space<vmem>>[vector<16xi32>], vector<16xi32>,
          tpu.vector_store_idx %arg21[%gather3A_288], %exp3A masked %eq3A_7 {add = true} : memref<10240xf32, #tpu.memory_space<vmem>>[vector<16xi32>], vector<16xf32>, vector<16xi1>
          %scan3A_289 = arith.constant 1 : i32
          %scan3A_290 = arith.addi %scan3A_173, %scan3A_289 : i32
          %get3A_291 = arith.index_cast %scan3A_290 : i32 to index
          %get3A_292 = arith.constant 0 : index
          %get3A_293 = tpu.vector_load %arg15[%get3A_291, %get3A_292] {strides = array<i32>} : memref<48x128xf32, #tpu.memory_space<vmem>>, vector<16xf32>,
          %get3A_294 = arith.index_cast %scan3A_290 : i32 to index
          %get3A_295 = arith.constant 16 : index
          %get3A_296 = tpu.vector_load %arg15[%get3A_294, %get3A_295] {strides = array<i32>} : memref<48x128xf32, #tpu.memory_space<vmem>>, vector<16xf32>,
          %get3A_297 = arith.index_cast %scan3A_290 : i32 to index
          %get3A_298 = arith.constant 32 : index
          %get3A_299 = tpu.vector_load %arg15[%get3A_297, %get3A_298] {strides = array<i32>} : memref<48x128xf32, #tpu.memory_space<vmem>>, vector<16xf32>,
          %get3A_300 = arith.index_cast %scan3A_290 : i32 to index
          %get3A_301 = arith.constant 48 : index
          %get3A_302 = tpu.vector_load %arg15[%get3A_300, %get3A_301] {strides = array<i32>} : memref<48x128xf32, #tpu.memory_space<vmem>>, vector<16xf32>,
          %get3A_303 = arith.index_cast %scan3A_290 : i32 to index
          %get3A_304 = arith.constant 64 : index
          %get3A_305 = tpu.vector_load %arg15[%get3A_303, %get3A_304] {strides = array<i32>} : memref<48x128xf32, #tpu.memory_space<vmem>>, vector<16xf32>,
          %get3A_306 = arith.index_cast %scan3A_290 : i32 to index
          %get3A_307 = arith.constant 80 : index
          %get3A_308 = tpu.vector_load %arg15[%get3A_306, %get3A_307] {strides = array<i32>} : memref<48x128xf32, #tpu.memory_space<vmem>>, vector<16xf32>,
          %get3A_309 = arith.index_cast %scan3A_290 : i32 to index
          %get3A_310 = arith.constant 96 : index
          %get3A_311 = tpu.vector_load %arg15[%get3A_309, %get3A_310] {strides = array<i32>} : memref<48x128xf32, #tpu.memory_space<vmem>>, vector<16xf32>,
          %get3A_312 = arith.index_cast %scan3A_290 : i32 to index
          %get3A_313 = arith.constant 112 : index
          %get3A_314 = tpu.vector_load %arg15[%get3A_312, %get3A_313] {strides = array<i32>} : memref<48x128xf32, #tpu.memory_space<vmem>>, vector<16xf32>,
          %get3A_315 = arith.index_cast %scan3A_290 : i32 to index
          %get3A_316 = arith.constant 0 : index
          %get3A_317 = tpu.vector_load %arg18[%get3A_315, %get3A_316] {strides = array<i32>} : memref<48x128xf32, #tpu.memory_space<vmem>>, vector<16xf32>,
          %get3A_318 = arith.index_cast %scan3A_290 : i32 to index
          %get3A_319 = arith.constant 16 : index
          %get3A_320 = tpu.vector_load %arg18[%get3A_318, %get3A_319] {strides = array<i32>} : memref<48x128xf32, #tpu.memory_space<vmem>>, vector<16xf32>,
          %get3A_321 = arith.index_cast %scan3A_290 : i32 to index
          %get3A_322 = arith.constant 32 : index
          %get3A_323 = tpu.vector_load %arg18[%get3A_321, %get3A_322] {strides = array<i32>} : memref<48x128xf32, #tpu.memory_space<vmem>>, vector<16xf32>,
          %get3A_324 = arith.index_cast %scan3A_290 : i32 to index
          %get3A_325 = arith.constant 48 : index
          %get3A_326 = tpu.vector_load %arg18[%get3A_324, %get3A_325] {strides = array<i32>} : memref<48x128xf32, #tpu.memory_space<vmem>>, vector<16xf32>,
          %get3A_327 = arith.index_cast %scan3A_290 : i32 to index
          %get3A_328 = arith.constant 64 : index
          %get3A_329 = tpu.vector_load %arg18[%get3A_327, %get3A_328] {strides = array<i32>} : memref<48x128xf32, #tpu.memory_space<vmem>>, vector<16xf32>,
          %get3A_330 = arith.index_cast %scan3A_290 : i32 to index
          %get3A_331 = arith.constant 80 : index
          %get3A_332 = tpu.vector_load %arg18[%get3A_330, %get3A_331] {strides = array<i32>} : memref<48x128xf32, #tpu.memory_space<vmem>>, vector<16xf32>,
          %get3A_333 = arith.index_cast %scan3A_290 : i32 to index
          %get3A_334 = arith.constant 96 : index
          %get3A_335 = tpu.vector_load %arg18[%get3A_333, %get3A_334] {strides = array<i32>} : memref<48x128xf32, #tpu.memory_space<vmem>>, vector<16xf32>,
          %get3A_336 = arith.index_cast %scan3A_290 : i32 to index
          %get3A_337 = arith.constant 112 : index
          %get3A_338 = tpu.vector_load %arg18[%get3A_336, %get3A_337] {strides = array<i32>} : memref<48x128xf32, #tpu.memory_space<vmem>>, vector<16xf32>,
          %mul3A_339 = arith.mulf %get3A_293, %get3A_317 : vector<16xf32>
          %mul3A_340 = arith.mulf %get3A_296, %get3A_320 : vector<16xf32>
          %add3A_341 = arith.addf %mul3A_339, %mul3A_340 : vector<16xf32>
          %mul3A_342 = arith.mulf %get3A_299, %get3A_323 : vector<16xf32>
          %add3A_343 = arith.addf %add3A_341, %mul3A_342 : vector<16xf32>
          %mul3A_344 = arith.mulf %get3A_302, %get3A_326 : vector<16xf32>
          %add3A_345 = arith.addf %add3A_343, %mul3A_344 : vector<16xf32>
          %mul3A_346 = arith.mulf %get3A_305, %get3A_329 : vector<16xf32>
          %add3A_347 = arith.addf %add3A_345, %mul3A_346 : vector<16xf32>
          %mul3A_348 = arith.mulf %get3A_308, %get3A_332 : vector<16xf32>
          %add3A_349 = arith.addf %add3A_347, %mul3A_348 : vector<16xf32>
          %mul3A_350 = arith.mulf %get3A_311, %get3A_335 : vector<16xf32>
          %add3A_351 = arith.addf %add3A_349, %mul3A_350 : vector<16xf32>
          %mul3A_352 = arith.mulf %get3A_314, %get3A_338 : vector<16xf32>
          %add3A_353 = arith.addf %add3A_351, %mul3A_352 : vector<16xf32>
          %broadcast_in_dim3A_354 = vector.shape_cast %and3A_12 : vector<16xi32> to vector<16x1xi32>
          %gather3A_355 = vector.shape_cast %broadcast_in_dim3A_354 : vector<16x1xi32> to vector<16xi32>
          %gather3A_356 = tpu.dynamic_gather %add3A_353[%gather3A_355] in [0] : vector<16xf32>, vector<16xi32> -> vector<16xf32>
          %add3A_357 = arith.addf %add3A_353, %gather3A_356 : vector<16xf32>
          %broadcast_in_dim3A_358 = vector.shape_cast %and3A_18 : vector<16xi32> to vector<16x1xi32>
          %gather3A_359 = vector.shape_cast %broadcast_in_dim3A_358 : vector<16x1xi32> to vector<16xi32>
          %gather3A_360 = tpu.dynamic_gather %add3A_357[%gather3A_359] in [0] : vector<16xf32>, vector<16xi32> -> vector<16xf32>
          %add3A_361 = arith.addf %add3A_357, %gather3A_360 : vector<16xf32>
          %broadcast_in_dim3A_362 = vector.shape_cast %and3A_24 : vector<16xi32> to vector<16x1xi32>
          %gather3A_363 = vector.shape_cast %broadcast_in_dim3A_362 : vector<16x1xi32> to vector<16xi32>
          %gather3A_364 = tpu.dynamic_gather %add3A_361[%gather3A_363] in [0] : vector<16xf32>, vector<16xi32> -> vector<16xf32>
          %add3A_365 = arith.addf %add3A_361, %gather3A_364 : vector<16xf32>
          %broadcast_in_dim3A_366 = vector.shape_cast %and3A_30 : vector<16xi32> to vector<16x1xi32>
          %gather3A_367 = vector.shape_cast %broadcast_in_dim3A_366 : vector<16x1xi32> to vector<16xi32>
          %gather3A_368 = tpu.dynamic_gather %add3A_365[%gather3A_367] in [0] : vector<16xf32>, vector<16xi32> -> vector<16xf32>
          %add3A_369 = arith.addf %add3A_365, %gather3A_368 : vector<16xf32>
          %mul3A_370 = arith.constant 2.000000e-01 : f32
          %mul3A_371 = vector.broadcast %mul3A_370 : f32 to vector<16xf32>
          %mul3A_372 = arith.mulf %mul3A_371, %add3A_369 : vector<16xf32>
          %max3A_373 = arith.maximumf %add3A_369, %mul3A_372 : vector<16xf32>
          %neg3A_374 = arith.constant 0.000000e+00 : f32
          %neg3A_375 = vector.broadcast %neg3A_374 : f32 to vector<16xf32>
          %neg3A_376 = arith.subf %neg3A_375, %max3A_373 : vector<16xf32>
          %exp3A_377 = math.exp %neg3A_376 : vector<16xf32>
          %mul3A_378 = arith.mulf %get3A_317, %exp3A_377 : vector<16xf32>
          %swap3A_379 = arith.index_cast %scan3A_290 : i32 to index
          %swap3A_380 = arith.constant 0 : index
          %swap3A_381 = tpu.vector_load %arg18[%swap3A_379, %swap3A_380] {strides = array<i32>} : memref<48x128xf32, #tpu.memory_space<vmem>>, vector<16xf32>,
          tpu.vector_store %arg18[%swap3A_379, %swap3A_380], %mul3A_378 {strides = array<i32>} : memref<48x128xf32, #tpu.memory_space<vmem>>, vector<16xf32>,
          %mul3A_382 = arith.mulf %get3A_320, %exp3A_377 : vector<16xf32>
          %swap3A_383 = arith.index_cast %scan3A_290 : i32 to index
          %swap3A_384 = arith.constant 16 : index
          %swap3A_385 = tpu.vector_load %arg18[%swap3A_383, %swap3A_384] {strides = array<i32>} : memref<48x128xf32, #tpu.memory_space<vmem>>, vector<16xf32>,
          tpu.vector_store %arg18[%swap3A_383, %swap3A_384], %mul3A_382 {strides = array<i32>} : memref<48x128xf32, #tpu.memory_space<vmem>>, vector<16xf32>,
          %mul3A_386 = arith.mulf %get3A_323, %exp3A_377 : vector<16xf32>
          %swap3A_387 = arith.index_cast %scan3A_290 : i32 to index
          %swap3A_388 = arith.constant 32 : index
          %swap3A_389 = tpu.vector_load %arg18[%swap3A_387, %swap3A_388] {strides = array<i32>} : memref<48x128xf32, #tpu.memory_space<vmem>>, vector<16xf32>,
          tpu.vector_store %arg18[%swap3A_387, %swap3A_388], %mul3A_386 {strides = array<i32>} : memref<48x128xf32, #tpu.memory_space<vmem>>, vector<16xf32>,
          %mul3A_390 = arith.mulf %get3A_326, %exp3A_377 : vector<16xf32>
          %swap3A_391 = arith.index_cast %scan3A_290 : i32 to index
          %swap3A_392 = arith.constant 48 : index
          %swap3A_393 = tpu.vector_load %arg18[%swap3A_391, %swap3A_392] {strides = array<i32>} : memref<48x128xf32, #tpu.memory_space<vmem>>, vector<16xf32>,
          tpu.vector_store %arg18[%swap3A_391, %swap3A_392], %mul3A_390 {strides = array<i32>} : memref<48x128xf32, #tpu.memory_space<vmem>>, vector<16xf32>,
          %mul3A_394 = arith.mulf %get3A_329, %exp3A_377 : vector<16xf32>
          %swap3A_395 = arith.index_cast %scan3A_290 : i32 to index
          %swap3A_396 = arith.constant 64 : index
          %swap3A_397 = tpu.vector_load %arg18[%swap3A_395, %swap3A_396] {strides = array<i32>} : memref<48x128xf32, #tpu.memory_space<vmem>>, vector<16xf32>,
          tpu.vector_store %arg18[%swap3A_395, %swap3A_396], %mul3A_394 {strides = array<i32>} : memref<48x128xf32, #tpu.memory_space<vmem>>, vector<16xf32>,
          %mul3A_398 = arith.mulf %get3A_332, %exp3A_377 : vector<16xf32>
          %swap3A_399 = arith.index_cast %scan3A_290 : i32 to index
          %swap3A_400 = arith.constant 80 : index
          %swap3A_401 = tpu.vector_load %arg18[%swap3A_399, %swap3A_400] {strides = array<i32>} : memref<48x128xf32, #tpu.memory_space<vmem>>, vector<16xf32>,
          tpu.vector_store %arg18[%swap3A_399, %swap3A_400], %mul3A_398 {strides = array<i32>} : memref<48x128xf32, #tpu.memory_space<vmem>>, vector<16xf32>,
          %mul3A_402 = arith.mulf %get3A_335, %exp3A_377 : vector<16xf32>
          %swap3A_403 = arith.index_cast %scan3A_290 : i32 to index
          %swap3A_404 = arith.constant 96 : index
          %swap3A_405 = tpu.vector_load %arg18[%swap3A_403, %swap3A_404] {strides = array<i32>} : memref<48x128xf32, #tpu.memory_space<vmem>>, vector<16xf32>,
          tpu.vector_store %arg18[%swap3A_403, %swap3A_404], %mul3A_402 {strides = array<i32>} : memref<48x128xf32, #tpu.memory_space<vmem>>, vector<16xf32>,
          %mul3A_406 = arith.mulf %get3A_338, %exp3A_377 : vector<16xf32>
          %swap3A_407 = arith.index_cast %scan3A_290 : i32 to index
          %swap3A_408 = arith.constant 112 : index
          %swap3A_409 = tpu.vector_load %arg18[%swap3A_407, %swap3A_408] {strides = array<i32>} : memref<48x128xf32, #tpu.memory_space<vmem>>, vector<16xf32>,
          tpu.vector_store %arg18[%swap3A_407, %swap3A_408], %mul3A_406 {strides = array<i32>} : memref<48x128xf32, #tpu.memory_space<vmem>>, vector<16xf32>,
          %broadcast_in_dim3A_410 = vector.broadcast %scan3A_290 : i32 to vector<16xi32>
          %gather3A_411 = tpu.vector_load_idx %arg9[%broadcast_in_dim3A_410] : memref<48xi32, #tpu.memory_space<vmem>>[vector<16xi32>], vector<16xi32>,
          tpu.vector_store_idx %arg21[%gather3A_411], %exp3A_377 masked %eq3A_7 {add = true} : memref<10240xf32, #tpu.memory_space<vmem>>[vector<16xi32>], vector<16xf32>, vector<16xi1>
          %scan3A_412 = arith.constant 2 : i32
          %scan3A_413 = arith.addi %scan3A_173, %scan3A_412 : i32
          %get3A_414 = arith.index_cast %scan3A_413 : i32 to index
          %get3A_415 = arith.constant 0 : index
          %get3A_416 = tpu.vector_load %arg15[%get3A_414, %get3A_415] {strides = array<i32>} : memref<48x128xf32, #tpu.memory_space<vmem>>, vector<16xf32>,
          %get3A_417 = arith.index_cast %scan3A_413 : i32 to index
          %get3A_418 = arith.constant 16 : index
          %get3A_419 = tpu.vector_load %arg15[%get3A_417, %get3A_418] {strides = array<i32>} : memref<48x128xf32, #tpu.memory_space<vmem>>, vector<16xf32>,
          %get3A_420 = arith.index_cast %scan3A_413 : i32 to index
          %get3A_421 = arith.constant 32 : index
          %get3A_422 = tpu.vector_load %arg15[%get3A_420, %get3A_421] {strides = array<i32>} : memref<48x128xf32, #tpu.memory_space<vmem>>, vector<16xf32>,
          %get3A_423 = arith.index_cast %scan3A_413 : i32 to index
          %get3A_424 = arith.constant 48 : index
          %get3A_425 = tpu.vector_load %arg15[%get3A_423, %get3A_424] {strides = array<i32>} : memref<48x128xf32, #tpu.memory_space<vmem>>, vector<16xf32>,
          %get3A_426 = arith.index_cast %scan3A_413 : i32 to index
          %get3A_427 = arith.constant 64 : index
          %get3A_428 = tpu.vector_load %arg15[%get3A_426, %get3A_427] {strides = array<i32>} : memref<48x128xf32, #tpu.memory_space<vmem>>, vector<16xf32>,
          %get3A_429 = arith.index_cast %scan3A_413 : i32 to index
          %get3A_430 = arith.constant 80 : index
          %get3A_431 = tpu.vector_load %arg15[%get3A_429, %get3A_430] {strides = array<i32>} : memref<48x128xf32, #tpu.memory_space<vmem>>, vector<16xf32>,
          %get3A_432 = arith.index_cast %scan3A_413 : i32 to index
          %get3A_433 = arith.constant 96 : index
          %get3A_434 = tpu.vector_load %arg15[%get3A_432, %get3A_433] {strides = array<i32>} : memref<48x128xf32, #tpu.memory_space<vmem>>, vector<16xf32>,
          %get3A_435 = arith.index_cast %scan3A_413 : i32 to index
          %get3A_436 = arith.constant 112 : index
          %get3A_437 = tpu.vector_load %arg15[%get3A_435, %get3A_436] {strides = array<i32>} : memref<48x128xf32, #tpu.memory_space<vmem>>, vector<16xf32>,
          %get3A_438 = arith.index_cast %scan3A_413 : i32 to index
          %get3A_439 = arith.constant 0 : index
          %get3A_440 = tpu.vector_load %arg18[%get3A_438, %get3A_439] {strides = array<i32>} : memref<48x128xf32, #tpu.memory_space<vmem>>, vector<16xf32>,
          %get3A_441 = arith.index_cast %scan3A_413 : i32 to index
          %get3A_442 = arith.constant 16 : index
          %get3A_443 = tpu.vector_load %arg18[%get3A_441, %get3A_442] {strides = array<i32>} : memref<48x128xf32, #tpu.memory_space<vmem>>, vector<16xf32>,
          %get3A_444 = arith.index_cast %scan3A_413 : i32 to index
          %get3A_445 = arith.constant 32 : index
          %get3A_446 = tpu.vector_load %arg18[%get3A_444, %get3A_445] {strides = array<i32>} : memref<48x128xf32, #tpu.memory_space<vmem>>, vector<16xf32>,
          %get3A_447 = arith.index_cast %scan3A_413 : i32 to index
          %get3A_448 = arith.constant 48 : index
          %get3A_449 = tpu.vector_load %arg18[%get3A_447, %get3A_448] {strides = array<i32>} : memref<48x128xf32, #tpu.memory_space<vmem>>, vector<16xf32>,
          %get3A_450 = arith.index_cast %scan3A_413 : i32 to index
          %get3A_451 = arith.constant 64 : index
          %get3A_452 = tpu.vector_load %arg18[%get3A_450, %get3A_451] {strides = array<i32>} : memref<48x128xf32, #tpu.memory_space<vmem>>, vector<16xf32>,
          %get3A_453 = arith.index_cast %scan3A_413 : i32 to index
          %get3A_454 = arith.constant 80 : index
          %get3A_455 = tpu.vector_load %arg18[%get3A_453, %get3A_454] {strides = array<i32>} : memref<48x128xf32, #tpu.memory_space<vmem>>, vector<16xf32>,
          %get3A_456 = arith.index_cast %scan3A_413 : i32 to index
          %get3A_457 = arith.constant 96 : index
          %get3A_458 = tpu.vector_load %arg18[%get3A_456, %get3A_457] {strides = array<i32>} : memref<48x128xf32, #tpu.memory_space<vmem>>, vector<16xf32>,
          %get3A_459 = arith.index_cast %scan3A_413 : i32 to index
          %get3A_460 = arith.constant 112 : index
          %get3A_461 = tpu.vector_load %arg18[%get3A_459, %get3A_460] {strides = array<i32>} : memref<48x128xf32, #tpu.memory_space<vmem>>, vector<16xf32>,
          %mul3A_462 = arith.mulf %get3A_416, %get3A_440 : vector<16xf32>
          %mul3A_463 = arith.mulf %get3A_419, %get3A_443 : vector<16xf32>
          %add3A_464 = arith.addf %mul3A_462, %mul3A_463 : vector<16xf32>
          %mul3A_465 = arith.mulf %get3A_422, %get3A_446 : vector<16xf32>
          %add3A_466 = arith.addf %add3A_464, %mul3A_465 : vector<16xf32>
          %mul3A_467 = arith.mulf %get3A_425, %get3A_449 : vector<16xf32>
          %add3A_468 = arith.addf %add3A_466, %mul3A_467 : vector<16xf32>
          %mul3A_469 = arith.mulf %get3A_428, %get3A_452 : vector<16xf32>
          %add3A_470 = arith.addf %add3A_468, %mul3A_469 : vector<16xf32>
          %mul3A_471 = arith.mulf %get3A_431, %get3A_455 : vector<16xf32>
          %add3A_472 = arith.addf %add3A_470, %mul3A_471 : vector<16xf32>
          %mul3A_473 = arith.mulf %get3A_434, %get3A_458 : vector<16xf32>
          %add3A_474 = arith.addf %add3A_472, %mul3A_473 : vector<16xf32>
          %mul3A_475 = arith.mulf %get3A_437, %get3A_461 : vector<16xf32>
          %add3A_476 = arith.addf %add3A_474, %mul3A_475 : vector<16xf32>
          %broadcast_in_dim3A_477 = vector.shape_cast %and3A_12 : vector<16xi32> to vector<16x1xi32>
          %gather3A_478 = vector.shape_cast %broadcast_in_dim3A_477 : vector<16x1xi32> to vector<16xi32>
          %gather3A_479 = tpu.dynamic_gather %add3A_476[%gather3A_478] in [0] : vector<16xf32>, vector<16xi32> -> vector<16xf32>
          %add3A_480 = arith.addf %add3A_476, %gather3A_479 : vector<16xf32>
          %broadcast_in_dim3A_481 = vector.shape_cast %and3A_18 : vector<16xi32> to vector<16x1xi32>
          %gather3A_482 = vector.shape_cast %broadcast_in_dim3A_481 : vector<16x1xi32> to vector<16xi32>
          %gather3A_483 = tpu.dynamic_gather %add3A_480[%gather3A_482] in [0] : vector<16xf32>, vector<16xi32> -> vector<16xf32>
          %add3A_484 = arith.addf %add3A_480, %gather3A_483 : vector<16xf32>
          %broadcast_in_dim3A_485 = vector.shape_cast %and3A_24 : vector<16xi32> to vector<16x1xi32>
          %gather3A_486 = vector.shape_cast %broadcast_in_dim3A_485 : vector<16x1xi32> to vector<16xi32>
          %gather3A_487 = tpu.dynamic_gather %add3A_484[%gather3A_486] in [0] : vector<16xf32>, vector<16xi32> -> vector<16xf32>
          %add3A_488 = arith.addf %add3A_484, %gather3A_487 : vector<16xf32>
          %broadcast_in_dim3A_489 = vector.shape_cast %and3A_30 : vector<16xi32> to vector<16x1xi32>
          %gather3A_490 = vector.shape_cast %broadcast_in_dim3A_489 : vector<16x1xi32> to vector<16xi32>
          %gather3A_491 = tpu.dynamic_gather %add3A_488[%gather3A_490] in [0] : vector<16xf32>, vector<16xi32> -> vector<16xf32>
          %add3A_492 = arith.addf %add3A_488, %gather3A_491 : vector<16xf32>
          %mul3A_493 = arith.constant 2.000000e-01 : f32
          %mul3A_494 = vector.broadcast %mul3A_493 : f32 to vector<16xf32>
          %mul3A_495 = arith.mulf %mul3A_494, %add3A_492 : vector<16xf32>
          %max3A_496 = arith.maximumf %add3A_492, %mul3A_495 : vector<16xf32>
          %neg3A_497 = arith.constant 0.000000e+00 : f32
          %neg3A_498 = vector.broadcast %neg3A_497 : f32 to vector<16xf32>
          %neg3A_499 = arith.subf %neg3A_498, %max3A_496 : vector<16xf32>
          %exp3A_500 = math.exp %neg3A_499 : vector<16xf32>
          %mul3A_501 = arith.mulf %get3A_440, %exp3A_500 : vector<16xf32>
          %swap3A_502 = arith.index_cast %scan3A_413 : i32 to index
          %swap3A_503 = arith.constant 0 : index
          %swap3A_504 = tpu.vector_load %arg18[%swap3A_502, %swap3A_503] {strides = array<i32>} : memref<48x128xf32, #tpu.memory_space<vmem>>, vector<16xf32>,
          tpu.vector_store %arg18[%swap3A_502, %swap3A_503], %mul3A_501 {strides = array<i32>} : memref<48x128xf32, #tpu.memory_space<vmem>>, vector<16xf32>,
          %mul3A_505 = arith.mulf %get3A_443, %exp3A_500 : vector<16xf32>
          %swap3A_506 = arith.index_cast %scan3A_413 : i32 to index
          %swap3A_507 = arith.constant 16 : index
          %swap3A_508 = tpu.vector_load %arg18[%swap3A_506, %swap3A_507] {strides = array<i32>} : memref<48x128xf32, #tpu.memory_space<vmem>>, vector<16xf32>,
          tpu.vector_store %arg18[%swap3A_506, %swap3A_507], %mul3A_505 {strides = array<i32>} : memref<48x128xf32, #tpu.memory_space<vmem>>, vector<16xf32>,
          %mul3A_509 = arith.mulf %get3A_446, %exp3A_500 : vector<16xf32>
          %swap3A_510 = arith.index_cast %scan3A_413 : i32 to index
          %swap3A_511 = arith.constant 32 : index
          %swap3A_512 = tpu.vector_load %arg18[%swap3A_510, %swap3A_511] {strides = array<i32>} : memref<48x128xf32, #tpu.memory_space<vmem>>, vector<16xf32>,
          tpu.vector_store %arg18[%swap3A_510, %swap3A_511], %mul3A_509 {strides = array<i32>} : memref<48x128xf32, #tpu.memory_space<vmem>>, vector<16xf32>,
          %mul3A_513 = arith.mulf %get3A_449, %exp3A_500 : vector<16xf32>
          %swap3A_514 = arith.index_cast %scan3A_413 : i32 to index
          %swap3A_515 = arith.constant 48 : index
          %swap3A_516 = tpu.vector_load %arg18[%swap3A_514, %swap3A_515] {strides = array<i32>} : memref<48x128xf32, #tpu.memory_space<vmem>>, vector<16xf32>,
          tpu.vector_store %arg18[%swap3A_514, %swap3A_515], %mul3A_513 {strides = array<i32>} : memref<48x128xf32, #tpu.memory_space<vmem>>, vector<16xf32>,
          %mul3A_517 = arith.mulf %get3A_452, %exp3A_500 : vector<16xf32>
          %swap3A_518 = arith.index_cast %scan3A_413 : i32 to index
          %swap3A_519 = arith.constant 64 : index
          %swap3A_520 = tpu.vector_load %arg18[%swap3A_518, %swap3A_519] {strides = array<i32>} : memref<48x128xf32, #tpu.memory_space<vmem>>, vector<16xf32>,
          tpu.vector_store %arg18[%swap3A_518, %swap3A_519], %mul3A_517 {strides = array<i32>} : memref<48x128xf32, #tpu.memory_space<vmem>>, vector<16xf32>,
          %mul3A_521 = arith.mulf %get3A_455, %exp3A_500 : vector<16xf32>
          %swap3A_522 = arith.index_cast %scan3A_413 : i32 to index
          %swap3A_523 = arith.constant 80 : index
          %swap3A_524 = tpu.vector_load %arg18[%swap3A_522, %swap3A_523] {strides = array<i32>} : memref<48x128xf32, #tpu.memory_space<vmem>>, vector<16xf32>,
          tpu.vector_store %arg18[%swap3A_522, %swap3A_523], %mul3A_521 {strides = array<i32>} : memref<48x128xf32, #tpu.memory_space<vmem>>, vector<16xf32>,
          %mul3A_525 = arith.mulf %get3A_458, %exp3A_500 : vector<16xf32>
          %swap3A_526 = arith.index_cast %scan3A_413 : i32 to index
          %swap3A_527 = arith.constant 96 : index
          %swap3A_528 = tpu.vector_load %arg18[%swap3A_526, %swap3A_527] {strides = array<i32>} : memref<48x128xf32, #tpu.memory_space<vmem>>, vector<16xf32>,
          tpu.vector_store %arg18[%swap3A_526, %swap3A_527], %mul3A_525 {strides = array<i32>} : memref<48x128xf32, #tpu.memory_space<vmem>>, vector<16xf32>,
          %mul3A_529 = arith.mulf %get3A_461, %exp3A_500 : vector<16xf32>
          %swap3A_530 = arith.index_cast %scan3A_413 : i32 to index
          %swap3A_531 = arith.constant 112 : index
          %swap3A_532 = tpu.vector_load %arg18[%swap3A_530, %swap3A_531] {strides = array<i32>} : memref<48x128xf32, #tpu.memory_space<vmem>>, vector<16xf32>,
          tpu.vector_store %arg18[%swap3A_530, %swap3A_531], %mul3A_529 {strides = array<i32>} : memref<48x128xf32, #tpu.memory_space<vmem>>, vector<16xf32>,
          %broadcast_in_dim3A_533 = vector.broadcast %scan3A_413 : i32 to vector<16xi32>
          %gather3A_534 = tpu.vector_load_idx %arg9[%broadcast_in_dim3A_533] : memref<48xi32, #tpu.memory_space<vmem>>[vector<16xi32>], vector<16xi32>,
          tpu.vector_store_idx %arg21[%gather3A_534], %exp3A_500 masked %eq3A_7 {add = true} : memref<10240xf32, #tpu.memory_space<vmem>>[vector<16xi32>], vector<16xf32>, vector<16xi1>
          %scan3A_535 = arith.constant 3 : i32
          %scan3A_536 = arith.addi %scan3A_173, %scan3A_535 : i32
          %get3A_537 = arith.index_cast %scan3A_536 : i32 to index
          %get3A_538 = arith.constant 0 : index
          %get3A_539 = tpu.vector_load %arg15[%get3A_537, %get3A_538] {strides = array<i32>} : memref<48x128xf32, #tpu.memory_space<vmem>>, vector<16xf32>,
          %get3A_540 = arith.index_cast %scan3A_536 : i32 to index
          %get3A_541 = arith.constant 16 : index
          %get3A_542 = tpu.vector_load %arg15[%get3A_540, %get3A_541] {strides = array<i32>} : memref<48x128xf32, #tpu.memory_space<vmem>>, vector<16xf32>,
          %get3A_543 = arith.index_cast %scan3A_536 : i32 to index
          %get3A_544 = arith.constant 32 : index
          %get3A_545 = tpu.vector_load %arg15[%get3A_543, %get3A_544] {strides = array<i32>} : memref<48x128xf32, #tpu.memory_space<vmem>>, vector<16xf32>,
          %get3A_546 = arith.index_cast %scan3A_536 : i32 to index
          %get3A_547 = arith.constant 48 : index
          %get3A_548 = tpu.vector_load %arg15[%get3A_546, %get3A_547] {strides = array<i32>} : memref<48x128xf32, #tpu.memory_space<vmem>>, vector<16xf32>,
          %get3A_549 = arith.index_cast %scan3A_536 : i32 to index
          %get3A_550 = arith.constant 64 : index
          %get3A_551 = tpu.vector_load %arg15[%get3A_549, %get3A_550] {strides = array<i32>} : memref<48x128xf32, #tpu.memory_space<vmem>>, vector<16xf32>,
          %get3A_552 = arith.index_cast %scan3A_536 : i32 to index
          %get3A_553 = arith.constant 80 : index
          %get3A_554 = tpu.vector_load %arg15[%get3A_552, %get3A_553] {strides = array<i32>} : memref<48x128xf32, #tpu.memory_space<vmem>>, vector<16xf32>,
          %get3A_555 = arith.index_cast %scan3A_536 : i32 to index
          %get3A_556 = arith.constant 96 : index
          %get3A_557 = tpu.vector_load %arg15[%get3A_555, %get3A_556] {strides = array<i32>} : memref<48x128xf32, #tpu.memory_space<vmem>>, vector<16xf32>,
          %get3A_558 = arith.index_cast %scan3A_536 : i32 to index
          %get3A_559 = arith.constant 112 : index
          %get3A_560 = tpu.vector_load %arg15[%get3A_558, %get3A_559] {strides = array<i32>} : memref<48x128xf32, #tpu.memory_space<vmem>>, vector<16xf32>,
          %get3A_561 = arith.index_cast %scan3A_536 : i32 to index
          %get3A_562 = arith.constant 0 : index
          %get3A_563 = tpu.vector_load %arg18[%get3A_561, %get3A_562] {strides = array<i32>} : memref<48x128xf32, #tpu.memory_space<vmem>>, vector<16xf32>,
          %get3A_564 = arith.index_cast %scan3A_536 : i32 to index
          %get3A_565 = arith.constant 16 : index
          %get3A_566 = tpu.vector_load %arg18[%get3A_564, %get3A_565] {strides = array<i32>} : memref<48x128xf32, #tpu.memory_space<vmem>>, vector<16xf32>,
          %get3A_567 = arith.index_cast %scan3A_536 : i32 to index
          %get3A_568 = arith.constant 32 : index
          %get3A_569 = tpu.vector_load %arg18[%get3A_567, %get3A_568] {strides = array<i32>} : memref<48x128xf32, #tpu.memory_space<vmem>>, vector<16xf32>,
          %get3A_570 = arith.index_cast %scan3A_536 : i32 to index
          %get3A_571 = arith.constant 48 : index
          %get3A_572 = tpu.vector_load %arg18[%get3A_570, %get3A_571] {strides = array<i32>} : memref<48x128xf32, #tpu.memory_space<vmem>>, vector<16xf32>,
          %get3A_573 = arith.index_cast %scan3A_536 : i32 to index
          %get3A_574 = arith.constant 64 : index
          %get3A_575 = tpu.vector_load %arg18[%get3A_573, %get3A_574] {strides = array<i32>} : memref<48x128xf32, #tpu.memory_space<vmem>>, vector<16xf32>,
          %get3A_576 = arith.index_cast %scan3A_536 : i32 to index
          %get3A_577 = arith.constant 80 : index
          %get3A_578 = tpu.vector_load %arg18[%get3A_576, %get3A_577] {strides = array<i32>} : memref<48x128xf32, #tpu.memory_space<vmem>>, vector<16xf32>,
          %get3A_579 = arith.index_cast %scan3A_536 : i32 to index
          %get3A_580 = arith.constant 96 : index
          %get3A_581 = tpu.vector_load %arg18[%get3A_579, %get3A_580] {strides = array<i32>} : memref<48x128xf32, #tpu.memory_space<vmem>>, vector<16xf32>,
          %get3A_582 = arith.index_cast %scan3A_536 : i32 to index
          %get3A_583 = arith.constant 112 : index
          %get3A_584 = tpu.vector_load %arg18[%get3A_582, %get3A_583] {strides = array<i32>} : memref<48x128xf32, #tpu.memory_space<vmem>>, vector<16xf32>,
          %mul3A_585 = arith.mulf %get3A_539, %get3A_563 : vector<16xf32>
          %mul3A_586 = arith.mulf %get3A_542, %get3A_566 : vector<16xf32>
          %add3A_587 = arith.addf %mul3A_585, %mul3A_586 : vector<16xf32>
          %mul3A_588 = arith.mulf %get3A_545, %get3A_569 : vector<16xf32>
          %add3A_589 = arith.addf %add3A_587, %mul3A_588 : vector<16xf32>
          %mul3A_590 = arith.mulf %get3A_548, %get3A_572 : vector<16xf32>
          %add3A_591 = arith.addf %add3A_589, %mul3A_590 : vector<16xf32>
          %mul3A_592 = arith.mulf %get3A_551, %get3A_575 : vector<16xf32>
          %add3A_593 = arith.addf %add3A_591, %mul3A_592 : vector<16xf32>
          %mul3A_594 = arith.mulf %get3A_554, %get3A_578 : vector<16xf32>
          %add3A_595 = arith.addf %add3A_593, %mul3A_594 : vector<16xf32>
          %mul3A_596 = arith.mulf %get3A_557, %get3A_581 : vector<16xf32>
          %add3A_597 = arith.addf %add3A_595, %mul3A_596 : vector<16xf32>
          %mul3A_598 = arith.mulf %get3A_560, %get3A_584 : vector<16xf32>
          %add3A_599 = arith.addf %add3A_597, %mul3A_598 : vector<16xf32>
          %broadcast_in_dim3A_600 = vector.shape_cast %and3A_12 : vector<16xi32> to vector<16x1xi32>
          %gather3A_601 = vector.shape_cast %broadcast_in_dim3A_600 : vector<16x1xi32> to vector<16xi32>
          %gather3A_602 = tpu.dynamic_gather %add3A_599[%gather3A_601] in [0] : vector<16xf32>, vector<16xi32> -> vector<16xf32>
          %add3A_603 = arith.addf %add3A_599, %gather3A_602 : vector<16xf32>
          %broadcast_in_dim3A_604 = vector.shape_cast %and3A_18 : vector<16xi32> to vector<16x1xi32>
          %gather3A_605 = vector.shape_cast %broadcast_in_dim3A_604 : vector<16x1xi32> to vector<16xi32>
          %gather3A_606 = tpu.dynamic_gather %add3A_603[%gather3A_605] in [0] : vector<16xf32>, vector<16xi32> -> vector<16xf32>
          %add3A_607 = arith.addf %add3A_603, %gather3A_606 : vector<16xf32>
          %broadcast_in_dim3A_608 = vector.shape_cast %and3A_24 : vector<16xi32> to vector<16x1xi32>
          %gather3A_609 = vector.shape_cast %broadcast_in_dim3A_608 : vector<16x1xi32> to vector<16xi32>
          %gather3A_610 = tpu.dynamic_gather %add3A_607[%gather3A_609] in [0] : vector<16xf32>, vector<16xi32> -> vector<16xf32>
          %add3A_611 = arith.addf %add3A_607, %gather3A_610 : vector<16xf32>
          %broadcast_in_dim3A_612 = vector.shape_cast %and3A_30 : vector<16xi32> to vector<16x1xi32>
          %gather3A_613 = vector.shape_cast %broadcast_in_dim3A_612 : vector<16x1xi32> to vector<16xi32>
          %gather3A_614 = tpu.dynamic_gather %add3A_611[%gather3A_613] in [0] : vector<16xf32>, vector<16xi32> -> vector<16xf32>
          %add3A_615 = arith.addf %add3A_611, %gather3A_614 : vector<16xf32>
          %mul3A_616 = arith.constant 2.000000e-01 : f32
          %mul3A_617 = vector.broadcast %mul3A_616 : f32 to vector<16xf32>
          %mul3A_618 = arith.mulf %mul3A_617, %add3A_615 : vector<16xf32>
          %max3A_619 = arith.maximumf %add3A_615, %mul3A_618 : vector<16xf32>
          %neg3A_620 = arith.constant 0.000000e+00 : f32
          %neg3A_621 = vector.broadcast %neg3A_620 : f32 to vector<16xf32>
          %neg3A_622 = arith.subf %neg3A_621, %max3A_619 : vector<16xf32>
          %exp3A_623 = math.exp %neg3A_622 : vector<16xf32>
          %mul3A_624 = arith.mulf %get3A_563, %exp3A_623 : vector<16xf32>
          %swap3A_625 = arith.index_cast %scan3A_536 : i32 to index
          %swap3A_626 = arith.constant 0 : index
          %swap3A_627 = tpu.vector_load %arg18[%swap3A_625, %swap3A_626] {strides = array<i32>} : memref<48x128xf32, #tpu.memory_space<vmem>>, vector<16xf32>,
          tpu.vector_store %arg18[%swap3A_625, %swap3A_626], %mul3A_624 {strides = array<i32>} : memref<48x128xf32, #tpu.memory_space<vmem>>, vector<16xf32>,
          %mul3A_628 = arith.mulf %get3A_566, %exp3A_623 : vector<16xf32>
          %swap3A_629 = arith.index_cast %scan3A_536 : i32 to index
          %swap3A_630 = arith.constant 16 : index
          %swap3A_631 = tpu.vector_load %arg18[%swap3A_629, %swap3A_630] {strides = array<i32>} : memref<48x128xf32, #tpu.memory_space<vmem>>, vector<16xf32>,
          tpu.vector_store %arg18[%swap3A_629, %swap3A_630], %mul3A_628 {strides = array<i32>} : memref<48x128xf32, #tpu.memory_space<vmem>>, vector<16xf32>,
          %mul3A_632 = arith.mulf %get3A_569, %exp3A_623 : vector<16xf32>
          %swap3A_633 = arith.index_cast %scan3A_536 : i32 to index
          %swap3A_634 = arith.constant 32 : index
          %swap3A_635 = tpu.vector_load %arg18[%swap3A_633, %swap3A_634] {strides = array<i32>} : memref<48x128xf32, #tpu.memory_space<vmem>>, vector<16xf32>,
          tpu.vector_store %arg18[%swap3A_633, %swap3A_634], %mul3A_632 {strides = array<i32>} : memref<48x128xf32, #tpu.memory_space<vmem>>, vector<16xf32>,
          %mul3A_636 = arith.mulf %get3A_572, %exp3A_623 : vector<16xf32>
          %swap3A_637 = arith.index_cast %scan3A_536 : i32 to index
          %swap3A_638 = arith.constant 48 : index
          %swap3A_639 = tpu.vector_load %arg18[%swap3A_637, %swap3A_638] {strides = array<i32>} : memref<48x128xf32, #tpu.memory_space<vmem>>, vector<16xf32>,
          tpu.vector_store %arg18[%swap3A_637, %swap3A_638], %mul3A_636 {strides = array<i32>} : memref<48x128xf32, #tpu.memory_space<vmem>>, vector<16xf32>,
          %mul3A_640 = arith.mulf %get3A_575, %exp3A_623 : vector<16xf32>
          %swap3A_641 = arith.index_cast %scan3A_536 : i32 to index
          %swap3A_642 = arith.constant 64 : index
          %swap3A_643 = tpu.vector_load %arg18[%swap3A_641, %swap3A_642] {strides = array<i32>} : memref<48x128xf32, #tpu.memory_space<vmem>>, vector<16xf32>,
          tpu.vector_store %arg18[%swap3A_641, %swap3A_642], %mul3A_640 {strides = array<i32>} : memref<48x128xf32, #tpu.memory_space<vmem>>, vector<16xf32>,
          %mul3A_644 = arith.mulf %get3A_578, %exp3A_623 : vector<16xf32>
          %swap3A_645 = arith.index_cast %scan3A_536 : i32 to index
          %swap3A_646 = arith.constant 80 : index
          %swap3A_647 = tpu.vector_load %arg18[%swap3A_645, %swap3A_646] {strides = array<i32>} : memref<48x128xf32, #tpu.memory_space<vmem>>, vector<16xf32>,
          tpu.vector_store %arg18[%swap3A_645, %swap3A_646], %mul3A_644 {strides = array<i32>} : memref<48x128xf32, #tpu.memory_space<vmem>>, vector<16xf32>,
          %mul3A_648 = arith.mulf %get3A_581, %exp3A_623 : vector<16xf32>
          %swap3A_649 = arith.index_cast %scan3A_536 : i32 to index
          %swap3A_650 = arith.constant 96 : index
          %swap3A_651 = tpu.vector_load %arg18[%swap3A_649, %swap3A_650] {strides = array<i32>} : memref<48x128xf32, #tpu.memory_space<vmem>>, vector<16xf32>,
          tpu.vector_store %arg18[%swap3A_649, %swap3A_650], %mul3A_648 {strides = array<i32>} : memref<48x128xf32, #tpu.memory_space<vmem>>, vector<16xf32>,
          %mul3A_652 = arith.mulf %get3A_584, %exp3A_623 : vector<16xf32>
          %swap3A_653 = arith.index_cast %scan3A_536 : i32 to index
          %swap3A_654 = arith.constant 112 : index
          %swap3A_655 = tpu.vector_load %arg18[%swap3A_653, %swap3A_654] {strides = array<i32>} : memref<48x128xf32, #tpu.memory_space<vmem>>, vector<16xf32>,
          tpu.vector_store %arg18[%swap3A_653, %swap3A_654], %mul3A_652 {strides = array<i32>} : memref<48x128xf32, #tpu.memory_space<vmem>>, vector<16xf32>,
          %broadcast_in_dim3A_656 = vector.broadcast %scan3A_536 : i32 to vector<16xi32>
          %gather3A_657 = tpu.vector_load_idx %arg9[%broadcast_in_dim3A_656] : memref<48xi32, #tpu.memory_space<vmem>>[vector<16xi32>], vector<16xi32>,
          tpu.vector_store_idx %arg21[%gather3A_657], %exp3A_623 masked %eq3A_7 {add = true} : memref<10240xf32, #tpu.memory_space<vmem>>[vector<16xi32>], vector<16xf32>, vector<16xi1>
          %scan3A_658 = arith.constant 4 : i32
          %scan3A_659 = arith.addi %scan3A_173, %scan3A_658 : i32
          %get3A_660 = arith.index_cast %scan3A_659 : i32 to index
          %get3A_661 = arith.constant 0 : index
          %get3A_662 = tpu.vector_load %arg15[%get3A_660, %get3A_661] {strides = array<i32>} : memref<48x128xf32, #tpu.memory_space<vmem>>, vector<16xf32>,
          %get3A_663 = arith.index_cast %scan3A_659 : i32 to index
          %get3A_664 = arith.constant 16 : index
          %get3A_665 = tpu.vector_load %arg15[%get3A_663, %get3A_664] {strides = array<i32>} : memref<48x128xf32, #tpu.memory_space<vmem>>, vector<16xf32>,
          %get3A_666 = arith.index_cast %scan3A_659 : i32 to index
          %get3A_667 = arith.constant 32 : index
          %get3A_668 = tpu.vector_load %arg15[%get3A_666, %get3A_667] {strides = array<i32>} : memref<48x128xf32, #tpu.memory_space<vmem>>, vector<16xf32>,
          %get3A_669 = arith.index_cast %scan3A_659 : i32 to index
          %get3A_670 = arith.constant 48 : index
          %get3A_671 = tpu.vector_load %arg15[%get3A_669, %get3A_670] {strides = array<i32>} : memref<48x128xf32, #tpu.memory_space<vmem>>, vector<16xf32>,
          %get3A_672 = arith.index_cast %scan3A_659 : i32 to index
          %get3A_673 = arith.constant 64 : index
          %get3A_674 = tpu.vector_load %arg15[%get3A_672, %get3A_673] {strides = array<i32>} : memref<48x128xf32, #tpu.memory_space<vmem>>, vector<16xf32>,
          %get3A_675 = arith.index_cast %scan3A_659 : i32 to index
          %get3A_676 = arith.constant 80 : index
          %get3A_677 = tpu.vector_load %arg15[%get3A_675, %get3A_676] {strides = array<i32>} : memref<48x128xf32, #tpu.memory_space<vmem>>, vector<16xf32>,
          %get3A_678 = arith.index_cast %scan3A_659 : i32 to index
          %get3A_679 = arith.constant 96 : index
          %get3A_680 = tpu.vector_load %arg15[%get3A_678, %get3A_679] {strides = array<i32>} : memref<48x128xf32, #tpu.memory_space<vmem>>, vector<16xf32>,
          %get3A_681 = arith.index_cast %scan3A_659 : i32 to index
          %get3A_682 = arith.constant 112 : index
          %get3A_683 = tpu.vector_load %arg15[%get3A_681, %get3A_682] {strides = array<i32>} : memref<48x128xf32, #tpu.memory_space<vmem>>, vector<16xf32>,
          %get3A_684 = arith.index_cast %scan3A_659 : i32 to index
          %get3A_685 = arith.constant 0 : index
          %get3A_686 = tpu.vector_load %arg18[%get3A_684, %get3A_685] {strides = array<i32>} : memref<48x128xf32, #tpu.memory_space<vmem>>, vector<16xf32>,
          %get3A_687 = arith.index_cast %scan3A_659 : i32 to index
          %get3A_688 = arith.constant 16 : index
          %get3A_689 = tpu.vector_load %arg18[%get3A_687, %get3A_688] {strides = array<i32>} : memref<48x128xf32, #tpu.memory_space<vmem>>, vector<16xf32>,
          %get3A_690 = arith.index_cast %scan3A_659 : i32 to index
          %get3A_691 = arith.constant 32 : index
          %get3A_692 = tpu.vector_load %arg18[%get3A_690, %get3A_691] {strides = array<i32>} : memref<48x128xf32, #tpu.memory_space<vmem>>, vector<16xf32>,
          %get3A_693 = arith.index_cast %scan3A_659 : i32 to index
          %get3A_694 = arith.constant 48 : index
          %get3A_695 = tpu.vector_load %arg18[%get3A_693, %get3A_694] {strides = array<i32>} : memref<48x128xf32, #tpu.memory_space<vmem>>, vector<16xf32>,
          %get3A_696 = arith.index_cast %scan3A_659 : i32 to index
          %get3A_697 = arith.constant 64 : index
          %get3A_698 = tpu.vector_load %arg18[%get3A_696, %get3A_697] {strides = array<i32>} : memref<48x128xf32, #tpu.memory_space<vmem>>, vector<16xf32>,
          %get3A_699 = arith.index_cast %scan3A_659 : i32 to index
          %get3A_700 = arith.constant 80 : index
          %get3A_701 = tpu.vector_load %arg18[%get3A_699, %get3A_700] {strides = array<i32>} : memref<48x128xf32, #tpu.memory_space<vmem>>, vector<16xf32>,
          %get3A_702 = arith.index_cast %scan3A_659 : i32 to index
          %get3A_703 = arith.constant 96 : index
          %get3A_704 = tpu.vector_load %arg18[%get3A_702, %get3A_703] {strides = array<i32>} : memref<48x128xf32, #tpu.memory_space<vmem>>, vector<16xf32>,
          %get3A_705 = arith.index_cast %scan3A_659 : i32 to index
          %get3A_706 = arith.constant 112 : index
          %get3A_707 = tpu.vector_load %arg18[%get3A_705, %get3A_706] {strides = array<i32>} : memref<48x128xf32, #tpu.memory_space<vmem>>, vector<16xf32>,
          %mul3A_708 = arith.mulf %get3A_662, %get3A_686 : vector<16xf32>
          %mul3A_709 = arith.mulf %get3A_665, %get3A_689 : vector<16xf32>
          %add3A_710 = arith.addf %mul3A_708, %mul3A_709 : vector<16xf32>
          %mul3A_711 = arith.mulf %get3A_668, %get3A_692 : vector<16xf32>
          %add3A_712 = arith.addf %add3A_710, %mul3A_711 : vector<16xf32>
          %mul3A_713 = arith.mulf %get3A_671, %get3A_695 : vector<16xf32>
          %add3A_714 = arith.addf %add3A_712, %mul3A_713 : vector<16xf32>
          %mul3A_715 = arith.mulf %get3A_674, %get3A_698 : vector<16xf32>
          %add3A_716 = arith.addf %add3A_714, %mul3A_715 : vector<16xf32>
          %mul3A_717 = arith.mulf %get3A_677, %get3A_701 : vector<16xf32>
          %add3A_718 = arith.addf %add3A_716, %mul3A_717 : vector<16xf32>
          %mul3A_719 = arith.mulf %get3A_680, %get3A_704 : vector<16xf32>
          %add3A_720 = arith.addf %add3A_718, %mul3A_719 : vector<16xf32>
          %mul3A_721 = arith.mulf %get3A_683, %get3A_707 : vector<16xf32>
          %add3A_722 = arith.addf %add3A_720, %mul3A_721 : vector<16xf32>
          %broadcast_in_dim3A_723 = vector.shape_cast %and3A_12 : vector<16xi32> to vector<16x1xi32>
          %gather3A_724 = vector.shape_cast %broadcast_in_dim3A_723 : vector<16x1xi32> to vector<16xi32>
          %gather3A_725 = tpu.dynamic_gather %add3A_722[%gather3A_724] in [0] : vector<16xf32>, vector<16xi32> -> vector<16xf32>
          %add3A_726 = arith.addf %add3A_722, %gather3A_725 : vector<16xf32>
          %broadcast_in_dim3A_727 = vector.shape_cast %and3A_18 : vector<16xi32> to vector<16x1xi32>
          %gather3A_728 = vector.shape_cast %broadcast_in_dim3A_727 : vector<16x1xi32> to vector<16xi32>
          %gather3A_729 = tpu.dynamic_gather %add3A_726[%gather3A_728] in [0] : vector<16xf32>, vector<16xi32> -> vector<16xf32>
          %add3A_730 = arith.addf %add3A_726, %gather3A_729 : vector<16xf32>
          %broadcast_in_dim3A_731 = vector.shape_cast %and3A_24 : vector<16xi32> to vector<16x1xi32>
          %gather3A_732 = vector.shape_cast %broadcast_in_dim3A_731 : vector<16x1xi32> to vector<16xi32>
          %gather3A_733 = tpu.dynamic_gather %add3A_730[%gather3A_732] in [0] : vector<16xf32>, vector<16xi32> -> vector<16xf32>
          %add3A_734 = arith.addf %add3A_730, %gather3A_733 : vector<16xf32>
          %broadcast_in_dim3A_735 = vector.shape_cast %and3A_30 : vector<16xi32> to vector<16x1xi32>
          %gather3A_736 = vector.shape_cast %broadcast_in_dim3A_735 : vector<16x1xi32> to vector<16xi32>
          %gather3A_737 = tpu.dynamic_gather %add3A_734[%gather3A_736] in [0] : vector<16xf32>, vector<16xi32> -> vector<16xf32>
          %add3A_738 = arith.addf %add3A_734, %gather3A_737 : vector<16xf32>
          %mul3A_739 = arith.constant 2.000000e-01 : f32
          %mul3A_740 = vector.broadcast %mul3A_739 : f32 to vector<16xf32>
          %mul3A_741 = arith.mulf %mul3A_740, %add3A_738 : vector<16xf32>
          %max3A_742 = arith.maximumf %add3A_738, %mul3A_741 : vector<16xf32>
          %neg3A_743 = arith.constant 0.000000e+00 : f32
          %neg3A_744 = vector.broadcast %neg3A_743 : f32 to vector<16xf32>
          %neg3A_745 = arith.subf %neg3A_744, %max3A_742 : vector<16xf32>
          %exp3A_746 = math.exp %neg3A_745 : vector<16xf32>
          %mul3A_747 = arith.mulf %get3A_686, %exp3A_746 : vector<16xf32>
          %swap3A_748 = arith.index_cast %scan3A_659 : i32 to index
          %swap3A_749 = arith.constant 0 : index
          %swap3A_750 = tpu.vector_load %arg18[%swap3A_748, %swap3A_749] {strides = array<i32>} : memref<48x128xf32, #tpu.memory_space<vmem>>, vector<16xf32>,
          tpu.vector_store %arg18[%swap3A_748, %swap3A_749], %mul3A_747 {strides = array<i32>} : memref<48x128xf32, #tpu.memory_space<vmem>>, vector<16xf32>,
          %mul3A_751 = arith.mulf %get3A_689, %exp3A_746 : vector<16xf32>
          %swap3A_752 = arith.index_cast %scan3A_659 : i32 to index
          %swap3A_753 = arith.constant 16 : index
          %swap3A_754 = tpu.vector_load %arg18[%swap3A_752, %swap3A_753] {strides = array<i32>} : memref<48x128xf32, #tpu.memory_space<vmem>>, vector<16xf32>,
          tpu.vector_store %arg18[%swap3A_752, %swap3A_753], %mul3A_751 {strides = array<i32>} : memref<48x128xf32, #tpu.memory_space<vmem>>, vector<16xf32>,
          %mul3A_755 = arith.mulf %get3A_692, %exp3A_746 : vector<16xf32>
          %swap3A_756 = arith.index_cast %scan3A_659 : i32 to index
          %swap3A_757 = arith.constant 32 : index
          %swap3A_758 = tpu.vector_load %arg18[%swap3A_756, %swap3A_757] {strides = array<i32>} : memref<48x128xf32, #tpu.memory_space<vmem>>, vector<16xf32>,
          tpu.vector_store %arg18[%swap3A_756, %swap3A_757], %mul3A_755 {strides = array<i32>} : memref<48x128xf32, #tpu.memory_space<vmem>>, vector<16xf32>,
          %mul3A_759 = arith.mulf %get3A_695, %exp3A_746 : vector<16xf32>
          %swap3A_760 = arith.index_cast %scan3A_659 : i32 to index
          %swap3A_761 = arith.constant 48 : index
          %swap3A_762 = tpu.vector_load %arg18[%swap3A_760, %swap3A_761] {strides = array<i32>} : memref<48x128xf32, #tpu.memory_space<vmem>>, vector<16xf32>,
          tpu.vector_store %arg18[%swap3A_760, %swap3A_761], %mul3A_759 {strides = array<i32>} : memref<48x128xf32, #tpu.memory_space<vmem>>, vector<16xf32>,
          %mul3A_763 = arith.mulf %get3A_698, %exp3A_746 : vector<16xf32>
          %swap3A_764 = arith.index_cast %scan3A_659 : i32 to index
          %swap3A_765 = arith.constant 64 : index
          %swap3A_766 = tpu.vector_load %arg18[%swap3A_764, %swap3A_765] {strides = array<i32>} : memref<48x128xf32, #tpu.memory_space<vmem>>, vector<16xf32>,
          tpu.vector_store %arg18[%swap3A_764, %swap3A_765], %mul3A_763 {strides = array<i32>} : memref<48x128xf32, #tpu.memory_space<vmem>>, vector<16xf32>,
          %mul3A_767 = arith.mulf %get3A_701, %exp3A_746 : vector<16xf32>
          %swap3A_768 = arith.index_cast %scan3A_659 : i32 to index
          %swap3A_769 = arith.constant 80 : index
          %swap3A_770 = tpu.vector_load %arg18[%swap3A_768, %swap3A_769] {strides = array<i32>} : memref<48x128xf32, #tpu.memory_space<vmem>>, vector<16xf32>,
          tpu.vector_store %arg18[%swap3A_768, %swap3A_769], %mul3A_767 {strides = array<i32>} : memref<48x128xf32, #tpu.memory_space<vmem>>, vector<16xf32>,
          %mul3A_771 = arith.mulf %get3A_704, %exp3A_746 : vector<16xf32>
          %swap3A_772 = arith.index_cast %scan3A_659 : i32 to index
          %swap3A_773 = arith.constant 96 : index
          %swap3A_774 = tpu.vector_load %arg18[%swap3A_772, %swap3A_773] {strides = array<i32>} : memref<48x128xf32, #tpu.memory_space<vmem>>, vector<16xf32>,
          tpu.vector_store %arg18[%swap3A_772, %swap3A_773], %mul3A_771 {strides = array<i32>} : memref<48x128xf32, #tpu.memory_space<vmem>>, vector<16xf32>,
          %mul3A_775 = arith.mulf %get3A_707, %exp3A_746 : vector<16xf32>
          %swap3A_776 = arith.index_cast %scan3A_659 : i32 to index
          %swap3A_777 = arith.constant 112 : index
          %swap3A_778 = tpu.vector_load %arg18[%swap3A_776, %swap3A_777] {strides = array<i32>} : memref<48x128xf32, #tpu.memory_space<vmem>>, vector<16xf32>,
          tpu.vector_store %arg18[%swap3A_776, %swap3A_777], %mul3A_775 {strides = array<i32>} : memref<48x128xf32, #tpu.memory_space<vmem>>, vector<16xf32>,
          %broadcast_in_dim3A_779 = vector.broadcast %scan3A_659 : i32 to vector<16xi32>
          %gather3A_780 = tpu.vector_load_idx %arg9[%broadcast_in_dim3A_779] : memref<48xi32, #tpu.memory_space<vmem>>[vector<16xi32>], vector<16xi32>,
          tpu.vector_store_idx %arg21[%gather3A_780], %exp3A_746 masked %eq3A_7 {add = true} : memref<10240xf32, #tpu.memory_space<vmem>>[vector<16xi32>], vector<16xf32>, vector<16xi1>
          %scan3A_781 = arith.constant 5 : i32
          %scan3A_782 = arith.addi %scan3A_173, %scan3A_781 : i32
          %get3A_783 = arith.index_cast %scan3A_782 : i32 to index
          %get3A_784 = arith.constant 0 : index
          %get3A_785 = tpu.vector_load %arg15[%get3A_783, %get3A_784] {strides = array<i32>} : memref<48x128xf32, #tpu.memory_space<vmem>>, vector<16xf32>,
          %get3A_786 = arith.index_cast %scan3A_782 : i32 to index
          %get3A_787 = arith.constant 16 : index
          %get3A_788 = tpu.vector_load %arg15[%get3A_786, %get3A_787] {strides = array<i32>} : memref<48x128xf32, #tpu.memory_space<vmem>>, vector<16xf32>,
          %get3A_789 = arith.index_cast %scan3A_782 : i32 to index
          %get3A_790 = arith.constant 32 : index
          %get3A_791 = tpu.vector_load %arg15[%get3A_789, %get3A_790] {strides = array<i32>} : memref<48x128xf32, #tpu.memory_space<vmem>>, vector<16xf32>,
          %get3A_792 = arith.index_cast %scan3A_782 : i32 to index
          %get3A_793 = arith.constant 48 : index
          %get3A_794 = tpu.vector_load %arg15[%get3A_792, %get3A_793] {strides = array<i32>} : memref<48x128xf32, #tpu.memory_space<vmem>>, vector<16xf32>,
          %get3A_795 = arith.index_cast %scan3A_782 : i32 to index
          %get3A_796 = arith.constant 64 : index
          %get3A_797 = tpu.vector_load %arg15[%get3A_795, %get3A_796] {strides = array<i32>} : memref<48x128xf32, #tpu.memory_space<vmem>>, vector<16xf32>,
          %get3A_798 = arith.index_cast %scan3A_782 : i32 to index
          %get3A_799 = arith.constant 80 : index
          %get3A_800 = tpu.vector_load %arg15[%get3A_798, %get3A_799] {strides = array<i32>} : memref<48x128xf32, #tpu.memory_space<vmem>>, vector<16xf32>,
          %get3A_801 = arith.index_cast %scan3A_782 : i32 to index
          %get3A_802 = arith.constant 96 : index
          %get3A_803 = tpu.vector_load %arg15[%get3A_801, %get3A_802] {strides = array<i32>} : memref<48x128xf32, #tpu.memory_space<vmem>>, vector<16xf32>,
          %get3A_804 = arith.index_cast %scan3A_782 : i32 to index
          %get3A_805 = arith.constant 112 : index
          %get3A_806 = tpu.vector_load %arg15[%get3A_804, %get3A_805] {strides = array<i32>} : memref<48x128xf32, #tpu.memory_space<vmem>>, vector<16xf32>,
          %get3A_807 = arith.index_cast %scan3A_782 : i32 to index
          %get3A_808 = arith.constant 0 : index
          %get3A_809 = tpu.vector_load %arg18[%get3A_807, %get3A_808] {strides = array<i32>} : memref<48x128xf32, #tpu.memory_space<vmem>>, vector<16xf32>,
          %get3A_810 = arith.index_cast %scan3A_782 : i32 to index
          %get3A_811 = arith.constant 16 : index
          %get3A_812 = tpu.vector_load %arg18[%get3A_810, %get3A_811] {strides = array<i32>} : memref<48x128xf32, #tpu.memory_space<vmem>>, vector<16xf32>,
          %get3A_813 = arith.index_cast %scan3A_782 : i32 to index
          %get3A_814 = arith.constant 32 : index
          %get3A_815 = tpu.vector_load %arg18[%get3A_813, %get3A_814] {strides = array<i32>} : memref<48x128xf32, #tpu.memory_space<vmem>>, vector<16xf32>,
          %get3A_816 = arith.index_cast %scan3A_782 : i32 to index
          %get3A_817 = arith.constant 48 : index
          %get3A_818 = tpu.vector_load %arg18[%get3A_816, %get3A_817] {strides = array<i32>} : memref<48x128xf32, #tpu.memory_space<vmem>>, vector<16xf32>,
          %get3A_819 = arith.index_cast %scan3A_782 : i32 to index
          %get3A_820 = arith.constant 64 : index
          %get3A_821 = tpu.vector_load %arg18[%get3A_819, %get3A_820] {strides = array<i32>} : memref<48x128xf32, #tpu.memory_space<vmem>>, vector<16xf32>,
          %get3A_822 = arith.index_cast %scan3A_782 : i32 to index
          %get3A_823 = arith.constant 80 : index
          %get3A_824 = tpu.vector_load %arg18[%get3A_822, %get3A_823] {strides = array<i32>} : memref<48x128xf32, #tpu.memory_space<vmem>>, vector<16xf32>,
          %get3A_825 = arith.index_cast %scan3A_782 : i32 to index
          %get3A_826 = arith.constant 96 : index
          %get3A_827 = tpu.vector_load %arg18[%get3A_825, %get3A_826] {strides = array<i32>} : memref<48x128xf32, #tpu.memory_space<vmem>>, vector<16xf32>,
          %get3A_828 = arith.index_cast %scan3A_782 : i32 to index
          %get3A_829 = arith.constant 112 : index
          %get3A_830 = tpu.vector_load %arg18[%get3A_828, %get3A_829] {strides = array<i32>} : memref<48x128xf32, #tpu.memory_space<vmem>>, vector<16xf32>,
          %mul3A_831 = arith.mulf %get3A_785, %get3A_809 : vector<16xf32>
          %mul3A_832 = arith.mulf %get3A_788, %get3A_812 : vector<16xf32>
          %add3A_833 = arith.addf %mul3A_831, %mul3A_832 : vector<16xf32>
          %mul3A_834 = arith.mulf %get3A_791, %get3A_815 : vector<16xf32>
          %add3A_835 = arith.addf %add3A_833, %mul3A_834 : vector<16xf32>
          %mul3A_836 = arith.mulf %get3A_794, %get3A_818 : vector<16xf32>
          %add3A_837 = arith.addf %add3A_835, %mul3A_836 : vector<16xf32>
          %mul3A_838 = arith.mulf %get3A_797, %get3A_821 : vector<16xf32>
          %add3A_839 = arith.addf %add3A_837, %mul3A_838 : vector<16xf32>
          %mul3A_840 = arith.mulf %get3A_800, %get3A_824 : vector<16xf32>
          %add3A_841 = arith.addf %add3A_839, %mul3A_840 : vector<16xf32>
          %mul3A_842 = arith.mulf %get3A_803, %get3A_827 : vector<16xf32>
          %add3A_843 = arith.addf %add3A_841, %mul3A_842 : vector<16xf32>
          %mul3A_844 = arith.mulf %get3A_806, %get3A_830 : vector<16xf32>
          %add3A_845 = arith.addf %add3A_843, %mul3A_844 : vector<16xf32>
          %broadcast_in_dim3A_846 = vector.shape_cast %and3A_12 : vector<16xi32> to vector<16x1xi32>
          %gather3A_847 = vector.shape_cast %broadcast_in_dim3A_846 : vector<16x1xi32> to vector<16xi32>
          %gather3A_848 = tpu.dynamic_gather %add3A_845[%gather3A_847] in [0] : vector<16xf32>, vector<16xi32> -> vector<16xf32>
          %add3A_849 = arith.addf %add3A_845, %gather3A_848 : vector<16xf32>
          %broadcast_in_dim3A_850 = vector.shape_cast %and3A_18 : vector<16xi32> to vector<16x1xi32>
          %gather3A_851 = vector.shape_cast %broadcast_in_dim3A_850 : vector<16x1xi32> to vector<16xi32>
          %gather3A_852 = tpu.dynamic_gather %add3A_849[%gather3A_851] in [0] : vector<16xf32>, vector<16xi32> -> vector<16xf32>
          %add3A_853 = arith.addf %add3A_849, %gather3A_852 : vector<16xf32>
          %broadcast_in_dim3A_854 = vector.shape_cast %and3A_24 : vector<16xi32> to vector<16x1xi32>
          %gather3A_855 = vector.shape_cast %broadcast_in_dim3A_854 : vector<16x1xi32> to vector<16xi32>
          %gather3A_856 = tpu.dynamic_gather %add3A_853[%gather3A_855] in [0] : vector<16xf32>, vector<16xi32> -> vector<16xf32>
          %add3A_857 = arith.addf %add3A_853, %gather3A_856 : vector<16xf32>
          %broadcast_in_dim3A_858 = vector.shape_cast %and3A_30 : vector<16xi32> to vector<16x1xi32>
          %gather3A_859 = vector.shape_cast %broadcast_in_dim3A_858 : vector<16x1xi32> to vector<16xi32>
          %gather3A_860 = tpu.dynamic_gather %add3A_857[%gather3A_859] in [0] : vector<16xf32>, vector<16xi32> -> vector<16xf32>
          %add3A_861 = arith.addf %add3A_857, %gather3A_860 : vector<16xf32>
          %mul3A_862 = arith.constant 2.000000e-01 : f32
          %mul3A_863 = vector.broadcast %mul3A_862 : f32 to vector<16xf32>
          %mul3A_864 = arith.mulf %mul3A_863, %add3A_861 : vector<16xf32>
          %max3A_865 = arith.maximumf %add3A_861, %mul3A_864 : vector<16xf32>
          %neg3A_866 = arith.constant 0.000000e+00 : f32
          %neg3A_867 = vector.broadcast %neg3A_866 : f32 to vector<16xf32>
          %neg3A_868 = arith.subf %neg3A_867, %max3A_865 : vector<16xf32>
          %exp3A_869 = math.exp %neg3A_868 : vector<16xf32>
          %mul3A_870 = arith.mulf %get3A_809, %exp3A_869 : vector<16xf32>
          %swap3A_871 = arith.index_cast %scan3A_782 : i32 to index
          %swap3A_872 = arith.constant 0 : index
          %swap3A_873 = tpu.vector_load %arg18[%swap3A_871, %swap3A_872] {strides = array<i32>} : memref<48x128xf32, #tpu.memory_space<vmem>>, vector<16xf32>,
          tpu.vector_store %arg18[%swap3A_871, %swap3A_872], %mul3A_870 {strides = array<i32>} : memref<48x128xf32, #tpu.memory_space<vmem>>, vector<16xf32>,
          %mul3A_874 = arith.mulf %get3A_812, %exp3A_869 : vector<16xf32>
          %swap3A_875 = arith.index_cast %scan3A_782 : i32 to index
          %swap3A_876 = arith.constant 16 : index
          %swap3A_877 = tpu.vector_load %arg18[%swap3A_875, %swap3A_876] {strides = array<i32>} : memref<48x128xf32, #tpu.memory_space<vmem>>, vector<16xf32>,
          tpu.vector_store %arg18[%swap3A_875, %swap3A_876], %mul3A_874 {strides = array<i32>} : memref<48x128xf32, #tpu.memory_space<vmem>>, vector<16xf32>,
          %mul3A_878 = arith.mulf %get3A_815, %exp3A_869 : vector<16xf32>
          %swap3A_879 = arith.index_cast %scan3A_782 : i32 to index
          %swap3A_880 = arith.constant 32 : index
          %swap3A_881 = tpu.vector_load %arg18[%swap3A_879, %swap3A_880] {strides = array<i32>} : memref<48x128xf32, #tpu.memory_space<vmem>>, vector<16xf32>,
          tpu.vector_store %arg18[%swap3A_879, %swap3A_880], %mul3A_878 {strides = array<i32>} : memref<48x128xf32, #tpu.memory_space<vmem>>, vector<16xf32>,
          %mul3A_882 = arith.mulf %get3A_818, %exp3A_869 : vector<16xf32>
          %swap3A_883 = arith.index_cast %scan3A_782 : i32 to index
          %swap3A_884 = arith.constant 48 : index
          %swap3A_885 = tpu.vector_load %arg18[%swap3A_883, %swap3A_884] {strides = array<i32>} : memref<48x128xf32, #tpu.memory_space<vmem>>, vector<16xf32>,
          tpu.vector_store %arg18[%swap3A_883, %swap3A_884], %mul3A_882 {strides = array<i32>} : memref<48x128xf32, #tpu.memory_space<vmem>>, vector<16xf32>,
          %mul3A_886 = arith.mulf %get3A_821, %exp3A_869 : vector<16xf32>
          %swap3A_887 = arith.index_cast %scan3A_782 : i32 to index
          %swap3A_888 = arith.constant 64 : index
          %swap3A_889 = tpu.vector_load %arg18[%swap3A_887, %swap3A_888] {strides = array<i32>} : memref<48x128xf32, #tpu.memory_space<vmem>>, vector<16xf32>,
          tpu.vector_store %arg18[%swap3A_887, %swap3A_888], %mul3A_886 {strides = array<i32>} : memref<48x128xf32, #tpu.memory_space<vmem>>, vector<16xf32>,
          %mul3A_890 = arith.mulf %get3A_824, %exp3A_869 : vector<16xf32>
          %swap3A_891 = arith.index_cast %scan3A_782 : i32 to index
          %swap3A_892 = arith.constant 80 : index
          %swap3A_893 = tpu.vector_load %arg18[%swap3A_891, %swap3A_892] {strides = array<i32>} : memref<48x128xf32, #tpu.memory_space<vmem>>, vector<16xf32>,
          tpu.vector_store %arg18[%swap3A_891, %swap3A_892], %mul3A_890 {strides = array<i32>} : memref<48x128xf32, #tpu.memory_space<vmem>>, vector<16xf32>,
          %mul3A_894 = arith.mulf %get3A_827, %exp3A_869 : vector<16xf32>
          %swap3A_895 = arith.index_cast %scan3A_782 : i32 to index
          %swap3A_896 = arith.constant 96 : index
          %swap3A_897 = tpu.vector_load %arg18[%swap3A_895, %swap3A_896] {strides = array<i32>} : memref<48x128xf32, #tpu.memory_space<vmem>>, vector<16xf32>,
          tpu.vector_store %arg18[%swap3A_895, %swap3A_896], %mul3A_894 {strides = array<i32>} : memref<48x128xf32, #tpu.memory_space<vmem>>, vector<16xf32>,
          %mul3A_898 = arith.mulf %get3A_830, %exp3A_869 : vector<16xf32>
          %swap3A_899 = arith.index_cast %scan3A_782 : i32 to index
          %swap3A_900 = arith.constant 112 : index
          %swap3A_901 = tpu.vector_load %arg18[%swap3A_899, %swap3A_900] {strides = array<i32>} : memref<48x128xf32, #tpu.memory_space<vmem>>, vector<16xf32>,
          tpu.vector_store %arg18[%swap3A_899, %swap3A_900], %mul3A_898 {strides = array<i32>} : memref<48x128xf32, #tpu.memory_space<vmem>>, vector<16xf32>,
          %broadcast_in_dim3A_902 = vector.broadcast %scan3A_782 : i32 to vector<16xi32>
          %gather3A_903 = tpu.vector_load_idx %arg9[%broadcast_in_dim3A_902] : memref<48xi32, #tpu.memory_space<vmem>>[vector<16xi32>], vector<16xi32>,
          tpu.vector_store_idx %arg21[%gather3A_903], %exp3A_869 masked %eq3A_7 {add = true} : memref<10240xf32, #tpu.memory_space<vmem>>[vector<16xi32>], vector<16xf32>, vector<16xi1>
          %scan3A_904 = arith.constant 6 : i32
          %scan3A_905 = arith.addi %scan3A_173, %scan3A_904 : i32
          %get3A_906 = arith.index_cast %scan3A_905 : i32 to index
          %get3A_907 = arith.constant 0 : index
          %get3A_908 = tpu.vector_load %arg15[%get3A_906, %get3A_907] {strides = array<i32>} : memref<48x128xf32, #tpu.memory_space<vmem>>, vector<16xf32>,
          %get3A_909 = arith.index_cast %scan3A_905 : i32 to index
          %get3A_910 = arith.constant 16 : index
          %get3A_911 = tpu.vector_load %arg15[%get3A_909, %get3A_910] {strides = array<i32>} : memref<48x128xf32, #tpu.memory_space<vmem>>, vector<16xf32>,
          %get3A_912 = arith.index_cast %scan3A_905 : i32 to index
          %get3A_913 = arith.constant 32 : index
          %get3A_914 = tpu.vector_load %arg15[%get3A_912, %get3A_913] {strides = array<i32>} : memref<48x128xf32, #tpu.memory_space<vmem>>, vector<16xf32>,
          %get3A_915 = arith.index_cast %scan3A_905 : i32 to index
          %get3A_916 = arith.constant 48 : index
          %get3A_917 = tpu.vector_load %arg15[%get3A_915, %get3A_916] {strides = array<i32>} : memref<48x128xf32, #tpu.memory_space<vmem>>, vector<16xf32>,
          %get3A_918 = arith.index_cast %scan3A_905 : i32 to index
          %get3A_919 = arith.constant 64 : index
          %get3A_920 = tpu.vector_load %arg15[%get3A_918, %get3A_919] {strides = array<i32>} : memref<48x128xf32, #tpu.memory_space<vmem>>, vector<16xf32>,
          %get3A_921 = arith.index_cast %scan3A_905 : i32 to index
          %get3A_922 = arith.constant 80 : index
          %get3A_923 = tpu.vector_load %arg15[%get3A_921, %get3A_922] {strides = array<i32>} : memref<48x128xf32, #tpu.memory_space<vmem>>, vector<16xf32>,
          %get3A_924 = arith.index_cast %scan3A_905 : i32 to index
          %get3A_925 = arith.constant 96 : index
          %get3A_926 = tpu.vector_load %arg15[%get3A_924, %get3A_925] {strides = array<i32>} : memref<48x128xf32, #tpu.memory_space<vmem>>, vector<16xf32>,
          %get3A_927 = arith.index_cast %scan3A_905 : i32 to index
          %get3A_928 = arith.constant 112 : index
          %get3A_929 = tpu.vector_load %arg15[%get3A_927, %get3A_928] {strides = array<i32>} : memref<48x128xf32, #tpu.memory_space<vmem>>, vector<16xf32>,
          %get3A_930 = arith.index_cast %scan3A_905 : i32 to index
          %get3A_931 = arith.constant 0 : index
          %get3A_932 = tpu.vector_load %arg18[%get3A_930, %get3A_931] {strides = array<i32>} : memref<48x128xf32, #tpu.memory_space<vmem>>, vector<16xf32>,
          %get3A_933 = arith.index_cast %scan3A_905 : i32 to index
          %get3A_934 = arith.constant 16 : index
          %get3A_935 = tpu.vector_load %arg18[%get3A_933, %get3A_934] {strides = array<i32>} : memref<48x128xf32, #tpu.memory_space<vmem>>, vector<16xf32>,
          %get3A_936 = arith.index_cast %scan3A_905 : i32 to index
          %get3A_937 = arith.constant 32 : index
          %get3A_938 = tpu.vector_load %arg18[%get3A_936, %get3A_937] {strides = array<i32>} : memref<48x128xf32, #tpu.memory_space<vmem>>, vector<16xf32>,
          %get3A_939 = arith.index_cast %scan3A_905 : i32 to index
          %get3A_940 = arith.constant 48 : index
          %get3A_941 = tpu.vector_load %arg18[%get3A_939, %get3A_940] {strides = array<i32>} : memref<48x128xf32, #tpu.memory_space<vmem>>, vector<16xf32>,
          %get3A_942 = arith.index_cast %scan3A_905 : i32 to index
          %get3A_943 = arith.constant 64 : index
          %get3A_944 = tpu.vector_load %arg18[%get3A_942, %get3A_943] {strides = array<i32>} : memref<48x128xf32, #tpu.memory_space<vmem>>, vector<16xf32>,
          %get3A_945 = arith.index_cast %scan3A_905 : i32 to index
          %get3A_946 = arith.constant 80 : index
          %get3A_947 = tpu.vector_load %arg18[%get3A_945, %get3A_946] {strides = array<i32>} : memref<48x128xf32, #tpu.memory_space<vmem>>, vector<16xf32>,
          %get3A_948 = arith.index_cast %scan3A_905 : i32 to index
          %get3A_949 = arith.constant 96 : index
          %get3A_950 = tpu.vector_load %arg18[%get3A_948, %get3A_949] {strides = array<i32>} : memref<48x128xf32, #tpu.memory_space<vmem>>, vector<16xf32>,
          %get3A_951 = arith.index_cast %scan3A_905 : i32 to index
          %get3A_952 = arith.constant 112 : index
          %get3A_953 = tpu.vector_load %arg18[%get3A_951, %get3A_952] {strides = array<i32>} : memref<48x128xf32, #tpu.memory_space<vmem>>, vector<16xf32>,
          %mul3A_954 = arith.mulf %get3A_908, %get3A_932 : vector<16xf32>
          %mul3A_955 = arith.mulf %get3A_911, %get3A_935 : vector<16xf32>
          %add3A_956 = arith.addf %mul3A_954, %mul3A_955 : vector<16xf32>
          %mul3A_957 = arith.mulf %get3A_914, %get3A_938 : vector<16xf32>
          %add3A_958 = arith.addf %add3A_956, %mul3A_957 : vector<16xf32>
          %mul3A_959 = arith.mulf %get3A_917, %get3A_941 : vector<16xf32>
          %add3A_960 = arith.addf %add3A_958, %mul3A_959 : vector<16xf32>
          %mul3A_961 = arith.mulf %get3A_920, %get3A_944 : vector<16xf32>
          %add3A_962 = arith.addf %add3A_960, %mul3A_961 : vector<16xf32>
          %mul3A_963 = arith.mulf %get3A_923, %get3A_947 : vector<16xf32>
          %add3A_964 = arith.addf %add3A_962, %mul3A_963 : vector<16xf32>
          %mul3A_965 = arith.mulf %get3A_926, %get3A_950 : vector<16xf32>
          %add3A_966 = arith.addf %add3A_964, %mul3A_965 : vector<16xf32>
          %mul3A_967 = arith.mulf %get3A_929, %get3A_953 : vector<16xf32>
          %add3A_968 = arith.addf %add3A_966, %mul3A_967 : vector<16xf32>
          %broadcast_in_dim3A_969 = vector.shape_cast %and3A_12 : vector<16xi32> to vector<16x1xi32>
          %gather3A_970 = vector.shape_cast %broadcast_in_dim3A_969 : vector<16x1xi32> to vector<16xi32>
          %gather3A_971 = tpu.dynamic_gather %add3A_968[%gather3A_970] in [0] : vector<16xf32>, vector<16xi32> -> vector<16xf32>
          %add3A_972 = arith.addf %add3A_968, %gather3A_971 : vector<16xf32>
          %broadcast_in_dim3A_973 = vector.shape_cast %and3A_18 : vector<16xi32> to vector<16x1xi32>
          %gather3A_974 = vector.shape_cast %broadcast_in_dim3A_973 : vector<16x1xi32> to vector<16xi32>
          %gather3A_975 = tpu.dynamic_gather %add3A_972[%gather3A_974] in [0] : vector<16xf32>, vector<16xi32> -> vector<16xf32>
          %add3A_976 = arith.addf %add3A_972, %gather3A_975 : vector<16xf32>
          %broadcast_in_dim3A_977 = vector.shape_cast %and3A_24 : vector<16xi32> to vector<16x1xi32>
          %gather3A_978 = vector.shape_cast %broadcast_in_dim3A_977 : vector<16x1xi32> to vector<16xi32>
          %gather3A_979 = tpu.dynamic_gather %add3A_976[%gather3A_978] in [0] : vector<16xf32>, vector<16xi32> -> vector<16xf32>
          %add3A_980 = arith.addf %add3A_976, %gather3A_979 : vector<16xf32>
          %broadcast_in_dim3A_981 = vector.shape_cast %and3A_30 : vector<16xi32> to vector<16x1xi32>
          %gather3A_982 = vector.shape_cast %broadcast_in_dim3A_981 : vector<16x1xi32> to vector<16xi32>
          %gather3A_983 = tpu.dynamic_gather %add3A_980[%gather3A_982] in [0] : vector<16xf32>, vector<16xi32> -> vector<16xf32>
          %add3A_984 = arith.addf %add3A_980, %gather3A_983 : vector<16xf32>
          %mul3A_985 = arith.constant 2.000000e-01 : f32
          %mul3A_986 = vector.broadcast %mul3A_985 : f32 to vector<16xf32>
          %mul3A_987 = arith.mulf %mul3A_986, %add3A_984 : vector<16xf32>
          %max3A_988 = arith.maximumf %add3A_984, %mul3A_987 : vector<16xf32>
          %neg3A_989 = arith.constant 0.000000e+00 : f32
          %neg3A_990 = vector.broadcast %neg3A_989 : f32 to vector<16xf32>
          %neg3A_991 = arith.subf %neg3A_990, %max3A_988 : vector<16xf32>
          %exp3A_992 = math.exp %neg3A_991 : vector<16xf32>
          %mul3A_993 = arith.mulf %get3A_932, %exp3A_992 : vector<16xf32>
          %swap3A_994 = arith.index_cast %scan3A_905 : i32 to index
          %swap3A_995 = arith.constant 0 : index
          %swap3A_996 = tpu.vector_load %arg18[%swap3A_994, %swap3A_995] {strides = array<i32>} : memref<48x128xf32, #tpu.memory_space<vmem>>, vector<16xf32>,
          tpu.vector_store %arg18[%swap3A_994, %swap3A_995], %mul3A_993 {strides = array<i32>} : memref<48x128xf32, #tpu.memory_space<vmem>>, vector<16xf32>,
          %mul3A_997 = arith.mulf %get3A_935, %exp3A_992 : vector<16xf32>
          %swap3A_998 = arith.index_cast %scan3A_905 : i32 to index
          %swap3A_999 = arith.constant 16 : index
          %swap3A_1000 = tpu.vector_load %arg18[%swap3A_998, %swap3A_999] {strides = array<i32>} : memref<48x128xf32, #tpu.memory_space<vmem>>, vector<16xf32>,
          tpu.vector_store %arg18[%swap3A_998, %swap3A_999], %mul3A_997 {strides = array<i32>} : memref<48x128xf32, #tpu.memory_space<vmem>>, vector<16xf32>,
          %mul3A_1001 = arith.mulf %get3A_938, %exp3A_992 : vector<16xf32>
          %swap3A_1002 = arith.index_cast %scan3A_905 : i32 to index
          %swap3A_1003 = arith.constant 32 : index
          %swap3A_1004 = tpu.vector_load %arg18[%swap3A_1002, %swap3A_1003] {strides = array<i32>} : memref<48x128xf32, #tpu.memory_space<vmem>>, vector<16xf32>,
          tpu.vector_store %arg18[%swap3A_1002, %swap3A_1003], %mul3A_1001 {strides = array<i32>} : memref<48x128xf32, #tpu.memory_space<vmem>>, vector<16xf32>,
          %mul3A_1005 = arith.mulf %get3A_941, %exp3A_992 : vector<16xf32>
          %swap3A_1006 = arith.index_cast %scan3A_905 : i32 to index
          %swap3A_1007 = arith.constant 48 : index
          %swap3A_1008 = tpu.vector_load %arg18[%swap3A_1006, %swap3A_1007] {strides = array<i32>} : memref<48x128xf32, #tpu.memory_space<vmem>>, vector<16xf32>,
          tpu.vector_store %arg18[%swap3A_1006, %swap3A_1007], %mul3A_1005 {strides = array<i32>} : memref<48x128xf32, #tpu.memory_space<vmem>>, vector<16xf32>,
          %mul3A_1009 = arith.mulf %get3A_944, %exp3A_992 : vector<16xf32>
          %swap3A_1010 = arith.index_cast %scan3A_905 : i32 to index
          %swap3A_1011 = arith.constant 64 : index
          %swap3A_1012 = tpu.vector_load %arg18[%swap3A_1010, %swap3A_1011] {strides = array<i32>} : memref<48x128xf32, #tpu.memory_space<vmem>>, vector<16xf32>,
          tpu.vector_store %arg18[%swap3A_1010, %swap3A_1011], %mul3A_1009 {strides = array<i32>} : memref<48x128xf32, #tpu.memory_space<vmem>>, vector<16xf32>,
          %mul3A_1013 = arith.mulf %get3A_947, %exp3A_992 : vector<16xf32>
          %swap3A_1014 = arith.index_cast %scan3A_905 : i32 to index
          %swap3A_1015 = arith.constant 80 : index
          %swap3A_1016 = tpu.vector_load %arg18[%swap3A_1014, %swap3A_1015] {strides = array<i32>} : memref<48x128xf32, #tpu.memory_space<vmem>>, vector<16xf32>,
          tpu.vector_store %arg18[%swap3A_1014, %swap3A_1015], %mul3A_1013 {strides = array<i32>} : memref<48x128xf32, #tpu.memory_space<vmem>>, vector<16xf32>,
          %mul3A_1017 = arith.mulf %get3A_950, %exp3A_992 : vector<16xf32>
          %swap3A_1018 = arith.index_cast %scan3A_905 : i32 to index
          %swap3A_1019 = arith.constant 96 : index
          %swap3A_1020 = tpu.vector_load %arg18[%swap3A_1018, %swap3A_1019] {strides = array<i32>} : memref<48x128xf32, #tpu.memory_space<vmem>>, vector<16xf32>,
          tpu.vector_store %arg18[%swap3A_1018, %swap3A_1019], %mul3A_1017 {strides = array<i32>} : memref<48x128xf32, #tpu.memory_space<vmem>>, vector<16xf32>,
          %mul3A_1021 = arith.mulf %get3A_953, %exp3A_992 : vector<16xf32>
          %swap3A_1022 = arith.index_cast %scan3A_905 : i32 to index
          %swap3A_1023 = arith.constant 112 : index
          %swap3A_1024 = tpu.vector_load %arg18[%swap3A_1022, %swap3A_1023] {strides = array<i32>} : memref<48x128xf32, #tpu.memory_space<vmem>>, vector<16xf32>,
          tpu.vector_store %arg18[%swap3A_1022, %swap3A_1023], %mul3A_1021 {strides = array<i32>} : memref<48x128xf32, #tpu.memory_space<vmem>>, vector<16xf32>,
          %broadcast_in_dim3A_1025 = vector.broadcast %scan3A_905 : i32 to vector<16xi32>
          %gather3A_1026 = tpu.vector_load_idx %arg9[%broadcast_in_dim3A_1025] : memref<48xi32, #tpu.memory_space<vmem>>[vector<16xi32>], vector<16xi32>,
          tpu.vector_store_idx %arg21[%gather3A_1026], %exp3A_992 masked %eq3A_7 {add = true} : memref<10240xf32, #tpu.memory_space<vmem>>[vector<16xi32>], vector<16xf32>, vector<16xi1>
          %scan3A_1027 = arith.constant 7 : i32
          %scan3A_1028 = arith.addi %scan3A_173, %scan3A_1027 : i32
          %get3A_1029 = arith.index_cast %scan3A_1028 : i32 to index
          %get3A_1030 = arith.constant 0 : index
          %get3A_1031 = tpu.vector_load %arg15[%get3A_1029, %get3A_1030] {strides = array<i32>} : memref<48x128xf32, #tpu.memory_space<vmem>>, vector<16xf32>,
          %get3A_1032 = arith.index_cast %scan3A_1028 : i32 to index
          %get3A_1033 = arith.constant 16 : index
          %get3A_1034 = tpu.vector_load %arg15[%get3A_1032, %get3A_1033] {strides = array<i32>} : memref<48x128xf32, #tpu.memory_space<vmem>>, vector<16xf32>,
          %get3A_1035 = arith.index_cast %scan3A_1028 : i32 to index
          %get3A_1036 = arith.constant 32 : index
          %get3A_1037 = tpu.vector_load %arg15[%get3A_1035, %get3A_1036] {strides = array<i32>} : memref<48x128xf32, #tpu.memory_space<vmem>>, vector<16xf32>,
          %get3A_1038 = arith.index_cast %scan3A_1028 : i32 to index
          %get3A_1039 = arith.constant 48 : index
          %get3A_1040 = tpu.vector_load %arg15[%get3A_1038, %get3A_1039] {strides = array<i32>} : memref<48x128xf32, #tpu.memory_space<vmem>>, vector<16xf32>,
          %get3A_1041 = arith.index_cast %scan3A_1028 : i32 to index
          %get3A_1042 = arith.constant 64 : index
          %get3A_1043 = tpu.vector_load %arg15[%get3A_1041, %get3A_1042] {strides = array<i32>} : memref<48x128xf32, #tpu.memory_space<vmem>>, vector<16xf32>,
          %get3A_1044 = arith.index_cast %scan3A_1028 : i32 to index
          %get3A_1045 = arith.constant 80 : index
          %get3A_1046 = tpu.vector_load %arg15[%get3A_1044, %get3A_1045] {strides = array<i32>} : memref<48x128xf32, #tpu.memory_space<vmem>>, vector<16xf32>,
          %get3A_1047 = arith.index_cast %scan3A_1028 : i32 to index
          %get3A_1048 = arith.constant 96 : index
          %get3A_1049 = tpu.vector_load %arg15[%get3A_1047, %get3A_1048] {strides = array<i32>} : memref<48x128xf32, #tpu.memory_space<vmem>>, vector<16xf32>,
          %get3A_1050 = arith.index_cast %scan3A_1028 : i32 to index
          %get3A_1051 = arith.constant 112 : index
          %get3A_1052 = tpu.vector_load %arg15[%get3A_1050, %get3A_1051] {strides = array<i32>} : memref<48x128xf32, #tpu.memory_space<vmem>>, vector<16xf32>,
          %get3A_1053 = arith.index_cast %scan3A_1028 : i32 to index
          %get3A_1054 = arith.constant 0 : index
          %get3A_1055 = tpu.vector_load %arg18[%get3A_1053, %get3A_1054] {strides = array<i32>} : memref<48x128xf32, #tpu.memory_space<vmem>>, vector<16xf32>,
          %get3A_1056 = arith.index_cast %scan3A_1028 : i32 to index
          %get3A_1057 = arith.constant 16 : index
          %get3A_1058 = tpu.vector_load %arg18[%get3A_1056, %get3A_1057] {strides = array<i32>} : memref<48x128xf32, #tpu.memory_space<vmem>>, vector<16xf32>,
          %get3A_1059 = arith.index_cast %scan3A_1028 : i32 to index
          %get3A_1060 = arith.constant 32 : index
          %get3A_1061 = tpu.vector_load %arg18[%get3A_1059, %get3A_1060] {strides = array<i32>} : memref<48x128xf32, #tpu.memory_space<vmem>>, vector<16xf32>,
          %get3A_1062 = arith.index_cast %scan3A_1028 : i32 to index
          %get3A_1063 = arith.constant 48 : index
          %get3A_1064 = tpu.vector_load %arg18[%get3A_1062, %get3A_1063] {strides = array<i32>} : memref<48x128xf32, #tpu.memory_space<vmem>>, vector<16xf32>,
          %get3A_1065 = arith.index_cast %scan3A_1028 : i32 to index
          %get3A_1066 = arith.constant 64 : index
          %get3A_1067 = tpu.vector_load %arg18[%get3A_1065, %get3A_1066] {strides = array<i32>} : memref<48x128xf32, #tpu.memory_space<vmem>>, vector<16xf32>,
          %get3A_1068 = arith.index_cast %scan3A_1028 : i32 to index
          %get3A_1069 = arith.constant 80 : index
          %get3A_1070 = tpu.vector_load %arg18[%get3A_1068, %get3A_1069] {strides = array<i32>} : memref<48x128xf32, #tpu.memory_space<vmem>>, vector<16xf32>,
          %get3A_1071 = arith.index_cast %scan3A_1028 : i32 to index
          %get3A_1072 = arith.constant 96 : index
          %get3A_1073 = tpu.vector_load %arg18[%get3A_1071, %get3A_1072] {strides = array<i32>} : memref<48x128xf32, #tpu.memory_space<vmem>>, vector<16xf32>,
          %get3A_1074 = arith.index_cast %scan3A_1028 : i32 to index
          %get3A_1075 = arith.constant 112 : index
          %get3A_1076 = tpu.vector_load %arg18[%get3A_1074, %get3A_1075] {strides = array<i32>} : memref<48x128xf32, #tpu.memory_space<vmem>>, vector<16xf32>,
          %mul3A_1077 = arith.mulf %get3A_1031, %get3A_1055 : vector<16xf32>
          %mul3A_1078 = arith.mulf %get3A_1034, %get3A_1058 : vector<16xf32>
          %add3A_1079 = arith.addf %mul3A_1077, %mul3A_1078 : vector<16xf32>
          %mul3A_1080 = arith.mulf %get3A_1037, %get3A_1061 : vector<16xf32>
          %add3A_1081 = arith.addf %add3A_1079, %mul3A_1080 : vector<16xf32>
          %mul3A_1082 = arith.mulf %get3A_1040, %get3A_1064 : vector<16xf32>
          %add3A_1083 = arith.addf %add3A_1081, %mul3A_1082 : vector<16xf32>
          %mul3A_1084 = arith.mulf %get3A_1043, %get3A_1067 : vector<16xf32>
          %add3A_1085 = arith.addf %add3A_1083, %mul3A_1084 : vector<16xf32>
          %mul3A_1086 = arith.mulf %get3A_1046, %get3A_1070 : vector<16xf32>
          %add3A_1087 = arith.addf %add3A_1085, %mul3A_1086 : vector<16xf32>
          %mul3A_1088 = arith.mulf %get3A_1049, %get3A_1073 : vector<16xf32>
          %add3A_1089 = arith.addf %add3A_1087, %mul3A_1088 : vector<16xf32>
          %mul3A_1090 = arith.mulf %get3A_1052, %get3A_1076 : vector<16xf32>
          %add3A_1091 = arith.addf %add3A_1089, %mul3A_1090 : vector<16xf32>
          %broadcast_in_dim3A_1092 = vector.shape_cast %and3A_12 : vector<16xi32> to vector<16x1xi32>
          %gather3A_1093 = vector.shape_cast %broadcast_in_dim3A_1092 : vector<16x1xi32> to vector<16xi32>
          %gather3A_1094 = tpu.dynamic_gather %add3A_1091[%gather3A_1093] in [0] : vector<16xf32>, vector<16xi32> -> vector<16xf32>
          %add3A_1095 = arith.addf %add3A_1091, %gather3A_1094 : vector<16xf32>
          %broadcast_in_dim3A_1096 = vector.shape_cast %and3A_18 : vector<16xi32> to vector<16x1xi32>
          %gather3A_1097 = vector.shape_cast %broadcast_in_dim3A_1096 : vector<16x1xi32> to vector<16xi32>
          %gather3A_1098 = tpu.dynamic_gather %add3A_1095[%gather3A_1097] in [0] : vector<16xf32>, vector<16xi32> -> vector<16xf32>
          %add3A_1099 = arith.addf %add3A_1095, %gather3A_1098 : vector<16xf32>
          %broadcast_in_dim3A_1100 = vector.shape_cast %and3A_24 : vector<16xi32> to vector<16x1xi32>
          %gather3A_1101 = vector.shape_cast %broadcast_in_dim3A_1100 : vector<16x1xi32> to vector<16xi32>
          %gather3A_1102 = tpu.dynamic_gather %add3A_1099[%gather3A_1101] in [0] : vector<16xf32>, vector<16xi32> -> vector<16xf32>
          %add3A_1103 = arith.addf %add3A_1099, %gather3A_1102 : vector<16xf32>
          %broadcast_in_dim3A_1104 = vector.shape_cast %and3A_30 : vector<16xi32> to vector<16x1xi32>
          %gather3A_1105 = vector.shape_cast %broadcast_in_dim3A_1104 : vector<16x1xi32> to vector<16xi32>
          %gather3A_1106 = tpu.dynamic_gather %add3A_1103[%gather3A_1105] in [0] : vector<16xf32>, vector<16xi32> -> vector<16xf32>
          %add3A_1107 = arith.addf %add3A_1103, %gather3A_1106 : vector<16xf32>
          %mul3A_1108 = arith.constant 2.000000e-01 : f32
          %mul3A_1109 = vector.broadcast %mul3A_1108 : f32 to vector<16xf32>
          %mul3A_1110 = arith.mulf %mul3A_1109, %add3A_1107 : vector<16xf32>
          %max3A_1111 = arith.maximumf %add3A_1107, %mul3A_1110 : vector<16xf32>
          %neg3A_1112 = arith.constant 0.000000e+00 : f32
          %neg3A_1113 = vector.broadcast %neg3A_1112 : f32 to vector<16xf32>
          %neg3A_1114 = arith.subf %neg3A_1113, %max3A_1111 : vector<16xf32>
          %exp3A_1115 = math.exp %neg3A_1114 : vector<16xf32>
          %mul3A_1116 = arith.mulf %get3A_1055, %exp3A_1115 : vector<16xf32>
          %swap3A_1117 = arith.index_cast %scan3A_1028 : i32 to index
          %swap3A_1118 = arith.constant 0 : index
          %swap3A_1119 = tpu.vector_load %arg18[%swap3A_1117, %swap3A_1118] {strides = array<i32>} : memref<48x128xf32, #tpu.memory_space<vmem>>, vector<16xf32>,
          tpu.vector_store %arg18[%swap3A_1117, %swap3A_1118], %mul3A_1116 {strides = array<i32>} : memref<48x128xf32, #tpu.memory_space<vmem>>, vector<16xf32>,
          %mul3A_1120 = arith.mulf %get3A_1058, %exp3A_1115 : vector<16xf32>
          %swap3A_1121 = arith.index_cast %scan3A_1028 : i32 to index
          %swap3A_1122 = arith.constant 16 : index
          %swap3A_1123 = tpu.vector_load %arg18[%swap3A_1121, %swap3A_1122] {strides = array<i32>} : memref<48x128xf32, #tpu.memory_space<vmem>>, vector<16xf32>,
          tpu.vector_store %arg18[%swap3A_1121, %swap3A_1122], %mul3A_1120 {strides = array<i32>} : memref<48x128xf32, #tpu.memory_space<vmem>>, vector<16xf32>,
          %mul3A_1124 = arith.mulf %get3A_1061, %exp3A_1115 : vector<16xf32>
          %swap3A_1125 = arith.index_cast %scan3A_1028 : i32 to index
          %swap3A_1126 = arith.constant 32 : index
          %swap3A_1127 = tpu.vector_load %arg18[%swap3A_1125, %swap3A_1126] {strides = array<i32>} : memref<48x128xf32, #tpu.memory_space<vmem>>, vector<16xf32>,
          tpu.vector_store %arg18[%swap3A_1125, %swap3A_1126], %mul3A_1124 {strides = array<i32>} : memref<48x128xf32, #tpu.memory_space<vmem>>, vector<16xf32>,
          %mul3A_1128 = arith.mulf %get3A_1064, %exp3A_1115 : vector<16xf32>
          %swap3A_1129 = arith.index_cast %scan3A_1028 : i32 to index
          %swap3A_1130 = arith.constant 48 : index
          %swap3A_1131 = tpu.vector_load %arg18[%swap3A_1129, %swap3A_1130] {strides = array<i32>} : memref<48x128xf32, #tpu.memory_space<vmem>>, vector<16xf32>,
          tpu.vector_store %arg18[%swap3A_1129, %swap3A_1130], %mul3A_1128 {strides = array<i32>} : memref<48x128xf32, #tpu.memory_space<vmem>>, vector<16xf32>,
          %mul3A_1132 = arith.mulf %get3A_1067, %exp3A_1115 : vector<16xf32>
          %swap3A_1133 = arith.index_cast %scan3A_1028 : i32 to index
          %swap3A_1134 = arith.constant 64 : index
          %swap3A_1135 = tpu.vector_load %arg18[%swap3A_1133, %swap3A_1134] {strides = array<i32>} : memref<48x128xf32, #tpu.memory_space<vmem>>, vector<16xf32>,
          tpu.vector_store %arg18[%swap3A_1133, %swap3A_1134], %mul3A_1132 {strides = array<i32>} : memref<48x128xf32, #tpu.memory_space<vmem>>, vector<16xf32>,
          %mul3A_1136 = arith.mulf %get3A_1070, %exp3A_1115 : vector<16xf32>
          %swap3A_1137 = arith.index_cast %scan3A_1028 : i32 to index
          %swap3A_1138 = arith.constant 80 : index
          %swap3A_1139 = tpu.vector_load %arg18[%swap3A_1137, %swap3A_1138] {strides = array<i32>} : memref<48x128xf32, #tpu.memory_space<vmem>>, vector<16xf32>,
          tpu.vector_store %arg18[%swap3A_1137, %swap3A_1138], %mul3A_1136 {strides = array<i32>} : memref<48x128xf32, #tpu.memory_space<vmem>>, vector<16xf32>,
          %mul3A_1140 = arith.mulf %get3A_1073, %exp3A_1115 : vector<16xf32>
          %swap3A_1141 = arith.index_cast %scan3A_1028 : i32 to index
          %swap3A_1142 = arith.constant 96 : index
          %swap3A_1143 = tpu.vector_load %arg18[%swap3A_1141, %swap3A_1142] {strides = array<i32>} : memref<48x128xf32, #tpu.memory_space<vmem>>, vector<16xf32>,
          tpu.vector_store %arg18[%swap3A_1141, %swap3A_1142], %mul3A_1140 {strides = array<i32>} : memref<48x128xf32, #tpu.memory_space<vmem>>, vector<16xf32>,
          %mul3A_1144 = arith.mulf %get3A_1076, %exp3A_1115 : vector<16xf32>
          %swap3A_1145 = arith.index_cast %scan3A_1028 : i32 to index
          %swap3A_1146 = arith.constant 112 : index
          %swap3A_1147 = tpu.vector_load %arg18[%swap3A_1145, %swap3A_1146] {strides = array<i32>} : memref<48x128xf32, #tpu.memory_space<vmem>>, vector<16xf32>,
          tpu.vector_store %arg18[%swap3A_1145, %swap3A_1146], %mul3A_1144 {strides = array<i32>} : memref<48x128xf32, #tpu.memory_space<vmem>>, vector<16xf32>,
          %broadcast_in_dim3A_1148 = vector.broadcast %scan3A_1028 : i32 to vector<16xi32>
          %gather3A_1149 = tpu.vector_load_idx %arg9[%broadcast_in_dim3A_1148] : memref<48xi32, #tpu.memory_space<vmem>>[vector<16xi32>], vector<16xi32>,
          tpu.vector_store_idx %arg21[%gather3A_1149], %exp3A_1115 masked %eq3A_7 {add = true} : memref<10240xf32, #tpu.memory_space<vmem>>[vector<16xi32>], vector<16xf32>, vector<16xi1>
        }
        %scan3A_170 = arith.constant 48 : i32
        %dma_start3A = arith.constant 0 : i32
        %dma_start3A_171 = arith.constant 0 : i32
        %dma_start3A_172 = tpu.memref_slice %arg24[%dma_start3A, %dma_start3A_171] : memref<10240x128xf32, #tpu.memory_space<vmem_shared>> -> memref<10240x128xf32, #tpu.memory_space<vmem_shared>>
        tpu.enqueue_indirect_dma source(%arg18 : memref<48x128xf32, #tpu.memory_space<vmem>>) target(%dma_start3A_172 : memref<10240x128xf32, #tpu.memory_space<vmem_shared>>) offsets(%arg9 : memref<48xi32, #tpu.memory_space<vmem>>) semaphore(%arg31 : memref<!tpu.dma_semaphore, #tpu.memory_space<semaphore_mem>>) {add = true}
      } else {
      }
      %ge3A_79 = arith.constant 1 : i32
      %ge3A_80 = arith.cmpi sge, %sub3A_64, %ge3A_79 : i32
      %convert_element_type3A_81 = arith.extui %ge3A_80 : i1 to i32
      %cond3A_82 = arith.constant 0 : i32
      %cond3A_83 = arith.cmpi ne, %convert_element_type3A_81, %cond3A_82 : i32
      scf.if %cond3A_83 {
        %dma_wait3A_166 = arith.constant 0 : i32
        %dma_wait3A_167 = arith.constant 0 : i32
        %dma_wait3A_168 = tpu.memref_slice %arg24[%dma_wait3A_166, %dma_wait3A_167] : memref<10240x128xf32, #tpu.memory_space<vmem_shared>> -> memref<10240x128xf32, #tpu.memory_space<vmem_shared>>
        tpu.wait_indirect_dma semaphore(%arg33 : memref<!tpu.dma_semaphore, #tpu.memory_space<semaphore_mem>>) src(%arg20 : memref<48x128xf32, #tpu.memory_space<vmem>>) dst(%dma_wait3A_168 : memref<10240x128xf32, #tpu.memory_space<vmem_shared>>)
      } else {
      }
      %ge3A_84 = arith.constant -2 : i32
      %ge3A_85 = arith.cmpi sge, %sub3A_64, %ge3A_84 : i32
      %lt3A_86 = arith.constant 208 : i32
      %lt3A_87 = arith.cmpi slt, %sub3A_64, %lt3A_86 : i32
      %and3A_88 = arith.andi %ge3A_85, %lt3A_87 : i1
      %convert_element_type3A_89 = arith.extui %and3A_88 : i1 to i32
      %cond3A_90 = arith.constant 0 : i32
      %cond3A_91 = arith.cmpi ne, %convert_element_type3A_89, %cond3A_90 : i32
      scf.if %cond3A_91 {
        %add3A_166 = arith.constant 2 : i32
        %add3A_167 = arith.addi %sub3A_64, %add3A_166 : i32
        %add3A_168 = arith.addi %mul3A_2, %add3A_167 : i32
        %mul3A_169 = arith.constant 48 : i32
        %mul3A_170 = arith.muli %add3A_168, %mul3A_169 : i32
        %dma_start3A = tpu.memref_slice %arg3[%mul3A_170] : memref<322560xi32, #tpu.memory_space<hbm>> -> memref<48xi32, #tpu.memory_space<hbm>>
        %dma_start3A_171 = tpu.memref_slice %arg3[%mul3A_170] : memref<322560xi32, #tpu.memory_space<hbm>> -> memref<48xi32, #tpu.memory_space<hbm>>
        tpu.enqueue_dma source(%dma_start3A_171 : memref<48xi32, #tpu.memory_space<hbm>>) target(%arg11 : memref<48xi32, #tpu.memory_space<vmem>>) target_semaphore(%arg27 : memref<!tpu.dma_semaphore, #tpu.memory_space<semaphore_mem>>)
        %dma_start3A_172 = tpu.memref_slice %arg4[%mul3A_170] : memref<322560xi32, #tpu.memory_space<hbm>> -> memref<48xi32, #tpu.memory_space<hbm>>
        %dma_start3A_173 = tpu.memref_slice %arg4[%mul3A_170] : memref<322560xi32, #tpu.memory_space<hbm>> -> memref<48xi32, #tpu.memory_space<hbm>>
        tpu.enqueue_dma source(%dma_start3A_173 : memref<48xi32, #tpu.memory_space<hbm>>) target(%arg14 : memref<48xi32, #tpu.memory_space<vmem>>) target_semaphore(%arg27 : memref<!tpu.dma_semaphore, #tpu.memory_space<semaphore_mem>>)
      } else {
      }
      %mul3A_92 = arith.constant 3 : i32
      %mul3A_93 = arith.muli %scan3A_59, %mul3A_92 : i32
      %add3A_94 = arith.constant 1 : i32
      %add3A_95 = arith.addi %mul3A_93, %add3A_94 : i32
      %sub3A_96 = arith.constant 3 : i32
      %sub3A_97 = arith.subi %add3A_95, %sub3A_96 : i32
      %ge3A_98 = arith.constant 0 : i32
      %ge3A_99 = arith.cmpi sge, %sub3A_97, %ge3A_98 : i32
      %convert_element_type3A_100 = arith.extui %ge3A_99 : i1 to i32
      %cond3A_101 = arith.constant 0 : i32
      %cond3A_102 = arith.cmpi ne, %convert_element_type3A_100, %cond3A_101 : i32
      scf.if %cond3A_102 {
        %dma_wait3A_166 = arith.constant 0 : i32
        %dma_wait3A_167 = arith.constant 0 : i32
        %dma_wait3A_168 = tpu.memref_slice %arg2[%dma_wait3A_166, %dma_wait3A_167] : memref<10240x128xf32, #tpu.memory_space<hbm>> -> memref<10240x128xf32, #tpu.memory_space<hbm>>
        tpu.wait_indirect_dma semaphore(%arg29 : memref<!tpu.dma_semaphore, #tpu.memory_space<semaphore_mem>>) src(%dma_wait3A_168 : memref<10240x128xf32, #tpu.memory_space<hbm>>) dst(%arg16 : memref<48x128xf32, #tpu.memory_space<vmem>>)
        %dma_wait3A_169 = arith.constant 0 : i32
        %dma_wait3A_170 = arith.constant 0 : i32
        %dma_wait3A_171 = tpu.memref_slice %arg2[%dma_wait3A_169, %dma_wait3A_170] : memref<10240x128xf32, #tpu.memory_space<hbm>> -> memref<10240x128xf32, #tpu.memory_space<hbm>>
        tpu.wait_indirect_dma semaphore(%arg29 : memref<!tpu.dma_semaphore, #tpu.memory_space<semaphore_mem>>) src(%dma_wait3A_171 : memref<10240x128xf32, #tpu.memory_space<hbm>>) dst(%arg19 : memref<48x128xf32, #tpu.memory_space<vmem>>)
      } else {
      }
      %ge3A_103 = arith.constant -1 : i32
      %ge3A_104 = arith.cmpi sge, %sub3A_97, %ge3A_103 : i32
      %lt3A_105 = arith.constant 209 : i32
      %lt3A_106 = arith.cmpi slt, %sub3A_97, %lt3A_105 : i32
      %and3A_107 = arith.andi %ge3A_104, %lt3A_106 : i1
      %convert_element_type3A_108 = arith.extui %and3A_107 : i1 to i32
      %cond3A_109 = arith.constant 0 : i32
      %cond3A_110 = arith.cmpi ne, %convert_element_type3A_108, %cond3A_109 : i32
      scf.if %cond3A_110 {
        %dma_wait3A_166 = arith.constant 0 : i32
        %dma_wait3A_167 = tpu.memref_slice %arg3[%dma_wait3A_166] : memref<322560xi32, #tpu.memory_space<hbm>> -> memref<48xi32, #tpu.memory_space<hbm>>
        %dma_wait3A_168 = arith.constant 0 : i32
        %dma_wait3A_169 = tpu.memref_slice %arg3[%dma_wait3A_168] : memref<322560xi32, #tpu.memory_space<hbm>> -> memref<48xi32, #tpu.memory_space<hbm>>
        tpu.wait_dma2 semaphore(%arg27 : memref<!tpu.dma_semaphore, #tpu.memory_space<semaphore_mem>>) src(%dma_wait3A_169 : memref<48xi32, #tpu.memory_space<hbm>>) dst(%arg11 : memref<48xi32, #tpu.memory_space<vmem>>)
        %dma_wait3A_170 = arith.constant 0 : i32
        %dma_wait3A_171 = tpu.memref_slice %arg4[%dma_wait3A_170] : memref<322560xi32, #tpu.memory_space<hbm>> -> memref<48xi32, #tpu.memory_space<hbm>>
        %dma_wait3A_172 = arith.constant 0 : i32
        %dma_wait3A_173 = tpu.memref_slice %arg4[%dma_wait3A_172] : memref<322560xi32, #tpu.memory_space<hbm>> -> memref<48xi32, #tpu.memory_space<hbm>>
        tpu.wait_dma2 semaphore(%arg27 : memref<!tpu.dma_semaphore, #tpu.memory_space<semaphore_mem>>) src(%dma_wait3A_173 : memref<48xi32, #tpu.memory_space<hbm>>) dst(%arg14 : memref<48xi32, #tpu.memory_space<vmem>>)
        %dma_start3A = arith.constant 0 : i32
        %dma_start3A_174 = arith.constant 0 : i32
        %dma_start3A_175 = tpu.memref_slice %arg2[%dma_start3A, %dma_start3A_174] : memref<10240x128xf32, #tpu.memory_space<hbm>> -> memref<10240x128xf32, #tpu.memory_space<hbm>>
        tpu.enqueue_indirect_dma source(%dma_start3A_175 : memref<10240x128xf32, #tpu.memory_space<hbm>>) target(%arg17 : memref<48x128xf32, #tpu.memory_space<vmem>>) offsets(%arg11 : memref<48xi32, #tpu.memory_space<vmem>>) semaphore(%arg30 : memref<!tpu.dma_semaphore, #tpu.memory_space<semaphore_mem>>)
        %dma_start3A_176 = arith.constant 0 : i32
        %dma_start3A_177 = arith.constant 0 : i32
        %dma_start3A_178 = tpu.memref_slice %arg2[%dma_start3A_176, %dma_start3A_177] : memref<10240x128xf32, #tpu.memory_space<hbm>> -> memref<10240x128xf32, #tpu.memory_space<hbm>>
        tpu.enqueue_indirect_dma source(%dma_start3A_178 : memref<10240x128xf32, #tpu.memory_space<hbm>>) target(%arg20 : memref<48x128xf32, #tpu.memory_space<vmem>>) offsets(%arg14 : memref<48xi32, #tpu.memory_space<vmem>>) semaphore(%arg30 : memref<!tpu.dma_semaphore, #tpu.memory_space<semaphore_mem>>)
      } else {
      }
      %ge3A_111 = arith.constant 0 : i32
      %ge3A_112 = arith.cmpi sge, %sub3A_97, %ge3A_111 : i32
      %convert_element_type3A_113 = arith.extui %ge3A_112 : i1 to i32
      %cond3A_114 = arith.constant 0 : i32
      %cond3A_115 = arith.cmpi ne, %convert_element_type3A_113, %cond3A_114 : i32
      scf.if %cond3A_115 {
        %scan3A_166 = arith.constant 0 : i32
        %scan3A_167 = arith.constant 48 : i32
        %scan3A_168 = arith.addi %scan3A_166, %scan3A_167 : i32
        %scan3A_169 = arith.constant 8 : i32
        scf.for %scan3A_173 = %scan3A_166 to %scan3A_168 step %scan3A_169  : i32 {
          %get3A = arith.index_cast %scan3A_173 : i32 to index
          %get3A_174 = arith.constant 0 : index
          %get3A_175 = tpu.vector_load %arg16[%get3A, %get3A_174] {strides = array<i32>} : memref<48x128xf32, #tpu.memory_space<vmem>>, vector<16xf32>,
          %get3A_176 = arith.index_cast %scan3A_173 : i32 to index
          %get3A_177 = arith.constant 16 : index
          %get3A_178 = tpu.vector_load %arg16[%get3A_176, %get3A_177] {strides = array<i32>} : memref<48x128xf32, #tpu.memory_space<vmem>>, vector<16xf32>,
          %get3A_179 = arith.index_cast %scan3A_173 : i32 to index
          %get3A_180 = arith.constant 32 : index
          %get3A_181 = tpu.vector_load %arg16[%get3A_179, %get3A_180] {strides = array<i32>} : memref<48x128xf32, #tpu.memory_space<vmem>>, vector<16xf32>,
          %get3A_182 = arith.index_cast %scan3A_173 : i32 to index
          %get3A_183 = arith.constant 48 : index
          %get3A_184 = tpu.vector_load %arg16[%get3A_182, %get3A_183] {strides = array<i32>} : memref<48x128xf32, #tpu.memory_space<vmem>>, vector<16xf32>,
          %get3A_185 = arith.index_cast %scan3A_173 : i32 to index
          %get3A_186 = arith.constant 64 : index
          %get3A_187 = tpu.vector_load %arg16[%get3A_185, %get3A_186] {strides = array<i32>} : memref<48x128xf32, #tpu.memory_space<vmem>>, vector<16xf32>,
          %get3A_188 = arith.index_cast %scan3A_173 : i32 to index
          %get3A_189 = arith.constant 80 : index
          %get3A_190 = tpu.vector_load %arg16[%get3A_188, %get3A_189] {strides = array<i32>} : memref<48x128xf32, #tpu.memory_space<vmem>>, vector<16xf32>,
          %get3A_191 = arith.index_cast %scan3A_173 : i32 to index
          %get3A_192 = arith.constant 96 : index
          %get3A_193 = tpu.vector_load %arg16[%get3A_191, %get3A_192] {strides = array<i32>} : memref<48x128xf32, #tpu.memory_space<vmem>>, vector<16xf32>,
          %get3A_194 = arith.index_cast %scan3A_173 : i32 to index
          %get3A_195 = arith.constant 112 : index
          %get3A_196 = tpu.vector_load %arg16[%get3A_194, %get3A_195] {strides = array<i32>} : memref<48x128xf32, #tpu.memory_space<vmem>>, vector<16xf32>,
          %get3A_197 = arith.index_cast %scan3A_173 : i32 to index
          %get3A_198 = arith.constant 0 : index
          %get3A_199 = tpu.vector_load %arg19[%get3A_197, %get3A_198] {strides = array<i32>} : memref<48x128xf32, #tpu.memory_space<vmem>>, vector<16xf32>,
          %get3A_200 = arith.index_cast %scan3A_173 : i32 to index
          %get3A_201 = arith.constant 16 : index
          %get3A_202 = tpu.vector_load %arg19[%get3A_200, %get3A_201] {strides = array<i32>} : memref<48x128xf32, #tpu.memory_space<vmem>>, vector<16xf32>,
          %get3A_203 = arith.index_cast %scan3A_173 : i32 to index
          %get3A_204 = arith.constant 32 : index
          %get3A_205 = tpu.vector_load %arg19[%get3A_203, %get3A_204] {strides = array<i32>} : memref<48x128xf32, #tpu.memory_space<vmem>>, vector<16xf32>,
          %get3A_206 = arith.index_cast %scan3A_173 : i32 to index
          %get3A_207 = arith.constant 48 : index
          %get3A_208 = tpu.vector_load %arg19[%get3A_206, %get3A_207] {strides = array<i32>} : memref<48x128xf32, #tpu.memory_space<vmem>>, vector<16xf32>,
          %get3A_209 = arith.index_cast %scan3A_173 : i32 to index
          %get3A_210 = arith.constant 64 : index
          %get3A_211 = tpu.vector_load %arg19[%get3A_209, %get3A_210] {strides = array<i32>} : memref<48x128xf32, #tpu.memory_space<vmem>>, vector<16xf32>,
          %get3A_212 = arith.index_cast %scan3A_173 : i32 to index
          %get3A_213 = arith.constant 80 : index
          %get3A_214 = tpu.vector_load %arg19[%get3A_212, %get3A_213] {strides = array<i32>} : memref<48x128xf32, #tpu.memory_space<vmem>>, vector<16xf32>,
          %get3A_215 = arith.index_cast %scan3A_173 : i32 to index
          %get3A_216 = arith.constant 96 : index
          %get3A_217 = tpu.vector_load %arg19[%get3A_215, %get3A_216] {strides = array<i32>} : memref<48x128xf32, #tpu.memory_space<vmem>>, vector<16xf32>,
          %get3A_218 = arith.index_cast %scan3A_173 : i32 to index
          %get3A_219 = arith.constant 112 : index
          %get3A_220 = tpu.vector_load %arg19[%get3A_218, %get3A_219] {strides = array<i32>} : memref<48x128xf32, #tpu.memory_space<vmem>>, vector<16xf32>,
          %mul3A_221 = arith.mulf %get3A_175, %get3A_199 : vector<16xf32>
          %mul3A_222 = arith.mulf %get3A_178, %get3A_202 : vector<16xf32>
          %add3A_223 = arith.addf %mul3A_221, %mul3A_222 : vector<16xf32>
          %mul3A_224 = arith.mulf %get3A_181, %get3A_205 : vector<16xf32>
          %add3A_225 = arith.addf %add3A_223, %mul3A_224 : vector<16xf32>
          %mul3A_226 = arith.mulf %get3A_184, %get3A_208 : vector<16xf32>
          %add3A_227 = arith.addf %add3A_225, %mul3A_226 : vector<16xf32>
          %mul3A_228 = arith.mulf %get3A_187, %get3A_211 : vector<16xf32>
          %add3A_229 = arith.addf %add3A_227, %mul3A_228 : vector<16xf32>
          %mul3A_230 = arith.mulf %get3A_190, %get3A_214 : vector<16xf32>
          %add3A_231 = arith.addf %add3A_229, %mul3A_230 : vector<16xf32>
          %mul3A_232 = arith.mulf %get3A_193, %get3A_217 : vector<16xf32>
          %add3A_233 = arith.addf %add3A_231, %mul3A_232 : vector<16xf32>
          %mul3A_234 = arith.mulf %get3A_196, %get3A_220 : vector<16xf32>
          %add3A_235 = arith.addf %add3A_233, %mul3A_234 : vector<16xf32>
          %broadcast_in_dim3A_236 = vector.shape_cast %and3A_12 : vector<16xi32> to vector<16x1xi32>
          %gather3A = vector.shape_cast %broadcast_in_dim3A_236 : vector<16x1xi32> to vector<16xi32>
          %gather3A_237 = tpu.dynamic_gather %add3A_235[%gather3A] in [0] : vector<16xf32>, vector<16xi32> -> vector<16xf32>
          %add3A_238 = arith.addf %add3A_235, %gather3A_237 : vector<16xf32>
          %broadcast_in_dim3A_239 = vector.shape_cast %and3A_18 : vector<16xi32> to vector<16x1xi32>
          %gather3A_240 = vector.shape_cast %broadcast_in_dim3A_239 : vector<16x1xi32> to vector<16xi32>
          %gather3A_241 = tpu.dynamic_gather %add3A_238[%gather3A_240] in [0] : vector<16xf32>, vector<16xi32> -> vector<16xf32>
          %add3A_242 = arith.addf %add3A_238, %gather3A_241 : vector<16xf32>
          %broadcast_in_dim3A_243 = vector.shape_cast %and3A_24 : vector<16xi32> to vector<16x1xi32>
          %gather3A_244 = vector.shape_cast %broadcast_in_dim3A_243 : vector<16x1xi32> to vector<16xi32>
          %gather3A_245 = tpu.dynamic_gather %add3A_242[%gather3A_244] in [0] : vector<16xf32>, vector<16xi32> -> vector<16xf32>
          %add3A_246 = arith.addf %add3A_242, %gather3A_245 : vector<16xf32>
          %broadcast_in_dim3A_247 = vector.shape_cast %and3A_30 : vector<16xi32> to vector<16x1xi32>
          %gather3A_248 = vector.shape_cast %broadcast_in_dim3A_247 : vector<16x1xi32> to vector<16xi32>
          %gather3A_249 = tpu.dynamic_gather %add3A_246[%gather3A_248] in [0] : vector<16xf32>, vector<16xi32> -> vector<16xf32>
          %add3A_250 = arith.addf %add3A_246, %gather3A_249 : vector<16xf32>
          %mul3A_251 = arith.constant 2.000000e-01 : f32
          %mul3A_252 = vector.broadcast %mul3A_251 : f32 to vector<16xf32>
          %mul3A_253 = arith.mulf %mul3A_252, %add3A_250 : vector<16xf32>
          %max3A = arith.maximumf %add3A_250, %mul3A_253 : vector<16xf32>
          %neg3A = arith.constant 0.000000e+00 : f32
          %neg3A_254 = vector.broadcast %neg3A : f32 to vector<16xf32>
          %neg3A_255 = arith.subf %neg3A_254, %max3A : vector<16xf32>
          %exp3A = math.exp %neg3A_255 : vector<16xf32>
          %mul3A_256 = arith.mulf %get3A_199, %exp3A : vector<16xf32>
          %swap3A = arith.index_cast %scan3A_173 : i32 to index
          %swap3A_257 = arith.constant 0 : index
          %swap3A_258 = tpu.vector_load %arg19[%swap3A, %swap3A_257] {strides = array<i32>} : memref<48x128xf32, #tpu.memory_space<vmem>>, vector<16xf32>,
          tpu.vector_store %arg19[%swap3A, %swap3A_257], %mul3A_256 {strides = array<i32>} : memref<48x128xf32, #tpu.memory_space<vmem>>, vector<16xf32>,
          %mul3A_259 = arith.mulf %get3A_202, %exp3A : vector<16xf32>
          %swap3A_260 = arith.index_cast %scan3A_173 : i32 to index
          %swap3A_261 = arith.constant 16 : index
          %swap3A_262 = tpu.vector_load %arg19[%swap3A_260, %swap3A_261] {strides = array<i32>} : memref<48x128xf32, #tpu.memory_space<vmem>>, vector<16xf32>,
          tpu.vector_store %arg19[%swap3A_260, %swap3A_261], %mul3A_259 {strides = array<i32>} : memref<48x128xf32, #tpu.memory_space<vmem>>, vector<16xf32>,
          %mul3A_263 = arith.mulf %get3A_205, %exp3A : vector<16xf32>
          %swap3A_264 = arith.index_cast %scan3A_173 : i32 to index
          %swap3A_265 = arith.constant 32 : index
          %swap3A_266 = tpu.vector_load %arg19[%swap3A_264, %swap3A_265] {strides = array<i32>} : memref<48x128xf32, #tpu.memory_space<vmem>>, vector<16xf32>,
          tpu.vector_store %arg19[%swap3A_264, %swap3A_265], %mul3A_263 {strides = array<i32>} : memref<48x128xf32, #tpu.memory_space<vmem>>, vector<16xf32>,
          %mul3A_267 = arith.mulf %get3A_208, %exp3A : vector<16xf32>
          %swap3A_268 = arith.index_cast %scan3A_173 : i32 to index
          %swap3A_269 = arith.constant 48 : index
          %swap3A_270 = tpu.vector_load %arg19[%swap3A_268, %swap3A_269] {strides = array<i32>} : memref<48x128xf32, #tpu.memory_space<vmem>>, vector<16xf32>,
          tpu.vector_store %arg19[%swap3A_268, %swap3A_269], %mul3A_267 {strides = array<i32>} : memref<48x128xf32, #tpu.memory_space<vmem>>, vector<16xf32>,
          %mul3A_271 = arith.mulf %get3A_211, %exp3A : vector<16xf32>
          %swap3A_272 = arith.index_cast %scan3A_173 : i32 to index
          %swap3A_273 = arith.constant 64 : index
          %swap3A_274 = tpu.vector_load %arg19[%swap3A_272, %swap3A_273] {strides = array<i32>} : memref<48x128xf32, #tpu.memory_space<vmem>>, vector<16xf32>,
          tpu.vector_store %arg19[%swap3A_272, %swap3A_273], %mul3A_271 {strides = array<i32>} : memref<48x128xf32, #tpu.memory_space<vmem>>, vector<16xf32>,
          %mul3A_275 = arith.mulf %get3A_214, %exp3A : vector<16xf32>
          %swap3A_276 = arith.index_cast %scan3A_173 : i32 to index
          %swap3A_277 = arith.constant 80 : index
          %swap3A_278 = tpu.vector_load %arg19[%swap3A_276, %swap3A_277] {strides = array<i32>} : memref<48x128xf32, #tpu.memory_space<vmem>>, vector<16xf32>,
          tpu.vector_store %arg19[%swap3A_276, %swap3A_277], %mul3A_275 {strides = array<i32>} : memref<48x128xf32, #tpu.memory_space<vmem>>, vector<16xf32>,
          %mul3A_279 = arith.mulf %get3A_217, %exp3A : vector<16xf32>
          %swap3A_280 = arith.index_cast %scan3A_173 : i32 to index
          %swap3A_281 = arith.constant 96 : index
          %swap3A_282 = tpu.vector_load %arg19[%swap3A_280, %swap3A_281] {strides = array<i32>} : memref<48x128xf32, #tpu.memory_space<vmem>>, vector<16xf32>,
          tpu.vector_store %arg19[%swap3A_280, %swap3A_281], %mul3A_279 {strides = array<i32>} : memref<48x128xf32, #tpu.memory_space<vmem>>, vector<16xf32>,
          %mul3A_283 = arith.mulf %get3A_220, %exp3A : vector<16xf32>
          %swap3A_284 = arith.index_cast %scan3A_173 : i32 to index
          %swap3A_285 = arith.constant 112 : index
          %swap3A_286 = tpu.vector_load %arg19[%swap3A_284, %swap3A_285] {strides = array<i32>} : memref<48x128xf32, #tpu.memory_space<vmem>>, vector<16xf32>,
          tpu.vector_store %arg19[%swap3A_284, %swap3A_285], %mul3A_283 {strides = array<i32>} : memref<48x128xf32, #tpu.memory_space<vmem>>, vector<16xf32>,
          %broadcast_in_dim3A_287 = vector.broadcast %scan3A_173 : i32 to vector<16xi32>
          %gather3A_288 = tpu.vector_load_idx %arg10[%broadcast_in_dim3A_287] : memref<48xi32, #tpu.memory_space<vmem>>[vector<16xi32>], vector<16xi32>,
          tpu.vector_store_idx %arg21[%gather3A_288], %exp3A masked %eq3A_7 {add = true} : memref<10240xf32, #tpu.memory_space<vmem>>[vector<16xi32>], vector<16xf32>, vector<16xi1>
          %scan3A_289 = arith.constant 1 : i32
          %scan3A_290 = arith.addi %scan3A_173, %scan3A_289 : i32
          %get3A_291 = arith.index_cast %scan3A_290 : i32 to index
          %get3A_292 = arith.constant 0 : index
          %get3A_293 = tpu.vector_load %arg16[%get3A_291, %get3A_292] {strides = array<i32>} : memref<48x128xf32, #tpu.memory_space<vmem>>, vector<16xf32>,
          %get3A_294 = arith.index_cast %scan3A_290 : i32 to index
          %get3A_295 = arith.constant 16 : index
          %get3A_296 = tpu.vector_load %arg16[%get3A_294, %get3A_295] {strides = array<i32>} : memref<48x128xf32, #tpu.memory_space<vmem>>, vector<16xf32>,
          %get3A_297 = arith.index_cast %scan3A_290 : i32 to index
          %get3A_298 = arith.constant 32 : index
          %get3A_299 = tpu.vector_load %arg16[%get3A_297, %get3A_298] {strides = array<i32>} : memref<48x128xf32, #tpu.memory_space<vmem>>, vector<16xf32>,
          %get3A_300 = arith.index_cast %scan3A_290 : i32 to index
          %get3A_301 = arith.constant 48 : index
          %get3A_302 = tpu.vector_load %arg16[%get3A_300, %get3A_301] {strides = array<i32>} : memref<48x128xf32, #tpu.memory_space<vmem>>, vector<16xf32>,
          %get3A_303 = arith.index_cast %scan3A_290 : i32 to index
          %get3A_304 = arith.constant 64 : index
          %get3A_305 = tpu.vector_load %arg16[%get3A_303, %get3A_304] {strides = array<i32>} : memref<48x128xf32, #tpu.memory_space<vmem>>, vector<16xf32>,
          %get3A_306 = arith.index_cast %scan3A_290 : i32 to index
          %get3A_307 = arith.constant 80 : index
          %get3A_308 = tpu.vector_load %arg16[%get3A_306, %get3A_307] {strides = array<i32>} : memref<48x128xf32, #tpu.memory_space<vmem>>, vector<16xf32>,
          %get3A_309 = arith.index_cast %scan3A_290 : i32 to index
          %get3A_310 = arith.constant 96 : index
          %get3A_311 = tpu.vector_load %arg16[%get3A_309, %get3A_310] {strides = array<i32>} : memref<48x128xf32, #tpu.memory_space<vmem>>, vector<16xf32>,
          %get3A_312 = arith.index_cast %scan3A_290 : i32 to index
          %get3A_313 = arith.constant 112 : index
          %get3A_314 = tpu.vector_load %arg16[%get3A_312, %get3A_313] {strides = array<i32>} : memref<48x128xf32, #tpu.memory_space<vmem>>, vector<16xf32>,
          %get3A_315 = arith.index_cast %scan3A_290 : i32 to index
          %get3A_316 = arith.constant 0 : index
          %get3A_317 = tpu.vector_load %arg19[%get3A_315, %get3A_316] {strides = array<i32>} : memref<48x128xf32, #tpu.memory_space<vmem>>, vector<16xf32>,
          %get3A_318 = arith.index_cast %scan3A_290 : i32 to index
          %get3A_319 = arith.constant 16 : index
          %get3A_320 = tpu.vector_load %arg19[%get3A_318, %get3A_319] {strides = array<i32>} : memref<48x128xf32, #tpu.memory_space<vmem>>, vector<16xf32>,
          %get3A_321 = arith.index_cast %scan3A_290 : i32 to index
          %get3A_322 = arith.constant 32 : index
          %get3A_323 = tpu.vector_load %arg19[%get3A_321, %get3A_322] {strides = array<i32>} : memref<48x128xf32, #tpu.memory_space<vmem>>, vector<16xf32>,
          %get3A_324 = arith.index_cast %scan3A_290 : i32 to index
          %get3A_325 = arith.constant 48 : index
          %get3A_326 = tpu.vector_load %arg19[%get3A_324, %get3A_325] {strides = array<i32>} : memref<48x128xf32, #tpu.memory_space<vmem>>, vector<16xf32>,
          %get3A_327 = arith.index_cast %scan3A_290 : i32 to index
          %get3A_328 = arith.constant 64 : index
          %get3A_329 = tpu.vector_load %arg19[%get3A_327, %get3A_328] {strides = array<i32>} : memref<48x128xf32, #tpu.memory_space<vmem>>, vector<16xf32>,
          %get3A_330 = arith.index_cast %scan3A_290 : i32 to index
          %get3A_331 = arith.constant 80 : index
          %get3A_332 = tpu.vector_load %arg19[%get3A_330, %get3A_331] {strides = array<i32>} : memref<48x128xf32, #tpu.memory_space<vmem>>, vector<16xf32>,
          %get3A_333 = arith.index_cast %scan3A_290 : i32 to index
          %get3A_334 = arith.constant 96 : index
          %get3A_335 = tpu.vector_load %arg19[%get3A_333, %get3A_334] {strides = array<i32>} : memref<48x128xf32, #tpu.memory_space<vmem>>, vector<16xf32>,
          %get3A_336 = arith.index_cast %scan3A_290 : i32 to index
          %get3A_337 = arith.constant 112 : index
          %get3A_338 = tpu.vector_load %arg19[%get3A_336, %get3A_337] {strides = array<i32>} : memref<48x128xf32, #tpu.memory_space<vmem>>, vector<16xf32>,
          %mul3A_339 = arith.mulf %get3A_293, %get3A_317 : vector<16xf32>
          %mul3A_340 = arith.mulf %get3A_296, %get3A_320 : vector<16xf32>
          %add3A_341 = arith.addf %mul3A_339, %mul3A_340 : vector<16xf32>
          %mul3A_342 = arith.mulf %get3A_299, %get3A_323 : vector<16xf32>
          %add3A_343 = arith.addf %add3A_341, %mul3A_342 : vector<16xf32>
          %mul3A_344 = arith.mulf %get3A_302, %get3A_326 : vector<16xf32>
          %add3A_345 = arith.addf %add3A_343, %mul3A_344 : vector<16xf32>
          %mul3A_346 = arith.mulf %get3A_305, %get3A_329 : vector<16xf32>
          %add3A_347 = arith.addf %add3A_345, %mul3A_346 : vector<16xf32>
          %mul3A_348 = arith.mulf %get3A_308, %get3A_332 : vector<16xf32>
          %add3A_349 = arith.addf %add3A_347, %mul3A_348 : vector<16xf32>
          %mul3A_350 = arith.mulf %get3A_311, %get3A_335 : vector<16xf32>
          %add3A_351 = arith.addf %add3A_349, %mul3A_350 : vector<16xf32>
          %mul3A_352 = arith.mulf %get3A_314, %get3A_338 : vector<16xf32>
          %add3A_353 = arith.addf %add3A_351, %mul3A_352 : vector<16xf32>
          %broadcast_in_dim3A_354 = vector.shape_cast %and3A_12 : vector<16xi32> to vector<16x1xi32>
          %gather3A_355 = vector.shape_cast %broadcast_in_dim3A_354 : vector<16x1xi32> to vector<16xi32>
          %gather3A_356 = tpu.dynamic_gather %add3A_353[%gather3A_355] in [0] : vector<16xf32>, vector<16xi32> -> vector<16xf32>
          %add3A_357 = arith.addf %add3A_353, %gather3A_356 : vector<16xf32>
          %broadcast_in_dim3A_358 = vector.shape_cast %and3A_18 : vector<16xi32> to vector<16x1xi32>
          %gather3A_359 = vector.shape_cast %broadcast_in_dim3A_358 : vector<16x1xi32> to vector<16xi32>
          %gather3A_360 = tpu.dynamic_gather %add3A_357[%gather3A_359] in [0] : vector<16xf32>, vector<16xi32> -> vector<16xf32>
          %add3A_361 = arith.addf %add3A_357, %gather3A_360 : vector<16xf32>
          %broadcast_in_dim3A_362 = vector.shape_cast %and3A_24 : vector<16xi32> to vector<16x1xi32>
          %gather3A_363 = vector.shape_cast %broadcast_in_dim3A_362 : vector<16x1xi32> to vector<16xi32>
          %gather3A_364 = tpu.dynamic_gather %add3A_361[%gather3A_363] in [0] : vector<16xf32>, vector<16xi32> -> vector<16xf32>
          %add3A_365 = arith.addf %add3A_361, %gather3A_364 : vector<16xf32>
          %broadcast_in_dim3A_366 = vector.shape_cast %and3A_30 : vector<16xi32> to vector<16x1xi32>
          %gather3A_367 = vector.shape_cast %broadcast_in_dim3A_366 : vector<16x1xi32> to vector<16xi32>
          %gather3A_368 = tpu.dynamic_gather %add3A_365[%gather3A_367] in [0] : vector<16xf32>, vector<16xi32> -> vector<16xf32>
          %add3A_369 = arith.addf %add3A_365, %gather3A_368 : vector<16xf32>
          %mul3A_370 = arith.constant 2.000000e-01 : f32
          %mul3A_371 = vector.broadcast %mul3A_370 : f32 to vector<16xf32>
          %mul3A_372 = arith.mulf %mul3A_371, %add3A_369 : vector<16xf32>
          %max3A_373 = arith.maximumf %add3A_369, %mul3A_372 : vector<16xf32>
          %neg3A_374 = arith.constant 0.000000e+00 : f32
          %neg3A_375 = vector.broadcast %neg3A_374 : f32 to vector<16xf32>
          %neg3A_376 = arith.subf %neg3A_375, %max3A_373 : vector<16xf32>
          %exp3A_377 = math.exp %neg3A_376 : vector<16xf32>
          %mul3A_378 = arith.mulf %get3A_317, %exp3A_377 : vector<16xf32>
          %swap3A_379 = arith.index_cast %scan3A_290 : i32 to index
          %swap3A_380 = arith.constant 0 : index
          %swap3A_381 = tpu.vector_load %arg19[%swap3A_379, %swap3A_380] {strides = array<i32>} : memref<48x128xf32, #tpu.memory_space<vmem>>, vector<16xf32>,
          tpu.vector_store %arg19[%swap3A_379, %swap3A_380], %mul3A_378 {strides = array<i32>} : memref<48x128xf32, #tpu.memory_space<vmem>>, vector<16xf32>,
          %mul3A_382 = arith.mulf %get3A_320, %exp3A_377 : vector<16xf32>
          %swap3A_383 = arith.index_cast %scan3A_290 : i32 to index
          %swap3A_384 = arith.constant 16 : index
          %swap3A_385 = tpu.vector_load %arg19[%swap3A_383, %swap3A_384] {strides = array<i32>} : memref<48x128xf32, #tpu.memory_space<vmem>>, vector<16xf32>,
          tpu.vector_store %arg19[%swap3A_383, %swap3A_384], %mul3A_382 {strides = array<i32>} : memref<48x128xf32, #tpu.memory_space<vmem>>, vector<16xf32>,
          %mul3A_386 = arith.mulf %get3A_323, %exp3A_377 : vector<16xf32>
          %swap3A_387 = arith.index_cast %scan3A_290 : i32 to index
          %swap3A_388 = arith.constant 32 : index
          %swap3A_389 = tpu.vector_load %arg19[%swap3A_387, %swap3A_388] {strides = array<i32>} : memref<48x128xf32, #tpu.memory_space<vmem>>, vector<16xf32>,
          tpu.vector_store %arg19[%swap3A_387, %swap3A_388], %mul3A_386 {strides = array<i32>} : memref<48x128xf32, #tpu.memory_space<vmem>>, vector<16xf32>,
          %mul3A_390 = arith.mulf %get3A_326, %exp3A_377 : vector<16xf32>
          %swap3A_391 = arith.index_cast %scan3A_290 : i32 to index
          %swap3A_392 = arith.constant 48 : index
          %swap3A_393 = tpu.vector_load %arg19[%swap3A_391, %swap3A_392] {strides = array<i32>} : memref<48x128xf32, #tpu.memory_space<vmem>>, vector<16xf32>,
          tpu.vector_store %arg19[%swap3A_391, %swap3A_392], %mul3A_390 {strides = array<i32>} : memref<48x128xf32, #tpu.memory_space<vmem>>, vector<16xf32>,
          %mul3A_394 = arith.mulf %get3A_329, %exp3A_377 : vector<16xf32>
          %swap3A_395 = arith.index_cast %scan3A_290 : i32 to index
          %swap3A_396 = arith.constant 64 : index
          %swap3A_397 = tpu.vector_load %arg19[%swap3A_395, %swap3A_396] {strides = array<i32>} : memref<48x128xf32, #tpu.memory_space<vmem>>, vector<16xf32>,
          tpu.vector_store %arg19[%swap3A_395, %swap3A_396], %mul3A_394 {strides = array<i32>} : memref<48x128xf32, #tpu.memory_space<vmem>>, vector<16xf32>,
          %mul3A_398 = arith.mulf %get3A_332, %exp3A_377 : vector<16xf32>
          %swap3A_399 = arith.index_cast %scan3A_290 : i32 to index
          %swap3A_400 = arith.constant 80 : index
          %swap3A_401 = tpu.vector_load %arg19[%swap3A_399, %swap3A_400] {strides = array<i32>} : memref<48x128xf32, #tpu.memory_space<vmem>>, vector<16xf32>,
          tpu.vector_store %arg19[%swap3A_399, %swap3A_400], %mul3A_398 {strides = array<i32>} : memref<48x128xf32, #tpu.memory_space<vmem>>, vector<16xf32>,
          %mul3A_402 = arith.mulf %get3A_335, %exp3A_377 : vector<16xf32>
          %swap3A_403 = arith.index_cast %scan3A_290 : i32 to index
          %swap3A_404 = arith.constant 96 : index
          %swap3A_405 = tpu.vector_load %arg19[%swap3A_403, %swap3A_404] {strides = array<i32>} : memref<48x128xf32, #tpu.memory_space<vmem>>, vector<16xf32>,
          tpu.vector_store %arg19[%swap3A_403, %swap3A_404], %mul3A_402 {strides = array<i32>} : memref<48x128xf32, #tpu.memory_space<vmem>>, vector<16xf32>,
          %mul3A_406 = arith.mulf %get3A_338, %exp3A_377 : vector<16xf32>
          %swap3A_407 = arith.index_cast %scan3A_290 : i32 to index
          %swap3A_408 = arith.constant 112 : index
          %swap3A_409 = tpu.vector_load %arg19[%swap3A_407, %swap3A_408] {strides = array<i32>} : memref<48x128xf32, #tpu.memory_space<vmem>>, vector<16xf32>,
          tpu.vector_store %arg19[%swap3A_407, %swap3A_408], %mul3A_406 {strides = array<i32>} : memref<48x128xf32, #tpu.memory_space<vmem>>, vector<16xf32>,
          %broadcast_in_dim3A_410 = vector.broadcast %scan3A_290 : i32 to vector<16xi32>
          %gather3A_411 = tpu.vector_load_idx %arg10[%broadcast_in_dim3A_410] : memref<48xi32, #tpu.memory_space<vmem>>[vector<16xi32>], vector<16xi32>,
          tpu.vector_store_idx %arg21[%gather3A_411], %exp3A_377 masked %eq3A_7 {add = true} : memref<10240xf32, #tpu.memory_space<vmem>>[vector<16xi32>], vector<16xf32>, vector<16xi1>
          %scan3A_412 = arith.constant 2 : i32
          %scan3A_413 = arith.addi %scan3A_173, %scan3A_412 : i32
          %get3A_414 = arith.index_cast %scan3A_413 : i32 to index
          %get3A_415 = arith.constant 0 : index
          %get3A_416 = tpu.vector_load %arg16[%get3A_414, %get3A_415] {strides = array<i32>} : memref<48x128xf32, #tpu.memory_space<vmem>>, vector<16xf32>,
          %get3A_417 = arith.index_cast %scan3A_413 : i32 to index
          %get3A_418 = arith.constant 16 : index
          %get3A_419 = tpu.vector_load %arg16[%get3A_417, %get3A_418] {strides = array<i32>} : memref<48x128xf32, #tpu.memory_space<vmem>>, vector<16xf32>,
          %get3A_420 = arith.index_cast %scan3A_413 : i32 to index
          %get3A_421 = arith.constant 32 : index
          %get3A_422 = tpu.vector_load %arg16[%get3A_420, %get3A_421] {strides = array<i32>} : memref<48x128xf32, #tpu.memory_space<vmem>>, vector<16xf32>,
          %get3A_423 = arith.index_cast %scan3A_413 : i32 to index
          %get3A_424 = arith.constant 48 : index
          %get3A_425 = tpu.vector_load %arg16[%get3A_423, %get3A_424] {strides = array<i32>} : memref<48x128xf32, #tpu.memory_space<vmem>>, vector<16xf32>,
          %get3A_426 = arith.index_cast %scan3A_413 : i32 to index
          %get3A_427 = arith.constant 64 : index
          %get3A_428 = tpu.vector_load %arg16[%get3A_426, %get3A_427] {strides = array<i32>} : memref<48x128xf32, #tpu.memory_space<vmem>>, vector<16xf32>,
          %get3A_429 = arith.index_cast %scan3A_413 : i32 to index
          %get3A_430 = arith.constant 80 : index
          %get3A_431 = tpu.vector_load %arg16[%get3A_429, %get3A_430] {strides = array<i32>} : memref<48x128xf32, #tpu.memory_space<vmem>>, vector<16xf32>,
          %get3A_432 = arith.index_cast %scan3A_413 : i32 to index
          %get3A_433 = arith.constant 96 : index
          %get3A_434 = tpu.vector_load %arg16[%get3A_432, %get3A_433] {strides = array<i32>} : memref<48x128xf32, #tpu.memory_space<vmem>>, vector<16xf32>,
          %get3A_435 = arith.index_cast %scan3A_413 : i32 to index
          %get3A_436 = arith.constant 112 : index
          %get3A_437 = tpu.vector_load %arg16[%get3A_435, %get3A_436] {strides = array<i32>} : memref<48x128xf32, #tpu.memory_space<vmem>>, vector<16xf32>,
          %get3A_438 = arith.index_cast %scan3A_413 : i32 to index
          %get3A_439 = arith.constant 0 : index
          %get3A_440 = tpu.vector_load %arg19[%get3A_438, %get3A_439] {strides = array<i32>} : memref<48x128xf32, #tpu.memory_space<vmem>>, vector<16xf32>,
          %get3A_441 = arith.index_cast %scan3A_413 : i32 to index
          %get3A_442 = arith.constant 16 : index
          %get3A_443 = tpu.vector_load %arg19[%get3A_441, %get3A_442] {strides = array<i32>} : memref<48x128xf32, #tpu.memory_space<vmem>>, vector<16xf32>,
          %get3A_444 = arith.index_cast %scan3A_413 : i32 to index
          %get3A_445 = arith.constant 32 : index
          %get3A_446 = tpu.vector_load %arg19[%get3A_444, %get3A_445] {strides = array<i32>} : memref<48x128xf32, #tpu.memory_space<vmem>>, vector<16xf32>,
          %get3A_447 = arith.index_cast %scan3A_413 : i32 to index
          %get3A_448 = arith.constant 48 : index
          %get3A_449 = tpu.vector_load %arg19[%get3A_447, %get3A_448] {strides = array<i32>} : memref<48x128xf32, #tpu.memory_space<vmem>>, vector<16xf32>,
          %get3A_450 = arith.index_cast %scan3A_413 : i32 to index
          %get3A_451 = arith.constant 64 : index
          %get3A_452 = tpu.vector_load %arg19[%get3A_450, %get3A_451] {strides = array<i32>} : memref<48x128xf32, #tpu.memory_space<vmem>>, vector<16xf32>,
          %get3A_453 = arith.index_cast %scan3A_413 : i32 to index
          %get3A_454 = arith.constant 80 : index
          %get3A_455 = tpu.vector_load %arg19[%get3A_453, %get3A_454] {strides = array<i32>} : memref<48x128xf32, #tpu.memory_space<vmem>>, vector<16xf32>,
          %get3A_456 = arith.index_cast %scan3A_413 : i32 to index
          %get3A_457 = arith.constant 96 : index
          %get3A_458 = tpu.vector_load %arg19[%get3A_456, %get3A_457] {strides = array<i32>} : memref<48x128xf32, #tpu.memory_space<vmem>>, vector<16xf32>,
          %get3A_459 = arith.index_cast %scan3A_413 : i32 to index
          %get3A_460 = arith.constant 112 : index
          %get3A_461 = tpu.vector_load %arg19[%get3A_459, %get3A_460] {strides = array<i32>} : memref<48x128xf32, #tpu.memory_space<vmem>>, vector<16xf32>,
          %mul3A_462 = arith.mulf %get3A_416, %get3A_440 : vector<16xf32>
          %mul3A_463 = arith.mulf %get3A_419, %get3A_443 : vector<16xf32>
          %add3A_464 = arith.addf %mul3A_462, %mul3A_463 : vector<16xf32>
          %mul3A_465 = arith.mulf %get3A_422, %get3A_446 : vector<16xf32>
          %add3A_466 = arith.addf %add3A_464, %mul3A_465 : vector<16xf32>
          %mul3A_467 = arith.mulf %get3A_425, %get3A_449 : vector<16xf32>
          %add3A_468 = arith.addf %add3A_466, %mul3A_467 : vector<16xf32>
          %mul3A_469 = arith.mulf %get3A_428, %get3A_452 : vector<16xf32>
          %add3A_470 = arith.addf %add3A_468, %mul3A_469 : vector<16xf32>
          %mul3A_471 = arith.mulf %get3A_431, %get3A_455 : vector<16xf32>
          %add3A_472 = arith.addf %add3A_470, %mul3A_471 : vector<16xf32>
          %mul3A_473 = arith.mulf %get3A_434, %get3A_458 : vector<16xf32>
          %add3A_474 = arith.addf %add3A_472, %mul3A_473 : vector<16xf32>
          %mul3A_475 = arith.mulf %get3A_437, %get3A_461 : vector<16xf32>
          %add3A_476 = arith.addf %add3A_474, %mul3A_475 : vector<16xf32>
          %broadcast_in_dim3A_477 = vector.shape_cast %and3A_12 : vector<16xi32> to vector<16x1xi32>
          %gather3A_478 = vector.shape_cast %broadcast_in_dim3A_477 : vector<16x1xi32> to vector<16xi32>
          %gather3A_479 = tpu.dynamic_gather %add3A_476[%gather3A_478] in [0] : vector<16xf32>, vector<16xi32> -> vector<16xf32>
          %add3A_480 = arith.addf %add3A_476, %gather3A_479 : vector<16xf32>
          %broadcast_in_dim3A_481 = vector.shape_cast %and3A_18 : vector<16xi32> to vector<16x1xi32>
          %gather3A_482 = vector.shape_cast %broadcast_in_dim3A_481 : vector<16x1xi32> to vector<16xi32>
          %gather3A_483 = tpu.dynamic_gather %add3A_480[%gather3A_482] in [0] : vector<16xf32>, vector<16xi32> -> vector<16xf32>
          %add3A_484 = arith.addf %add3A_480, %gather3A_483 : vector<16xf32>
          %broadcast_in_dim3A_485 = vector.shape_cast %and3A_24 : vector<16xi32> to vector<16x1xi32>
          %gather3A_486 = vector.shape_cast %broadcast_in_dim3A_485 : vector<16x1xi32> to vector<16xi32>
          %gather3A_487 = tpu.dynamic_gather %add3A_484[%gather3A_486] in [0] : vector<16xf32>, vector<16xi32> -> vector<16xf32>
          %add3A_488 = arith.addf %add3A_484, %gather3A_487 : vector<16xf32>
          %broadcast_in_dim3A_489 = vector.shape_cast %and3A_30 : vector<16xi32> to vector<16x1xi32>
          %gather3A_490 = vector.shape_cast %broadcast_in_dim3A_489 : vector<16x1xi32> to vector<16xi32>
          %gather3A_491 = tpu.dynamic_gather %add3A_488[%gather3A_490] in [0] : vector<16xf32>, vector<16xi32> -> vector<16xf32>
          %add3A_492 = arith.addf %add3A_488, %gather3A_491 : vector<16xf32>
          %mul3A_493 = arith.constant 2.000000e-01 : f32
          %mul3A_494 = vector.broadcast %mul3A_493 : f32 to vector<16xf32>
          %mul3A_495 = arith.mulf %mul3A_494, %add3A_492 : vector<16xf32>
          %max3A_496 = arith.maximumf %add3A_492, %mul3A_495 : vector<16xf32>
          %neg3A_497 = arith.constant 0.000000e+00 : f32
          %neg3A_498 = vector.broadcast %neg3A_497 : f32 to vector<16xf32>
          %neg3A_499 = arith.subf %neg3A_498, %max3A_496 : vector<16xf32>
          %exp3A_500 = math.exp %neg3A_499 : vector<16xf32>
          %mul3A_501 = arith.mulf %get3A_440, %exp3A_500 : vector<16xf32>
          %swap3A_502 = arith.index_cast %scan3A_413 : i32 to index
          %swap3A_503 = arith.constant 0 : index
          %swap3A_504 = tpu.vector_load %arg19[%swap3A_502, %swap3A_503] {strides = array<i32>} : memref<48x128xf32, #tpu.memory_space<vmem>>, vector<16xf32>,
          tpu.vector_store %arg19[%swap3A_502, %swap3A_503], %mul3A_501 {strides = array<i32>} : memref<48x128xf32, #tpu.memory_space<vmem>>, vector<16xf32>,
          %mul3A_505 = arith.mulf %get3A_443, %exp3A_500 : vector<16xf32>
          %swap3A_506 = arith.index_cast %scan3A_413 : i32 to index
          %swap3A_507 = arith.constant 16 : index
          %swap3A_508 = tpu.vector_load %arg19[%swap3A_506, %swap3A_507] {strides = array<i32>} : memref<48x128xf32, #tpu.memory_space<vmem>>, vector<16xf32>,
          tpu.vector_store %arg19[%swap3A_506, %swap3A_507], %mul3A_505 {strides = array<i32>} : memref<48x128xf32, #tpu.memory_space<vmem>>, vector<16xf32>,
          %mul3A_509 = arith.mulf %get3A_446, %exp3A_500 : vector<16xf32>
          %swap3A_510 = arith.index_cast %scan3A_413 : i32 to index
          %swap3A_511 = arith.constant 32 : index
          %swap3A_512 = tpu.vector_load %arg19[%swap3A_510, %swap3A_511] {strides = array<i32>} : memref<48x128xf32, #tpu.memory_space<vmem>>, vector<16xf32>,
          tpu.vector_store %arg19[%swap3A_510, %swap3A_511], %mul3A_509 {strides = array<i32>} : memref<48x128xf32, #tpu.memory_space<vmem>>, vector<16xf32>,
          %mul3A_513 = arith.mulf %get3A_449, %exp3A_500 : vector<16xf32>
          %swap3A_514 = arith.index_cast %scan3A_413 : i32 to index
          %swap3A_515 = arith.constant 48 : index
          %swap3A_516 = tpu.vector_load %arg19[%swap3A_514, %swap3A_515] {strides = array<i32>} : memref<48x128xf32, #tpu.memory_space<vmem>>, vector<16xf32>,
          tpu.vector_store %arg19[%swap3A_514, %swap3A_515], %mul3A_513 {strides = array<i32>} : memref<48x128xf32, #tpu.memory_space<vmem>>, vector<16xf32>,
          %mul3A_517 = arith.mulf %get3A_452, %exp3A_500 : vector<16xf32>
          %swap3A_518 = arith.index_cast %scan3A_413 : i32 to index
          %swap3A_519 = arith.constant 64 : index
          %swap3A_520 = tpu.vector_load %arg19[%swap3A_518, %swap3A_519] {strides = array<i32>} : memref<48x128xf32, #tpu.memory_space<vmem>>, vector<16xf32>,
          tpu.vector_store %arg19[%swap3A_518, %swap3A_519], %mul3A_517 {strides = array<i32>} : memref<48x128xf32, #tpu.memory_space<vmem>>, vector<16xf32>,
          %mul3A_521 = arith.mulf %get3A_455, %exp3A_500 : vector<16xf32>
          %swap3A_522 = arith.index_cast %scan3A_413 : i32 to index
          %swap3A_523 = arith.constant 80 : index
          %swap3A_524 = tpu.vector_load %arg19[%swap3A_522, %swap3A_523] {strides = array<i32>} : memref<48x128xf32, #tpu.memory_space<vmem>>, vector<16xf32>,
          tpu.vector_store %arg19[%swap3A_522, %swap3A_523], %mul3A_521 {strides = array<i32>} : memref<48x128xf32, #tpu.memory_space<vmem>>, vector<16xf32>,
          %mul3A_525 = arith.mulf %get3A_458, %exp3A_500 : vector<16xf32>
          %swap3A_526 = arith.index_cast %scan3A_413 : i32 to index
          %swap3A_527 = arith.constant 96 : index
          %swap3A_528 = tpu.vector_load %arg19[%swap3A_526, %swap3A_527] {strides = array<i32>} : memref<48x128xf32, #tpu.memory_space<vmem>>, vector<16xf32>,
          tpu.vector_store %arg19[%swap3A_526, %swap3A_527], %mul3A_525 {strides = array<i32>} : memref<48x128xf32, #tpu.memory_space<vmem>>, vector<16xf32>,
          %mul3A_529 = arith.mulf %get3A_461, %exp3A_500 : vector<16xf32>
          %swap3A_530 = arith.index_cast %scan3A_413 : i32 to index
          %swap3A_531 = arith.constant 112 : index
          %swap3A_532 = tpu.vector_load %arg19[%swap3A_530, %swap3A_531] {strides = array<i32>} : memref<48x128xf32, #tpu.memory_space<vmem>>, vector<16xf32>,
          tpu.vector_store %arg19[%swap3A_530, %swap3A_531], %mul3A_529 {strides = array<i32>} : memref<48x128xf32, #tpu.memory_space<vmem>>, vector<16xf32>,
          %broadcast_in_dim3A_533 = vector.broadcast %scan3A_413 : i32 to vector<16xi32>
          %gather3A_534 = tpu.vector_load_idx %arg10[%broadcast_in_dim3A_533] : memref<48xi32, #tpu.memory_space<vmem>>[vector<16xi32>], vector<16xi32>,
          tpu.vector_store_idx %arg21[%gather3A_534], %exp3A_500 masked %eq3A_7 {add = true} : memref<10240xf32, #tpu.memory_space<vmem>>[vector<16xi32>], vector<16xf32>, vector<16xi1>
          %scan3A_535 = arith.constant 3 : i32
          %scan3A_536 = arith.addi %scan3A_173, %scan3A_535 : i32
          %get3A_537 = arith.index_cast %scan3A_536 : i32 to index
          %get3A_538 = arith.constant 0 : index
          %get3A_539 = tpu.vector_load %arg16[%get3A_537, %get3A_538] {strides = array<i32>} : memref<48x128xf32, #tpu.memory_space<vmem>>, vector<16xf32>,
          %get3A_540 = arith.index_cast %scan3A_536 : i32 to index
          %get3A_541 = arith.constant 16 : index
          %get3A_542 = tpu.vector_load %arg16[%get3A_540, %get3A_541] {strides = array<i32>} : memref<48x128xf32, #tpu.memory_space<vmem>>, vector<16xf32>,
          %get3A_543 = arith.index_cast %scan3A_536 : i32 to index
          %get3A_544 = arith.constant 32 : index
          %get3A_545 = tpu.vector_load %arg16[%get3A_543, %get3A_544] {strides = array<i32>} : memref<48x128xf32, #tpu.memory_space<vmem>>, vector<16xf32>,
          %get3A_546 = arith.index_cast %scan3A_536 : i32 to index
          %get3A_547 = arith.constant 48 : index
          %get3A_548 = tpu.vector_load %arg16[%get3A_546, %get3A_547] {strides = array<i32>} : memref<48x128xf32, #tpu.memory_space<vmem>>, vector<16xf32>,
          %get3A_549 = arith.index_cast %scan3A_536 : i32 to index
          %get3A_550 = arith.constant 64 : index
          %get3A_551 = tpu.vector_load %arg16[%get3A_549, %get3A_550] {strides = array<i32>} : memref<48x128xf32, #tpu.memory_space<vmem>>, vector<16xf32>,
          %get3A_552 = arith.index_cast %scan3A_536 : i32 to index
          %get3A_553 = arith.constant 80 : index
          %get3A_554 = tpu.vector_load %arg16[%get3A_552, %get3A_553] {strides = array<i32>} : memref<48x128xf32, #tpu.memory_space<vmem>>, vector<16xf32>,
          %get3A_555 = arith.index_cast %scan3A_536 : i32 to index
          %get3A_556 = arith.constant 96 : index
          %get3A_557 = tpu.vector_load %arg16[%get3A_555, %get3A_556] {strides = array<i32>} : memref<48x128xf32, #tpu.memory_space<vmem>>, vector<16xf32>,
          %get3A_558 = arith.index_cast %scan3A_536 : i32 to index
          %get3A_559 = arith.constant 112 : index
          %get3A_560 = tpu.vector_load %arg16[%get3A_558, %get3A_559] {strides = array<i32>} : memref<48x128xf32, #tpu.memory_space<vmem>>, vector<16xf32>,
          %get3A_561 = arith.index_cast %scan3A_536 : i32 to index
          %get3A_562 = arith.constant 0 : index
          %get3A_563 = tpu.vector_load %arg19[%get3A_561, %get3A_562] {strides = array<i32>} : memref<48x128xf32, #tpu.memory_space<vmem>>, vector<16xf32>,
          %get3A_564 = arith.index_cast %scan3A_536 : i32 to index
          %get3A_565 = arith.constant 16 : index
          %get3A_566 = tpu.vector_load %arg19[%get3A_564, %get3A_565] {strides = array<i32>} : memref<48x128xf32, #tpu.memory_space<vmem>>, vector<16xf32>,
          %get3A_567 = arith.index_cast %scan3A_536 : i32 to index
          %get3A_568 = arith.constant 32 : index
          %get3A_569 = tpu.vector_load %arg19[%get3A_567, %get3A_568] {strides = array<i32>} : memref<48x128xf32, #tpu.memory_space<vmem>>, vector<16xf32>,
          %get3A_570 = arith.index_cast %scan3A_536 : i32 to index
          %get3A_571 = arith.constant 48 : index
          %get3A_572 = tpu.vector_load %arg19[%get3A_570, %get3A_571] {strides = array<i32>} : memref<48x128xf32, #tpu.memory_space<vmem>>, vector<16xf32>,
          %get3A_573 = arith.index_cast %scan3A_536 : i32 to index
          %get3A_574 = arith.constant 64 : index
          %get3A_575 = tpu.vector_load %arg19[%get3A_573, %get3A_574] {strides = array<i32>} : memref<48x128xf32, #tpu.memory_space<vmem>>, vector<16xf32>,
          %get3A_576 = arith.index_cast %scan3A_536 : i32 to index
          %get3A_577 = arith.constant 80 : index
          %get3A_578 = tpu.vector_load %arg19[%get3A_576, %get3A_577] {strides = array<i32>} : memref<48x128xf32, #tpu.memory_space<vmem>>, vector<16xf32>,
          %get3A_579 = arith.index_cast %scan3A_536 : i32 to index
          %get3A_580 = arith.constant 96 : index
          %get3A_581 = tpu.vector_load %arg19[%get3A_579, %get3A_580] {strides = array<i32>} : memref<48x128xf32, #tpu.memory_space<vmem>>, vector<16xf32>,
          %get3A_582 = arith.index_cast %scan3A_536 : i32 to index
          %get3A_583 = arith.constant 112 : index
          %get3A_584 = tpu.vector_load %arg19[%get3A_582, %get3A_583] {strides = array<i32>} : memref<48x128xf32, #tpu.memory_space<vmem>>, vector<16xf32>,
          %mul3A_585 = arith.mulf %get3A_539, %get3A_563 : vector<16xf32>
          %mul3A_586 = arith.mulf %get3A_542, %get3A_566 : vector<16xf32>
          %add3A_587 = arith.addf %mul3A_585, %mul3A_586 : vector<16xf32>
          %mul3A_588 = arith.mulf %get3A_545, %get3A_569 : vector<16xf32>
          %add3A_589 = arith.addf %add3A_587, %mul3A_588 : vector<16xf32>
          %mul3A_590 = arith.mulf %get3A_548, %get3A_572 : vector<16xf32>
          %add3A_591 = arith.addf %add3A_589, %mul3A_590 : vector<16xf32>
          %mul3A_592 = arith.mulf %get3A_551, %get3A_575 : vector<16xf32>
          %add3A_593 = arith.addf %add3A_591, %mul3A_592 : vector<16xf32>
          %mul3A_594 = arith.mulf %get3A_554, %get3A_578 : vector<16xf32>
          %add3A_595 = arith.addf %add3A_593, %mul3A_594 : vector<16xf32>
          %mul3A_596 = arith.mulf %get3A_557, %get3A_581 : vector<16xf32>
          %add3A_597 = arith.addf %add3A_595, %mul3A_596 : vector<16xf32>
          %mul3A_598 = arith.mulf %get3A_560, %get3A_584 : vector<16xf32>
          %add3A_599 = arith.addf %add3A_597, %mul3A_598 : vector<16xf32>
          %broadcast_in_dim3A_600 = vector.shape_cast %and3A_12 : vector<16xi32> to vector<16x1xi32>
          %gather3A_601 = vector.shape_cast %broadcast_in_dim3A_600 : vector<16x1xi32> to vector<16xi32>
          %gather3A_602 = tpu.dynamic_gather %add3A_599[%gather3A_601] in [0] : vector<16xf32>, vector<16xi32> -> vector<16xf32>
          %add3A_603 = arith.addf %add3A_599, %gather3A_602 : vector<16xf32>
          %broadcast_in_dim3A_604 = vector.shape_cast %and3A_18 : vector<16xi32> to vector<16x1xi32>
          %gather3A_605 = vector.shape_cast %broadcast_in_dim3A_604 : vector<16x1xi32> to vector<16xi32>
          %gather3A_606 = tpu.dynamic_gather %add3A_603[%gather3A_605] in [0] : vector<16xf32>, vector<16xi32> -> vector<16xf32>
          %add3A_607 = arith.addf %add3A_603, %gather3A_606 : vector<16xf32>
          %broadcast_in_dim3A_608 = vector.shape_cast %and3A_24 : vector<16xi32> to vector<16x1xi32>
          %gather3A_609 = vector.shape_cast %broadcast_in_dim3A_608 : vector<16x1xi32> to vector<16xi32>
          %gather3A_610 = tpu.dynamic_gather %add3A_607[%gather3A_609] in [0] : vector<16xf32>, vector<16xi32> -> vector<16xf32>
          %add3A_611 = arith.addf %add3A_607, %gather3A_610 : vector<16xf32>
          %broadcast_in_dim3A_612 = vector.shape_cast %and3A_30 : vector<16xi32> to vector<16x1xi32>
          %gather3A_613 = vector.shape_cast %broadcast_in_dim3A_612 : vector<16x1xi32> to vector<16xi32>
          %gather3A_614 = tpu.dynamic_gather %add3A_611[%gather3A_613] in [0] : vector<16xf32>, vector<16xi32> -> vector<16xf32>
          %add3A_615 = arith.addf %add3A_611, %gather3A_614 : vector<16xf32>
          %mul3A_616 = arith.constant 2.000000e-01 : f32
          %mul3A_617 = vector.broadcast %mul3A_616 : f32 to vector<16xf32>
          %mul3A_618 = arith.mulf %mul3A_617, %add3A_615 : vector<16xf32>
          %max3A_619 = arith.maximumf %add3A_615, %mul3A_618 : vector<16xf32>
          %neg3A_620 = arith.constant 0.000000e+00 : f32
          %neg3A_621 = vector.broadcast %neg3A_620 : f32 to vector<16xf32>
          %neg3A_622 = arith.subf %neg3A_621, %max3A_619 : vector<16xf32>
          %exp3A_623 = math.exp %neg3A_622 : vector<16xf32>
          %mul3A_624 = arith.mulf %get3A_563, %exp3A_623 : vector<16xf32>
          %swap3A_625 = arith.index_cast %scan3A_536 : i32 to index
          %swap3A_626 = arith.constant 0 : index
          %swap3A_627 = tpu.vector_load %arg19[%swap3A_625, %swap3A_626] {strides = array<i32>} : memref<48x128xf32, #tpu.memory_space<vmem>>, vector<16xf32>,
          tpu.vector_store %arg19[%swap3A_625, %swap3A_626], %mul3A_624 {strides = array<i32>} : memref<48x128xf32, #tpu.memory_space<vmem>>, vector<16xf32>,
          %mul3A_628 = arith.mulf %get3A_566, %exp3A_623 : vector<16xf32>
          %swap3A_629 = arith.index_cast %scan3A_536 : i32 to index
          %swap3A_630 = arith.constant 16 : index
          %swap3A_631 = tpu.vector_load %arg19[%swap3A_629, %swap3A_630] {strides = array<i32>} : memref<48x128xf32, #tpu.memory_space<vmem>>, vector<16xf32>,
          tpu.vector_store %arg19[%swap3A_629, %swap3A_630], %mul3A_628 {strides = array<i32>} : memref<48x128xf32, #tpu.memory_space<vmem>>, vector<16xf32>,
          %mul3A_632 = arith.mulf %get3A_569, %exp3A_623 : vector<16xf32>
          %swap3A_633 = arith.index_cast %scan3A_536 : i32 to index
          %swap3A_634 = arith.constant 32 : index
          %swap3A_635 = tpu.vector_load %arg19[%swap3A_633, %swap3A_634] {strides = array<i32>} : memref<48x128xf32, #tpu.memory_space<vmem>>, vector<16xf32>,
          tpu.vector_store %arg19[%swap3A_633, %swap3A_634], %mul3A_632 {strides = array<i32>} : memref<48x128xf32, #tpu.memory_space<vmem>>, vector<16xf32>,
          %mul3A_636 = arith.mulf %get3A_572, %exp3A_623 : vector<16xf32>
          %swap3A_637 = arith.index_cast %scan3A_536 : i32 to index
          %swap3A_638 = arith.constant 48 : index
          %swap3A_639 = tpu.vector_load %arg19[%swap3A_637, %swap3A_638] {strides = array<i32>} : memref<48x128xf32, #tpu.memory_space<vmem>>, vector<16xf32>,
          tpu.vector_store %arg19[%swap3A_637, %swap3A_638], %mul3A_636 {strides = array<i32>} : memref<48x128xf32, #tpu.memory_space<vmem>>, vector<16xf32>,
          %mul3A_640 = arith.mulf %get3A_575, %exp3A_623 : vector<16xf32>
          %swap3A_641 = arith.index_cast %scan3A_536 : i32 to index
          %swap3A_642 = arith.constant 64 : index
          %swap3A_643 = tpu.vector_load %arg19[%swap3A_641, %swap3A_642] {strides = array<i32>} : memref<48x128xf32, #tpu.memory_space<vmem>>, vector<16xf32>,
          tpu.vector_store %arg19[%swap3A_641, %swap3A_642], %mul3A_640 {strides = array<i32>} : memref<48x128xf32, #tpu.memory_space<vmem>>, vector<16xf32>,
          %mul3A_644 = arith.mulf %get3A_578, %exp3A_623 : vector<16xf32>
          %swap3A_645 = arith.index_cast %scan3A_536 : i32 to index
          %swap3A_646 = arith.constant 80 : index
          %swap3A_647 = tpu.vector_load %arg19[%swap3A_645, %swap3A_646] {strides = array<i32>} : memref<48x128xf32, #tpu.memory_space<vmem>>, vector<16xf32>,
          tpu.vector_store %arg19[%swap3A_645, %swap3A_646], %mul3A_644 {strides = array<i32>} : memref<48x128xf32, #tpu.memory_space<vmem>>, vector<16xf32>,
          %mul3A_648 = arith.mulf %get3A_581, %exp3A_623 : vector<16xf32>
          %swap3A_649 = arith.index_cast %scan3A_536 : i32 to index
          %swap3A_650 = arith.constant 96 : index
          %swap3A_651 = tpu.vector_load %arg19[%swap3A_649, %swap3A_650] {strides = array<i32>} : memref<48x128xf32, #tpu.memory_space<vmem>>, vector<16xf32>,
          tpu.vector_store %arg19[%swap3A_649, %swap3A_650], %mul3A_648 {strides = array<i32>} : memref<48x128xf32, #tpu.memory_space<vmem>>, vector<16xf32>,
          %mul3A_652 = arith.mulf %get3A_584, %exp3A_623 : vector<16xf32>
          %swap3A_653 = arith.index_cast %scan3A_536 : i32 to index
          %swap3A_654 = arith.constant 112 : index
          %swap3A_655 = tpu.vector_load %arg19[%swap3A_653, %swap3A_654] {strides = array<i32>} : memref<48x128xf32, #tpu.memory_space<vmem>>, vector<16xf32>,
          tpu.vector_store %arg19[%swap3A_653, %swap3A_654], %mul3A_652 {strides = array<i32>} : memref<48x128xf32, #tpu.memory_space<vmem>>, vector<16xf32>,
          %broadcast_in_dim3A_656 = vector.broadcast %scan3A_536 : i32 to vector<16xi32>
          %gather3A_657 = tpu.vector_load_idx %arg10[%broadcast_in_dim3A_656] : memref<48xi32, #tpu.memory_space<vmem>>[vector<16xi32>], vector<16xi32>,
          tpu.vector_store_idx %arg21[%gather3A_657], %exp3A_623 masked %eq3A_7 {add = true} : memref<10240xf32, #tpu.memory_space<vmem>>[vector<16xi32>], vector<16xf32>, vector<16xi1>
          %scan3A_658 = arith.constant 4 : i32
          %scan3A_659 = arith.addi %scan3A_173, %scan3A_658 : i32
          %get3A_660 = arith.index_cast %scan3A_659 : i32 to index
          %get3A_661 = arith.constant 0 : index
          %get3A_662 = tpu.vector_load %arg16[%get3A_660, %get3A_661] {strides = array<i32>} : memref<48x128xf32, #tpu.memory_space<vmem>>, vector<16xf32>,
          %get3A_663 = arith.index_cast %scan3A_659 : i32 to index
          %get3A_664 = arith.constant 16 : index
          %get3A_665 = tpu.vector_load %arg16[%get3A_663, %get3A_664] {strides = array<i32>} : memref<48x128xf32, #tpu.memory_space<vmem>>, vector<16xf32>,
          %get3A_666 = arith.index_cast %scan3A_659 : i32 to index
          %get3A_667 = arith.constant 32 : index
          %get3A_668 = tpu.vector_load %arg16[%get3A_666, %get3A_667] {strides = array<i32>} : memref<48x128xf32, #tpu.memory_space<vmem>>, vector<16xf32>,
          %get3A_669 = arith.index_cast %scan3A_659 : i32 to index
          %get3A_670 = arith.constant 48 : index
          %get3A_671 = tpu.vector_load %arg16[%get3A_669, %get3A_670] {strides = array<i32>} : memref<48x128xf32, #tpu.memory_space<vmem>>, vector<16xf32>,
          %get3A_672 = arith.index_cast %scan3A_659 : i32 to index
          %get3A_673 = arith.constant 64 : index
          %get3A_674 = tpu.vector_load %arg16[%get3A_672, %get3A_673] {strides = array<i32>} : memref<48x128xf32, #tpu.memory_space<vmem>>, vector<16xf32>,
          %get3A_675 = arith.index_cast %scan3A_659 : i32 to index
          %get3A_676 = arith.constant 80 : index
          %get3A_677 = tpu.vector_load %arg16[%get3A_675, %get3A_676] {strides = array<i32>} : memref<48x128xf32, #tpu.memory_space<vmem>>, vector<16xf32>,
          %get3A_678 = arith.index_cast %scan3A_659 : i32 to index
          %get3A_679 = arith.constant 96 : index
          %get3A_680 = tpu.vector_load %arg16[%get3A_678, %get3A_679] {strides = array<i32>} : memref<48x128xf32, #tpu.memory_space<vmem>>, vector<16xf32>,
          %get3A_681 = arith.index_cast %scan3A_659 : i32 to index
          %get3A_682 = arith.constant 112 : index
          %get3A_683 = tpu.vector_load %arg16[%get3A_681, %get3A_682] {strides = array<i32>} : memref<48x128xf32, #tpu.memory_space<vmem>>, vector<16xf32>,
          %get3A_684 = arith.index_cast %scan3A_659 : i32 to index
          %get3A_685 = arith.constant 0 : index
          %get3A_686 = tpu.vector_load %arg19[%get3A_684, %get3A_685] {strides = array<i32>} : memref<48x128xf32, #tpu.memory_space<vmem>>, vector<16xf32>,
          %get3A_687 = arith.index_cast %scan3A_659 : i32 to index
          %get3A_688 = arith.constant 16 : index
          %get3A_689 = tpu.vector_load %arg19[%get3A_687, %get3A_688] {strides = array<i32>} : memref<48x128xf32, #tpu.memory_space<vmem>>, vector<16xf32>,
          %get3A_690 = arith.index_cast %scan3A_659 : i32 to index
          %get3A_691 = arith.constant 32 : index
          %get3A_692 = tpu.vector_load %arg19[%get3A_690, %get3A_691] {strides = array<i32>} : memref<48x128xf32, #tpu.memory_space<vmem>>, vector<16xf32>,
          %get3A_693 = arith.index_cast %scan3A_659 : i32 to index
          %get3A_694 = arith.constant 48 : index
          %get3A_695 = tpu.vector_load %arg19[%get3A_693, %get3A_694] {strides = array<i32>} : memref<48x128xf32, #tpu.memory_space<vmem>>, vector<16xf32>,
          %get3A_696 = arith.index_cast %scan3A_659 : i32 to index
          %get3A_697 = arith.constant 64 : index
          %get3A_698 = tpu.vector_load %arg19[%get3A_696, %get3A_697] {strides = array<i32>} : memref<48x128xf32, #tpu.memory_space<vmem>>, vector<16xf32>,
          %get3A_699 = arith.index_cast %scan3A_659 : i32 to index
          %get3A_700 = arith.constant 80 : index
          %get3A_701 = tpu.vector_load %arg19[%get3A_699, %get3A_700] {strides = array<i32>} : memref<48x128xf32, #tpu.memory_space<vmem>>, vector<16xf32>,
          %get3A_702 = arith.index_cast %scan3A_659 : i32 to index
          %get3A_703 = arith.constant 96 : index
          %get3A_704 = tpu.vector_load %arg19[%get3A_702, %get3A_703] {strides = array<i32>} : memref<48x128xf32, #tpu.memory_space<vmem>>, vector<16xf32>,
          %get3A_705 = arith.index_cast %scan3A_659 : i32 to index
          %get3A_706 = arith.constant 112 : index
          %get3A_707 = tpu.vector_load %arg19[%get3A_705, %get3A_706] {strides = array<i32>} : memref<48x128xf32, #tpu.memory_space<vmem>>, vector<16xf32>,
          %mul3A_708 = arith.mulf %get3A_662, %get3A_686 : vector<16xf32>
          %mul3A_709 = arith.mulf %get3A_665, %get3A_689 : vector<16xf32>
          %add3A_710 = arith.addf %mul3A_708, %mul3A_709 : vector<16xf32>
          %mul3A_711 = arith.mulf %get3A_668, %get3A_692 : vector<16xf32>
          %add3A_712 = arith.addf %add3A_710, %mul3A_711 : vector<16xf32>
          %mul3A_713 = arith.mulf %get3A_671, %get3A_695 : vector<16xf32>
          %add3A_714 = arith.addf %add3A_712, %mul3A_713 : vector<16xf32>
          %mul3A_715 = arith.mulf %get3A_674, %get3A_698 : vector<16xf32>
          %add3A_716 = arith.addf %add3A_714, %mul3A_715 : vector<16xf32>
          %mul3A_717 = arith.mulf %get3A_677, %get3A_701 : vector<16xf32>
          %add3A_718 = arith.addf %add3A_716, %mul3A_717 : vector<16xf32>
          %mul3A_719 = arith.mulf %get3A_680, %get3A_704 : vector<16xf32>
          %add3A_720 = arith.addf %add3A_718, %mul3A_719 : vector<16xf32>
          %mul3A_721 = arith.mulf %get3A_683, %get3A_707 : vector<16xf32>
          %add3A_722 = arith.addf %add3A_720, %mul3A_721 : vector<16xf32>
          %broadcast_in_dim3A_723 = vector.shape_cast %and3A_12 : vector<16xi32> to vector<16x1xi32>
          %gather3A_724 = vector.shape_cast %broadcast_in_dim3A_723 : vector<16x1xi32> to vector<16xi32>
          %gather3A_725 = tpu.dynamic_gather %add3A_722[%gather3A_724] in [0] : vector<16xf32>, vector<16xi32> -> vector<16xf32>
          %add3A_726 = arith.addf %add3A_722, %gather3A_725 : vector<16xf32>
          %broadcast_in_dim3A_727 = vector.shape_cast %and3A_18 : vector<16xi32> to vector<16x1xi32>
          %gather3A_728 = vector.shape_cast %broadcast_in_dim3A_727 : vector<16x1xi32> to vector<16xi32>
          %gather3A_729 = tpu.dynamic_gather %add3A_726[%gather3A_728] in [0] : vector<16xf32>, vector<16xi32> -> vector<16xf32>
          %add3A_730 = arith.addf %add3A_726, %gather3A_729 : vector<16xf32>
          %broadcast_in_dim3A_731 = vector.shape_cast %and3A_24 : vector<16xi32> to vector<16x1xi32>
          %gather3A_732 = vector.shape_cast %broadcast_in_dim3A_731 : vector<16x1xi32> to vector<16xi32>
          %gather3A_733 = tpu.dynamic_gather %add3A_730[%gather3A_732] in [0] : vector<16xf32>, vector<16xi32> -> vector<16xf32>
          %add3A_734 = arith.addf %add3A_730, %gather3A_733 : vector<16xf32>
          %broadcast_in_dim3A_735 = vector.shape_cast %and3A_30 : vector<16xi32> to vector<16x1xi32>
          %gather3A_736 = vector.shape_cast %broadcast_in_dim3A_735 : vector<16x1xi32> to vector<16xi32>
          %gather3A_737 = tpu.dynamic_gather %add3A_734[%gather3A_736] in [0] : vector<16xf32>, vector<16xi32> -> vector<16xf32>
          %add3A_738 = arith.addf %add3A_734, %gather3A_737 : vector<16xf32>
          %mul3A_739 = arith.constant 2.000000e-01 : f32
          %mul3A_740 = vector.broadcast %mul3A_739 : f32 to vector<16xf32>
          %mul3A_741 = arith.mulf %mul3A_740, %add3A_738 : vector<16xf32>
          %max3A_742 = arith.maximumf %add3A_738, %mul3A_741 : vector<16xf32>
          %neg3A_743 = arith.constant 0.000000e+00 : f32
          %neg3A_744 = vector.broadcast %neg3A_743 : f32 to vector<16xf32>
          %neg3A_745 = arith.subf %neg3A_744, %max3A_742 : vector<16xf32>
          %exp3A_746 = math.exp %neg3A_745 : vector<16xf32>
          %mul3A_747 = arith.mulf %get3A_686, %exp3A_746 : vector<16xf32>
          %swap3A_748 = arith.index_cast %scan3A_659 : i32 to index
          %swap3A_749 = arith.constant 0 : index
          %swap3A_750 = tpu.vector_load %arg19[%swap3A_748, %swap3A_749] {strides = array<i32>} : memref<48x128xf32, #tpu.memory_space<vmem>>, vector<16xf32>,
          tpu.vector_store %arg19[%swap3A_748, %swap3A_749], %mul3A_747 {strides = array<i32>} : memref<48x128xf32, #tpu.memory_space<vmem>>, vector<16xf32>,
          %mul3A_751 = arith.mulf %get3A_689, %exp3A_746 : vector<16xf32>
          %swap3A_752 = arith.index_cast %scan3A_659 : i32 to index
          %swap3A_753 = arith.constant 16 : index
          %swap3A_754 = tpu.vector_load %arg19[%swap3A_752, %swap3A_753] {strides = array<i32>} : memref<48x128xf32, #tpu.memory_space<vmem>>, vector<16xf32>,
          tpu.vector_store %arg19[%swap3A_752, %swap3A_753], %mul3A_751 {strides = array<i32>} : memref<48x128xf32, #tpu.memory_space<vmem>>, vector<16xf32>,
          %mul3A_755 = arith.mulf %get3A_692, %exp3A_746 : vector<16xf32>
          %swap3A_756 = arith.index_cast %scan3A_659 : i32 to index
          %swap3A_757 = arith.constant 32 : index
          %swap3A_758 = tpu.vector_load %arg19[%swap3A_756, %swap3A_757] {strides = array<i32>} : memref<48x128xf32, #tpu.memory_space<vmem>>, vector<16xf32>,
          tpu.vector_store %arg19[%swap3A_756, %swap3A_757], %mul3A_755 {strides = array<i32>} : memref<48x128xf32, #tpu.memory_space<vmem>>, vector<16xf32>,
          %mul3A_759 = arith.mulf %get3A_695, %exp3A_746 : vector<16xf32>
          %swap3A_760 = arith.index_cast %scan3A_659 : i32 to index
          %swap3A_761 = arith.constant 48 : index
          %swap3A_762 = tpu.vector_load %arg19[%swap3A_760, %swap3A_761] {strides = array<i32>} : memref<48x128xf32, #tpu.memory_space<vmem>>, vector<16xf32>,
          tpu.vector_store %arg19[%swap3A_760, %swap3A_761], %mul3A_759 {strides = array<i32>} : memref<48x128xf32, #tpu.memory_space<vmem>>, vector<16xf32>,
          %mul3A_763 = arith.mulf %get3A_698, %exp3A_746 : vector<16xf32>
          %swap3A_764 = arith.index_cast %scan3A_659 : i32 to index
          %swap3A_765 = arith.constant 64 : index
          %swap3A_766 = tpu.vector_load %arg19[%swap3A_764, %swap3A_765] {strides = array<i32>} : memref<48x128xf32, #tpu.memory_space<vmem>>, vector<16xf32>,
          tpu.vector_store %arg19[%swap3A_764, %swap3A_765], %mul3A_763 {strides = array<i32>} : memref<48x128xf32, #tpu.memory_space<vmem>>, vector<16xf32>,
          %mul3A_767 = arith.mulf %get3A_701, %exp3A_746 : vector<16xf32>
          %swap3A_768 = arith.index_cast %scan3A_659 : i32 to index
          %swap3A_769 = arith.constant 80 : index
          %swap3A_770 = tpu.vector_load %arg19[%swap3A_768, %swap3A_769] {strides = array<i32>} : memref<48x128xf32, #tpu.memory_space<vmem>>, vector<16xf32>,
          tpu.vector_store %arg19[%swap3A_768, %swap3A_769], %mul3A_767 {strides = array<i32>} : memref<48x128xf32, #tpu.memory_space<vmem>>, vector<16xf32>,
          %mul3A_771 = arith.mulf %get3A_704, %exp3A_746 : vector<16xf32>
          %swap3A_772 = arith.index_cast %scan3A_659 : i32 to index
          %swap3A_773 = arith.constant 96 : index
          %swap3A_774 = tpu.vector_load %arg19[%swap3A_772, %swap3A_773] {strides = array<i32>} : memref<48x128xf32, #tpu.memory_space<vmem>>, vector<16xf32>,
          tpu.vector_store %arg19[%swap3A_772, %swap3A_773], %mul3A_771 {strides = array<i32>} : memref<48x128xf32, #tpu.memory_space<vmem>>, vector<16xf32>,
          %mul3A_775 = arith.mulf %get3A_707, %exp3A_746 : vector<16xf32>
          %swap3A_776 = arith.index_cast %scan3A_659 : i32 to index
          %swap3A_777 = arith.constant 112 : index
          %swap3A_778 = tpu.vector_load %arg19[%swap3A_776, %swap3A_777] {strides = array<i32>} : memref<48x128xf32, #tpu.memory_space<vmem>>, vector<16xf32>,
          tpu.vector_store %arg19[%swap3A_776, %swap3A_777], %mul3A_775 {strides = array<i32>} : memref<48x128xf32, #tpu.memory_space<vmem>>, vector<16xf32>,
          %broadcast_in_dim3A_779 = vector.broadcast %scan3A_659 : i32 to vector<16xi32>
          %gather3A_780 = tpu.vector_load_idx %arg10[%broadcast_in_dim3A_779] : memref<48xi32, #tpu.memory_space<vmem>>[vector<16xi32>], vector<16xi32>,
          tpu.vector_store_idx %arg21[%gather3A_780], %exp3A_746 masked %eq3A_7 {add = true} : memref<10240xf32, #tpu.memory_space<vmem>>[vector<16xi32>], vector<16xf32>, vector<16xi1>
          %scan3A_781 = arith.constant 5 : i32
          %scan3A_782 = arith.addi %scan3A_173, %scan3A_781 : i32
          %get3A_783 = arith.index_cast %scan3A_782 : i32 to index
          %get3A_784 = arith.constant 0 : index
          %get3A_785 = tpu.vector_load %arg16[%get3A_783, %get3A_784] {strides = array<i32>} : memref<48x128xf32, #tpu.memory_space<vmem>>, vector<16xf32>,
          %get3A_786 = arith.index_cast %scan3A_782 : i32 to index
          %get3A_787 = arith.constant 16 : index
          %get3A_788 = tpu.vector_load %arg16[%get3A_786, %get3A_787] {strides = array<i32>} : memref<48x128xf32, #tpu.memory_space<vmem>>, vector<16xf32>,
          %get3A_789 = arith.index_cast %scan3A_782 : i32 to index
          %get3A_790 = arith.constant 32 : index
          %get3A_791 = tpu.vector_load %arg16[%get3A_789, %get3A_790] {strides = array<i32>} : memref<48x128xf32, #tpu.memory_space<vmem>>, vector<16xf32>,
          %get3A_792 = arith.index_cast %scan3A_782 : i32 to index
          %get3A_793 = arith.constant 48 : index
          %get3A_794 = tpu.vector_load %arg16[%get3A_792, %get3A_793] {strides = array<i32>} : memref<48x128xf32, #tpu.memory_space<vmem>>, vector<16xf32>,
          %get3A_795 = arith.index_cast %scan3A_782 : i32 to index
          %get3A_796 = arith.constant 64 : index
          %get3A_797 = tpu.vector_load %arg16[%get3A_795, %get3A_796] {strides = array<i32>} : memref<48x128xf32, #tpu.memory_space<vmem>>, vector<16xf32>,
          %get3A_798 = arith.index_cast %scan3A_782 : i32 to index
          %get3A_799 = arith.constant 80 : index
          %get3A_800 = tpu.vector_load %arg16[%get3A_798, %get3A_799] {strides = array<i32>} : memref<48x128xf32, #tpu.memory_space<vmem>>, vector<16xf32>,
          %get3A_801 = arith.index_cast %scan3A_782 : i32 to index
          %get3A_802 = arith.constant 96 : index
          %get3A_803 = tpu.vector_load %arg16[%get3A_801, %get3A_802] {strides = array<i32>} : memref<48x128xf32, #tpu.memory_space<vmem>>, vector<16xf32>,
          %get3A_804 = arith.index_cast %scan3A_782 : i32 to index
          %get3A_805 = arith.constant 112 : index
          %get3A_806 = tpu.vector_load %arg16[%get3A_804, %get3A_805] {strides = array<i32>} : memref<48x128xf32, #tpu.memory_space<vmem>>, vector<16xf32>,
          %get3A_807 = arith.index_cast %scan3A_782 : i32 to index
          %get3A_808 = arith.constant 0 : index
          %get3A_809 = tpu.vector_load %arg19[%get3A_807, %get3A_808] {strides = array<i32>} : memref<48x128xf32, #tpu.memory_space<vmem>>, vector<16xf32>,
          %get3A_810 = arith.index_cast %scan3A_782 : i32 to index
          %get3A_811 = arith.constant 16 : index
          %get3A_812 = tpu.vector_load %arg19[%get3A_810, %get3A_811] {strides = array<i32>} : memref<48x128xf32, #tpu.memory_space<vmem>>, vector<16xf32>,
          %get3A_813 = arith.index_cast %scan3A_782 : i32 to index
          %get3A_814 = arith.constant 32 : index
          %get3A_815 = tpu.vector_load %arg19[%get3A_813, %get3A_814] {strides = array<i32>} : memref<48x128xf32, #tpu.memory_space<vmem>>, vector<16xf32>,
          %get3A_816 = arith.index_cast %scan3A_782 : i32 to index
          %get3A_817 = arith.constant 48 : index
          %get3A_818 = tpu.vector_load %arg19[%get3A_816, %get3A_817] {strides = array<i32>} : memref<48x128xf32, #tpu.memory_space<vmem>>, vector<16xf32>,
          %get3A_819 = arith.index_cast %scan3A_782 : i32 to index
          %get3A_820 = arith.constant 64 : index
          %get3A_821 = tpu.vector_load %arg19[%get3A_819, %get3A_820] {strides = array<i32>} : memref<48x128xf32, #tpu.memory_space<vmem>>, vector<16xf32>,
          %get3A_822 = arith.index_cast %scan3A_782 : i32 to index
          %get3A_823 = arith.constant 80 : index
          %get3A_824 = tpu.vector_load %arg19[%get3A_822, %get3A_823] {strides = array<i32>} : memref<48x128xf32, #tpu.memory_space<vmem>>, vector<16xf32>,
          %get3A_825 = arith.index_cast %scan3A_782 : i32 to index
          %get3A_826 = arith.constant 96 : index
          %get3A_827 = tpu.vector_load %arg19[%get3A_825, %get3A_826] {strides = array<i32>} : memref<48x128xf32, #tpu.memory_space<vmem>>, vector<16xf32>,
          %get3A_828 = arith.index_cast %scan3A_782 : i32 to index
          %get3A_829 = arith.constant 112 : index
          %get3A_830 = tpu.vector_load %arg19[%get3A_828, %get3A_829] {strides = array<i32>} : memref<48x128xf32, #tpu.memory_space<vmem>>, vector<16xf32>,
          %mul3A_831 = arith.mulf %get3A_785, %get3A_809 : vector<16xf32>
          %mul3A_832 = arith.mulf %get3A_788, %get3A_812 : vector<16xf32>
          %add3A_833 = arith.addf %mul3A_831, %mul3A_832 : vector<16xf32>
          %mul3A_834 = arith.mulf %get3A_791, %get3A_815 : vector<16xf32>
          %add3A_835 = arith.addf %add3A_833, %mul3A_834 : vector<16xf32>
          %mul3A_836 = arith.mulf %get3A_794, %get3A_818 : vector<16xf32>
          %add3A_837 = arith.addf %add3A_835, %mul3A_836 : vector<16xf32>
          %mul3A_838 = arith.mulf %get3A_797, %get3A_821 : vector<16xf32>
          %add3A_839 = arith.addf %add3A_837, %mul3A_838 : vector<16xf32>
          %mul3A_840 = arith.mulf %get3A_800, %get3A_824 : vector<16xf32>
          %add3A_841 = arith.addf %add3A_839, %mul3A_840 : vector<16xf32>
          %mul3A_842 = arith.mulf %get3A_803, %get3A_827 : vector<16xf32>
          %add3A_843 = arith.addf %add3A_841, %mul3A_842 : vector<16xf32>
          %mul3A_844 = arith.mulf %get3A_806, %get3A_830 : vector<16xf32>
          %add3A_845 = arith.addf %add3A_843, %mul3A_844 : vector<16xf32>
          %broadcast_in_dim3A_846 = vector.shape_cast %and3A_12 : vector<16xi32> to vector<16x1xi32>
          %gather3A_847 = vector.shape_cast %broadcast_in_dim3A_846 : vector<16x1xi32> to vector<16xi32>
          %gather3A_848 = tpu.dynamic_gather %add3A_845[%gather3A_847] in [0] : vector<16xf32>, vector<16xi32> -> vector<16xf32>
          %add3A_849 = arith.addf %add3A_845, %gather3A_848 : vector<16xf32>
          %broadcast_in_dim3A_850 = vector.shape_cast %and3A_18 : vector<16xi32> to vector<16x1xi32>
          %gather3A_851 = vector.shape_cast %broadcast_in_dim3A_850 : vector<16x1xi32> to vector<16xi32>
          %gather3A_852 = tpu.dynamic_gather %add3A_849[%gather3A_851] in [0] : vector<16xf32>, vector<16xi32> -> vector<16xf32>
          %add3A_853 = arith.addf %add3A_849, %gather3A_852 : vector<16xf32>
          %broadcast_in_dim3A_854 = vector.shape_cast %and3A_24 : vector<16xi32> to vector<16x1xi32>
          %gather3A_855 = vector.shape_cast %broadcast_in_dim3A_854 : vector<16x1xi32> to vector<16xi32>
          %gather3A_856 = tpu.dynamic_gather %add3A_853[%gather3A_855] in [0] : vector<16xf32>, vector<16xi32> -> vector<16xf32>
          %add3A_857 = arith.addf %add3A_853, %gather3A_856 : vector<16xf32>
          %broadcast_in_dim3A_858 = vector.shape_cast %and3A_30 : vector<16xi32> to vector<16x1xi32>
          %gather3A_859 = vector.shape_cast %broadcast_in_dim3A_858 : vector<16x1xi32> to vector<16xi32>
          %gather3A_860 = tpu.dynamic_gather %add3A_857[%gather3A_859] in [0] : vector<16xf32>, vector<16xi32> -> vector<16xf32>
          %add3A_861 = arith.addf %add3A_857, %gather3A_860 : vector<16xf32>
          %mul3A_862 = arith.constant 2.000000e-01 : f32
          %mul3A_863 = vector.broadcast %mul3A_862 : f32 to vector<16xf32>
          %mul3A_864 = arith.mulf %mul3A_863, %add3A_861 : vector<16xf32>
          %max3A_865 = arith.maximumf %add3A_861, %mul3A_864 : vector<16xf32>
          %neg3A_866 = arith.constant 0.000000e+00 : f32
          %neg3A_867 = vector.broadcast %neg3A_866 : f32 to vector<16xf32>
          %neg3A_868 = arith.subf %neg3A_867, %max3A_865 : vector<16xf32>
          %exp3A_869 = math.exp %neg3A_868 : vector<16xf32>
          %mul3A_870 = arith.mulf %get3A_809, %exp3A_869 : vector<16xf32>
          %swap3A_871 = arith.index_cast %scan3A_782 : i32 to index
          %swap3A_872 = arith.constant 0 : index
          %swap3A_873 = tpu.vector_load %arg19[%swap3A_871, %swap3A_872] {strides = array<i32>} : memref<48x128xf32, #tpu.memory_space<vmem>>, vector<16xf32>,
          tpu.vector_store %arg19[%swap3A_871, %swap3A_872], %mul3A_870 {strides = array<i32>} : memref<48x128xf32, #tpu.memory_space<vmem>>, vector<16xf32>,
          %mul3A_874 = arith.mulf %get3A_812, %exp3A_869 : vector<16xf32>
          %swap3A_875 = arith.index_cast %scan3A_782 : i32 to index
          %swap3A_876 = arith.constant 16 : index
          %swap3A_877 = tpu.vector_load %arg19[%swap3A_875, %swap3A_876] {strides = array<i32>} : memref<48x128xf32, #tpu.memory_space<vmem>>, vector<16xf32>,
          tpu.vector_store %arg19[%swap3A_875, %swap3A_876], %mul3A_874 {strides = array<i32>} : memref<48x128xf32, #tpu.memory_space<vmem>>, vector<16xf32>,
          %mul3A_878 = arith.mulf %get3A_815, %exp3A_869 : vector<16xf32>
          %swap3A_879 = arith.index_cast %scan3A_782 : i32 to index
          %swap3A_880 = arith.constant 32 : index
          %swap3A_881 = tpu.vector_load %arg19[%swap3A_879, %swap3A_880] {strides = array<i32>} : memref<48x128xf32, #tpu.memory_space<vmem>>, vector<16xf32>,
          tpu.vector_store %arg19[%swap3A_879, %swap3A_880], %mul3A_878 {strides = array<i32>} : memref<48x128xf32, #tpu.memory_space<vmem>>, vector<16xf32>,
          %mul3A_882 = arith.mulf %get3A_818, %exp3A_869 : vector<16xf32>
          %swap3A_883 = arith.index_cast %scan3A_782 : i32 to index
          %swap3A_884 = arith.constant 48 : index
          %swap3A_885 = tpu.vector_load %arg19[%swap3A_883, %swap3A_884] {strides = array<i32>} : memref<48x128xf32, #tpu.memory_space<vmem>>, vector<16xf32>,
          tpu.vector_store %arg19[%swap3A_883, %swap3A_884], %mul3A_882 {strides = array<i32>} : memref<48x128xf32, #tpu.memory_space<vmem>>, vector<16xf32>,
          %mul3A_886 = arith.mulf %get3A_821, %exp3A_869 : vector<16xf32>
          %swap3A_887 = arith.index_cast %scan3A_782 : i32 to index
          %swap3A_888 = arith.constant 64 : index
          %swap3A_889 = tpu.vector_load %arg19[%swap3A_887, %swap3A_888] {strides = array<i32>} : memref<48x128xf32, #tpu.memory_space<vmem>>, vector<16xf32>,
          tpu.vector_store %arg19[%swap3A_887, %swap3A_888], %mul3A_886 {strides = array<i32>} : memref<48x128xf32, #tpu.memory_space<vmem>>, vector<16xf32>,
          %mul3A_890 = arith.mulf %get3A_824, %exp3A_869 : vector<16xf32>
          %swap3A_891 = arith.index_cast %scan3A_782 : i32 to index
          %swap3A_892 = arith.constant 80 : index
          %swap3A_893 = tpu.vector_load %arg19[%swap3A_891, %swap3A_892] {strides = array<i32>} : memref<48x128xf32, #tpu.memory_space<vmem>>, vector<16xf32>,
          tpu.vector_store %arg19[%swap3A_891, %swap3A_892], %mul3A_890 {strides = array<i32>} : memref<48x128xf32, #tpu.memory_space<vmem>>, vector<16xf32>,
          %mul3A_894 = arith.mulf %get3A_827, %exp3A_869 : vector<16xf32>
          %swap3A_895 = arith.index_cast %scan3A_782 : i32 to index
          %swap3A_896 = arith.constant 96 : index
          %swap3A_897 = tpu.vector_load %arg19[%swap3A_895, %swap3A_896] {strides = array<i32>} : memref<48x128xf32, #tpu.memory_space<vmem>>, vector<16xf32>,
          tpu.vector_store %arg19[%swap3A_895, %swap3A_896], %mul3A_894 {strides = array<i32>} : memref<48x128xf32, #tpu.memory_space<vmem>>, vector<16xf32>,
          %mul3A_898 = arith.mulf %get3A_830, %exp3A_869 : vector<16xf32>
          %swap3A_899 = arith.index_cast %scan3A_782 : i32 to index
          %swap3A_900 = arith.constant 112 : index
          %swap3A_901 = tpu.vector_load %arg19[%swap3A_899, %swap3A_900] {strides = array<i32>} : memref<48x128xf32, #tpu.memory_space<vmem>>, vector<16xf32>,
          tpu.vector_store %arg19[%swap3A_899, %swap3A_900], %mul3A_898 {strides = array<i32>} : memref<48x128xf32, #tpu.memory_space<vmem>>, vector<16xf32>,
          %broadcast_in_dim3A_902 = vector.broadcast %scan3A_782 : i32 to vector<16xi32>
          %gather3A_903 = tpu.vector_load_idx %arg10[%broadcast_in_dim3A_902] : memref<48xi32, #tpu.memory_space<vmem>>[vector<16xi32>], vector<16xi32>,
          tpu.vector_store_idx %arg21[%gather3A_903], %exp3A_869 masked %eq3A_7 {add = true} : memref<10240xf32, #tpu.memory_space<vmem>>[vector<16xi32>], vector<16xf32>, vector<16xi1>
          %scan3A_904 = arith.constant 6 : i32
          %scan3A_905 = arith.addi %scan3A_173, %scan3A_904 : i32
          %get3A_906 = arith.index_cast %scan3A_905 : i32 to index
          %get3A_907 = arith.constant 0 : index
          %get3A_908 = tpu.vector_load %arg16[%get3A_906, %get3A_907] {strides = array<i32>} : memref<48x128xf32, #tpu.memory_space<vmem>>, vector<16xf32>,
          %get3A_909 = arith.index_cast %scan3A_905 : i32 to index
          %get3A_910 = arith.constant 16 : index
          %get3A_911 = tpu.vector_load %arg16[%get3A_909, %get3A_910] {strides = array<i32>} : memref<48x128xf32, #tpu.memory_space<vmem>>, vector<16xf32>,
          %get3A_912 = arith.index_cast %scan3A_905 : i32 to index
          %get3A_913 = arith.constant 32 : index
          %get3A_914 = tpu.vector_load %arg16[%get3A_912, %get3A_913] {strides = array<i32>} : memref<48x128xf32, #tpu.memory_space<vmem>>, vector<16xf32>,
          %get3A_915 = arith.index_cast %scan3A_905 : i32 to index
          %get3A_916 = arith.constant 48 : index
          %get3A_917 = tpu.vector_load %arg16[%get3A_915, %get3A_916] {strides = array<i32>} : memref<48x128xf32, #tpu.memory_space<vmem>>, vector<16xf32>,
          %get3A_918 = arith.index_cast %scan3A_905 : i32 to index
          %get3A_919 = arith.constant 64 : index
          %get3A_920 = tpu.vector_load %arg16[%get3A_918, %get3A_919] {strides = array<i32>} : memref<48x128xf32, #tpu.memory_space<vmem>>, vector<16xf32>,
          %get3A_921 = arith.index_cast %scan3A_905 : i32 to index
          %get3A_922 = arith.constant 80 : index
          %get3A_923 = tpu.vector_load %arg16[%get3A_921, %get3A_922] {strides = array<i32>} : memref<48x128xf32, #tpu.memory_space<vmem>>, vector<16xf32>,
          %get3A_924 = arith.index_cast %scan3A_905 : i32 to index
          %get3A_925 = arith.constant 96 : index
          %get3A_926 = tpu.vector_load %arg16[%get3A_924, %get3A_925] {strides = array<i32>} : memref<48x128xf32, #tpu.memory_space<vmem>>, vector<16xf32>,
          %get3A_927 = arith.index_cast %scan3A_905 : i32 to index
          %get3A_928 = arith.constant 112 : index
          %get3A_929 = tpu.vector_load %arg16[%get3A_927, %get3A_928] {strides = array<i32>} : memref<48x128xf32, #tpu.memory_space<vmem>>, vector<16xf32>,
          %get3A_930 = arith.index_cast %scan3A_905 : i32 to index
          %get3A_931 = arith.constant 0 : index
          %get3A_932 = tpu.vector_load %arg19[%get3A_930, %get3A_931] {strides = array<i32>} : memref<48x128xf32, #tpu.memory_space<vmem>>, vector<16xf32>,
          %get3A_933 = arith.index_cast %scan3A_905 : i32 to index
          %get3A_934 = arith.constant 16 : index
          %get3A_935 = tpu.vector_load %arg19[%get3A_933, %get3A_934] {strides = array<i32>} : memref<48x128xf32, #tpu.memory_space<vmem>>, vector<16xf32>,
          %get3A_936 = arith.index_cast %scan3A_905 : i32 to index
          %get3A_937 = arith.constant 32 : index
          %get3A_938 = tpu.vector_load %arg19[%get3A_936, %get3A_937] {strides = array<i32>} : memref<48x128xf32, #tpu.memory_space<vmem>>, vector<16xf32>,
          %get3A_939 = arith.index_cast %scan3A_905 : i32 to index
          %get3A_940 = arith.constant 48 : index
          %get3A_941 = tpu.vector_load %arg19[%get3A_939, %get3A_940] {strides = array<i32>} : memref<48x128xf32, #tpu.memory_space<vmem>>, vector<16xf32>,
          %get3A_942 = arith.index_cast %scan3A_905 : i32 to index
          %get3A_943 = arith.constant 64 : index
          %get3A_944 = tpu.vector_load %arg19[%get3A_942, %get3A_943] {strides = array<i32>} : memref<48x128xf32, #tpu.memory_space<vmem>>, vector<16xf32>,
          %get3A_945 = arith.index_cast %scan3A_905 : i32 to index
          %get3A_946 = arith.constant 80 : index
          %get3A_947 = tpu.vector_load %arg19[%get3A_945, %get3A_946] {strides = array<i32>} : memref<48x128xf32, #tpu.memory_space<vmem>>, vector<16xf32>,
          %get3A_948 = arith.index_cast %scan3A_905 : i32 to index
          %get3A_949 = arith.constant 96 : index
          %get3A_950 = tpu.vector_load %arg19[%get3A_948, %get3A_949] {strides = array<i32>} : memref<48x128xf32, #tpu.memory_space<vmem>>, vector<16xf32>,
          %get3A_951 = arith.index_cast %scan3A_905 : i32 to index
          %get3A_952 = arith.constant 112 : index
          %get3A_953 = tpu.vector_load %arg19[%get3A_951, %get3A_952] {strides = array<i32>} : memref<48x128xf32, #tpu.memory_space<vmem>>, vector<16xf32>,
          %mul3A_954 = arith.mulf %get3A_908, %get3A_932 : vector<16xf32>
          %mul3A_955 = arith.mulf %get3A_911, %get3A_935 : vector<16xf32>
          %add3A_956 = arith.addf %mul3A_954, %mul3A_955 : vector<16xf32>
          %mul3A_957 = arith.mulf %get3A_914, %get3A_938 : vector<16xf32>
          %add3A_958 = arith.addf %add3A_956, %mul3A_957 : vector<16xf32>
          %mul3A_959 = arith.mulf %get3A_917, %get3A_941 : vector<16xf32>
          %add3A_960 = arith.addf %add3A_958, %mul3A_959 : vector<16xf32>
          %mul3A_961 = arith.mulf %get3A_920, %get3A_944 : vector<16xf32>
          %add3A_962 = arith.addf %add3A_960, %mul3A_961 : vector<16xf32>
          %mul3A_963 = arith.mulf %get3A_923, %get3A_947 : vector<16xf32>
          %add3A_964 = arith.addf %add3A_962, %mul3A_963 : vector<16xf32>
          %mul3A_965 = arith.mulf %get3A_926, %get3A_950 : vector<16xf32>
          %add3A_966 = arith.addf %add3A_964, %mul3A_965 : vector<16xf32>
          %mul3A_967 = arith.mulf %get3A_929, %get3A_953 : vector<16xf32>
          %add3A_968 = arith.addf %add3A_966, %mul3A_967 : vector<16xf32>
          %broadcast_in_dim3A_969 = vector.shape_cast %and3A_12 : vector<16xi32> to vector<16x1xi32>
          %gather3A_970 = vector.shape_cast %broadcast_in_dim3A_969 : vector<16x1xi32> to vector<16xi32>
          %gather3A_971 = tpu.dynamic_gather %add3A_968[%gather3A_970] in [0] : vector<16xf32>, vector<16xi32> -> vector<16xf32>
          %add3A_972 = arith.addf %add3A_968, %gather3A_971 : vector<16xf32>
          %broadcast_in_dim3A_973 = vector.shape_cast %and3A_18 : vector<16xi32> to vector<16x1xi32>
          %gather3A_974 = vector.shape_cast %broadcast_in_dim3A_973 : vector<16x1xi32> to vector<16xi32>
          %gather3A_975 = tpu.dynamic_gather %add3A_972[%gather3A_974] in [0] : vector<16xf32>, vector<16xi32> -> vector<16xf32>
          %add3A_976 = arith.addf %add3A_972, %gather3A_975 : vector<16xf32>
          %broadcast_in_dim3A_977 = vector.shape_cast %and3A_24 : vector<16xi32> to vector<16x1xi32>
          %gather3A_978 = vector.shape_cast %broadcast_in_dim3A_977 : vector<16x1xi32> to vector<16xi32>
          %gather3A_979 = tpu.dynamic_gather %add3A_976[%gather3A_978] in [0] : vector<16xf32>, vector<16xi32> -> vector<16xf32>
          %add3A_980 = arith.addf %add3A_976, %gather3A_979 : vector<16xf32>
          %broadcast_in_dim3A_981 = vector.shape_cast %and3A_30 : vector<16xi32> to vector<16x1xi32>
          %gather3A_982 = vector.shape_cast %broadcast_in_dim3A_981 : vector<16x1xi32> to vector<16xi32>
          %gather3A_983 = tpu.dynamic_gather %add3A_980[%gather3A_982] in [0] : vector<16xf32>, vector<16xi32> -> vector<16xf32>
          %add3A_984 = arith.addf %add3A_980, %gather3A_983 : vector<16xf32>
          %mul3A_985 = arith.constant 2.000000e-01 : f32
          %mul3A_986 = vector.broadcast %mul3A_985 : f32 to vector<16xf32>
          %mul3A_987 = arith.mulf %mul3A_986, %add3A_984 : vector<16xf32>
          %max3A_988 = arith.maximumf %add3A_984, %mul3A_987 : vector<16xf32>
          %neg3A_989 = arith.constant 0.000000e+00 : f32
          %neg3A_990 = vector.broadcast %neg3A_989 : f32 to vector<16xf32>
          %neg3A_991 = arith.subf %neg3A_990, %max3A_988 : vector<16xf32>
          %exp3A_992 = math.exp %neg3A_991 : vector<16xf32>
          %mul3A_993 = arith.mulf %get3A_932, %exp3A_992 : vector<16xf32>
          %swap3A_994 = arith.index_cast %scan3A_905 : i32 to index
          %swap3A_995 = arith.constant 0 : index
          %swap3A_996 = tpu.vector_load %arg19[%swap3A_994, %swap3A_995] {strides = array<i32>} : memref<48x128xf32, #tpu.memory_space<vmem>>, vector<16xf32>,
          tpu.vector_store %arg19[%swap3A_994, %swap3A_995], %mul3A_993 {strides = array<i32>} : memref<48x128xf32, #tpu.memory_space<vmem>>, vector<16xf32>,
          %mul3A_997 = arith.mulf %get3A_935, %exp3A_992 : vector<16xf32>
          %swap3A_998 = arith.index_cast %scan3A_905 : i32 to index
          %swap3A_999 = arith.constant 16 : index
          %swap3A_1000 = tpu.vector_load %arg19[%swap3A_998, %swap3A_999] {strides = array<i32>} : memref<48x128xf32, #tpu.memory_space<vmem>>, vector<16xf32>,
          tpu.vector_store %arg19[%swap3A_998, %swap3A_999], %mul3A_997 {strides = array<i32>} : memref<48x128xf32, #tpu.memory_space<vmem>>, vector<16xf32>,
          %mul3A_1001 = arith.mulf %get3A_938, %exp3A_992 : vector<16xf32>
          %swap3A_1002 = arith.index_cast %scan3A_905 : i32 to index
          %swap3A_1003 = arith.constant 32 : index
          %swap3A_1004 = tpu.vector_load %arg19[%swap3A_1002, %swap3A_1003] {strides = array<i32>} : memref<48x128xf32, #tpu.memory_space<vmem>>, vector<16xf32>,
          tpu.vector_store %arg19[%swap3A_1002, %swap3A_1003], %mul3A_1001 {strides = array<i32>} : memref<48x128xf32, #tpu.memory_space<vmem>>, vector<16xf32>,
          %mul3A_1005 = arith.mulf %get3A_941, %exp3A_992 : vector<16xf32>
          %swap3A_1006 = arith.index_cast %scan3A_905 : i32 to index
          %swap3A_1007 = arith.constant 48 : index
          %swap3A_1008 = tpu.vector_load %arg19[%swap3A_1006, %swap3A_1007] {strides = array<i32>} : memref<48x128xf32, #tpu.memory_space<vmem>>, vector<16xf32>,
          tpu.vector_store %arg19[%swap3A_1006, %swap3A_1007], %mul3A_1005 {strides = array<i32>} : memref<48x128xf32, #tpu.memory_space<vmem>>, vector<16xf32>,
          %mul3A_1009 = arith.mulf %get3A_944, %exp3A_992 : vector<16xf32>
          %swap3A_1010 = arith.index_cast %scan3A_905 : i32 to index
          %swap3A_1011 = arith.constant 64 : index
          %swap3A_1012 = tpu.vector_load %arg19[%swap3A_1010, %swap3A_1011] {strides = array<i32>} : memref<48x128xf32, #tpu.memory_space<vmem>>, vector<16xf32>,
          tpu.vector_store %arg19[%swap3A_1010, %swap3A_1011], %mul3A_1009 {strides = array<i32>} : memref<48x128xf32, #tpu.memory_space<vmem>>, vector<16xf32>,
          %mul3A_1013 = arith.mulf %get3A_947, %exp3A_992 : vector<16xf32>
          %swap3A_1014 = arith.index_cast %scan3A_905 : i32 to index
          %swap3A_1015 = arith.constant 80 : index
          %swap3A_1016 = tpu.vector_load %arg19[%swap3A_1014, %swap3A_1015] {strides = array<i32>} : memref<48x128xf32, #tpu.memory_space<vmem>>, vector<16xf32>,
          tpu.vector_store %arg19[%swap3A_1014, %swap3A_1015], %mul3A_1013 {strides = array<i32>} : memref<48x128xf32, #tpu.memory_space<vmem>>, vector<16xf32>,
          %mul3A_1017 = arith.mulf %get3A_950, %exp3A_992 : vector<16xf32>
          %swap3A_1018 = arith.index_cast %scan3A_905 : i32 to index
          %swap3A_1019 = arith.constant 96 : index
          %swap3A_1020 = tpu.vector_load %arg19[%swap3A_1018, %swap3A_1019] {strides = array<i32>} : memref<48x128xf32, #tpu.memory_space<vmem>>, vector<16xf32>,
          tpu.vector_store %arg19[%swap3A_1018, %swap3A_1019], %mul3A_1017 {strides = array<i32>} : memref<48x128xf32, #tpu.memory_space<vmem>>, vector<16xf32>,
          %mul3A_1021 = arith.mulf %get3A_953, %exp3A_992 : vector<16xf32>
          %swap3A_1022 = arith.index_cast %scan3A_905 : i32 to index
          %swap3A_1023 = arith.constant 112 : index
          %swap3A_1024 = tpu.vector_load %arg19[%swap3A_1022, %swap3A_1023] {strides = array<i32>} : memref<48x128xf32, #tpu.memory_space<vmem>>, vector<16xf32>,
          tpu.vector_store %arg19[%swap3A_1022, %swap3A_1023], %mul3A_1021 {strides = array<i32>} : memref<48x128xf32, #tpu.memory_space<vmem>>, vector<16xf32>,
          %broadcast_in_dim3A_1025 = vector.broadcast %scan3A_905 : i32 to vector<16xi32>
          %gather3A_1026 = tpu.vector_load_idx %arg10[%broadcast_in_dim3A_1025] : memref<48xi32, #tpu.memory_space<vmem>>[vector<16xi32>], vector<16xi32>,
          tpu.vector_store_idx %arg21[%gather3A_1026], %exp3A_992 masked %eq3A_7 {add = true} : memref<10240xf32, #tpu.memory_space<vmem>>[vector<16xi32>], vector<16xf32>, vector<16xi1>
          %scan3A_1027 = arith.constant 7 : i32
          %scan3A_1028 = arith.addi %scan3A_173, %scan3A_1027 : i32
          %get3A_1029 = arith.index_cast %scan3A_1028 : i32 to index
          %get3A_1030 = arith.constant 0 : index
          %get3A_1031 = tpu.vector_load %arg16[%get3A_1029, %get3A_1030] {strides = array<i32>} : memref<48x128xf32, #tpu.memory_space<vmem>>, vector<16xf32>,
          %get3A_1032 = arith.index_cast %scan3A_1028 : i32 to index
          %get3A_1033 = arith.constant 16 : index
          %get3A_1034 = tpu.vector_load %arg16[%get3A_1032, %get3A_1033] {strides = array<i32>} : memref<48x128xf32, #tpu.memory_space<vmem>>, vector<16xf32>,
          %get3A_1035 = arith.index_cast %scan3A_1028 : i32 to index
          %get3A_1036 = arith.constant 32 : index
          %get3A_1037 = tpu.vector_load %arg16[%get3A_1035, %get3A_1036] {strides = array<i32>} : memref<48x128xf32, #tpu.memory_space<vmem>>, vector<16xf32>,
          %get3A_1038 = arith.index_cast %scan3A_1028 : i32 to index
          %get3A_1039 = arith.constant 48 : index
          %get3A_1040 = tpu.vector_load %arg16[%get3A_1038, %get3A_1039] {strides = array<i32>} : memref<48x128xf32, #tpu.memory_space<vmem>>, vector<16xf32>,
          %get3A_1041 = arith.index_cast %scan3A_1028 : i32 to index
          %get3A_1042 = arith.constant 64 : index
          %get3A_1043 = tpu.vector_load %arg16[%get3A_1041, %get3A_1042] {strides = array<i32>} : memref<48x128xf32, #tpu.memory_space<vmem>>, vector<16xf32>,
          %get3A_1044 = arith.index_cast %scan3A_1028 : i32 to index
          %get3A_1045 = arith.constant 80 : index
          %get3A_1046 = tpu.vector_load %arg16[%get3A_1044, %get3A_1045] {strides = array<i32>} : memref<48x128xf32, #tpu.memory_space<vmem>>, vector<16xf32>,
          %get3A_1047 = arith.index_cast %scan3A_1028 : i32 to index
          %get3A_1048 = arith.constant 96 : index
          %get3A_1049 = tpu.vector_load %arg16[%get3A_1047, %get3A_1048] {strides = array<i32>} : memref<48x128xf32, #tpu.memory_space<vmem>>, vector<16xf32>,
          %get3A_1050 = arith.index_cast %scan3A_1028 : i32 to index
          %get3A_1051 = arith.constant 112 : index
          %get3A_1052 = tpu.vector_load %arg16[%get3A_1050, %get3A_1051] {strides = array<i32>} : memref<48x128xf32, #tpu.memory_space<vmem>>, vector<16xf32>,
          %get3A_1053 = arith.index_cast %scan3A_1028 : i32 to index
          %get3A_1054 = arith.constant 0 : index
          %get3A_1055 = tpu.vector_load %arg19[%get3A_1053, %get3A_1054] {strides = array<i32>} : memref<48x128xf32, #tpu.memory_space<vmem>>, vector<16xf32>,
          %get3A_1056 = arith.index_cast %scan3A_1028 : i32 to index
          %get3A_1057 = arith.constant 16 : index
          %get3A_1058 = tpu.vector_load %arg19[%get3A_1056, %get3A_1057] {strides = array<i32>} : memref<48x128xf32, #tpu.memory_space<vmem>>, vector<16xf32>,
          %get3A_1059 = arith.index_cast %scan3A_1028 : i32 to index
          %get3A_1060 = arith.constant 32 : index
          %get3A_1061 = tpu.vector_load %arg19[%get3A_1059, %get3A_1060] {strides = array<i32>} : memref<48x128xf32, #tpu.memory_space<vmem>>, vector<16xf32>,
          %get3A_1062 = arith.index_cast %scan3A_1028 : i32 to index
          %get3A_1063 = arith.constant 48 : index
          %get3A_1064 = tpu.vector_load %arg19[%get3A_1062, %get3A_1063] {strides = array<i32>} : memref<48x128xf32, #tpu.memory_space<vmem>>, vector<16xf32>,
          %get3A_1065 = arith.index_cast %scan3A_1028 : i32 to index
          %get3A_1066 = arith.constant 64 : index
          %get3A_1067 = tpu.vector_load %arg19[%get3A_1065, %get3A_1066] {strides = array<i32>} : memref<48x128xf32, #tpu.memory_space<vmem>>, vector<16xf32>,
          %get3A_1068 = arith.index_cast %scan3A_1028 : i32 to index
          %get3A_1069 = arith.constant 80 : index
          %get3A_1070 = tpu.vector_load %arg19[%get3A_1068, %get3A_1069] {strides = array<i32>} : memref<48x128xf32, #tpu.memory_space<vmem>>, vector<16xf32>,
          %get3A_1071 = arith.index_cast %scan3A_1028 : i32 to index
          %get3A_1072 = arith.constant 96 : index
          %get3A_1073 = tpu.vector_load %arg19[%get3A_1071, %get3A_1072] {strides = array<i32>} : memref<48x128xf32, #tpu.memory_space<vmem>>, vector<16xf32>,
          %get3A_1074 = arith.index_cast %scan3A_1028 : i32 to index
          %get3A_1075 = arith.constant 112 : index
          %get3A_1076 = tpu.vector_load %arg19[%get3A_1074, %get3A_1075] {strides = array<i32>} : memref<48x128xf32, #tpu.memory_space<vmem>>, vector<16xf32>,
          %mul3A_1077 = arith.mulf %get3A_1031, %get3A_1055 : vector<16xf32>
          %mul3A_1078 = arith.mulf %get3A_1034, %get3A_1058 : vector<16xf32>
          %add3A_1079 = arith.addf %mul3A_1077, %mul3A_1078 : vector<16xf32>
          %mul3A_1080 = arith.mulf %get3A_1037, %get3A_1061 : vector<16xf32>
          %add3A_1081 = arith.addf %add3A_1079, %mul3A_1080 : vector<16xf32>
          %mul3A_1082 = arith.mulf %get3A_1040, %get3A_1064 : vector<16xf32>
          %add3A_1083 = arith.addf %add3A_1081, %mul3A_1082 : vector<16xf32>
          %mul3A_1084 = arith.mulf %get3A_1043, %get3A_1067 : vector<16xf32>
          %add3A_1085 = arith.addf %add3A_1083, %mul3A_1084 : vector<16xf32>
          %mul3A_1086 = arith.mulf %get3A_1046, %get3A_1070 : vector<16xf32>
          %add3A_1087 = arith.addf %add3A_1085, %mul3A_1086 : vector<16xf32>
          %mul3A_1088 = arith.mulf %get3A_1049, %get3A_1073 : vector<16xf32>
          %add3A_1089 = arith.addf %add3A_1087, %mul3A_1088 : vector<16xf32>
          %mul3A_1090 = arith.mulf %get3A_1052, %get3A_1076 : vector<16xf32>
          %add3A_1091 = arith.addf %add3A_1089, %mul3A_1090 : vector<16xf32>
          %broadcast_in_dim3A_1092 = vector.shape_cast %and3A_12 : vector<16xi32> to vector<16x1xi32>
          %gather3A_1093 = vector.shape_cast %broadcast_in_dim3A_1092 : vector<16x1xi32> to vector<16xi32>
          %gather3A_1094 = tpu.dynamic_gather %add3A_1091[%gather3A_1093] in [0] : vector<16xf32>, vector<16xi32> -> vector<16xf32>
          %add3A_1095 = arith.addf %add3A_1091, %gather3A_1094 : vector<16xf32>
          %broadcast_in_dim3A_1096 = vector.shape_cast %and3A_18 : vector<16xi32> to vector<16x1xi32>
          %gather3A_1097 = vector.shape_cast %broadcast_in_dim3A_1096 : vector<16x1xi32> to vector<16xi32>
          %gather3A_1098 = tpu.dynamic_gather %add3A_1095[%gather3A_1097] in [0] : vector<16xf32>, vector<16xi32> -> vector<16xf32>
          %add3A_1099 = arith.addf %add3A_1095, %gather3A_1098 : vector<16xf32>
          %broadcast_in_dim3A_1100 = vector.shape_cast %and3A_24 : vector<16xi32> to vector<16x1xi32>
          %gather3A_1101 = vector.shape_cast %broadcast_in_dim3A_1100 : vector<16x1xi32> to vector<16xi32>
          %gather3A_1102 = tpu.dynamic_gather %add3A_1099[%gather3A_1101] in [0] : vector<16xf32>, vector<16xi32> -> vector<16xf32>
          %add3A_1103 = arith.addf %add3A_1099, %gather3A_1102 : vector<16xf32>
          %broadcast_in_dim3A_1104 = vector.shape_cast %and3A_30 : vector<16xi32> to vector<16x1xi32>
          %gather3A_1105 = vector.shape_cast %broadcast_in_dim3A_1104 : vector<16x1xi32> to vector<16xi32>
          %gather3A_1106 = tpu.dynamic_gather %add3A_1103[%gather3A_1105] in [0] : vector<16xf32>, vector<16xi32> -> vector<16xf32>
          %add3A_1107 = arith.addf %add3A_1103, %gather3A_1106 : vector<16xf32>
          %mul3A_1108 = arith.constant 2.000000e-01 : f32
          %mul3A_1109 = vector.broadcast %mul3A_1108 : f32 to vector<16xf32>
          %mul3A_1110 = arith.mulf %mul3A_1109, %add3A_1107 : vector<16xf32>
          %max3A_1111 = arith.maximumf %add3A_1107, %mul3A_1110 : vector<16xf32>
          %neg3A_1112 = arith.constant 0.000000e+00 : f32
          %neg3A_1113 = vector.broadcast %neg3A_1112 : f32 to vector<16xf32>
          %neg3A_1114 = arith.subf %neg3A_1113, %max3A_1111 : vector<16xf32>
          %exp3A_1115 = math.exp %neg3A_1114 : vector<16xf32>
          %mul3A_1116 = arith.mulf %get3A_1055, %exp3A_1115 : vector<16xf32>
          %swap3A_1117 = arith.index_cast %scan3A_1028 : i32 to index
          %swap3A_1118 = arith.constant 0 : index
          %swap3A_1119 = tpu.vector_load %arg19[%swap3A_1117, %swap3A_1118] {strides = array<i32>} : memref<48x128xf32, #tpu.memory_space<vmem>>, vector<16xf32>,
          tpu.vector_store %arg19[%swap3A_1117, %swap3A_1118], %mul3A_1116 {strides = array<i32>} : memref<48x128xf32, #tpu.memory_space<vmem>>, vector<16xf32>,
          %mul3A_1120 = arith.mulf %get3A_1058, %exp3A_1115 : vector<16xf32>
          %swap3A_1121 = arith.index_cast %scan3A_1028 : i32 to index
          %swap3A_1122 = arith.constant 16 : index
          %swap3A_1123 = tpu.vector_load %arg19[%swap3A_1121, %swap3A_1122] {strides = array<i32>} : memref<48x128xf32, #tpu.memory_space<vmem>>, vector<16xf32>,
          tpu.vector_store %arg19[%swap3A_1121, %swap3A_1122], %mul3A_1120 {strides = array<i32>} : memref<48x128xf32, #tpu.memory_space<vmem>>, vector<16xf32>,
          %mul3A_1124 = arith.mulf %get3A_1061, %exp3A_1115 : vector<16xf32>
          %swap3A_1125 = arith.index_cast %scan3A_1028 : i32 to index
          %swap3A_1126 = arith.constant 32 : index
          %swap3A_1127 = tpu.vector_load %arg19[%swap3A_1125, %swap3A_1126] {strides = array<i32>} : memref<48x128xf32, #tpu.memory_space<vmem>>, vector<16xf32>,
          tpu.vector_store %arg19[%swap3A_1125, %swap3A_1126], %mul3A_1124 {strides = array<i32>} : memref<48x128xf32, #tpu.memory_space<vmem>>, vector<16xf32>,
          %mul3A_1128 = arith.mulf %get3A_1064, %exp3A_1115 : vector<16xf32>
          %swap3A_1129 = arith.index_cast %scan3A_1028 : i32 to index
          %swap3A_1130 = arith.constant 48 : index
          %swap3A_1131 = tpu.vector_load %arg19[%swap3A_1129, %swap3A_1130] {strides = array<i32>} : memref<48x128xf32, #tpu.memory_space<vmem>>, vector<16xf32>,
          tpu.vector_store %arg19[%swap3A_1129, %swap3A_1130], %mul3A_1128 {strides = array<i32>} : memref<48x128xf32, #tpu.memory_space<vmem>>, vector<16xf32>,
          %mul3A_1132 = arith.mulf %get3A_1067, %exp3A_1115 : vector<16xf32>
          %swap3A_1133 = arith.index_cast %scan3A_1028 : i32 to index
          %swap3A_1134 = arith.constant 64 : index
          %swap3A_1135 = tpu.vector_load %arg19[%swap3A_1133, %swap3A_1134] {strides = array<i32>} : memref<48x128xf32, #tpu.memory_space<vmem>>, vector<16xf32>,
          tpu.vector_store %arg19[%swap3A_1133, %swap3A_1134], %mul3A_1132 {strides = array<i32>} : memref<48x128xf32, #tpu.memory_space<vmem>>, vector<16xf32>,
          %mul3A_1136 = arith.mulf %get3A_1070, %exp3A_1115 : vector<16xf32>
          %swap3A_1137 = arith.index_cast %scan3A_1028 : i32 to index
          %swap3A_1138 = arith.constant 80 : index
          %swap3A_1139 = tpu.vector_load %arg19[%swap3A_1137, %swap3A_1138] {strides = array<i32>} : memref<48x128xf32, #tpu.memory_space<vmem>>, vector<16xf32>,
          tpu.vector_store %arg19[%swap3A_1137, %swap3A_1138], %mul3A_1136 {strides = array<i32>} : memref<48x128xf32, #tpu.memory_space<vmem>>, vector<16xf32>,
          %mul3A_1140 = arith.mulf %get3A_1073, %exp3A_1115 : vector<16xf32>
          %swap3A_1141 = arith.index_cast %scan3A_1028 : i32 to index
          %swap3A_1142 = arith.constant 96 : index
          %swap3A_1143 = tpu.vector_load %arg19[%swap3A_1141, %swap3A_1142] {strides = array<i32>} : memref<48x128xf32, #tpu.memory_space<vmem>>, vector<16xf32>,
          tpu.vector_store %arg19[%swap3A_1141, %swap3A_1142], %mul3A_1140 {strides = array<i32>} : memref<48x128xf32, #tpu.memory_space<vmem>>, vector<16xf32>,
          %mul3A_1144 = arith.mulf %get3A_1076, %exp3A_1115 : vector<16xf32>
          %swap3A_1145 = arith.index_cast %scan3A_1028 : i32 to index
          %swap3A_1146 = arith.constant 112 : index
          %swap3A_1147 = tpu.vector_load %arg19[%swap3A_1145, %swap3A_1146] {strides = array<i32>} : memref<48x128xf32, #tpu.memory_space<vmem>>, vector<16xf32>,
          tpu.vector_store %arg19[%swap3A_1145, %swap3A_1146], %mul3A_1144 {strides = array<i32>} : memref<48x128xf32, #tpu.memory_space<vmem>>, vector<16xf32>,
          %broadcast_in_dim3A_1148 = vector.broadcast %scan3A_1028 : i32 to vector<16xi32>
          %gather3A_1149 = tpu.vector_load_idx %arg10[%broadcast_in_dim3A_1148] : memref<48xi32, #tpu.memory_space<vmem>>[vector<16xi32>], vector<16xi32>,
          tpu.vector_store_idx %arg21[%gather3A_1149], %exp3A_1115 masked %eq3A_7 {add = true} : memref<10240xf32, #tpu.memory_space<vmem>>[vector<16xi32>], vector<16xf32>, vector<16xi1>
        }
        %scan3A_170 = arith.constant 48 : i32
        %dma_start3A = arith.constant 0 : i32
        %dma_start3A_171 = arith.constant 0 : i32
        %dma_start3A_172 = tpu.memref_slice %arg24[%dma_start3A, %dma_start3A_171] : memref<10240x128xf32, #tpu.memory_space<vmem_shared>> -> memref<10240x128xf32, #tpu.memory_space<vmem_shared>>
        tpu.enqueue_indirect_dma source(%arg19 : memref<48x128xf32, #tpu.memory_space<vmem>>) target(%dma_start3A_172 : memref<10240x128xf32, #tpu.memory_space<vmem_shared>>) offsets(%arg10 : memref<48xi32, #tpu.memory_space<vmem>>) semaphore(%arg32 : memref<!tpu.dma_semaphore, #tpu.memory_space<semaphore_mem>>) {add = true}
      } else {
      }
      %ge3A_116 = arith.constant 1 : i32
      %ge3A_117 = arith.cmpi sge, %sub3A_97, %ge3A_116 : i32
      %convert_element_type3A_118 = arith.extui %ge3A_117 : i1 to i32
      %cond3A_119 = arith.constant 0 : i32
      %cond3A_120 = arith.cmpi ne, %convert_element_type3A_118, %cond3A_119 : i32
      scf.if %cond3A_120 {
        %dma_wait3A_166 = arith.constant 0 : i32
        %dma_wait3A_167 = arith.constant 0 : i32
        %dma_wait3A_168 = tpu.memref_slice %arg24[%dma_wait3A_166, %dma_wait3A_167] : memref<10240x128xf32, #tpu.memory_space<vmem_shared>> -> memref<10240x128xf32, #tpu.memory_space<vmem_shared>>
        tpu.wait_indirect_dma semaphore(%arg31 : memref<!tpu.dma_semaphore, #tpu.memory_space<semaphore_mem>>) src(%arg18 : memref<48x128xf32, #tpu.memory_space<vmem>>) dst(%dma_wait3A_168 : memref<10240x128xf32, #tpu.memory_space<vmem_shared>>)
      } else {
      }
      %ge3A_121 = arith.constant -2 : i32
      %ge3A_122 = arith.cmpi sge, %sub3A_97, %ge3A_121 : i32
      %lt3A_123 = arith.constant 208 : i32
      %lt3A_124 = arith.cmpi slt, %sub3A_97, %lt3A_123 : i32
      %and3A_125 = arith.andi %ge3A_122, %lt3A_124 : i1
      %convert_element_type3A_126 = arith.extui %and3A_125 : i1 to i32
      %cond3A_127 = arith.constant 0 : i32
      %cond3A_128 = arith.cmpi ne, %convert_element_type3A_126, %cond3A_127 : i32
      scf.if %cond3A_128 {
        %add3A_166 = arith.constant 2 : i32
        %add3A_167 = arith.addi %sub3A_97, %add3A_166 : i32
        %add3A_168 = arith.addi %mul3A_2, %add3A_167 : i32
        %mul3A_169 = arith.constant 48 : i32
        %mul3A_170 = arith.muli %add3A_168, %mul3A_169 : i32
        %dma_start3A = tpu.memref_slice %arg3[%mul3A_170] : memref<322560xi32, #tpu.memory_space<hbm>> -> memref<48xi32, #tpu.memory_space<hbm>>
        %dma_start3A_171 = tpu.memref_slice %arg3[%mul3A_170] : memref<322560xi32, #tpu.memory_space<hbm>> -> memref<48xi32, #tpu.memory_space<hbm>>
        tpu.enqueue_dma source(%dma_start3A_171 : memref<48xi32, #tpu.memory_space<hbm>>) target(%arg9 : memref<48xi32, #tpu.memory_space<vmem>>) target_semaphore(%arg25 : memref<!tpu.dma_semaphore, #tpu.memory_space<semaphore_mem>>)
        %dma_start3A_172 = tpu.memref_slice %arg4[%mul3A_170] : memref<322560xi32, #tpu.memory_space<hbm>> -> memref<48xi32, #tpu.memory_space<hbm>>
        %dma_start3A_173 = tpu.memref_slice %arg4[%mul3A_170] : memref<322560xi32, #tpu.memory_space<hbm>> -> memref<48xi32, #tpu.memory_space<hbm>>
        tpu.enqueue_dma source(%dma_start3A_173 : memref<48xi32, #tpu.memory_space<hbm>>) target(%arg12 : memref<48xi32, #tpu.memory_space<vmem>>) target_semaphore(%arg25 : memref<!tpu.dma_semaphore, #tpu.memory_space<semaphore_mem>>)
      } else {
      }
      %mul3A_129 = arith.constant 3 : i32
      %mul3A_130 = arith.muli %scan3A_59, %mul3A_129 : i32
      %add3A_131 = arith.constant 2 : i32
      %add3A_132 = arith.addi %mul3A_130, %add3A_131 : i32
      %sub3A_133 = arith.constant 3 : i32
      %sub3A_134 = arith.subi %add3A_132, %sub3A_133 : i32
      %ge3A_135 = arith.constant 0 : i32
      %ge3A_136 = arith.cmpi sge, %sub3A_134, %ge3A_135 : i32
      %convert_element_type3A_137 = arith.extui %ge3A_136 : i1 to i32
      %cond3A_138 = arith.constant 0 : i32
      %cond3A_139 = arith.cmpi ne, %convert_element_type3A_137, %cond3A_138 : i32
      scf.if %cond3A_139 {
        %dma_wait3A_166 = arith.constant 0 : i32
        %dma_wait3A_167 = arith.constant 0 : i32
        %dma_wait3A_168 = tpu.memref_slice %arg2[%dma_wait3A_166, %dma_wait3A_167] : memref<10240x128xf32, #tpu.memory_space<hbm>> -> memref<10240x128xf32, #tpu.memory_space<hbm>>
        tpu.wait_indirect_dma semaphore(%arg30 : memref<!tpu.dma_semaphore, #tpu.memory_space<semaphore_mem>>) src(%dma_wait3A_168 : memref<10240x128xf32, #tpu.memory_space<hbm>>) dst(%arg17 : memref<48x128xf32, #tpu.memory_space<vmem>>)
        %dma_wait3A_169 = arith.constant 0 : i32
        %dma_wait3A_170 = arith.constant 0 : i32
        %dma_wait3A_171 = tpu.memref_slice %arg2[%dma_wait3A_169, %dma_wait3A_170] : memref<10240x128xf32, #tpu.memory_space<hbm>> -> memref<10240x128xf32, #tpu.memory_space<hbm>>
        tpu.wait_indirect_dma semaphore(%arg30 : memref<!tpu.dma_semaphore, #tpu.memory_space<semaphore_mem>>) src(%dma_wait3A_171 : memref<10240x128xf32, #tpu.memory_space<hbm>>) dst(%arg20 : memref<48x128xf32, #tpu.memory_space<vmem>>)
      } else {
      }
      %ge3A_140 = arith.constant -1 : i32
      %ge3A_141 = arith.cmpi sge, %sub3A_134, %ge3A_140 : i32
      %lt3A_142 = arith.constant 209 : i32
      %lt3A_143 = arith.cmpi slt, %sub3A_134, %lt3A_142 : i32
      %and3A_144 = arith.andi %ge3A_141, %lt3A_143 : i1
      %convert_element_type3A_145 = arith.extui %and3A_144 : i1 to i32
      %cond3A_146 = arith.constant 0 : i32
      %cond3A_147 = arith.cmpi ne, %convert_element_type3A_145, %cond3A_146 : i32
      scf.if %cond3A_147 {
        %dma_wait3A_166 = arith.constant 0 : i32
        %dma_wait3A_167 = tpu.memref_slice %arg3[%dma_wait3A_166] : memref<322560xi32, #tpu.memory_space<hbm>> -> memref<48xi32, #tpu.memory_space<hbm>>
        %dma_wait3A_168 = arith.constant 0 : i32
        %dma_wait3A_169 = tpu.memref_slice %arg3[%dma_wait3A_168] : memref<322560xi32, #tpu.memory_space<hbm>> -> memref<48xi32, #tpu.memory_space<hbm>>
        tpu.wait_dma2 semaphore(%arg25 : memref<!tpu.dma_semaphore, #tpu.memory_space<semaphore_mem>>) src(%dma_wait3A_169 : memref<48xi32, #tpu.memory_space<hbm>>) dst(%arg9 : memref<48xi32, #tpu.memory_space<vmem>>)
        %dma_wait3A_170 = arith.constant 0 : i32
        %dma_wait3A_171 = tpu.memref_slice %arg4[%dma_wait3A_170] : memref<322560xi32, #tpu.memory_space<hbm>> -> memref<48xi32, #tpu.memory_space<hbm>>
        %dma_wait3A_172 = arith.constant 0 : i32
        %dma_wait3A_173 = tpu.memref_slice %arg4[%dma_wait3A_172] : memref<322560xi32, #tpu.memory_space<hbm>> -> memref<48xi32, #tpu.memory_space<hbm>>
        tpu.wait_dma2 semaphore(%arg25 : memref<!tpu.dma_semaphore, #tpu.memory_space<semaphore_mem>>) src(%dma_wait3A_173 : memref<48xi32, #tpu.memory_space<hbm>>) dst(%arg12 : memref<48xi32, #tpu.memory_space<vmem>>)
        %dma_start3A = arith.constant 0 : i32
        %dma_start3A_174 = arith.constant 0 : i32
        %dma_start3A_175 = tpu.memref_slice %arg2[%dma_start3A, %dma_start3A_174] : memref<10240x128xf32, #tpu.memory_space<hbm>> -> memref<10240x128xf32, #tpu.memory_space<hbm>>
        tpu.enqueue_indirect_dma source(%dma_start3A_175 : memref<10240x128xf32, #tpu.memory_space<hbm>>) target(%arg15 : memref<48x128xf32, #tpu.memory_space<vmem>>) offsets(%arg9 : memref<48xi32, #tpu.memory_space<vmem>>) semaphore(%arg28 : memref<!tpu.dma_semaphore, #tpu.memory_space<semaphore_mem>>)
        %dma_start3A_176 = arith.constant 0 : i32
        %dma_start3A_177 = arith.constant 0 : i32
        %dma_start3A_178 = tpu.memref_slice %arg2[%dma_start3A_176, %dma_start3A_177] : memref<10240x128xf32, #tpu.memory_space<hbm>> -> memref<10240x128xf32, #tpu.memory_space<hbm>>
        tpu.enqueue_indirect_dma source(%dma_start3A_178 : memref<10240x128xf32, #tpu.memory_space<hbm>>) target(%arg18 : memref<48x128xf32, #tpu.memory_space<vmem>>) offsets(%arg12 : memref<48xi32, #tpu.memory_space<vmem>>) semaphore(%arg28 : memref<!tpu.dma_semaphore, #tpu.memory_space<semaphore_mem>>)
      } else {
      }
      %ge3A_148 = arith.constant 0 : i32
      %ge3A_149 = arith.cmpi sge, %sub3A_134, %ge3A_148 : i32
      %convert_element_type3A_150 = arith.extui %ge3A_149 : i1 to i32
      %cond3A_151 = arith.constant 0 : i32
      %cond3A_152 = arith.cmpi ne, %convert_element_type3A_150, %cond3A_151 : i32
      scf.if %cond3A_152 {
        %scan3A_166 = arith.constant 0 : i32
        %scan3A_167 = arith.constant 48 : i32
        %scan3A_168 = arith.addi %scan3A_166, %scan3A_167 : i32
        %scan3A_169 = arith.constant 8 : i32
        scf.for %scan3A_173 = %scan3A_166 to %scan3A_168 step %scan3A_169  : i32 {
          %get3A = arith.index_cast %scan3A_173 : i32 to index
          %get3A_174 = arith.constant 0 : index
          %get3A_175 = tpu.vector_load %arg17[%get3A, %get3A_174] {strides = array<i32>} : memref<48x128xf32, #tpu.memory_space<vmem>>, vector<16xf32>,
          %get3A_176 = arith.index_cast %scan3A_173 : i32 to index
          %get3A_177 = arith.constant 16 : index
          %get3A_178 = tpu.vector_load %arg17[%get3A_176, %get3A_177] {strides = array<i32>} : memref<48x128xf32, #tpu.memory_space<vmem>>, vector<16xf32>,
          %get3A_179 = arith.index_cast %scan3A_173 : i32 to index
          %get3A_180 = arith.constant 32 : index
          %get3A_181 = tpu.vector_load %arg17[%get3A_179, %get3A_180] {strides = array<i32>} : memref<48x128xf32, #tpu.memory_space<vmem>>, vector<16xf32>,
          %get3A_182 = arith.index_cast %scan3A_173 : i32 to index
          %get3A_183 = arith.constant 48 : index
          %get3A_184 = tpu.vector_load %arg17[%get3A_182, %get3A_183] {strides = array<i32>} : memref<48x128xf32, #tpu.memory_space<vmem>>, vector<16xf32>,
          %get3A_185 = arith.index_cast %scan3A_173 : i32 to index
          %get3A_186 = arith.constant 64 : index
          %get3A_187 = tpu.vector_load %arg17[%get3A_185, %get3A_186] {strides = array<i32>} : memref<48x128xf32, #tpu.memory_space<vmem>>, vector<16xf32>,
          %get3A_188 = arith.index_cast %scan3A_173 : i32 to index
          %get3A_189 = arith.constant 80 : index
          %get3A_190 = tpu.vector_load %arg17[%get3A_188, %get3A_189] {strides = array<i32>} : memref<48x128xf32, #tpu.memory_space<vmem>>, vector<16xf32>,
          %get3A_191 = arith.index_cast %scan3A_173 : i32 to index
          %get3A_192 = arith.constant 96 : index
          %get3A_193 = tpu.vector_load %arg17[%get3A_191, %get3A_192] {strides = array<i32>} : memref<48x128xf32, #tpu.memory_space<vmem>>, vector<16xf32>,
          %get3A_194 = arith.index_cast %scan3A_173 : i32 to index
          %get3A_195 = arith.constant 112 : index
          %get3A_196 = tpu.vector_load %arg17[%get3A_194, %get3A_195] {strides = array<i32>} : memref<48x128xf32, #tpu.memory_space<vmem>>, vector<16xf32>,
          %get3A_197 = arith.index_cast %scan3A_173 : i32 to index
          %get3A_198 = arith.constant 0 : index
          %get3A_199 = tpu.vector_load %arg20[%get3A_197, %get3A_198] {strides = array<i32>} : memref<48x128xf32, #tpu.memory_space<vmem>>, vector<16xf32>,
          %get3A_200 = arith.index_cast %scan3A_173 : i32 to index
          %get3A_201 = arith.constant 16 : index
          %get3A_202 = tpu.vector_load %arg20[%get3A_200, %get3A_201] {strides = array<i32>} : memref<48x128xf32, #tpu.memory_space<vmem>>, vector<16xf32>,
          %get3A_203 = arith.index_cast %scan3A_173 : i32 to index
          %get3A_204 = arith.constant 32 : index
          %get3A_205 = tpu.vector_load %arg20[%get3A_203, %get3A_204] {strides = array<i32>} : memref<48x128xf32, #tpu.memory_space<vmem>>, vector<16xf32>,
          %get3A_206 = arith.index_cast %scan3A_173 : i32 to index
          %get3A_207 = arith.constant 48 : index
          %get3A_208 = tpu.vector_load %arg20[%get3A_206, %get3A_207] {strides = array<i32>} : memref<48x128xf32, #tpu.memory_space<vmem>>, vector<16xf32>,
          %get3A_209 = arith.index_cast %scan3A_173 : i32 to index
          %get3A_210 = arith.constant 64 : index
          %get3A_211 = tpu.vector_load %arg20[%get3A_209, %get3A_210] {strides = array<i32>} : memref<48x128xf32, #tpu.memory_space<vmem>>, vector<16xf32>,
          %get3A_212 = arith.index_cast %scan3A_173 : i32 to index
          %get3A_213 = arith.constant 80 : index
          %get3A_214 = tpu.vector_load %arg20[%get3A_212, %get3A_213] {strides = array<i32>} : memref<48x128xf32, #tpu.memory_space<vmem>>, vector<16xf32>,
          %get3A_215 = arith.index_cast %scan3A_173 : i32 to index
          %get3A_216 = arith.constant 96 : index
          %get3A_217 = tpu.vector_load %arg20[%get3A_215, %get3A_216] {strides = array<i32>} : memref<48x128xf32, #tpu.memory_space<vmem>>, vector<16xf32>,
          %get3A_218 = arith.index_cast %scan3A_173 : i32 to index
          %get3A_219 = arith.constant 112 : index
          %get3A_220 = tpu.vector_load %arg20[%get3A_218, %get3A_219] {strides = array<i32>} : memref<48x128xf32, #tpu.memory_space<vmem>>, vector<16xf32>,
          %mul3A_221 = arith.mulf %get3A_175, %get3A_199 : vector<16xf32>
          %mul3A_222 = arith.mulf %get3A_178, %get3A_202 : vector<16xf32>
          %add3A_223 = arith.addf %mul3A_221, %mul3A_222 : vector<16xf32>
          %mul3A_224 = arith.mulf %get3A_181, %get3A_205 : vector<16xf32>
          %add3A_225 = arith.addf %add3A_223, %mul3A_224 : vector<16xf32>
          %mul3A_226 = arith.mulf %get3A_184, %get3A_208 : vector<16xf32>
          %add3A_227 = arith.addf %add3A_225, %mul3A_226 : vector<16xf32>
          %mul3A_228 = arith.mulf %get3A_187, %get3A_211 : vector<16xf32>
          %add3A_229 = arith.addf %add3A_227, %mul3A_228 : vector<16xf32>
          %mul3A_230 = arith.mulf %get3A_190, %get3A_214 : vector<16xf32>
          %add3A_231 = arith.addf %add3A_229, %mul3A_230 : vector<16xf32>
          %mul3A_232 = arith.mulf %get3A_193, %get3A_217 : vector<16xf32>
          %add3A_233 = arith.addf %add3A_231, %mul3A_232 : vector<16xf32>
          %mul3A_234 = arith.mulf %get3A_196, %get3A_220 : vector<16xf32>
          %add3A_235 = arith.addf %add3A_233, %mul3A_234 : vector<16xf32>
          %broadcast_in_dim3A_236 = vector.shape_cast %and3A_12 : vector<16xi32> to vector<16x1xi32>
          %gather3A = vector.shape_cast %broadcast_in_dim3A_236 : vector<16x1xi32> to vector<16xi32>
          %gather3A_237 = tpu.dynamic_gather %add3A_235[%gather3A] in [0] : vector<16xf32>, vector<16xi32> -> vector<16xf32>
          %add3A_238 = arith.addf %add3A_235, %gather3A_237 : vector<16xf32>
          %broadcast_in_dim3A_239 = vector.shape_cast %and3A_18 : vector<16xi32> to vector<16x1xi32>
          %gather3A_240 = vector.shape_cast %broadcast_in_dim3A_239 : vector<16x1xi32> to vector<16xi32>
          %gather3A_241 = tpu.dynamic_gather %add3A_238[%gather3A_240] in [0] : vector<16xf32>, vector<16xi32> -> vector<16xf32>
          %add3A_242 = arith.addf %add3A_238, %gather3A_241 : vector<16xf32>
          %broadcast_in_dim3A_243 = vector.shape_cast %and3A_24 : vector<16xi32> to vector<16x1xi32>
          %gather3A_244 = vector.shape_cast %broadcast_in_dim3A_243 : vector<16x1xi32> to vector<16xi32>
          %gather3A_245 = tpu.dynamic_gather %add3A_242[%gather3A_244] in [0] : vector<16xf32>, vector<16xi32> -> vector<16xf32>
          %add3A_246 = arith.addf %add3A_242, %gather3A_245 : vector<16xf32>
          %broadcast_in_dim3A_247 = vector.shape_cast %and3A_30 : vector<16xi32> to vector<16x1xi32>
          %gather3A_248 = vector.shape_cast %broadcast_in_dim3A_247 : vector<16x1xi32> to vector<16xi32>
          %gather3A_249 = tpu.dynamic_gather %add3A_246[%gather3A_248] in [0] : vector<16xf32>, vector<16xi32> -> vector<16xf32>
          %add3A_250 = arith.addf %add3A_246, %gather3A_249 : vector<16xf32>
          %mul3A_251 = arith.constant 2.000000e-01 : f32
          %mul3A_252 = vector.broadcast %mul3A_251 : f32 to vector<16xf32>
          %mul3A_253 = arith.mulf %mul3A_252, %add3A_250 : vector<16xf32>
          %max3A = arith.maximumf %add3A_250, %mul3A_253 : vector<16xf32>
          %neg3A = arith.constant 0.000000e+00 : f32
          %neg3A_254 = vector.broadcast %neg3A : f32 to vector<16xf32>
          %neg3A_255 = arith.subf %neg3A_254, %max3A : vector<16xf32>
          %exp3A = math.exp %neg3A_255 : vector<16xf32>
          %mul3A_256 = arith.mulf %get3A_199, %exp3A : vector<16xf32>
          %swap3A = arith.index_cast %scan3A_173 : i32 to index
          %swap3A_257 = arith.constant 0 : index
          %swap3A_258 = tpu.vector_load %arg20[%swap3A, %swap3A_257] {strides = array<i32>} : memref<48x128xf32, #tpu.memory_space<vmem>>, vector<16xf32>,
          tpu.vector_store %arg20[%swap3A, %swap3A_257], %mul3A_256 {strides = array<i32>} : memref<48x128xf32, #tpu.memory_space<vmem>>, vector<16xf32>,
          %mul3A_259 = arith.mulf %get3A_202, %exp3A : vector<16xf32>
          %swap3A_260 = arith.index_cast %scan3A_173 : i32 to index
          %swap3A_261 = arith.constant 16 : index
          %swap3A_262 = tpu.vector_load %arg20[%swap3A_260, %swap3A_261] {strides = array<i32>} : memref<48x128xf32, #tpu.memory_space<vmem>>, vector<16xf32>,
          tpu.vector_store %arg20[%swap3A_260, %swap3A_261], %mul3A_259 {strides = array<i32>} : memref<48x128xf32, #tpu.memory_space<vmem>>, vector<16xf32>,
          %mul3A_263 = arith.mulf %get3A_205, %exp3A : vector<16xf32>
          %swap3A_264 = arith.index_cast %scan3A_173 : i32 to index
          %swap3A_265 = arith.constant 32 : index
          %swap3A_266 = tpu.vector_load %arg20[%swap3A_264, %swap3A_265] {strides = array<i32>} : memref<48x128xf32, #tpu.memory_space<vmem>>, vector<16xf32>,
          tpu.vector_store %arg20[%swap3A_264, %swap3A_265], %mul3A_263 {strides = array<i32>} : memref<48x128xf32, #tpu.memory_space<vmem>>, vector<16xf32>,
          %mul3A_267 = arith.mulf %get3A_208, %exp3A : vector<16xf32>
          %swap3A_268 = arith.index_cast %scan3A_173 : i32 to index
          %swap3A_269 = arith.constant 48 : index
          %swap3A_270 = tpu.vector_load %arg20[%swap3A_268, %swap3A_269] {strides = array<i32>} : memref<48x128xf32, #tpu.memory_space<vmem>>, vector<16xf32>,
          tpu.vector_store %arg20[%swap3A_268, %swap3A_269], %mul3A_267 {strides = array<i32>} : memref<48x128xf32, #tpu.memory_space<vmem>>, vector<16xf32>,
          %mul3A_271 = arith.mulf %get3A_211, %exp3A : vector<16xf32>
          %swap3A_272 = arith.index_cast %scan3A_173 : i32 to index
          %swap3A_273 = arith.constant 64 : index
          %swap3A_274 = tpu.vector_load %arg20[%swap3A_272, %swap3A_273] {strides = array<i32>} : memref<48x128xf32, #tpu.memory_space<vmem>>, vector<16xf32>,
          tpu.vector_store %arg20[%swap3A_272, %swap3A_273], %mul3A_271 {strides = array<i32>} : memref<48x128xf32, #tpu.memory_space<vmem>>, vector<16xf32>,
          %mul3A_275 = arith.mulf %get3A_214, %exp3A : vector<16xf32>
          %swap3A_276 = arith.index_cast %scan3A_173 : i32 to index
          %swap3A_277 = arith.constant 80 : index
          %swap3A_278 = tpu.vector_load %arg20[%swap3A_276, %swap3A_277] {strides = array<i32>} : memref<48x128xf32, #tpu.memory_space<vmem>>, vector<16xf32>,
          tpu.vector_store %arg20[%swap3A_276, %swap3A_277], %mul3A_275 {strides = array<i32>} : memref<48x128xf32, #tpu.memory_space<vmem>>, vector<16xf32>,
          %mul3A_279 = arith.mulf %get3A_217, %exp3A : vector<16xf32>
          %swap3A_280 = arith.index_cast %scan3A_173 : i32 to index
          %swap3A_281 = arith.constant 96 : index
          %swap3A_282 = tpu.vector_load %arg20[%swap3A_280, %swap3A_281] {strides = array<i32>} : memref<48x128xf32, #tpu.memory_space<vmem>>, vector<16xf32>,
          tpu.vector_store %arg20[%swap3A_280, %swap3A_281], %mul3A_279 {strides = array<i32>} : memref<48x128xf32, #tpu.memory_space<vmem>>, vector<16xf32>,
          %mul3A_283 = arith.mulf %get3A_220, %exp3A : vector<16xf32>
          %swap3A_284 = arith.index_cast %scan3A_173 : i32 to index
          %swap3A_285 = arith.constant 112 : index
          %swap3A_286 = tpu.vector_load %arg20[%swap3A_284, %swap3A_285] {strides = array<i32>} : memref<48x128xf32, #tpu.memory_space<vmem>>, vector<16xf32>,
          tpu.vector_store %arg20[%swap3A_284, %swap3A_285], %mul3A_283 {strides = array<i32>} : memref<48x128xf32, #tpu.memory_space<vmem>>, vector<16xf32>,
          %broadcast_in_dim3A_287 = vector.broadcast %scan3A_173 : i32 to vector<16xi32>
          %gather3A_288 = tpu.vector_load_idx %arg11[%broadcast_in_dim3A_287] : memref<48xi32, #tpu.memory_space<vmem>>[vector<16xi32>], vector<16xi32>,
          tpu.vector_store_idx %arg21[%gather3A_288], %exp3A masked %eq3A_7 {add = true} : memref<10240xf32, #tpu.memory_space<vmem>>[vector<16xi32>], vector<16xf32>, vector<16xi1>
          %scan3A_289 = arith.constant 1 : i32
          %scan3A_290 = arith.addi %scan3A_173, %scan3A_289 : i32
          %get3A_291 = arith.index_cast %scan3A_290 : i32 to index
          %get3A_292 = arith.constant 0 : index
          %get3A_293 = tpu.vector_load %arg17[%get3A_291, %get3A_292] {strides = array<i32>} : memref<48x128xf32, #tpu.memory_space<vmem>>, vector<16xf32>,
          %get3A_294 = arith.index_cast %scan3A_290 : i32 to index
          %get3A_295 = arith.constant 16 : index
          %get3A_296 = tpu.vector_load %arg17[%get3A_294, %get3A_295] {strides = array<i32>} : memref<48x128xf32, #tpu.memory_space<vmem>>, vector<16xf32>,
          %get3A_297 = arith.index_cast %scan3A_290 : i32 to index
          %get3A_298 = arith.constant 32 : index
          %get3A_299 = tpu.vector_load %arg17[%get3A_297, %get3A_298] {strides = array<i32>} : memref<48x128xf32, #tpu.memory_space<vmem>>, vector<16xf32>,
          %get3A_300 = arith.index_cast %scan3A_290 : i32 to index
          %get3A_301 = arith.constant 48 : index
          %get3A_302 = tpu.vector_load %arg17[%get3A_300, %get3A_301] {strides = array<i32>} : memref<48x128xf32, #tpu.memory_space<vmem>>, vector<16xf32>,
          %get3A_303 = arith.index_cast %scan3A_290 : i32 to index
          %get3A_304 = arith.constant 64 : index
          %get3A_305 = tpu.vector_load %arg17[%get3A_303, %get3A_304] {strides = array<i32>} : memref<48x128xf32, #tpu.memory_space<vmem>>, vector<16xf32>,
          %get3A_306 = arith.index_cast %scan3A_290 : i32 to index
          %get3A_307 = arith.constant 80 : index
          %get3A_308 = tpu.vector_load %arg17[%get3A_306, %get3A_307] {strides = array<i32>} : memref<48x128xf32, #tpu.memory_space<vmem>>, vector<16xf32>,
          %get3A_309 = arith.index_cast %scan3A_290 : i32 to index
          %get3A_310 = arith.constant 96 : index
          %get3A_311 = tpu.vector_load %arg17[%get3A_309, %get3A_310] {strides = array<i32>} : memref<48x128xf32, #tpu.memory_space<vmem>>, vector<16xf32>,
          %get3A_312 = arith.index_cast %scan3A_290 : i32 to index
          %get3A_313 = arith.constant 112 : index
          %get3A_314 = tpu.vector_load %arg17[%get3A_312, %get3A_313] {strides = array<i32>} : memref<48x128xf32, #tpu.memory_space<vmem>>, vector<16xf32>,
          %get3A_315 = arith.index_cast %scan3A_290 : i32 to index
          %get3A_316 = arith.constant 0 : index
          %get3A_317 = tpu.vector_load %arg20[%get3A_315, %get3A_316] {strides = array<i32>} : memref<48x128xf32, #tpu.memory_space<vmem>>, vector<16xf32>,
          %get3A_318 = arith.index_cast %scan3A_290 : i32 to index
          %get3A_319 = arith.constant 16 : index
          %get3A_320 = tpu.vector_load %arg20[%get3A_318, %get3A_319] {strides = array<i32>} : memref<48x128xf32, #tpu.memory_space<vmem>>, vector<16xf32>,
          %get3A_321 = arith.index_cast %scan3A_290 : i32 to index
          %get3A_322 = arith.constant 32 : index
          %get3A_323 = tpu.vector_load %arg20[%get3A_321, %get3A_322] {strides = array<i32>} : memref<48x128xf32, #tpu.memory_space<vmem>>, vector<16xf32>,
          %get3A_324 = arith.index_cast %scan3A_290 : i32 to index
          %get3A_325 = arith.constant 48 : index
          %get3A_326 = tpu.vector_load %arg20[%get3A_324, %get3A_325] {strides = array<i32>} : memref<48x128xf32, #tpu.memory_space<vmem>>, vector<16xf32>,
          %get3A_327 = arith.index_cast %scan3A_290 : i32 to index
          %get3A_328 = arith.constant 64 : index
          %get3A_329 = tpu.vector_load %arg20[%get3A_327, %get3A_328] {strides = array<i32>} : memref<48x128xf32, #tpu.memory_space<vmem>>, vector<16xf32>,
          %get3A_330 = arith.index_cast %scan3A_290 : i32 to index
          %get3A_331 = arith.constant 80 : index
          %get3A_332 = tpu.vector_load %arg20[%get3A_330, %get3A_331] {strides = array<i32>} : memref<48x128xf32, #tpu.memory_space<vmem>>, vector<16xf32>,
          %get3A_333 = arith.index_cast %scan3A_290 : i32 to index
          %get3A_334 = arith.constant 96 : index
          %get3A_335 = tpu.vector_load %arg20[%get3A_333, %get3A_334] {strides = array<i32>} : memref<48x128xf32, #tpu.memory_space<vmem>>, vector<16xf32>,
          %get3A_336 = arith.index_cast %scan3A_290 : i32 to index
          %get3A_337 = arith.constant 112 : index
          %get3A_338 = tpu.vector_load %arg20[%get3A_336, %get3A_337] {strides = array<i32>} : memref<48x128xf32, #tpu.memory_space<vmem>>, vector<16xf32>,
          %mul3A_339 = arith.mulf %get3A_293, %get3A_317 : vector<16xf32>
          %mul3A_340 = arith.mulf %get3A_296, %get3A_320 : vector<16xf32>
          %add3A_341 = arith.addf %mul3A_339, %mul3A_340 : vector<16xf32>
          %mul3A_342 = arith.mulf %get3A_299, %get3A_323 : vector<16xf32>
          %add3A_343 = arith.addf %add3A_341, %mul3A_342 : vector<16xf32>
          %mul3A_344 = arith.mulf %get3A_302, %get3A_326 : vector<16xf32>
          %add3A_345 = arith.addf %add3A_343, %mul3A_344 : vector<16xf32>
          %mul3A_346 = arith.mulf %get3A_305, %get3A_329 : vector<16xf32>
          %add3A_347 = arith.addf %add3A_345, %mul3A_346 : vector<16xf32>
          %mul3A_348 = arith.mulf %get3A_308, %get3A_332 : vector<16xf32>
          %add3A_349 = arith.addf %add3A_347, %mul3A_348 : vector<16xf32>
          %mul3A_350 = arith.mulf %get3A_311, %get3A_335 : vector<16xf32>
          %add3A_351 = arith.addf %add3A_349, %mul3A_350 : vector<16xf32>
          %mul3A_352 = arith.mulf %get3A_314, %get3A_338 : vector<16xf32>
          %add3A_353 = arith.addf %add3A_351, %mul3A_352 : vector<16xf32>
          %broadcast_in_dim3A_354 = vector.shape_cast %and3A_12 : vector<16xi32> to vector<16x1xi32>
          %gather3A_355 = vector.shape_cast %broadcast_in_dim3A_354 : vector<16x1xi32> to vector<16xi32>
          %gather3A_356 = tpu.dynamic_gather %add3A_353[%gather3A_355] in [0] : vector<16xf32>, vector<16xi32> -> vector<16xf32>
          %add3A_357 = arith.addf %add3A_353, %gather3A_356 : vector<16xf32>
          %broadcast_in_dim3A_358 = vector.shape_cast %and3A_18 : vector<16xi32> to vector<16x1xi32>
          %gather3A_359 = vector.shape_cast %broadcast_in_dim3A_358 : vector<16x1xi32> to vector<16xi32>
          %gather3A_360 = tpu.dynamic_gather %add3A_357[%gather3A_359] in [0] : vector<16xf32>, vector<16xi32> -> vector<16xf32>
          %add3A_361 = arith.addf %add3A_357, %gather3A_360 : vector<16xf32>
          %broadcast_in_dim3A_362 = vector.shape_cast %and3A_24 : vector<16xi32> to vector<16x1xi32>
          %gather3A_363 = vector.shape_cast %broadcast_in_dim3A_362 : vector<16x1xi32> to vector<16xi32>
          %gather3A_364 = tpu.dynamic_gather %add3A_361[%gather3A_363] in [0] : vector<16xf32>, vector<16xi32> -> vector<16xf32>
          %add3A_365 = arith.addf %add3A_361, %gather3A_364 : vector<16xf32>
          %broadcast_in_dim3A_366 = vector.shape_cast %and3A_30 : vector<16xi32> to vector<16x1xi32>
          %gather3A_367 = vector.shape_cast %broadcast_in_dim3A_366 : vector<16x1xi32> to vector<16xi32>
          %gather3A_368 = tpu.dynamic_gather %add3A_365[%gather3A_367] in [0] : vector<16xf32>, vector<16xi32> -> vector<16xf32>
          %add3A_369 = arith.addf %add3A_365, %gather3A_368 : vector<16xf32>
          %mul3A_370 = arith.constant 2.000000e-01 : f32
          %mul3A_371 = vector.broadcast %mul3A_370 : f32 to vector<16xf32>
          %mul3A_372 = arith.mulf %mul3A_371, %add3A_369 : vector<16xf32>
          %max3A_373 = arith.maximumf %add3A_369, %mul3A_372 : vector<16xf32>
          %neg3A_374 = arith.constant 0.000000e+00 : f32
          %neg3A_375 = vector.broadcast %neg3A_374 : f32 to vector<16xf32>
          %neg3A_376 = arith.subf %neg3A_375, %max3A_373 : vector<16xf32>
          %exp3A_377 = math.exp %neg3A_376 : vector<16xf32>
          %mul3A_378 = arith.mulf %get3A_317, %exp3A_377 : vector<16xf32>
          %swap3A_379 = arith.index_cast %scan3A_290 : i32 to index
          %swap3A_380 = arith.constant 0 : index
          %swap3A_381 = tpu.vector_load %arg20[%swap3A_379, %swap3A_380] {strides = array<i32>} : memref<48x128xf32, #tpu.memory_space<vmem>>, vector<16xf32>,
          tpu.vector_store %arg20[%swap3A_379, %swap3A_380], %mul3A_378 {strides = array<i32>} : memref<48x128xf32, #tpu.memory_space<vmem>>, vector<16xf32>,
          %mul3A_382 = arith.mulf %get3A_320, %exp3A_377 : vector<16xf32>
          %swap3A_383 = arith.index_cast %scan3A_290 : i32 to index
          %swap3A_384 = arith.constant 16 : index
          %swap3A_385 = tpu.vector_load %arg20[%swap3A_383, %swap3A_384] {strides = array<i32>} : memref<48x128xf32, #tpu.memory_space<vmem>>, vector<16xf32>,
          tpu.vector_store %arg20[%swap3A_383, %swap3A_384], %mul3A_382 {strides = array<i32>} : memref<48x128xf32, #tpu.memory_space<vmem>>, vector<16xf32>,
          %mul3A_386 = arith.mulf %get3A_323, %exp3A_377 : vector<16xf32>
          %swap3A_387 = arith.index_cast %scan3A_290 : i32 to index
          %swap3A_388 = arith.constant 32 : index
          %swap3A_389 = tpu.vector_load %arg20[%swap3A_387, %swap3A_388] {strides = array<i32>} : memref<48x128xf32, #tpu.memory_space<vmem>>, vector<16xf32>,
          tpu.vector_store %arg20[%swap3A_387, %swap3A_388], %mul3A_386 {strides = array<i32>} : memref<48x128xf32, #tpu.memory_space<vmem>>, vector<16xf32>,
          %mul3A_390 = arith.mulf %get3A_326, %exp3A_377 : vector<16xf32>
          %swap3A_391 = arith.index_cast %scan3A_290 : i32 to index
          %swap3A_392 = arith.constant 48 : index
          %swap3A_393 = tpu.vector_load %arg20[%swap3A_391, %swap3A_392] {strides = array<i32>} : memref<48x128xf32, #tpu.memory_space<vmem>>, vector<16xf32>,
          tpu.vector_store %arg20[%swap3A_391, %swap3A_392], %mul3A_390 {strides = array<i32>} : memref<48x128xf32, #tpu.memory_space<vmem>>, vector<16xf32>,
          %mul3A_394 = arith.mulf %get3A_329, %exp3A_377 : vector<16xf32>
          %swap3A_395 = arith.index_cast %scan3A_290 : i32 to index
          %swap3A_396 = arith.constant 64 : index
          %swap3A_397 = tpu.vector_load %arg20[%swap3A_395, %swap3A_396] {strides = array<i32>} : memref<48x128xf32, #tpu.memory_space<vmem>>, vector<16xf32>,
          tpu.vector_store %arg20[%swap3A_395, %swap3A_396], %mul3A_394 {strides = array<i32>} : memref<48x128xf32, #tpu.memory_space<vmem>>, vector<16xf32>,
          %mul3A_398 = arith.mulf %get3A_332, %exp3A_377 : vector<16xf32>
          %swap3A_399 = arith.index_cast %scan3A_290 : i32 to index
          %swap3A_400 = arith.constant 80 : index
          %swap3A_401 = tpu.vector_load %arg20[%swap3A_399, %swap3A_400] {strides = array<i32>} : memref<48x128xf32, #tpu.memory_space<vmem>>, vector<16xf32>,
          tpu.vector_store %arg20[%swap3A_399, %swap3A_400], %mul3A_398 {strides = array<i32>} : memref<48x128xf32, #tpu.memory_space<vmem>>, vector<16xf32>,
          %mul3A_402 = arith.mulf %get3A_335, %exp3A_377 : vector<16xf32>
          %swap3A_403 = arith.index_cast %scan3A_290 : i32 to index
          %swap3A_404 = arith.constant 96 : index
          %swap3A_405 = tpu.vector_load %arg20[%swap3A_403, %swap3A_404] {strides = array<i32>} : memref<48x128xf32, #tpu.memory_space<vmem>>, vector<16xf32>,
          tpu.vector_store %arg20[%swap3A_403, %swap3A_404], %mul3A_402 {strides = array<i32>} : memref<48x128xf32, #tpu.memory_space<vmem>>, vector<16xf32>,
          %mul3A_406 = arith.mulf %get3A_338, %exp3A_377 : vector<16xf32>
          %swap3A_407 = arith.index_cast %scan3A_290 : i32 to index
          %swap3A_408 = arith.constant 112 : index
          %swap3A_409 = tpu.vector_load %arg20[%swap3A_407, %swap3A_408] {strides = array<i32>} : memref<48x128xf32, #tpu.memory_space<vmem>>, vector<16xf32>,
          tpu.vector_store %arg20[%swap3A_407, %swap3A_408], %mul3A_406 {strides = array<i32>} : memref<48x128xf32, #tpu.memory_space<vmem>>, vector<16xf32>,
          %broadcast_in_dim3A_410 = vector.broadcast %scan3A_290 : i32 to vector<16xi32>
          %gather3A_411 = tpu.vector_load_idx %arg11[%broadcast_in_dim3A_410] : memref<48xi32, #tpu.memory_space<vmem>>[vector<16xi32>], vector<16xi32>,
          tpu.vector_store_idx %arg21[%gather3A_411], %exp3A_377 masked %eq3A_7 {add = true} : memref<10240xf32, #tpu.memory_space<vmem>>[vector<16xi32>], vector<16xf32>, vector<16xi1>
          %scan3A_412 = arith.constant 2 : i32
          %scan3A_413 = arith.addi %scan3A_173, %scan3A_412 : i32
          %get3A_414 = arith.index_cast %scan3A_413 : i32 to index
          %get3A_415 = arith.constant 0 : index
          %get3A_416 = tpu.vector_load %arg17[%get3A_414, %get3A_415] {strides = array<i32>} : memref<48x128xf32, #tpu.memory_space<vmem>>, vector<16xf32>,
          %get3A_417 = arith.index_cast %scan3A_413 : i32 to index
          %get3A_418 = arith.constant 16 : index
          %get3A_419 = tpu.vector_load %arg17[%get3A_417, %get3A_418] {strides = array<i32>} : memref<48x128xf32, #tpu.memory_space<vmem>>, vector<16xf32>,
          %get3A_420 = arith.index_cast %scan3A_413 : i32 to index
          %get3A_421 = arith.constant 32 : index
          %get3A_422 = tpu.vector_load %arg17[%get3A_420, %get3A_421] {strides = array<i32>} : memref<48x128xf32, #tpu.memory_space<vmem>>, vector<16xf32>,
          %get3A_423 = arith.index_cast %scan3A_413 : i32 to index
          %get3A_424 = arith.constant 48 : index
          %get3A_425 = tpu.vector_load %arg17[%get3A_423, %get3A_424] {strides = array<i32>} : memref<48x128xf32, #tpu.memory_space<vmem>>, vector<16xf32>,
          %get3A_426 = arith.index_cast %scan3A_413 : i32 to index
          %get3A_427 = arith.constant 64 : index
          %get3A_428 = tpu.vector_load %arg17[%get3A_426, %get3A_427] {strides = array<i32>} : memref<48x128xf32, #tpu.memory_space<vmem>>, vector<16xf32>,
          %get3A_429 = arith.index_cast %scan3A_413 : i32 to index
          %get3A_430 = arith.constant 80 : index
          %get3A_431 = tpu.vector_load %arg17[%get3A_429, %get3A_430] {strides = array<i32>} : memref<48x128xf32, #tpu.memory_space<vmem>>, vector<16xf32>,
          %get3A_432 = arith.index_cast %scan3A_413 : i32 to index
          %get3A_433 = arith.constant 96 : index
          %get3A_434 = tpu.vector_load %arg17[%get3A_432, %get3A_433] {strides = array<i32>} : memref<48x128xf32, #tpu.memory_space<vmem>>, vector<16xf32>,
          %get3A_435 = arith.index_cast %scan3A_413 : i32 to index
          %get3A_436 = arith.constant 112 : index
          %get3A_437 = tpu.vector_load %arg17[%get3A_435, %get3A_436] {strides = array<i32>} : memref<48x128xf32, #tpu.memory_space<vmem>>, vector<16xf32>,
          %get3A_438 = arith.index_cast %scan3A_413 : i32 to index
          %get3A_439 = arith.constant 0 : index
          %get3A_440 = tpu.vector_load %arg20[%get3A_438, %get3A_439] {strides = array<i32>} : memref<48x128xf32, #tpu.memory_space<vmem>>, vector<16xf32>,
          %get3A_441 = arith.index_cast %scan3A_413 : i32 to index
          %get3A_442 = arith.constant 16 : index
          %get3A_443 = tpu.vector_load %arg20[%get3A_441, %get3A_442] {strides = array<i32>} : memref<48x128xf32, #tpu.memory_space<vmem>>, vector<16xf32>,
          %get3A_444 = arith.index_cast %scan3A_413 : i32 to index
          %get3A_445 = arith.constant 32 : index
          %get3A_446 = tpu.vector_load %arg20[%get3A_444, %get3A_445] {strides = array<i32>} : memref<48x128xf32, #tpu.memory_space<vmem>>, vector<16xf32>,
          %get3A_447 = arith.index_cast %scan3A_413 : i32 to index
          %get3A_448 = arith.constant 48 : index
          %get3A_449 = tpu.vector_load %arg20[%get3A_447, %get3A_448] {strides = array<i32>} : memref<48x128xf32, #tpu.memory_space<vmem>>, vector<16xf32>,
          %get3A_450 = arith.index_cast %scan3A_413 : i32 to index
          %get3A_451 = arith.constant 64 : index
          %get3A_452 = tpu.vector_load %arg20[%get3A_450, %get3A_451] {strides = array<i32>} : memref<48x128xf32, #tpu.memory_space<vmem>>, vector<16xf32>,
          %get3A_453 = arith.index_cast %scan3A_413 : i32 to index
          %get3A_454 = arith.constant 80 : index
          %get3A_455 = tpu.vector_load %arg20[%get3A_453, %get3A_454] {strides = array<i32>} : memref<48x128xf32, #tpu.memory_space<vmem>>, vector<16xf32>,
          %get3A_456 = arith.index_cast %scan3A_413 : i32 to index
          %get3A_457 = arith.constant 96 : index
          %get3A_458 = tpu.vector_load %arg20[%get3A_456, %get3A_457] {strides = array<i32>} : memref<48x128xf32, #tpu.memory_space<vmem>>, vector<16xf32>,
          %get3A_459 = arith.index_cast %scan3A_413 : i32 to index
          %get3A_460 = arith.constant 112 : index
          %get3A_461 = tpu.vector_load %arg20[%get3A_459, %get3A_460] {strides = array<i32>} : memref<48x128xf32, #tpu.memory_space<vmem>>, vector<16xf32>,
          %mul3A_462 = arith.mulf %get3A_416, %get3A_440 : vector<16xf32>
          %mul3A_463 = arith.mulf %get3A_419, %get3A_443 : vector<16xf32>
          %add3A_464 = arith.addf %mul3A_462, %mul3A_463 : vector<16xf32>
          %mul3A_465 = arith.mulf %get3A_422, %get3A_446 : vector<16xf32>
          %add3A_466 = arith.addf %add3A_464, %mul3A_465 : vector<16xf32>
          %mul3A_467 = arith.mulf %get3A_425, %get3A_449 : vector<16xf32>
          %add3A_468 = arith.addf %add3A_466, %mul3A_467 : vector<16xf32>
          %mul3A_469 = arith.mulf %get3A_428, %get3A_452 : vector<16xf32>
          %add3A_470 = arith.addf %add3A_468, %mul3A_469 : vector<16xf32>
          %mul3A_471 = arith.mulf %get3A_431, %get3A_455 : vector<16xf32>
          %add3A_472 = arith.addf %add3A_470, %mul3A_471 : vector<16xf32>
          %mul3A_473 = arith.mulf %get3A_434, %get3A_458 : vector<16xf32>
          %add3A_474 = arith.addf %add3A_472, %mul3A_473 : vector<16xf32>
          %mul3A_475 = arith.mulf %get3A_437, %get3A_461 : vector<16xf32>
          %add3A_476 = arith.addf %add3A_474, %mul3A_475 : vector<16xf32>
          %broadcast_in_dim3A_477 = vector.shape_cast %and3A_12 : vector<16xi32> to vector<16x1xi32>
          %gather3A_478 = vector.shape_cast %broadcast_in_dim3A_477 : vector<16x1xi32> to vector<16xi32>
          %gather3A_479 = tpu.dynamic_gather %add3A_476[%gather3A_478] in [0] : vector<16xf32>, vector<16xi32> -> vector<16xf32>
          %add3A_480 = arith.addf %add3A_476, %gather3A_479 : vector<16xf32>
          %broadcast_in_dim3A_481 = vector.shape_cast %and3A_18 : vector<16xi32> to vector<16x1xi32>
          %gather3A_482 = vector.shape_cast %broadcast_in_dim3A_481 : vector<16x1xi32> to vector<16xi32>
          %gather3A_483 = tpu.dynamic_gather %add3A_480[%gather3A_482] in [0] : vector<16xf32>, vector<16xi32> -> vector<16xf32>
          %add3A_484 = arith.addf %add3A_480, %gather3A_483 : vector<16xf32>
          %broadcast_in_dim3A_485 = vector.shape_cast %and3A_24 : vector<16xi32> to vector<16x1xi32>
          %gather3A_486 = vector.shape_cast %broadcast_in_dim3A_485 : vector<16x1xi32> to vector<16xi32>
          %gather3A_487 = tpu.dynamic_gather %add3A_484[%gather3A_486] in [0] : vector<16xf32>, vector<16xi32> -> vector<16xf32>
          %add3A_488 = arith.addf %add3A_484, %gather3A_487 : vector<16xf32>
          %broadcast_in_dim3A_489 = vector.shape_cast %and3A_30 : vector<16xi32> to vector<16x1xi32>
          %gather3A_490 = vector.shape_cast %broadcast_in_dim3A_489 : vector<16x1xi32> to vector<16xi32>
          %gather3A_491 = tpu.dynamic_gather %add3A_488[%gather3A_490] in [0] : vector<16xf32>, vector<16xi32> -> vector<16xf32>
          %add3A_492 = arith.addf %add3A_488, %gather3A_491 : vector<16xf32>
          %mul3A_493 = arith.constant 2.000000e-01 : f32
          %mul3A_494 = vector.broadcast %mul3A_493 : f32 to vector<16xf32>
          %mul3A_495 = arith.mulf %mul3A_494, %add3A_492 : vector<16xf32>
          %max3A_496 = arith.maximumf %add3A_492, %mul3A_495 : vector<16xf32>
          %neg3A_497 = arith.constant 0.000000e+00 : f32
          %neg3A_498 = vector.broadcast %neg3A_497 : f32 to vector<16xf32>
          %neg3A_499 = arith.subf %neg3A_498, %max3A_496 : vector<16xf32>
          %exp3A_500 = math.exp %neg3A_499 : vector<16xf32>
          %mul3A_501 = arith.mulf %get3A_440, %exp3A_500 : vector<16xf32>
          %swap3A_502 = arith.index_cast %scan3A_413 : i32 to index
          %swap3A_503 = arith.constant 0 : index
          %swap3A_504 = tpu.vector_load %arg20[%swap3A_502, %swap3A_503] {strides = array<i32>} : memref<48x128xf32, #tpu.memory_space<vmem>>, vector<16xf32>,
          tpu.vector_store %arg20[%swap3A_502, %swap3A_503], %mul3A_501 {strides = array<i32>} : memref<48x128xf32, #tpu.memory_space<vmem>>, vector<16xf32>,
          %mul3A_505 = arith.mulf %get3A_443, %exp3A_500 : vector<16xf32>
          %swap3A_506 = arith.index_cast %scan3A_413 : i32 to index
          %swap3A_507 = arith.constant 16 : index
          %swap3A_508 = tpu.vector_load %arg20[%swap3A_506, %swap3A_507] {strides = array<i32>} : memref<48x128xf32, #tpu.memory_space<vmem>>, vector<16xf32>,
          tpu.vector_store %arg20[%swap3A_506, %swap3A_507], %mul3A_505 {strides = array<i32>} : memref<48x128xf32, #tpu.memory_space<vmem>>, vector<16xf32>,
          %mul3A_509 = arith.mulf %get3A_446, %exp3A_500 : vector<16xf32>
          %swap3A_510 = arith.index_cast %scan3A_413 : i32 to index
          %swap3A_511 = arith.constant 32 : index
          %swap3A_512 = tpu.vector_load %arg20[%swap3A_510, %swap3A_511] {strides = array<i32>} : memref<48x128xf32, #tpu.memory_space<vmem>>, vector<16xf32>,
          tpu.vector_store %arg20[%swap3A_510, %swap3A_511], %mul3A_509 {strides = array<i32>} : memref<48x128xf32, #tpu.memory_space<vmem>>, vector<16xf32>,
          %mul3A_513 = arith.mulf %get3A_449, %exp3A_500 : vector<16xf32>
          %swap3A_514 = arith.index_cast %scan3A_413 : i32 to index
          %swap3A_515 = arith.constant 48 : index
          %swap3A_516 = tpu.vector_load %arg20[%swap3A_514, %swap3A_515] {strides = array<i32>} : memref<48x128xf32, #tpu.memory_space<vmem>>, vector<16xf32>,
          tpu.vector_store %arg20[%swap3A_514, %swap3A_515], %mul3A_513 {strides = array<i32>} : memref<48x128xf32, #tpu.memory_space<vmem>>, vector<16xf32>,
          %mul3A_517 = arith.mulf %get3A_452, %exp3A_500 : vector<16xf32>
          %swap3A_518 = arith.index_cast %scan3A_413 : i32 to index
          %swap3A_519 = arith.constant 64 : index
          %swap3A_520 = tpu.vector_load %arg20[%swap3A_518, %swap3A_519] {strides = array<i32>} : memref<48x128xf32, #tpu.memory_space<vmem>>, vector<16xf32>,
          tpu.vector_store %arg20[%swap3A_518, %swap3A_519], %mul3A_517 {strides = array<i32>} : memref<48x128xf32, #tpu.memory_space<vmem>>, vector<16xf32>,
          %mul3A_521 = arith.mulf %get3A_455, %exp3A_500 : vector<16xf32>
          %swap3A_522 = arith.index_cast %scan3A_413 : i32 to index
          %swap3A_523 = arith.constant 80 : index
          %swap3A_524 = tpu.vector_load %arg20[%swap3A_522, %swap3A_523] {strides = array<i32>} : memref<48x128xf32, #tpu.memory_space<vmem>>, vector<16xf32>,
          tpu.vector_store %arg20[%swap3A_522, %swap3A_523], %mul3A_521 {strides = array<i32>} : memref<48x128xf32, #tpu.memory_space<vmem>>, vector<16xf32>,
          %mul3A_525 = arith.mulf %get3A_458, %exp3A_500 : vector<16xf32>
          %swap3A_526 = arith.index_cast %scan3A_413 : i32 to index
          %swap3A_527 = arith.constant 96 : index
          %swap3A_528 = tpu.vector_load %arg20[%swap3A_526, %swap3A_527] {strides = array<i32>} : memref<48x128xf32, #tpu.memory_space<vmem>>, vector<16xf32>,
          tpu.vector_store %arg20[%swap3A_526, %swap3A_527], %mul3A_525 {strides = array<i32>} : memref<48x128xf32, #tpu.memory_space<vmem>>, vector<16xf32>,
          %mul3A_529 = arith.mulf %get3A_461, %exp3A_500 : vector<16xf32>
          %swap3A_530 = arith.index_cast %scan3A_413 : i32 to index
          %swap3A_531 = arith.constant 112 : index
          %swap3A_532 = tpu.vector_load %arg20[%swap3A_530, %swap3A_531] {strides = array<i32>} : memref<48x128xf32, #tpu.memory_space<vmem>>, vector<16xf32>,
          tpu.vector_store %arg20[%swap3A_530, %swap3A_531], %mul3A_529 {strides = array<i32>} : memref<48x128xf32, #tpu.memory_space<vmem>>, vector<16xf32>,
          %broadcast_in_dim3A_533 = vector.broadcast %scan3A_413 : i32 to vector<16xi32>
          %gather3A_534 = tpu.vector_load_idx %arg11[%broadcast_in_dim3A_533] : memref<48xi32, #tpu.memory_space<vmem>>[vector<16xi32>], vector<16xi32>,
          tpu.vector_store_idx %arg21[%gather3A_534], %exp3A_500 masked %eq3A_7 {add = true} : memref<10240xf32, #tpu.memory_space<vmem>>[vector<16xi32>], vector<16xf32>, vector<16xi1>
          %scan3A_535 = arith.constant 3 : i32
          %scan3A_536 = arith.addi %scan3A_173, %scan3A_535 : i32
          %get3A_537 = arith.index_cast %scan3A_536 : i32 to index
          %get3A_538 = arith.constant 0 : index
          %get3A_539 = tpu.vector_load %arg17[%get3A_537, %get3A_538] {strides = array<i32>} : memref<48x128xf32, #tpu.memory_space<vmem>>, vector<16xf32>,
          %get3A_540 = arith.index_cast %scan3A_536 : i32 to index
          %get3A_541 = arith.constant 16 : index
          %get3A_542 = tpu.vector_load %arg17[%get3A_540, %get3A_541] {strides = array<i32>} : memref<48x128xf32, #tpu.memory_space<vmem>>, vector<16xf32>,
          %get3A_543 = arith.index_cast %scan3A_536 : i32 to index
          %get3A_544 = arith.constant 32 : index
          %get3A_545 = tpu.vector_load %arg17[%get3A_543, %get3A_544] {strides = array<i32>} : memref<48x128xf32, #tpu.memory_space<vmem>>, vector<16xf32>,
          %get3A_546 = arith.index_cast %scan3A_536 : i32 to index
          %get3A_547 = arith.constant 48 : index
          %get3A_548 = tpu.vector_load %arg17[%get3A_546, %get3A_547] {strides = array<i32>} : memref<48x128xf32, #tpu.memory_space<vmem>>, vector<16xf32>,
          %get3A_549 = arith.index_cast %scan3A_536 : i32 to index
          %get3A_550 = arith.constant 64 : index
          %get3A_551 = tpu.vector_load %arg17[%get3A_549, %get3A_550] {strides = array<i32>} : memref<48x128xf32, #tpu.memory_space<vmem>>, vector<16xf32>,
          %get3A_552 = arith.index_cast %scan3A_536 : i32 to index
          %get3A_553 = arith.constant 80 : index
          %get3A_554 = tpu.vector_load %arg17[%get3A_552, %get3A_553] {strides = array<i32>} : memref<48x128xf32, #tpu.memory_space<vmem>>, vector<16xf32>,
          %get3A_555 = arith.index_cast %scan3A_536 : i32 to index
          %get3A_556 = arith.constant 96 : index
          %get3A_557 = tpu.vector_load %arg17[%get3A_555, %get3A_556] {strides = array<i32>} : memref<48x128xf32, #tpu.memory_space<vmem>>, vector<16xf32>,
          %get3A_558 = arith.index_cast %scan3A_536 : i32 to index
          %get3A_559 = arith.constant 112 : index
          %get3A_560 = tpu.vector_load %arg17[%get3A_558, %get3A_559] {strides = array<i32>} : memref<48x128xf32, #tpu.memory_space<vmem>>, vector<16xf32>,
          %get3A_561 = arith.index_cast %scan3A_536 : i32 to index
          %get3A_562 = arith.constant 0 : index
          %get3A_563 = tpu.vector_load %arg20[%get3A_561, %get3A_562] {strides = array<i32>} : memref<48x128xf32, #tpu.memory_space<vmem>>, vector<16xf32>,
          %get3A_564 = arith.index_cast %scan3A_536 : i32 to index
          %get3A_565 = arith.constant 16 : index
          %get3A_566 = tpu.vector_load %arg20[%get3A_564, %get3A_565] {strides = array<i32>} : memref<48x128xf32, #tpu.memory_space<vmem>>, vector<16xf32>,
          %get3A_567 = arith.index_cast %scan3A_536 : i32 to index
          %get3A_568 = arith.constant 32 : index
          %get3A_569 = tpu.vector_load %arg20[%get3A_567, %get3A_568] {strides = array<i32>} : memref<48x128xf32, #tpu.memory_space<vmem>>, vector<16xf32>,
          %get3A_570 = arith.index_cast %scan3A_536 : i32 to index
          %get3A_571 = arith.constant 48 : index
          %get3A_572 = tpu.vector_load %arg20[%get3A_570, %get3A_571] {strides = array<i32>} : memref<48x128xf32, #tpu.memory_space<vmem>>, vector<16xf32>,
          %get3A_573 = arith.index_cast %scan3A_536 : i32 to index
          %get3A_574 = arith.constant 64 : index
          %get3A_575 = tpu.vector_load %arg20[%get3A_573, %get3A_574] {strides = array<i32>} : memref<48x128xf32, #tpu.memory_space<vmem>>, vector<16xf32>,
          %get3A_576 = arith.index_cast %scan3A_536 : i32 to index
          %get3A_577 = arith.constant 80 : index
          %get3A_578 = tpu.vector_load %arg20[%get3A_576, %get3A_577] {strides = array<i32>} : memref<48x128xf32, #tpu.memory_space<vmem>>, vector<16xf32>,
          %get3A_579 = arith.index_cast %scan3A_536 : i32 to index
          %get3A_580 = arith.constant 96 : index
          %get3A_581 = tpu.vector_load %arg20[%get3A_579, %get3A_580] {strides = array<i32>} : memref<48x128xf32, #tpu.memory_space<vmem>>, vector<16xf32>,
          %get3A_582 = arith.index_cast %scan3A_536 : i32 to index
          %get3A_583 = arith.constant 112 : index
          %get3A_584 = tpu.vector_load %arg20[%get3A_582, %get3A_583] {strides = array<i32>} : memref<48x128xf32, #tpu.memory_space<vmem>>, vector<16xf32>,
          %mul3A_585 = arith.mulf %get3A_539, %get3A_563 : vector<16xf32>
          %mul3A_586 = arith.mulf %get3A_542, %get3A_566 : vector<16xf32>
          %add3A_587 = arith.addf %mul3A_585, %mul3A_586 : vector<16xf32>
          %mul3A_588 = arith.mulf %get3A_545, %get3A_569 : vector<16xf32>
          %add3A_589 = arith.addf %add3A_587, %mul3A_588 : vector<16xf32>
          %mul3A_590 = arith.mulf %get3A_548, %get3A_572 : vector<16xf32>
          %add3A_591 = arith.addf %add3A_589, %mul3A_590 : vector<16xf32>
          %mul3A_592 = arith.mulf %get3A_551, %get3A_575 : vector<16xf32>
          %add3A_593 = arith.addf %add3A_591, %mul3A_592 : vector<16xf32>
          %mul3A_594 = arith.mulf %get3A_554, %get3A_578 : vector<16xf32>
          %add3A_595 = arith.addf %add3A_593, %mul3A_594 : vector<16xf32>
          %mul3A_596 = arith.mulf %get3A_557, %get3A_581 : vector<16xf32>
          %add3A_597 = arith.addf %add3A_595, %mul3A_596 : vector<16xf32>
          %mul3A_598 = arith.mulf %get3A_560, %get3A_584 : vector<16xf32>
          %add3A_599 = arith.addf %add3A_597, %mul3A_598 : vector<16xf32>
          %broadcast_in_dim3A_600 = vector.shape_cast %and3A_12 : vector<16xi32> to vector<16x1xi32>
          %gather3A_601 = vector.shape_cast %broadcast_in_dim3A_600 : vector<16x1xi32> to vector<16xi32>
          %gather3A_602 = tpu.dynamic_gather %add3A_599[%gather3A_601] in [0] : vector<16xf32>, vector<16xi32> -> vector<16xf32>
          %add3A_603 = arith.addf %add3A_599, %gather3A_602 : vector<16xf32>
          %broadcast_in_dim3A_604 = vector.shape_cast %and3A_18 : vector<16xi32> to vector<16x1xi32>
          %gather3A_605 = vector.shape_cast %broadcast_in_dim3A_604 : vector<16x1xi32> to vector<16xi32>
          %gather3A_606 = tpu.dynamic_gather %add3A_603[%gather3A_605] in [0] : vector<16xf32>, vector<16xi32> -> vector<16xf32>
          %add3A_607 = arith.addf %add3A_603, %gather3A_606 : vector<16xf32>
          %broadcast_in_dim3A_608 = vector.shape_cast %and3A_24 : vector<16xi32> to vector<16x1xi32>
          %gather3A_609 = vector.shape_cast %broadcast_in_dim3A_608 : vector<16x1xi32> to vector<16xi32>
          %gather3A_610 = tpu.dynamic_gather %add3A_607[%gather3A_609] in [0] : vector<16xf32>, vector<16xi32> -> vector<16xf32>
          %add3A_611 = arith.addf %add3A_607, %gather3A_610 : vector<16xf32>
          %broadcast_in_dim3A_612 = vector.shape_cast %and3A_30 : vector<16xi32> to vector<16x1xi32>
          %gather3A_613 = vector.shape_cast %broadcast_in_dim3A_612 : vector<16x1xi32> to vector<16xi32>
          %gather3A_614 = tpu.dynamic_gather %add3A_611[%gather3A_613] in [0] : vector<16xf32>, vector<16xi32> -> vector<16xf32>
          %add3A_615 = arith.addf %add3A_611, %gather3A_614 : vector<16xf32>
          %mul3A_616 = arith.constant 2.000000e-01 : f32
          %mul3A_617 = vector.broadcast %mul3A_616 : f32 to vector<16xf32>
          %mul3A_618 = arith.mulf %mul3A_617, %add3A_615 : vector<16xf32>
          %max3A_619 = arith.maximumf %add3A_615, %mul3A_618 : vector<16xf32>
          %neg3A_620 = arith.constant 0.000000e+00 : f32
          %neg3A_621 = vector.broadcast %neg3A_620 : f32 to vector<16xf32>
          %neg3A_622 = arith.subf %neg3A_621, %max3A_619 : vector<16xf32>
          %exp3A_623 = math.exp %neg3A_622 : vector<16xf32>
          %mul3A_624 = arith.mulf %get3A_563, %exp3A_623 : vector<16xf32>
          %swap3A_625 = arith.index_cast %scan3A_536 : i32 to index
          %swap3A_626 = arith.constant 0 : index
          %swap3A_627 = tpu.vector_load %arg20[%swap3A_625, %swap3A_626] {strides = array<i32>} : memref<48x128xf32, #tpu.memory_space<vmem>>, vector<16xf32>,
          tpu.vector_store %arg20[%swap3A_625, %swap3A_626], %mul3A_624 {strides = array<i32>} : memref<48x128xf32, #tpu.memory_space<vmem>>, vector<16xf32>,
          %mul3A_628 = arith.mulf %get3A_566, %exp3A_623 : vector<16xf32>
          %swap3A_629 = arith.index_cast %scan3A_536 : i32 to index
          %swap3A_630 = arith.constant 16 : index
          %swap3A_631 = tpu.vector_load %arg20[%swap3A_629, %swap3A_630] {strides = array<i32>} : memref<48x128xf32, #tpu.memory_space<vmem>>, vector<16xf32>,
          tpu.vector_store %arg20[%swap3A_629, %swap3A_630], %mul3A_628 {strides = array<i32>} : memref<48x128xf32, #tpu.memory_space<vmem>>, vector<16xf32>,
          %mul3A_632 = arith.mulf %get3A_569, %exp3A_623 : vector<16xf32>
          %swap3A_633 = arith.index_cast %scan3A_536 : i32 to index
          %swap3A_634 = arith.constant 32 : index
          %swap3A_635 = tpu.vector_load %arg20[%swap3A_633, %swap3A_634] {strides = array<i32>} : memref<48x128xf32, #tpu.memory_space<vmem>>, vector<16xf32>,
          tpu.vector_store %arg20[%swap3A_633, %swap3A_634], %mul3A_632 {strides = array<i32>} : memref<48x128xf32, #tpu.memory_space<vmem>>, vector<16xf32>,
          %mul3A_636 = arith.mulf %get3A_572, %exp3A_623 : vector<16xf32>
          %swap3A_637 = arith.index_cast %scan3A_536 : i32 to index
          %swap3A_638 = arith.constant 48 : index
          %swap3A_639 = tpu.vector_load %arg20[%swap3A_637, %swap3A_638] {strides = array<i32>} : memref<48x128xf32, #tpu.memory_space<vmem>>, vector<16xf32>,
          tpu.vector_store %arg20[%swap3A_637, %swap3A_638], %mul3A_636 {strides = array<i32>} : memref<48x128xf32, #tpu.memory_space<vmem>>, vector<16xf32>,
          %mul3A_640 = arith.mulf %get3A_575, %exp3A_623 : vector<16xf32>
          %swap3A_641 = arith.index_cast %scan3A_536 : i32 to index
          %swap3A_642 = arith.constant 64 : index
          %swap3A_643 = tpu.vector_load %arg20[%swap3A_641, %swap3A_642] {strides = array<i32>} : memref<48x128xf32, #tpu.memory_space<vmem>>, vector<16xf32>,
          tpu.vector_store %arg20[%swap3A_641, %swap3A_642], %mul3A_640 {strides = array<i32>} : memref<48x128xf32, #tpu.memory_space<vmem>>, vector<16xf32>,
          %mul3A_644 = arith.mulf %get3A_578, %exp3A_623 : vector<16xf32>
          %swap3A_645 = arith.index_cast %scan3A_536 : i32 to index
          %swap3A_646 = arith.constant 80 : index
          %swap3A_647 = tpu.vector_load %arg20[%swap3A_645, %swap3A_646] {strides = array<i32>} : memref<48x128xf32, #tpu.memory_space<vmem>>, vector<16xf32>,
          tpu.vector_store %arg20[%swap3A_645, %swap3A_646], %mul3A_644 {strides = array<i32>} : memref<48x128xf32, #tpu.memory_space<vmem>>, vector<16xf32>,
          %mul3A_648 = arith.mulf %get3A_581, %exp3A_623 : vector<16xf32>
          %swap3A_649 = arith.index_cast %scan3A_536 : i32 to index
          %swap3A_650 = arith.constant 96 : index
          %swap3A_651 = tpu.vector_load %arg20[%swap3A_649, %swap3A_650] {strides = array<i32>} : memref<48x128xf32, #tpu.memory_space<vmem>>, vector<16xf32>,
          tpu.vector_store %arg20[%swap3A_649, %swap3A_650], %mul3A_648 {strides = array<i32>} : memref<48x128xf32, #tpu.memory_space<vmem>>, vector<16xf32>,
          %mul3A_652 = arith.mulf %get3A_584, %exp3A_623 : vector<16xf32>
          %swap3A_653 = arith.index_cast %scan3A_536 : i32 to index
          %swap3A_654 = arith.constant 112 : index
          %swap3A_655 = tpu.vector_load %arg20[%swap3A_653, %swap3A_654] {strides = array<i32>} : memref<48x128xf32, #tpu.memory_space<vmem>>, vector<16xf32>,
          tpu.vector_store %arg20[%swap3A_653, %swap3A_654], %mul3A_652 {strides = array<i32>} : memref<48x128xf32, #tpu.memory_space<vmem>>, vector<16xf32>,
          %broadcast_in_dim3A_656 = vector.broadcast %scan3A_536 : i32 to vector<16xi32>
          %gather3A_657 = tpu.vector_load_idx %arg11[%broadcast_in_dim3A_656] : memref<48xi32, #tpu.memory_space<vmem>>[vector<16xi32>], vector<16xi32>,
          tpu.vector_store_idx %arg21[%gather3A_657], %exp3A_623 masked %eq3A_7 {add = true} : memref<10240xf32, #tpu.memory_space<vmem>>[vector<16xi32>], vector<16xf32>, vector<16xi1>
          %scan3A_658 = arith.constant 4 : i32
          %scan3A_659 = arith.addi %scan3A_173, %scan3A_658 : i32
          %get3A_660 = arith.index_cast %scan3A_659 : i32 to index
          %get3A_661 = arith.constant 0 : index
          %get3A_662 = tpu.vector_load %arg17[%get3A_660, %get3A_661] {strides = array<i32>} : memref<48x128xf32, #tpu.memory_space<vmem>>, vector<16xf32>,
          %get3A_663 = arith.index_cast %scan3A_659 : i32 to index
          %get3A_664 = arith.constant 16 : index
          %get3A_665 = tpu.vector_load %arg17[%get3A_663, %get3A_664] {strides = array<i32>} : memref<48x128xf32, #tpu.memory_space<vmem>>, vector<16xf32>,
          %get3A_666 = arith.index_cast %scan3A_659 : i32 to index
          %get3A_667 = arith.constant 32 : index
          %get3A_668 = tpu.vector_load %arg17[%get3A_666, %get3A_667] {strides = array<i32>} : memref<48x128xf32, #tpu.memory_space<vmem>>, vector<16xf32>,
          %get3A_669 = arith.index_cast %scan3A_659 : i32 to index
          %get3A_670 = arith.constant 48 : index
          %get3A_671 = tpu.vector_load %arg17[%get3A_669, %get3A_670] {strides = array<i32>} : memref<48x128xf32, #tpu.memory_space<vmem>>, vector<16xf32>,
          %get3A_672 = arith.index_cast %scan3A_659 : i32 to index
          %get3A_673 = arith.constant 64 : index
          %get3A_674 = tpu.vector_load %arg17[%get3A_672, %get3A_673] {strides = array<i32>} : memref<48x128xf32, #tpu.memory_space<vmem>>, vector<16xf32>,
          %get3A_675 = arith.index_cast %scan3A_659 : i32 to index
          %get3A_676 = arith.constant 80 : index
          %get3A_677 = tpu.vector_load %arg17[%get3A_675, %get3A_676] {strides = array<i32>} : memref<48x128xf32, #tpu.memory_space<vmem>>, vector<16xf32>,
          %get3A_678 = arith.index_cast %scan3A_659 : i32 to index
          %get3A_679 = arith.constant 96 : index
          %get3A_680 = tpu.vector_load %arg17[%get3A_678, %get3A_679] {strides = array<i32>} : memref<48x128xf32, #tpu.memory_space<vmem>>, vector<16xf32>,
          %get3A_681 = arith.index_cast %scan3A_659 : i32 to index
          %get3A_682 = arith.constant 112 : index
          %get3A_683 = tpu.vector_load %arg17[%get3A_681, %get3A_682] {strides = array<i32>} : memref<48x128xf32, #tpu.memory_space<vmem>>, vector<16xf32>,
          %get3A_684 = arith.index_cast %scan3A_659 : i32 to index
          %get3A_685 = arith.constant 0 : index
          %get3A_686 = tpu.vector_load %arg20[%get3A_684, %get3A_685] {strides = array<i32>} : memref<48x128xf32, #tpu.memory_space<vmem>>, vector<16xf32>,
          %get3A_687 = arith.index_cast %scan3A_659 : i32 to index
          %get3A_688 = arith.constant 16 : index
          %get3A_689 = tpu.vector_load %arg20[%get3A_687, %get3A_688] {strides = array<i32>} : memref<48x128xf32, #tpu.memory_space<vmem>>, vector<16xf32>,
          %get3A_690 = arith.index_cast %scan3A_659 : i32 to index
          %get3A_691 = arith.constant 32 : index
          %get3A_692 = tpu.vector_load %arg20[%get3A_690, %get3A_691] {strides = array<i32>} : memref<48x128xf32, #tpu.memory_space<vmem>>, vector<16xf32>,
          %get3A_693 = arith.index_cast %scan3A_659 : i32 to index
          %get3A_694 = arith.constant 48 : index
          %get3A_695 = tpu.vector_load %arg20[%get3A_693, %get3A_694] {strides = array<i32>} : memref<48x128xf32, #tpu.memory_space<vmem>>, vector<16xf32>,
          %get3A_696 = arith.index_cast %scan3A_659 : i32 to index
          %get3A_697 = arith.constant 64 : index
          %get3A_698 = tpu.vector_load %arg20[%get3A_696, %get3A_697] {strides = array<i32>} : memref<48x128xf32, #tpu.memory_space<vmem>>, vector<16xf32>,
          %get3A_699 = arith.index_cast %scan3A_659 : i32 to index
          %get3A_700 = arith.constant 80 : index
          %get3A_701 = tpu.vector_load %arg20[%get3A_699, %get3A_700] {strides = array<i32>} : memref<48x128xf32, #tpu.memory_space<vmem>>, vector<16xf32>,
          %get3A_702 = arith.index_cast %scan3A_659 : i32 to index
          %get3A_703 = arith.constant 96 : index
          %get3A_704 = tpu.vector_load %arg20[%get3A_702, %get3A_703] {strides = array<i32>} : memref<48x128xf32, #tpu.memory_space<vmem>>, vector<16xf32>,
          %get3A_705 = arith.index_cast %scan3A_659 : i32 to index
          %get3A_706 = arith.constant 112 : index
          %get3A_707 = tpu.vector_load %arg20[%get3A_705, %get3A_706] {strides = array<i32>} : memref<48x128xf32, #tpu.memory_space<vmem>>, vector<16xf32>,
          %mul3A_708 = arith.mulf %get3A_662, %get3A_686 : vector<16xf32>
          %mul3A_709 = arith.mulf %get3A_665, %get3A_689 : vector<16xf32>
          %add3A_710 = arith.addf %mul3A_708, %mul3A_709 : vector<16xf32>
          %mul3A_711 = arith.mulf %get3A_668, %get3A_692 : vector<16xf32>
          %add3A_712 = arith.addf %add3A_710, %mul3A_711 : vector<16xf32>
          %mul3A_713 = arith.mulf %get3A_671, %get3A_695 : vector<16xf32>
          %add3A_714 = arith.addf %add3A_712, %mul3A_713 : vector<16xf32>
          %mul3A_715 = arith.mulf %get3A_674, %get3A_698 : vector<16xf32>
          %add3A_716 = arith.addf %add3A_714, %mul3A_715 : vector<16xf32>
          %mul3A_717 = arith.mulf %get3A_677, %get3A_701 : vector<16xf32>
          %add3A_718 = arith.addf %add3A_716, %mul3A_717 : vector<16xf32>
          %mul3A_719 = arith.mulf %get3A_680, %get3A_704 : vector<16xf32>
          %add3A_720 = arith.addf %add3A_718, %mul3A_719 : vector<16xf32>
          %mul3A_721 = arith.mulf %get3A_683, %get3A_707 : vector<16xf32>
          %add3A_722 = arith.addf %add3A_720, %mul3A_721 : vector<16xf32>
          %broadcast_in_dim3A_723 = vector.shape_cast %and3A_12 : vector<16xi32> to vector<16x1xi32>
          %gather3A_724 = vector.shape_cast %broadcast_in_dim3A_723 : vector<16x1xi32> to vector<16xi32>
          %gather3A_725 = tpu.dynamic_gather %add3A_722[%gather3A_724] in [0] : vector<16xf32>, vector<16xi32> -> vector<16xf32>
          %add3A_726 = arith.addf %add3A_722, %gather3A_725 : vector<16xf32>
          %broadcast_in_dim3A_727 = vector.shape_cast %and3A_18 : vector<16xi32> to vector<16x1xi32>
          %gather3A_728 = vector.shape_cast %broadcast_in_dim3A_727 : vector<16x1xi32> to vector<16xi32>
          %gather3A_729 = tpu.dynamic_gather %add3A_726[%gather3A_728] in [0] : vector<16xf32>, vector<16xi32> -> vector<16xf32>
          %add3A_730 = arith.addf %add3A_726, %gather3A_729 : vector<16xf32>
          %broadcast_in_dim3A_731 = vector.shape_cast %and3A_24 : vector<16xi32> to vector<16x1xi32>
          %gather3A_732 = vector.shape_cast %broadcast_in_dim3A_731 : vector<16x1xi32> to vector<16xi32>
          %gather3A_733 = tpu.dynamic_gather %add3A_730[%gather3A_732] in [0] : vector<16xf32>, vector<16xi32> -> vector<16xf32>
          %add3A_734 = arith.addf %add3A_730, %gather3A_733 : vector<16xf32>
          %broadcast_in_dim3A_735 = vector.shape_cast %and3A_30 : vector<16xi32> to vector<16x1xi32>
          %gather3A_736 = vector.shape_cast %broadcast_in_dim3A_735 : vector<16x1xi32> to vector<16xi32>
          %gather3A_737 = tpu.dynamic_gather %add3A_734[%gather3A_736] in [0] : vector<16xf32>, vector<16xi32> -> vector<16xf32>
          %add3A_738 = arith.addf %add3A_734, %gather3A_737 : vector<16xf32>
          %mul3A_739 = arith.constant 2.000000e-01 : f32
          %mul3A_740 = vector.broadcast %mul3A_739 : f32 to vector<16xf32>
          %mul3A_741 = arith.mulf %mul3A_740, %add3A_738 : vector<16xf32>
          %max3A_742 = arith.maximumf %add3A_738, %mul3A_741 : vector<16xf32>
          %neg3A_743 = arith.constant 0.000000e+00 : f32
          %neg3A_744 = vector.broadcast %neg3A_743 : f32 to vector<16xf32>
          %neg3A_745 = arith.subf %neg3A_744, %max3A_742 : vector<16xf32>
          %exp3A_746 = math.exp %neg3A_745 : vector<16xf32>
          %mul3A_747 = arith.mulf %get3A_686, %exp3A_746 : vector<16xf32>
          %swap3A_748 = arith.index_cast %scan3A_659 : i32 to index
          %swap3A_749 = arith.constant 0 : index
          %swap3A_750 = tpu.vector_load %arg20[%swap3A_748, %swap3A_749] {strides = array<i32>} : memref<48x128xf32, #tpu.memory_space<vmem>>, vector<16xf32>,
          tpu.vector_store %arg20[%swap3A_748, %swap3A_749], %mul3A_747 {strides = array<i32>} : memref<48x128xf32, #tpu.memory_space<vmem>>, vector<16xf32>,
          %mul3A_751 = arith.mulf %get3A_689, %exp3A_746 : vector<16xf32>
          %swap3A_752 = arith.index_cast %scan3A_659 : i32 to index
          %swap3A_753 = arith.constant 16 : index
          %swap3A_754 = tpu.vector_load %arg20[%swap3A_752, %swap3A_753] {strides = array<i32>} : memref<48x128xf32, #tpu.memory_space<vmem>>, vector<16xf32>,
          tpu.vector_store %arg20[%swap3A_752, %swap3A_753], %mul3A_751 {strides = array<i32>} : memref<48x128xf32, #tpu.memory_space<vmem>>, vector<16xf32>,
          %mul3A_755 = arith.mulf %get3A_692, %exp3A_746 : vector<16xf32>
          %swap3A_756 = arith.index_cast %scan3A_659 : i32 to index
          %swap3A_757 = arith.constant 32 : index
          %swap3A_758 = tpu.vector_load %arg20[%swap3A_756, %swap3A_757] {strides = array<i32>} : memref<48x128xf32, #tpu.memory_space<vmem>>, vector<16xf32>,
          tpu.vector_store %arg20[%swap3A_756, %swap3A_757], %mul3A_755 {strides = array<i32>} : memref<48x128xf32, #tpu.memory_space<vmem>>, vector<16xf32>,
          %mul3A_759 = arith.mulf %get3A_695, %exp3A_746 : vector<16xf32>
          %swap3A_760 = arith.index_cast %scan3A_659 : i32 to index
          %swap3A_761 = arith.constant 48 : index
          %swap3A_762 = tpu.vector_load %arg20[%swap3A_760, %swap3A_761] {strides = array<i32>} : memref<48x128xf32, #tpu.memory_space<vmem>>, vector<16xf32>,
          tpu.vector_store %arg20[%swap3A_760, %swap3A_761], %mul3A_759 {strides = array<i32>} : memref<48x128xf32, #tpu.memory_space<vmem>>, vector<16xf32>,
          %mul3A_763 = arith.mulf %get3A_698, %exp3A_746 : vector<16xf32>
          %swap3A_764 = arith.index_cast %scan3A_659 : i32 to index
          %swap3A_765 = arith.constant 64 : index
          %swap3A_766 = tpu.vector_load %arg20[%swap3A_764, %swap3A_765] {strides = array<i32>} : memref<48x128xf32, #tpu.memory_space<vmem>>, vector<16xf32>,
          tpu.vector_store %arg20[%swap3A_764, %swap3A_765], %mul3A_763 {strides = array<i32>} : memref<48x128xf32, #tpu.memory_space<vmem>>, vector<16xf32>,
          %mul3A_767 = arith.mulf %get3A_701, %exp3A_746 : vector<16xf32>
          %swap3A_768 = arith.index_cast %scan3A_659 : i32 to index
          %swap3A_769 = arith.constant 80 : index
          %swap3A_770 = tpu.vector_load %arg20[%swap3A_768, %swap3A_769] {strides = array<i32>} : memref<48x128xf32, #tpu.memory_space<vmem>>, vector<16xf32>,
          tpu.vector_store %arg20[%swap3A_768, %swap3A_769], %mul3A_767 {strides = array<i32>} : memref<48x128xf32, #tpu.memory_space<vmem>>, vector<16xf32>,
          %mul3A_771 = arith.mulf %get3A_704, %exp3A_746 : vector<16xf32>
          %swap3A_772 = arith.index_cast %scan3A_659 : i32 to index
          %swap3A_773 = arith.constant 96 : index
          %swap3A_774 = tpu.vector_load %arg20[%swap3A_772, %swap3A_773] {strides = array<i32>} : memref<48x128xf32, #tpu.memory_space<vmem>>, vector<16xf32>,
          tpu.vector_store %arg20[%swap3A_772, %swap3A_773], %mul3A_771 {strides = array<i32>} : memref<48x128xf32, #tpu.memory_space<vmem>>, vector<16xf32>,
          %mul3A_775 = arith.mulf %get3A_707, %exp3A_746 : vector<16xf32>
          %swap3A_776 = arith.index_cast %scan3A_659 : i32 to index
          %swap3A_777 = arith.constant 112 : index
          %swap3A_778 = tpu.vector_load %arg20[%swap3A_776, %swap3A_777] {strides = array<i32>} : memref<48x128xf32, #tpu.memory_space<vmem>>, vector<16xf32>,
          tpu.vector_store %arg20[%swap3A_776, %swap3A_777], %mul3A_775 {strides = array<i32>} : memref<48x128xf32, #tpu.memory_space<vmem>>, vector<16xf32>,
          %broadcast_in_dim3A_779 = vector.broadcast %scan3A_659 : i32 to vector<16xi32>
          %gather3A_780 = tpu.vector_load_idx %arg11[%broadcast_in_dim3A_779] : memref<48xi32, #tpu.memory_space<vmem>>[vector<16xi32>], vector<16xi32>,
          tpu.vector_store_idx %arg21[%gather3A_780], %exp3A_746 masked %eq3A_7 {add = true} : memref<10240xf32, #tpu.memory_space<vmem>>[vector<16xi32>], vector<16xf32>, vector<16xi1>
          %scan3A_781 = arith.constant 5 : i32
          %scan3A_782 = arith.addi %scan3A_173, %scan3A_781 : i32
          %get3A_783 = arith.index_cast %scan3A_782 : i32 to index
          %get3A_784 = arith.constant 0 : index
          %get3A_785 = tpu.vector_load %arg17[%get3A_783, %get3A_784] {strides = array<i32>} : memref<48x128xf32, #tpu.memory_space<vmem>>, vector<16xf32>,
          %get3A_786 = arith.index_cast %scan3A_782 : i32 to index
          %get3A_787 = arith.constant 16 : index
          %get3A_788 = tpu.vector_load %arg17[%get3A_786, %get3A_787] {strides = array<i32>} : memref<48x128xf32, #tpu.memory_space<vmem>>, vector<16xf32>,
          %get3A_789 = arith.index_cast %scan3A_782 : i32 to index
          %get3A_790 = arith.constant 32 : index
          %get3A_791 = tpu.vector_load %arg17[%get3A_789, %get3A_790] {strides = array<i32>} : memref<48x128xf32, #tpu.memory_space<vmem>>, vector<16xf32>,
          %get3A_792 = arith.index_cast %scan3A_782 : i32 to index
          %get3A_793 = arith.constant 48 : index
          %get3A_794 = tpu.vector_load %arg17[%get3A_792, %get3A_793] {strides = array<i32>} : memref<48x128xf32, #tpu.memory_space<vmem>>, vector<16xf32>,
          %get3A_795 = arith.index_cast %scan3A_782 : i32 to index
          %get3A_796 = arith.constant 64 : index
          %get3A_797 = tpu.vector_load %arg17[%get3A_795, %get3A_796] {strides = array<i32>} : memref<48x128xf32, #tpu.memory_space<vmem>>, vector<16xf32>,
          %get3A_798 = arith.index_cast %scan3A_782 : i32 to index
          %get3A_799 = arith.constant 80 : index
          %get3A_800 = tpu.vector_load %arg17[%get3A_798, %get3A_799] {strides = array<i32>} : memref<48x128xf32, #tpu.memory_space<vmem>>, vector<16xf32>,
          %get3A_801 = arith.index_cast %scan3A_782 : i32 to index
          %get3A_802 = arith.constant 96 : index
          %get3A_803 = tpu.vector_load %arg17[%get3A_801, %get3A_802] {strides = array<i32>} : memref<48x128xf32, #tpu.memory_space<vmem>>, vector<16xf32>,
          %get3A_804 = arith.index_cast %scan3A_782 : i32 to index
          %get3A_805 = arith.constant 112 : index
          %get3A_806 = tpu.vector_load %arg17[%get3A_804, %get3A_805] {strides = array<i32>} : memref<48x128xf32, #tpu.memory_space<vmem>>, vector<16xf32>,
          %get3A_807 = arith.index_cast %scan3A_782 : i32 to index
          %get3A_808 = arith.constant 0 : index
          %get3A_809 = tpu.vector_load %arg20[%get3A_807, %get3A_808] {strides = array<i32>} : memref<48x128xf32, #tpu.memory_space<vmem>>, vector<16xf32>,
          %get3A_810 = arith.index_cast %scan3A_782 : i32 to index
          %get3A_811 = arith.constant 16 : index
          %get3A_812 = tpu.vector_load %arg20[%get3A_810, %get3A_811] {strides = array<i32>} : memref<48x128xf32, #tpu.memory_space<vmem>>, vector<16xf32>,
          %get3A_813 = arith.index_cast %scan3A_782 : i32 to index
          %get3A_814 = arith.constant 32 : index
          %get3A_815 = tpu.vector_load %arg20[%get3A_813, %get3A_814] {strides = array<i32>} : memref<48x128xf32, #tpu.memory_space<vmem>>, vector<16xf32>,
          %get3A_816 = arith.index_cast %scan3A_782 : i32 to index
          %get3A_817 = arith.constant 48 : index
          %get3A_818 = tpu.vector_load %arg20[%get3A_816, %get3A_817] {strides = array<i32>} : memref<48x128xf32, #tpu.memory_space<vmem>>, vector<16xf32>,
          %get3A_819 = arith.index_cast %scan3A_782 : i32 to index
          %get3A_820 = arith.constant 64 : index
          %get3A_821 = tpu.vector_load %arg20[%get3A_819, %get3A_820] {strides = array<i32>} : memref<48x128xf32, #tpu.memory_space<vmem>>, vector<16xf32>,
          %get3A_822 = arith.index_cast %scan3A_782 : i32 to index
          %get3A_823 = arith.constant 80 : index
          %get3A_824 = tpu.vector_load %arg20[%get3A_822, %get3A_823] {strides = array<i32>} : memref<48x128xf32, #tpu.memory_space<vmem>>, vector<16xf32>,
          %get3A_825 = arith.index_cast %scan3A_782 : i32 to index
          %get3A_826 = arith.constant 96 : index
          %get3A_827 = tpu.vector_load %arg20[%get3A_825, %get3A_826] {strides = array<i32>} : memref<48x128xf32, #tpu.memory_space<vmem>>, vector<16xf32>,
          %get3A_828 = arith.index_cast %scan3A_782 : i32 to index
          %get3A_829 = arith.constant 112 : index
          %get3A_830 = tpu.vector_load %arg20[%get3A_828, %get3A_829] {strides = array<i32>} : memref<48x128xf32, #tpu.memory_space<vmem>>, vector<16xf32>,
          %mul3A_831 = arith.mulf %get3A_785, %get3A_809 : vector<16xf32>
          %mul3A_832 = arith.mulf %get3A_788, %get3A_812 : vector<16xf32>
          %add3A_833 = arith.addf %mul3A_831, %mul3A_832 : vector<16xf32>
          %mul3A_834 = arith.mulf %get3A_791, %get3A_815 : vector<16xf32>
          %add3A_835 = arith.addf %add3A_833, %mul3A_834 : vector<16xf32>
          %mul3A_836 = arith.mulf %get3A_794, %get3A_818 : vector<16xf32>
          %add3A_837 = arith.addf %add3A_835, %mul3A_836 : vector<16xf32>
          %mul3A_838 = arith.mulf %get3A_797, %get3A_821 : vector<16xf32>
          %add3A_839 = arith.addf %add3A_837, %mul3A_838 : vector<16xf32>
          %mul3A_840 = arith.mulf %get3A_800, %get3A_824 : vector<16xf32>
          %add3A_841 = arith.addf %add3A_839, %mul3A_840 : vector<16xf32>
          %mul3A_842 = arith.mulf %get3A_803, %get3A_827 : vector<16xf32>
          %add3A_843 = arith.addf %add3A_841, %mul3A_842 : vector<16xf32>
          %mul3A_844 = arith.mulf %get3A_806, %get3A_830 : vector<16xf32>
          %add3A_845 = arith.addf %add3A_843, %mul3A_844 : vector<16xf32>
          %broadcast_in_dim3A_846 = vector.shape_cast %and3A_12 : vector<16xi32> to vector<16x1xi32>
          %gather3A_847 = vector.shape_cast %broadcast_in_dim3A_846 : vector<16x1xi32> to vector<16xi32>
          %gather3A_848 = tpu.dynamic_gather %add3A_845[%gather3A_847] in [0] : vector<16xf32>, vector<16xi32> -> vector<16xf32>
          %add3A_849 = arith.addf %add3A_845, %gather3A_848 : vector<16xf32>
          %broadcast_in_dim3A_850 = vector.shape_cast %and3A_18 : vector<16xi32> to vector<16x1xi32>
          %gather3A_851 = vector.shape_cast %broadcast_in_dim3A_850 : vector<16x1xi32> to vector<16xi32>
          %gather3A_852 = tpu.dynamic_gather %add3A_849[%gather3A_851] in [0] : vector<16xf32>, vector<16xi32> -> vector<16xf32>
          %add3A_853 = arith.addf %add3A_849, %gather3A_852 : vector<16xf32>
          %broadcast_in_dim3A_854 = vector.shape_cast %and3A_24 : vector<16xi32> to vector<16x1xi32>
          %gather3A_855 = vector.shape_cast %broadcast_in_dim3A_854 : vector<16x1xi32> to vector<16xi32>
          %gather3A_856 = tpu.dynamic_gather %add3A_853[%gather3A_855] in [0] : vector<16xf32>, vector<16xi32> -> vector<16xf32>
          %add3A_857 = arith.addf %add3A_853, %gather3A_856 : vector<16xf32>
          %broadcast_in_dim3A_858 = vector.shape_cast %and3A_30 : vector<16xi32> to vector<16x1xi32>
          %gather3A_859 = vector.shape_cast %broadcast_in_dim3A_858 : vector<16x1xi32> to vector<16xi32>
          %gather3A_860 = tpu.dynamic_gather %add3A_857[%gather3A_859] in [0] : vector<16xf32>, vector<16xi32> -> vector<16xf32>
          %add3A_861 = arith.addf %add3A_857, %gather3A_860 : vector<16xf32>
          %mul3A_862 = arith.constant 2.000000e-01 : f32
          %mul3A_863 = vector.broadcast %mul3A_862 : f32 to vector<16xf32>
          %mul3A_864 = arith.mulf %mul3A_863, %add3A_861 : vector<16xf32>
          %max3A_865 = arith.maximumf %add3A_861, %mul3A_864 : vector<16xf32>
          %neg3A_866 = arith.constant 0.000000e+00 : f32
          %neg3A_867 = vector.broadcast %neg3A_866 : f32 to vector<16xf32>
          %neg3A_868 = arith.subf %neg3A_867, %max3A_865 : vector<16xf32>
          %exp3A_869 = math.exp %neg3A_868 : vector<16xf32>
          %mul3A_870 = arith.mulf %get3A_809, %exp3A_869 : vector<16xf32>
          %swap3A_871 = arith.index_cast %scan3A_782 : i32 to index
          %swap3A_872 = arith.constant 0 : index
          %swap3A_873 = tpu.vector_load %arg20[%swap3A_871, %swap3A_872] {strides = array<i32>} : memref<48x128xf32, #tpu.memory_space<vmem>>, vector<16xf32>,
          tpu.vector_store %arg20[%swap3A_871, %swap3A_872], %mul3A_870 {strides = array<i32>} : memref<48x128xf32, #tpu.memory_space<vmem>>, vector<16xf32>,
          %mul3A_874 = arith.mulf %get3A_812, %exp3A_869 : vector<16xf32>
          %swap3A_875 = arith.index_cast %scan3A_782 : i32 to index
          %swap3A_876 = arith.constant 16 : index
          %swap3A_877 = tpu.vector_load %arg20[%swap3A_875, %swap3A_876] {strides = array<i32>} : memref<48x128xf32, #tpu.memory_space<vmem>>, vector<16xf32>,
          tpu.vector_store %arg20[%swap3A_875, %swap3A_876], %mul3A_874 {strides = array<i32>} : memref<48x128xf32, #tpu.memory_space<vmem>>, vector<16xf32>,
          %mul3A_878 = arith.mulf %get3A_815, %exp3A_869 : vector<16xf32>
          %swap3A_879 = arith.index_cast %scan3A_782 : i32 to index
          %swap3A_880 = arith.constant 32 : index
          %swap3A_881 = tpu.vector_load %arg20[%swap3A_879, %swap3A_880] {strides = array<i32>} : memref<48x128xf32, #tpu.memory_space<vmem>>, vector<16xf32>,
          tpu.vector_store %arg20[%swap3A_879, %swap3A_880], %mul3A_878 {strides = array<i32>} : memref<48x128xf32, #tpu.memory_space<vmem>>, vector<16xf32>,
          %mul3A_882 = arith.mulf %get3A_818, %exp3A_869 : vector<16xf32>
          %swap3A_883 = arith.index_cast %scan3A_782 : i32 to index
          %swap3A_884 = arith.constant 48 : index
          %swap3A_885 = tpu.vector_load %arg20[%swap3A_883, %swap3A_884] {strides = array<i32>} : memref<48x128xf32, #tpu.memory_space<vmem>>, vector<16xf32>,
          tpu.vector_store %arg20[%swap3A_883, %swap3A_884], %mul3A_882 {strides = array<i32>} : memref<48x128xf32, #tpu.memory_space<vmem>>, vector<16xf32>,
          %mul3A_886 = arith.mulf %get3A_821, %exp3A_869 : vector<16xf32>
          %swap3A_887 = arith.index_cast %scan3A_782 : i32 to index
          %swap3A_888 = arith.constant 64 : index
          %swap3A_889 = tpu.vector_load %arg20[%swap3A_887, %swap3A_888] {strides = array<i32>} : memref<48x128xf32, #tpu.memory_space<vmem>>, vector<16xf32>,
          tpu.vector_store %arg20[%swap3A_887, %swap3A_888], %mul3A_886 {strides = array<i32>} : memref<48x128xf32, #tpu.memory_space<vmem>>, vector<16xf32>,
          %mul3A_890 = arith.mulf %get3A_824, %exp3A_869 : vector<16xf32>
          %swap3A_891 = arith.index_cast %scan3A_782 : i32 to index
          %swap3A_892 = arith.constant 80 : index
          %swap3A_893 = tpu.vector_load %arg20[%swap3A_891, %swap3A_892] {strides = array<i32>} : memref<48x128xf32, #tpu.memory_space<vmem>>, vector<16xf32>,
          tpu.vector_store %arg20[%swap3A_891, %swap3A_892], %mul3A_890 {strides = array<i32>} : memref<48x128xf32, #tpu.memory_space<vmem>>, vector<16xf32>,
          %mul3A_894 = arith.mulf %get3A_827, %exp3A_869 : vector<16xf32>
          %swap3A_895 = arith.index_cast %scan3A_782 : i32 to index
          %swap3A_896 = arith.constant 96 : index
          %swap3A_897 = tpu.vector_load %arg20[%swap3A_895, %swap3A_896] {strides = array<i32>} : memref<48x128xf32, #tpu.memory_space<vmem>>, vector<16xf32>,
          tpu.vector_store %arg20[%swap3A_895, %swap3A_896], %mul3A_894 {strides = array<i32>} : memref<48x128xf32, #tpu.memory_space<vmem>>, vector<16xf32>,
          %mul3A_898 = arith.mulf %get3A_830, %exp3A_869 : vector<16xf32>
          %swap3A_899 = arith.index_cast %scan3A_782 : i32 to index
          %swap3A_900 = arith.constant 112 : index
          %swap3A_901 = tpu.vector_load %arg20[%swap3A_899, %swap3A_900] {strides = array<i32>} : memref<48x128xf32, #tpu.memory_space<vmem>>, vector<16xf32>,
          tpu.vector_store %arg20[%swap3A_899, %swap3A_900], %mul3A_898 {strides = array<i32>} : memref<48x128xf32, #tpu.memory_space<vmem>>, vector<16xf32>,
          %broadcast_in_dim3A_902 = vector.broadcast %scan3A_782 : i32 to vector<16xi32>
          %gather3A_903 = tpu.vector_load_idx %arg11[%broadcast_in_dim3A_902] : memref<48xi32, #tpu.memory_space<vmem>>[vector<16xi32>], vector<16xi32>,
          tpu.vector_store_idx %arg21[%gather3A_903], %exp3A_869 masked %eq3A_7 {add = true} : memref<10240xf32, #tpu.memory_space<vmem>>[vector<16xi32>], vector<16xf32>, vector<16xi1>
          %scan3A_904 = arith.constant 6 : i32
          %scan3A_905 = arith.addi %scan3A_173, %scan3A_904 : i32
          %get3A_906 = arith.index_cast %scan3A_905 : i32 to index
          %get3A_907 = arith.constant 0 : index
          %get3A_908 = tpu.vector_load %arg17[%get3A_906, %get3A_907] {strides = array<i32>} : memref<48x128xf32, #tpu.memory_space<vmem>>, vector<16xf32>,
          %get3A_909 = arith.index_cast %scan3A_905 : i32 to index
          %get3A_910 = arith.constant 16 : index
          %get3A_911 = tpu.vector_load %arg17[%get3A_909, %get3A_910] {strides = array<i32>} : memref<48x128xf32, #tpu.memory_space<vmem>>, vector<16xf32>,
          %get3A_912 = arith.index_cast %scan3A_905 : i32 to index
          %get3A_913 = arith.constant 32 : index
          %get3A_914 = tpu.vector_load %arg17[%get3A_912, %get3A_913] {strides = array<i32>} : memref<48x128xf32, #tpu.memory_space<vmem>>, vector<16xf32>,
          %get3A_915 = arith.index_cast %scan3A_905 : i32 to index
          %get3A_916 = arith.constant 48 : index
          %get3A_917 = tpu.vector_load %arg17[%get3A_915, %get3A_916] {strides = array<i32>} : memref<48x128xf32, #tpu.memory_space<vmem>>, vector<16xf32>,
          %get3A_918 = arith.index_cast %scan3A_905 : i32 to index
          %get3A_919 = arith.constant 64 : index
          %get3A_920 = tpu.vector_load %arg17[%get3A_918, %get3A_919] {strides = array<i32>} : memref<48x128xf32, #tpu.memory_space<vmem>>, vector<16xf32>,
          %get3A_921 = arith.index_cast %scan3A_905 : i32 to index
          %get3A_922 = arith.constant 80 : index
          %get3A_923 = tpu.vector_load %arg17[%get3A_921, %get3A_922] {strides = array<i32>} : memref<48x128xf32, #tpu.memory_space<vmem>>, vector<16xf32>,
          %get3A_924 = arith.index_cast %scan3A_905 : i32 to index
          %get3A_925 = arith.constant 96 : index
          %get3A_926 = tpu.vector_load %arg17[%get3A_924, %get3A_925] {strides = array<i32>} : memref<48x128xf32, #tpu.memory_space<vmem>>, vector<16xf32>,
          %get3A_927 = arith.index_cast %scan3A_905 : i32 to index
          %get3A_928 = arith.constant 112 : index
          %get3A_929 = tpu.vector_load %arg17[%get3A_927, %get3A_928] {strides = array<i32>} : memref<48x128xf32, #tpu.memory_space<vmem>>, vector<16xf32>,
          %get3A_930 = arith.index_cast %scan3A_905 : i32 to index
          %get3A_931 = arith.constant 0 : index
          %get3A_932 = tpu.vector_load %arg20[%get3A_930, %get3A_931] {strides = array<i32>} : memref<48x128xf32, #tpu.memory_space<vmem>>, vector<16xf32>,
          %get3A_933 = arith.index_cast %scan3A_905 : i32 to index
          %get3A_934 = arith.constant 16 : index
          %get3A_935 = tpu.vector_load %arg20[%get3A_933, %get3A_934] {strides = array<i32>} : memref<48x128xf32, #tpu.memory_space<vmem>>, vector<16xf32>,
          %get3A_936 = arith.index_cast %scan3A_905 : i32 to index
          %get3A_937 = arith.constant 32 : index
          %get3A_938 = tpu.vector_load %arg20[%get3A_936, %get3A_937] {strides = array<i32>} : memref<48x128xf32, #tpu.memory_space<vmem>>, vector<16xf32>,
          %get3A_939 = arith.index_cast %scan3A_905 : i32 to index
          %get3A_940 = arith.constant 48 : index
          %get3A_941 = tpu.vector_load %arg20[%get3A_939, %get3A_940] {strides = array<i32>} : memref<48x128xf32, #tpu.memory_space<vmem>>, vector<16xf32>,
          %get3A_942 = arith.index_cast %scan3A_905 : i32 to index
          %get3A_943 = arith.constant 64 : index
          %get3A_944 = tpu.vector_load %arg20[%get3A_942, %get3A_943] {strides = array<i32>} : memref<48x128xf32, #tpu.memory_space<vmem>>, vector<16xf32>,
          %get3A_945 = arith.index_cast %scan3A_905 : i32 to index
          %get3A_946 = arith.constant 80 : index
          %get3A_947 = tpu.vector_load %arg20[%get3A_945, %get3A_946] {strides = array<i32>} : memref<48x128xf32, #tpu.memory_space<vmem>>, vector<16xf32>,
          %get3A_948 = arith.index_cast %scan3A_905 : i32 to index
          %get3A_949 = arith.constant 96 : index
          %get3A_950 = tpu.vector_load %arg20[%get3A_948, %get3A_949] {strides = array<i32>} : memref<48x128xf32, #tpu.memory_space<vmem>>, vector<16xf32>,
          %get3A_951 = arith.index_cast %scan3A_905 : i32 to index
          %get3A_952 = arith.constant 112 : index
          %get3A_953 = tpu.vector_load %arg20[%get3A_951, %get3A_952] {strides = array<i32>} : memref<48x128xf32, #tpu.memory_space<vmem>>, vector<16xf32>,
          %mul3A_954 = arith.mulf %get3A_908, %get3A_932 : vector<16xf32>
          %mul3A_955 = arith.mulf %get3A_911, %get3A_935 : vector<16xf32>
          %add3A_956 = arith.addf %mul3A_954, %mul3A_955 : vector<16xf32>
          %mul3A_957 = arith.mulf %get3A_914, %get3A_938 : vector<16xf32>
          %add3A_958 = arith.addf %add3A_956, %mul3A_957 : vector<16xf32>
          %mul3A_959 = arith.mulf %get3A_917, %get3A_941 : vector<16xf32>
          %add3A_960 = arith.addf %add3A_958, %mul3A_959 : vector<16xf32>
          %mul3A_961 = arith.mulf %get3A_920, %get3A_944 : vector<16xf32>
          %add3A_962 = arith.addf %add3A_960, %mul3A_961 : vector<16xf32>
          %mul3A_963 = arith.mulf %get3A_923, %get3A_947 : vector<16xf32>
          %add3A_964 = arith.addf %add3A_962, %mul3A_963 : vector<16xf32>
          %mul3A_965 = arith.mulf %get3A_926, %get3A_950 : vector<16xf32>
          %add3A_966 = arith.addf %add3A_964, %mul3A_965 : vector<16xf32>
          %mul3A_967 = arith.mulf %get3A_929, %get3A_953 : vector<16xf32>
          %add3A_968 = arith.addf %add3A_966, %mul3A_967 : vector<16xf32>
          %broadcast_in_dim3A_969 = vector.shape_cast %and3A_12 : vector<16xi32> to vector<16x1xi32>
          %gather3A_970 = vector.shape_cast %broadcast_in_dim3A_969 : vector<16x1xi32> to vector<16xi32>
          %gather3A_971 = tpu.dynamic_gather %add3A_968[%gather3A_970] in [0] : vector<16xf32>, vector<16xi32> -> vector<16xf32>
          %add3A_972 = arith.addf %add3A_968, %gather3A_971 : vector<16xf32>
          %broadcast_in_dim3A_973 = vector.shape_cast %and3A_18 : vector<16xi32> to vector<16x1xi32>
          %gather3A_974 = vector.shape_cast %broadcast_in_dim3A_973 : vector<16x1xi32> to vector<16xi32>
          %gather3A_975 = tpu.dynamic_gather %add3A_972[%gather3A_974] in [0] : vector<16xf32>, vector<16xi32> -> vector<16xf32>
          %add3A_976 = arith.addf %add3A_972, %gather3A_975 : vector<16xf32>
          %broadcast_in_dim3A_977 = vector.shape_cast %and3A_24 : vector<16xi32> to vector<16x1xi32>
          %gather3A_978 = vector.shape_cast %broadcast_in_dim3A_977 : vector<16x1xi32> to vector<16xi32>
          %gather3A_979 = tpu.dynamic_gather %add3A_976[%gather3A_978] in [0] : vector<16xf32>, vector<16xi32> -> vector<16xf32>
          %add3A_980 = arith.addf %add3A_976, %gather3A_979 : vector<16xf32>
          %broadcast_in_dim3A_981 = vector.shape_cast %and3A_30 : vector<16xi32> to vector<16x1xi32>
          %gather3A_982 = vector.shape_cast %broadcast_in_dim3A_981 : vector<16x1xi32> to vector<16xi32>
          %gather3A_983 = tpu.dynamic_gather %add3A_980[%gather3A_982] in [0] : vector<16xf32>, vector<16xi32> -> vector<16xf32>
          %add3A_984 = arith.addf %add3A_980, %gather3A_983 : vector<16xf32>
          %mul3A_985 = arith.constant 2.000000e-01 : f32
          %mul3A_986 = vector.broadcast %mul3A_985 : f32 to vector<16xf32>
          %mul3A_987 = arith.mulf %mul3A_986, %add3A_984 : vector<16xf32>
          %max3A_988 = arith.maximumf %add3A_984, %mul3A_987 : vector<16xf32>
          %neg3A_989 = arith.constant 0.000000e+00 : f32
          %neg3A_990 = vector.broadcast %neg3A_989 : f32 to vector<16xf32>
          %neg3A_991 = arith.subf %neg3A_990, %max3A_988 : vector<16xf32>
          %exp3A_992 = math.exp %neg3A_991 : vector<16xf32>
          %mul3A_993 = arith.mulf %get3A_932, %exp3A_992 : vector<16xf32>
          %swap3A_994 = arith.index_cast %scan3A_905 : i32 to index
          %swap3A_995 = arith.constant 0 : index
          %swap3A_996 = tpu.vector_load %arg20[%swap3A_994, %swap3A_995] {strides = array<i32>} : memref<48x128xf32, #tpu.memory_space<vmem>>, vector<16xf32>,
          tpu.vector_store %arg20[%swap3A_994, %swap3A_995], %mul3A_993 {strides = array<i32>} : memref<48x128xf32, #tpu.memory_space<vmem>>, vector<16xf32>,
          %mul3A_997 = arith.mulf %get3A_935, %exp3A_992 : vector<16xf32>
          %swap3A_998 = arith.index_cast %scan3A_905 : i32 to index
          %swap3A_999 = arith.constant 16 : index
          %swap3A_1000 = tpu.vector_load %arg20[%swap3A_998, %swap3A_999] {strides = array<i32>} : memref<48x128xf32, #tpu.memory_space<vmem>>, vector<16xf32>,
          tpu.vector_store %arg20[%swap3A_998, %swap3A_999], %mul3A_997 {strides = array<i32>} : memref<48x128xf32, #tpu.memory_space<vmem>>, vector<16xf32>,
          %mul3A_1001 = arith.mulf %get3A_938, %exp3A_992 : vector<16xf32>
          %swap3A_1002 = arith.index_cast %scan3A_905 : i32 to index
          %swap3A_1003 = arith.constant 32 : index
          %swap3A_1004 = tpu.vector_load %arg20[%swap3A_1002, %swap3A_1003] {strides = array<i32>} : memref<48x128xf32, #tpu.memory_space<vmem>>, vector<16xf32>,
          tpu.vector_store %arg20[%swap3A_1002, %swap3A_1003], %mul3A_1001 {strides = array<i32>} : memref<48x128xf32, #tpu.memory_space<vmem>>, vector<16xf32>,
          %mul3A_1005 = arith.mulf %get3A_941, %exp3A_992 : vector<16xf32>
          %swap3A_1006 = arith.index_cast %scan3A_905 : i32 to index
          %swap3A_1007 = arith.constant 48 : index
          %swap3A_1008 = tpu.vector_load %arg20[%swap3A_1006, %swap3A_1007] {strides = array<i32>} : memref<48x128xf32, #tpu.memory_space<vmem>>, vector<16xf32>,
          tpu.vector_store %arg20[%swap3A_1006, %swap3A_1007], %mul3A_1005 {strides = array<i32>} : memref<48x128xf32, #tpu.memory_space<vmem>>, vector<16xf32>,
          %mul3A_1009 = arith.mulf %get3A_944, %exp3A_992 : vector<16xf32>
          %swap3A_1010 = arith.index_cast %scan3A_905 : i32 to index
          %swap3A_1011 = arith.constant 64 : index
          %swap3A_1012 = tpu.vector_load %arg20[%swap3A_1010, %swap3A_1011] {strides = array<i32>} : memref<48x128xf32, #tpu.memory_space<vmem>>, vector<16xf32>,
          tpu.vector_store %arg20[%swap3A_1010, %swap3A_1011], %mul3A_1009 {strides = array<i32>} : memref<48x128xf32, #tpu.memory_space<vmem>>, vector<16xf32>,
          %mul3A_1013 = arith.mulf %get3A_947, %exp3A_992 : vector<16xf32>
          %swap3A_1014 = arith.index_cast %scan3A_905 : i32 to index
          %swap3A_1015 = arith.constant 80 : index
          %swap3A_1016 = tpu.vector_load %arg20[%swap3A_1014, %swap3A_1015] {strides = array<i32>} : memref<48x128xf32, #tpu.memory_space<vmem>>, vector<16xf32>,
          tpu.vector_store %arg20[%swap3A_1014, %swap3A_1015], %mul3A_1013 {strides = array<i32>} : memref<48x128xf32, #tpu.memory_space<vmem>>, vector<16xf32>,
          %mul3A_1017 = arith.mulf %get3A_950, %exp3A_992 : vector<16xf32>
          %swap3A_1018 = arith.index_cast %scan3A_905 : i32 to index
          %swap3A_1019 = arith.constant 96 : index
          %swap3A_1020 = tpu.vector_load %arg20[%swap3A_1018, %swap3A_1019] {strides = array<i32>} : memref<48x128xf32, #tpu.memory_space<vmem>>, vector<16xf32>,
          tpu.vector_store %arg20[%swap3A_1018, %swap3A_1019], %mul3A_1017 {strides = array<i32>} : memref<48x128xf32, #tpu.memory_space<vmem>>, vector<16xf32>,
          %mul3A_1021 = arith.mulf %get3A_953, %exp3A_992 : vector<16xf32>
          %swap3A_1022 = arith.index_cast %scan3A_905 : i32 to index
          %swap3A_1023 = arith.constant 112 : index
          %swap3A_1024 = tpu.vector_load %arg20[%swap3A_1022, %swap3A_1023] {strides = array<i32>} : memref<48x128xf32, #tpu.memory_space<vmem>>, vector<16xf32>,
          tpu.vector_store %arg20[%swap3A_1022, %swap3A_1023], %mul3A_1021 {strides = array<i32>} : memref<48x128xf32, #tpu.memory_space<vmem>>, vector<16xf32>,
          %broadcast_in_dim3A_1025 = vector.broadcast %scan3A_905 : i32 to vector<16xi32>
          %gather3A_1026 = tpu.vector_load_idx %arg11[%broadcast_in_dim3A_1025] : memref<48xi32, #tpu.memory_space<vmem>>[vector<16xi32>], vector<16xi32>,
          tpu.vector_store_idx %arg21[%gather3A_1026], %exp3A_992 masked %eq3A_7 {add = true} : memref<10240xf32, #tpu.memory_space<vmem>>[vector<16xi32>], vector<16xf32>, vector<16xi1>
          %scan3A_1027 = arith.constant 7 : i32
          %scan3A_1028 = arith.addi %scan3A_173, %scan3A_1027 : i32
          %get3A_1029 = arith.index_cast %scan3A_1028 : i32 to index
          %get3A_1030 = arith.constant 0 : index
          %get3A_1031 = tpu.vector_load %arg17[%get3A_1029, %get3A_1030] {strides = array<i32>} : memref<48x128xf32, #tpu.memory_space<vmem>>, vector<16xf32>,
          %get3A_1032 = arith.index_cast %scan3A_1028 : i32 to index
          %get3A_1033 = arith.constant 16 : index
          %get3A_1034 = tpu.vector_load %arg17[%get3A_1032, %get3A_1033] {strides = array<i32>} : memref<48x128xf32, #tpu.memory_space<vmem>>, vector<16xf32>,
          %get3A_1035 = arith.index_cast %scan3A_1028 : i32 to index
          %get3A_1036 = arith.constant 32 : index
          %get3A_1037 = tpu.vector_load %arg17[%get3A_1035, %get3A_1036] {strides = array<i32>} : memref<48x128xf32, #tpu.memory_space<vmem>>, vector<16xf32>,
          %get3A_1038 = arith.index_cast %scan3A_1028 : i32 to index
          %get3A_1039 = arith.constant 48 : index
          %get3A_1040 = tpu.vector_load %arg17[%get3A_1038, %get3A_1039] {strides = array<i32>} : memref<48x128xf32, #tpu.memory_space<vmem>>, vector<16xf32>,
          %get3A_1041 = arith.index_cast %scan3A_1028 : i32 to index
          %get3A_1042 = arith.constant 64 : index
          %get3A_1043 = tpu.vector_load %arg17[%get3A_1041, %get3A_1042] {strides = array<i32>} : memref<48x128xf32, #tpu.memory_space<vmem>>, vector<16xf32>,
          %get3A_1044 = arith.index_cast %scan3A_1028 : i32 to index
          %get3A_1045 = arith.constant 80 : index
          %get3A_1046 = tpu.vector_load %arg17[%get3A_1044, %get3A_1045] {strides = array<i32>} : memref<48x128xf32, #tpu.memory_space<vmem>>, vector<16xf32>,
          %get3A_1047 = arith.index_cast %scan3A_1028 : i32 to index
          %get3A_1048 = arith.constant 96 : index
          %get3A_1049 = tpu.vector_load %arg17[%get3A_1047, %get3A_1048] {strides = array<i32>} : memref<48x128xf32, #tpu.memory_space<vmem>>, vector<16xf32>,
          %get3A_1050 = arith.index_cast %scan3A_1028 : i32 to index
          %get3A_1051 = arith.constant 112 : index
          %get3A_1052 = tpu.vector_load %arg17[%get3A_1050, %get3A_1051] {strides = array<i32>} : memref<48x128xf32, #tpu.memory_space<vmem>>, vector<16xf32>,
          %get3A_1053 = arith.index_cast %scan3A_1028 : i32 to index
          %get3A_1054 = arith.constant 0 : index
          %get3A_1055 = tpu.vector_load %arg20[%get3A_1053, %get3A_1054] {strides = array<i32>} : memref<48x128xf32, #tpu.memory_space<vmem>>, vector<16xf32>,
          %get3A_1056 = arith.index_cast %scan3A_1028 : i32 to index
          %get3A_1057 = arith.constant 16 : index
          %get3A_1058 = tpu.vector_load %arg20[%get3A_1056, %get3A_1057] {strides = array<i32>} : memref<48x128xf32, #tpu.memory_space<vmem>>, vector<16xf32>,
          %get3A_1059 = arith.index_cast %scan3A_1028 : i32 to index
          %get3A_1060 = arith.constant 32 : index
          %get3A_1061 = tpu.vector_load %arg20[%get3A_1059, %get3A_1060] {strides = array<i32>} : memref<48x128xf32, #tpu.memory_space<vmem>>, vector<16xf32>,
          %get3A_1062 = arith.index_cast %scan3A_1028 : i32 to index
          %get3A_1063 = arith.constant 48 : index
          %get3A_1064 = tpu.vector_load %arg20[%get3A_1062, %get3A_1063] {strides = array<i32>} : memref<48x128xf32, #tpu.memory_space<vmem>>, vector<16xf32>,
          %get3A_1065 = arith.index_cast %scan3A_1028 : i32 to index
          %get3A_1066 = arith.constant 64 : index
          %get3A_1067 = tpu.vector_load %arg20[%get3A_1065, %get3A_1066] {strides = array<i32>} : memref<48x128xf32, #tpu.memory_space<vmem>>, vector<16xf32>,
          %get3A_1068 = arith.index_cast %scan3A_1028 : i32 to index
          %get3A_1069 = arith.constant 80 : index
          %get3A_1070 = tpu.vector_load %arg20[%get3A_1068, %get3A_1069] {strides = array<i32>} : memref<48x128xf32, #tpu.memory_space<vmem>>, vector<16xf32>,
          %get3A_1071 = arith.index_cast %scan3A_1028 : i32 to index
          %get3A_1072 = arith.constant 96 : index
          %get3A_1073 = tpu.vector_load %arg20[%get3A_1071, %get3A_1072] {strides = array<i32>} : memref<48x128xf32, #tpu.memory_space<vmem>>, vector<16xf32>,
          %get3A_1074 = arith.index_cast %scan3A_1028 : i32 to index
          %get3A_1075 = arith.constant 112 : index
          %get3A_1076 = tpu.vector_load %arg20[%get3A_1074, %get3A_1075] {strides = array<i32>} : memref<48x128xf32, #tpu.memory_space<vmem>>, vector<16xf32>,
          %mul3A_1077 = arith.mulf %get3A_1031, %get3A_1055 : vector<16xf32>
          %mul3A_1078 = arith.mulf %get3A_1034, %get3A_1058 : vector<16xf32>
          %add3A_1079 = arith.addf %mul3A_1077, %mul3A_1078 : vector<16xf32>
          %mul3A_1080 = arith.mulf %get3A_1037, %get3A_1061 : vector<16xf32>
          %add3A_1081 = arith.addf %add3A_1079, %mul3A_1080 : vector<16xf32>
          %mul3A_1082 = arith.mulf %get3A_1040, %get3A_1064 : vector<16xf32>
          %add3A_1083 = arith.addf %add3A_1081, %mul3A_1082 : vector<16xf32>
          %mul3A_1084 = arith.mulf %get3A_1043, %get3A_1067 : vector<16xf32>
          %add3A_1085 = arith.addf %add3A_1083, %mul3A_1084 : vector<16xf32>
          %mul3A_1086 = arith.mulf %get3A_1046, %get3A_1070 : vector<16xf32>
          %add3A_1087 = arith.addf %add3A_1085, %mul3A_1086 : vector<16xf32>
          %mul3A_1088 = arith.mulf %get3A_1049, %get3A_1073 : vector<16xf32>
          %add3A_1089 = arith.addf %add3A_1087, %mul3A_1088 : vector<16xf32>
          %mul3A_1090 = arith.mulf %get3A_1052, %get3A_1076 : vector<16xf32>
          %add3A_1091 = arith.addf %add3A_1089, %mul3A_1090 : vector<16xf32>
          %broadcast_in_dim3A_1092 = vector.shape_cast %and3A_12 : vector<16xi32> to vector<16x1xi32>
          %gather3A_1093 = vector.shape_cast %broadcast_in_dim3A_1092 : vector<16x1xi32> to vector<16xi32>
          %gather3A_1094 = tpu.dynamic_gather %add3A_1091[%gather3A_1093] in [0] : vector<16xf32>, vector<16xi32> -> vector<16xf32>
          %add3A_1095 = arith.addf %add3A_1091, %gather3A_1094 : vector<16xf32>
          %broadcast_in_dim3A_1096 = vector.shape_cast %and3A_18 : vector<16xi32> to vector<16x1xi32>
          %gather3A_1097 = vector.shape_cast %broadcast_in_dim3A_1096 : vector<16x1xi32> to vector<16xi32>
          %gather3A_1098 = tpu.dynamic_gather %add3A_1095[%gather3A_1097] in [0] : vector<16xf32>, vector<16xi32> -> vector<16xf32>
          %add3A_1099 = arith.addf %add3A_1095, %gather3A_1098 : vector<16xf32>
          %broadcast_in_dim3A_1100 = vector.shape_cast %and3A_24 : vector<16xi32> to vector<16x1xi32>
          %gather3A_1101 = vector.shape_cast %broadcast_in_dim3A_1100 : vector<16x1xi32> to vector<16xi32>
          %gather3A_1102 = tpu.dynamic_gather %add3A_1099[%gather3A_1101] in [0] : vector<16xf32>, vector<16xi32> -> vector<16xf32>
          %add3A_1103 = arith.addf %add3A_1099, %gather3A_1102 : vector<16xf32>
          %broadcast_in_dim3A_1104 = vector.shape_cast %and3A_30 : vector<16xi32> to vector<16x1xi32>
          %gather3A_1105 = vector.shape_cast %broadcast_in_dim3A_1104 : vector<16x1xi32> to vector<16xi32>
          %gather3A_1106 = tpu.dynamic_gather %add3A_1103[%gather3A_1105] in [0] : vector<16xf32>, vector<16xi32> -> vector<16xf32>
          %add3A_1107 = arith.addf %add3A_1103, %gather3A_1106 : vector<16xf32>
          %mul3A_1108 = arith.constant 2.000000e-01 : f32
          %mul3A_1109 = vector.broadcast %mul3A_1108 : f32 to vector<16xf32>
          %mul3A_1110 = arith.mulf %mul3A_1109, %add3A_1107 : vector<16xf32>
          %max3A_1111 = arith.maximumf %add3A_1107, %mul3A_1110 : vector<16xf32>
          %neg3A_1112 = arith.constant 0.000000e+00 : f32
          %neg3A_1113 = vector.broadcast %neg3A_1112 : f32 to vector<16xf32>
          %neg3A_1114 = arith.subf %neg3A_1113, %max3A_1111 : vector<16xf32>
          %exp3A_1115 = math.exp %neg3A_1114 : vector<16xf32>
          %mul3A_1116 = arith.mulf %get3A_1055, %exp3A_1115 : vector<16xf32>
          %swap3A_1117 = arith.index_cast %scan3A_1028 : i32 to index
          %swap3A_1118 = arith.constant 0 : index
          %swap3A_1119 = tpu.vector_load %arg20[%swap3A_1117, %swap3A_1118] {strides = array<i32>} : memref<48x128xf32, #tpu.memory_space<vmem>>, vector<16xf32>,
          tpu.vector_store %arg20[%swap3A_1117, %swap3A_1118], %mul3A_1116 {strides = array<i32>} : memref<48x128xf32, #tpu.memory_space<vmem>>, vector<16xf32>,
          %mul3A_1120 = arith.mulf %get3A_1058, %exp3A_1115 : vector<16xf32>
          %swap3A_1121 = arith.index_cast %scan3A_1028 : i32 to index
          %swap3A_1122 = arith.constant 16 : index
          %swap3A_1123 = tpu.vector_load %arg20[%swap3A_1121, %swap3A_1122] {strides = array<i32>} : memref<48x128xf32, #tpu.memory_space<vmem>>, vector<16xf32>,
          tpu.vector_store %arg20[%swap3A_1121, %swap3A_1122], %mul3A_1120 {strides = array<i32>} : memref<48x128xf32, #tpu.memory_space<vmem>>, vector<16xf32>,
          %mul3A_1124 = arith.mulf %get3A_1061, %exp3A_1115 : vector<16xf32>
          %swap3A_1125 = arith.index_cast %scan3A_1028 : i32 to index
          %swap3A_1126 = arith.constant 32 : index
          %swap3A_1127 = tpu.vector_load %arg20[%swap3A_1125, %swap3A_1126] {strides = array<i32>} : memref<48x128xf32, #tpu.memory_space<vmem>>, vector<16xf32>,
          tpu.vector_store %arg20[%swap3A_1125, %swap3A_1126], %mul3A_1124 {strides = array<i32>} : memref<48x128xf32, #tpu.memory_space<vmem>>, vector<16xf32>,
          %mul3A_1128 = arith.mulf %get3A_1064, %exp3A_1115 : vector<16xf32>
          %swap3A_1129 = arith.index_cast %scan3A_1028 : i32 to index
          %swap3A_1130 = arith.constant 48 : index
          %swap3A_1131 = tpu.vector_load %arg20[%swap3A_1129, %swap3A_1130] {strides = array<i32>} : memref<48x128xf32, #tpu.memory_space<vmem>>, vector<16xf32>,
          tpu.vector_store %arg20[%swap3A_1129, %swap3A_1130], %mul3A_1128 {strides = array<i32>} : memref<48x128xf32, #tpu.memory_space<vmem>>, vector<16xf32>,
          %mul3A_1132 = arith.mulf %get3A_1067, %exp3A_1115 : vector<16xf32>
          %swap3A_1133 = arith.index_cast %scan3A_1028 : i32 to index
          %swap3A_1134 = arith.constant 64 : index
          %swap3A_1135 = tpu.vector_load %arg20[%swap3A_1133, %swap3A_1134] {strides = array<i32>} : memref<48x128xf32, #tpu.memory_space<vmem>>, vector<16xf32>,
          tpu.vector_store %arg20[%swap3A_1133, %swap3A_1134], %mul3A_1132 {strides = array<i32>} : memref<48x128xf32, #tpu.memory_space<vmem>>, vector<16xf32>,
          %mul3A_1136 = arith.mulf %get3A_1070, %exp3A_1115 : vector<16xf32>
          %swap3A_1137 = arith.index_cast %scan3A_1028 : i32 to index
          %swap3A_1138 = arith.constant 80 : index
          %swap3A_1139 = tpu.vector_load %arg20[%swap3A_1137, %swap3A_1138] {strides = array<i32>} : memref<48x128xf32, #tpu.memory_space<vmem>>, vector<16xf32>,
          tpu.vector_store %arg20[%swap3A_1137, %swap3A_1138], %mul3A_1136 {strides = array<i32>} : memref<48x128xf32, #tpu.memory_space<vmem>>, vector<16xf32>,
          %mul3A_1140 = arith.mulf %get3A_1073, %exp3A_1115 : vector<16xf32>
          %swap3A_1141 = arith.index_cast %scan3A_1028 : i32 to index
          %swap3A_1142 = arith.constant 96 : index
          %swap3A_1143 = tpu.vector_load %arg20[%swap3A_1141, %swap3A_1142] {strides = array<i32>} : memref<48x128xf32, #tpu.memory_space<vmem>>, vector<16xf32>,
          tpu.vector_store %arg20[%swap3A_1141, %swap3A_1142], %mul3A_1140 {strides = array<i32>} : memref<48x128xf32, #tpu.memory_space<vmem>>, vector<16xf32>,
          %mul3A_1144 = arith.mulf %get3A_1076, %exp3A_1115 : vector<16xf32>
          %swap3A_1145 = arith.index_cast %scan3A_1028 : i32 to index
          %swap3A_1146 = arith.constant 112 : index
          %swap3A_1147 = tpu.vector_load %arg20[%swap3A_1145, %swap3A_1146] {strides = array<i32>} : memref<48x128xf32, #tpu.memory_space<vmem>>, vector<16xf32>,
          tpu.vector_store %arg20[%swap3A_1145, %swap3A_1146], %mul3A_1144 {strides = array<i32>} : memref<48x128xf32, #tpu.memory_space<vmem>>, vector<16xf32>,
          %broadcast_in_dim3A_1148 = vector.broadcast %scan3A_1028 : i32 to vector<16xi32>
          %gather3A_1149 = tpu.vector_load_idx %arg11[%broadcast_in_dim3A_1148] : memref<48xi32, #tpu.memory_space<vmem>>[vector<16xi32>], vector<16xi32>,
          tpu.vector_store_idx %arg21[%gather3A_1149], %exp3A_1115 masked %eq3A_7 {add = true} : memref<10240xf32, #tpu.memory_space<vmem>>[vector<16xi32>], vector<16xf32>, vector<16xi1>
        }
        %scan3A_170 = arith.constant 48 : i32
        %dma_start3A = arith.constant 0 : i32
        %dma_start3A_171 = arith.constant 0 : i32
        %dma_start3A_172 = tpu.memref_slice %arg24[%dma_start3A, %dma_start3A_171] : memref<10240x128xf32, #tpu.memory_space<vmem_shared>> -> memref<10240x128xf32, #tpu.memory_space<vmem_shared>>
        tpu.enqueue_indirect_dma source(%arg20 : memref<48x128xf32, #tpu.memory_space<vmem>>) target(%dma_start3A_172 : memref<10240x128xf32, #tpu.memory_space<vmem_shared>>) offsets(%arg11 : memref<48xi32, #tpu.memory_space<vmem>>) semaphore(%arg33 : memref<!tpu.dma_semaphore, #tpu.memory_space<semaphore_mem>>) {add = true}
      } else {
      }
      %ge3A_153 = arith.constant 1 : i32
      %ge3A_154 = arith.cmpi sge, %sub3A_134, %ge3A_153 : i32
      %convert_element_type3A_155 = arith.extui %ge3A_154 : i1 to i32
      %cond3A_156 = arith.constant 0 : i32
      %cond3A_157 = arith.cmpi ne, %convert_element_type3A_155, %cond3A_156 : i32
      scf.if %cond3A_157 {
        %dma_wait3A_166 = arith.constant 0 : i32
        %dma_wait3A_167 = arith.constant 0 : i32
        %dma_wait3A_168 = tpu.memref_slice %arg24[%dma_wait3A_166, %dma_wait3A_167] : memref<10240x128xf32, #tpu.memory_space<vmem_shared>> -> memref<10240x128xf32, #tpu.memory_space<vmem_shared>>
        tpu.wait_indirect_dma semaphore(%arg32 : memref<!tpu.dma_semaphore, #tpu.memory_space<semaphore_mem>>) src(%arg19 : memref<48x128xf32, #tpu.memory_space<vmem>>) dst(%dma_wait3A_168 : memref<10240x128xf32, #tpu.memory_space<vmem_shared>>)
      } else {
      }
      %ge3A_158 = arith.constant -2 : i32
      %ge3A_159 = arith.cmpi sge, %sub3A_134, %ge3A_158 : i32
      %lt3A_160 = arith.constant 208 : i32
      %lt3A_161 = arith.cmpi slt, %sub3A_134, %lt3A_160 : i32
      %and3A_162 = arith.andi %ge3A_159, %lt3A_161 : i1
      %convert_element_type3A_163 = arith.extui %and3A_162 : i1 to i32
      %cond3A_164 = arith.constant 0 : i32
      %cond3A_165 = arith.cmpi ne, %convert_element_type3A_163, %cond3A_164 : i32
      scf.if %cond3A_165 {
        %add3A_166 = arith.constant 2 : i32
        %add3A_167 = arith.addi %sub3A_134, %add3A_166 : i32
        %add3A_168 = arith.addi %mul3A_2, %add3A_167 : i32
        %mul3A_169 = arith.constant 48 : i32
        %mul3A_170 = arith.muli %add3A_168, %mul3A_169 : i32
        %dma_start3A = tpu.memref_slice %arg3[%mul3A_170] : memref<322560xi32, #tpu.memory_space<hbm>> -> memref<48xi32, #tpu.memory_space<hbm>>
        %dma_start3A_171 = tpu.memref_slice %arg3[%mul3A_170] : memref<322560xi32, #tpu.memory_space<hbm>> -> memref<48xi32, #tpu.memory_space<hbm>>
        tpu.enqueue_dma source(%dma_start3A_171 : memref<48xi32, #tpu.memory_space<hbm>>) target(%arg10 : memref<48xi32, #tpu.memory_space<vmem>>) target_semaphore(%arg26 : memref<!tpu.dma_semaphore, #tpu.memory_space<semaphore_mem>>)
        %dma_start3A_172 = tpu.memref_slice %arg4[%mul3A_170] : memref<322560xi32, #tpu.memory_space<hbm>> -> memref<48xi32, #tpu.memory_space<hbm>>
        %dma_start3A_173 = tpu.memref_slice %arg4[%mul3A_170] : memref<322560xi32, #tpu.memory_space<hbm>> -> memref<48xi32, #tpu.memory_space<hbm>>
        tpu.enqueue_dma source(%dma_start3A_173 : memref<48xi32, #tpu.memory_space<hbm>>) target(%arg13 : memref<48xi32, #tpu.memory_space<vmem>>) target_semaphore(%arg26 : memref<!tpu.dma_semaphore, #tpu.memory_space<semaphore_mem>>)
      } else {
      }
    }
    %scan3A_41 = arith.constant 71 : i32
    %dma_wait3A = arith.constant 0 : i32
    %dma_wait3A_42 = arith.constant 0 : i32
    %dma_wait3A_43 = tpu.memref_slice %arg24[%dma_wait3A, %dma_wait3A_42] : memref<10240x128xf32, #tpu.memory_space<vmem_shared>> -> memref<10240x128xf32, #tpu.memory_space<vmem_shared>>
    tpu.wait_indirect_dma semaphore(%arg33 : memref<!tpu.dma_semaphore, #tpu.memory_space<semaphore_mem>>) src(%arg20 : memref<48x128xf32, #tpu.memory_space<vmem>>) dst(%dma_wait3A_43 : memref<10240x128xf32, #tpu.memory_space<vmem_shared>>)
    %mul3A_44 = arith.constant 163840 : i32
    %mul3A_45 = arith.muli %arg0, %mul3A_44 : i32
    %mul3A_46 = arith.constant 10240 : i32
    %mul3A_47 = arith.muli %arg1, %mul3A_46 : i32
    %add3A_48 = arith.addi %mul3A_45, %mul3A_47 : i32
    "tpu.region"() ({
      %run_scoped3A = tpu.sem_alloc : memref<!tpu.dma_semaphore, #tpu.memory_space<semaphore_mem>>
      %dma_start3A = tpu.memref_slice %arg8[%add3A_48] : memref<327680xf32, #tpu.memory_space<hbm>> -> memref<10240xf32, #tpu.memory_space<hbm>>
      %dma_start3A_59 = tpu.memref_slice %arg8[%add3A_48] : memref<327680xf32, #tpu.memory_space<hbm>> -> memref<10240xf32, #tpu.memory_space<hbm>>
      tpu.enqueue_dma source(%arg21 : memref<10240xf32, #tpu.memory_space<vmem>>) target(%dma_start3A_59 : memref<10240xf32, #tpu.memory_space<hbm>>) target_semaphore(%run_scoped3A : memref<!tpu.dma_semaphore, #tpu.memory_space<semaphore_mem>>)
      %dma_wait3A_60 = tpu.memref_slice %arg8[%add3A_48] : memref<327680xf32, #tpu.memory_space<hbm>> -> memref<10240xf32, #tpu.memory_space<hbm>>
      %dma_wait3A_61 = tpu.memref_slice %arg8[%add3A_48] : memref<327680xf32, #tpu.memory_space<hbm>> -> memref<10240xf32, #tpu.memory_space<hbm>>
      tpu.wait_dma2 semaphore(%run_scoped3A : memref<!tpu.dma_semaphore, #tpu.memory_space<semaphore_mem>>) src(%arg21 : memref<10240xf32, #tpu.memory_space<vmem>>) dst(%dma_wait3A_61 : memref<10240xf32, #tpu.memory_space<hbm>>)
      tpu.yield
    }) : () -> ()
    %barrier3A_49 = arith.constant 0 : index
    tpu.barrier barrier_id(%barrier3A_49)
    %add3A_50 = arith.addi %mul3A_45, %mul3A_32 : i32
    "tpu.region"() ({
      %run_scoped3A = tpu.sem_alloc : memref<!tpu.dma_semaphore, #tpu.memory_space<semaphore_mem>>
      %dma_start3A = tpu.memref_slice %arg8[%add3A_50] : memref<327680xf32, #tpu.memory_space<hbm>> -> memref<640xf32, #tpu.memory_space<hbm>>
      %dma_start3A_59 = tpu.memref_slice %arg8[%add3A_50] : memref<327680xf32, #tpu.memory_space<hbm>> -> memref<640xf32, #tpu.memory_space<hbm>>
      tpu.enqueue_dma source(%dma_start3A_59 : memref<640xf32, #tpu.memory_space<hbm>>) target(%arg23 : memref<640xf32, #tpu.memory_space<vmem>>) target_semaphore(%run_scoped3A : memref<!tpu.dma_semaphore, #tpu.memory_space<semaphore_mem>>)
      %dma_wait3A_60 = tpu.memref_slice %arg8[%add3A_50] : memref<327680xf32, #tpu.memory_space<hbm>> -> memref<640xf32, #tpu.memory_space<hbm>>
      %dma_wait3A_61 = tpu.memref_slice %arg8[%add3A_50] : memref<327680xf32, #tpu.memory_space<hbm>> -> memref<640xf32, #tpu.memory_space<hbm>>
      tpu.wait_dma2 semaphore(%run_scoped3A : memref<!tpu.dma_semaphore, #tpu.memory_space<semaphore_mem>>) src(%dma_wait3A_61 : memref<640xf32, #tpu.memory_space<hbm>>) dst(%arg23 : memref<640xf32, #tpu.memory_space<vmem>>)
      tpu.yield
    }) : () -> ()
    %scan3A_51 = arith.constant 0 : i32
    %scan3A_52 = arith.constant 15 : i32
    %scan3A_53 = arith.addi %scan3A_51, %scan3A_52 : i32
    %scan3A_54 = arith.constant 1 : i32
    scf.for %scan3A_59 = %scan3A_51 to %scan3A_53 step %scan3A_54  : i32 {
      %add3A_60 = arith.constant 1 : i32
      %add3A_61 = arith.addi %scan3A_59, %add3A_60 : i32
      %mul3A_62 = arith.constant 10240 : i32
      %mul3A_63 = arith.muli %add3A_61, %mul3A_62 : i32
      %add3A_64 = arith.addi %mul3A_45, %mul3A_63 : i32
      %add3A_65 = arith.addi %add3A_64, %mul3A_32 : i32
      "tpu.region"() ({
        %run_scoped3A = tpu.sem_alloc : memref<!tpu.dma_semaphore, #tpu.memory_space<semaphore_mem>>
        %dma_start3A = tpu.memref_slice %arg8[%add3A_65] : memref<327680xf32, #tpu.memory_space<hbm>> -> memref<640xf32, #tpu.memory_space<hbm>>
        %dma_start3A_71 = tpu.memref_slice %arg8[%add3A_65] : memref<327680xf32, #tpu.memory_space<hbm>> -> memref<640xf32, #tpu.memory_space<hbm>>
        tpu.enqueue_dma source(%dma_start3A_71 : memref<640xf32, #tpu.memory_space<hbm>>) target(%arg22 : memref<640xf32, #tpu.memory_space<vmem>>) target_semaphore(%run_scoped3A : memref<!tpu.dma_semaphore, #tpu.memory_space<semaphore_mem>>)
        %dma_wait3A_72 = tpu.memref_slice %arg8[%add3A_65] : memref<327680xf32, #tpu.memory_space<hbm>> -> memref<640xf32, #tpu.memory_space<hbm>>
        %dma_wait3A_73 = tpu.memref_slice %arg8[%add3A_65] : memref<327680xf32, #tpu.memory_space<hbm>> -> memref<640xf32, #tpu.memory_space<hbm>>
        tpu.wait_dma2 semaphore(%run_scoped3A : memref<!tpu.dma_semaphore, #tpu.memory_space<semaphore_mem>>) src(%dma_wait3A_73 : memref<640xf32, #tpu.memory_space<hbm>>) dst(%arg22 : memref<640xf32, #tpu.memory_space<vmem>>)
        tpu.yield
      }) : () -> ()
      %scan3A_66 = arith.constant 0 : i32
      %scan3A_67 = arith.constant 40 : i32
      %scan3A_68 = arith.addi %scan3A_66, %scan3A_67 : i32
      %scan3A_69 = arith.constant 1 : i32
      scf.for %scan3A_71 = %scan3A_66 to %scan3A_68 step %scan3A_69  : i32 {
        %mul3A_72 = arith.constant 16 : i32
        %mul3A_73 = arith.muli %scan3A_71, %mul3A_72 : i32
        %get3A = arith.index_cast %mul3A_73 : i32 to index
        %get3A_74 = tpu.vector_load %arg23[%get3A] {strides = array<i32>} : memref<640xf32, #tpu.memory_space<vmem>>, vector<16xf32>,
        %get3A_75 = arith.index_cast %mul3A_73 : i32 to index
        %get3A_76 = tpu.vector_load %arg22[%get3A_75] {strides = array<i32>} : memref<640xf32, #tpu.memory_space<vmem>>, vector<16xf32>,
        %add3A_77 = arith.addf %get3A_74, %get3A_76 : vector<16xf32>
        %swap3A = arith.index_cast %mul3A_73 : i32 to index
        %swap3A_78 = tpu.vector_load %arg23[%swap3A] {strides = array<i32>} : memref<640xf32, #tpu.memory_space<vmem>>, vector<16xf32>,
        tpu.vector_store %arg23[%swap3A], %add3A_77 {strides = array<i32>} : memref<640xf32, #tpu.memory_space<vmem>>, vector<16xf32>,
      }
      %scan3A_70 = arith.constant 40 : i32
    }
    %scan3A_55 = arith.constant 15 : i32
    %mul3A_56 = arith.constant 10240 : i32
    %mul3A_57 = arith.muli %arg0, %mul3A_56 : i32
    %add3A_58 = arith.addi %mul3A_57, %mul3A_32 : i32
    "tpu.region"() ({
      %run_scoped3A = tpu.sem_alloc : memref<!tpu.dma_semaphore, #tpu.memory_space<semaphore_mem>>
      %dma_start3A = arith.constant 0 : i32
      %dma_start3A_59 = tpu.memref_slice %arg6[%add3A_58, %dma_start3A] : memref<20480x128xf32, #tpu.memory_space<hbm>> -> memref<640x128xf32, #tpu.memory_space<hbm>>
      %dma_start3A_60 = arith.constant 0 : i32
      %dma_start3A_61 = tpu.memref_slice %arg24[%mul3A_32, %dma_start3A_60] : memref<10240x128xf32, #tpu.memory_space<vmem_shared>> -> memref<640x128xf32, #tpu.memory_space<vmem_shared>>
      tpu.enqueue_dma source(%dma_start3A_61 : memref<640x128xf32, #tpu.memory_space<vmem_shared>>) target(%dma_start3A_59 : memref<640x128xf32, #tpu.memory_space<hbm>>) target_semaphore(%run_scoped3A : memref<!tpu.dma_semaphore, #tpu.memory_space<semaphore_mem>>)
      %dma_wait3A_62 = arith.constant 0 : i32
      %dma_wait3A_63 = tpu.memref_slice %arg6[%add3A_58, %dma_wait3A_62] : memref<20480x128xf32, #tpu.memory_space<hbm>> -> memref<640x128xf32, #tpu.memory_space<hbm>>
      %dma_wait3A_64 = arith.constant 0 : i32
      %dma_wait3A_65 = tpu.memref_slice %arg24[%mul3A_32, %dma_wait3A_64] : memref<10240x128xf32, #tpu.memory_space<vmem_shared>> -> memref<640x128xf32, #tpu.memory_space<vmem_shared>>
      tpu.wait_dma2 semaphore(%run_scoped3A : memref<!tpu.dma_semaphore, #tpu.memory_space<semaphore_mem>>) src(%dma_wait3A_65 : memref<640x128xf32, #tpu.memory_space<vmem_shared>>) dst(%dma_wait3A_63 : memref<640x128xf32, #tpu.memory_space<hbm>>)
      tpu.yield
    }) : () -> ()
    "tpu.region"() ({
      %run_scoped3A = tpu.sem_alloc : memref<!tpu.dma_semaphore, #tpu.memory_space<semaphore_mem>>
      %dma_start3A = tpu.memref_slice %arg7[%add3A_58] : memref<20480xf32, #tpu.memory_space<hbm>> -> memref<640xf32, #tpu.memory_space<hbm>>
      %dma_start3A_59 = tpu.memref_slice %arg7[%add3A_58] : memref<20480xf32, #tpu.memory_space<hbm>> -> memref<640xf32, #tpu.memory_space<hbm>>
      tpu.enqueue_dma source(%arg23 : memref<640xf32, #tpu.memory_space<vmem>>) target(%dma_start3A_59 : memref<640xf32, #tpu.memory_space<hbm>>) target_semaphore(%run_scoped3A : memref<!tpu.dma_semaphore, #tpu.memory_space<semaphore_mem>>)
      %dma_wait3A_60 = tpu.memref_slice %arg7[%add3A_58] : memref<20480xf32, #tpu.memory_space<hbm>> -> memref<640xf32, #tpu.memory_space<hbm>>
      %dma_wait3A_61 = tpu.memref_slice %arg7[%add3A_58] : memref<20480xf32, #tpu.memory_space<hbm>> -> memref<640xf32, #tpu.memory_space<hbm>>
      tpu.wait_dma2 semaphore(%run_scoped3A : memref<!tpu.dma_semaphore, #tpu.memory_space<semaphore_mem>>) src(%arg23 : memref<640xf32, #tpu.memory_space<vmem>>) dst(%dma_wait3A_61 : memref<640xf32, #tpu.memory_space<hbm>>)
      tpu.yield
    }) : () -> ()
    return
  }
}

module attributes {stable_mosaic.version = 14 : i64} {
  func.func @_matmul_body(%arg0: memref<10240x128xf32, #tpu.memory_space<vmem>>, %arg1: memref<128x128xf32, #tpu.memory_space<vmem>>, %arg2: memref<10240x128xf32, #tpu.memory_space<vmem>>) attributes {dimension_semantics = [], scalar_prefetch = 0 : i64, scratch_operands = 0 : i64, tpu.core_type = #tpu.core_type<tc>} {
    %get3A = arith.constant 0 : index
    %get3A_0 = arith.constant 0 : index
    %get3A_1 = vector.load %arg0[%get3A, %get3A_0] : memref<10240x128xf32, #tpu.memory_space<vmem>>, vector<10240x128xf32>
    %get3A_2 = arith.constant 0 : index
    %get3A_3 = arith.constant 0 : index
    %get3A_4 = vector.load %arg1[%get3A_2, %get3A_3] : memref<128x128xf32, #tpu.memory_space<vmem>>, vector<128x128xf32>
    %dot_general3A = arith.constant dense<0.000000e+00> : vector<10240x128xf32>
    %dot_general3A_5 = tpu.matmul %get3A_1, %get3A_4, %dot_general3A {dimension_numbers = #tpu.dot_dimension_numbers<[1], [0], [0], [1], [0, 0, 1, 1], [], []>, precision = #tpu.contract_precision<fp32>, transpose_lhs_hint = false} : vector<10240x128xf32>, vector<128x128xf32>, vector<10240x128xf32> -> vector<10240x128xf32>
    %swap3A = arith.constant 0 : index
    %swap3A_6 = arith.constant 0 : index
    %swap3A_7 = vector.load %arg2[%swap3A, %swap3A_6] : memref<10240x128xf32, #tpu.memory_space<vmem>>, vector<10240x128xf32>
    tpu.vector_store %arg2[%swap3A, %swap3A_6], %dot_general3A_5 {strides = array<i32>} : memref<10240x128xf32, #tpu.memory_space<vmem>>, vector<10240x128xf32>,
    return
  }
}

module attributes {stable_mosaic.version = 14 : i64} {
  func.func @_combine_body(%arg0: memref<2x10240x128xf32, #tpu.memory_space<vmem>>, %arg1: memref<2x10240xf32, #tpu.memory_space<vmem>>, %arg2: memref<10000x128xf32, #tpu.memory_space<vmem>>) attributes {dimension_semantics = [], scalar_prefetch = 0 : i64, scratch_operands = 0 : i64, tpu.core_type = #tpu.core_type<tc>} {
    %get3A = arith.constant 0 : index
    %get3A_0 = arith.constant 0 : index
    %get3A_1 = arith.constant 0 : index
    %get3A_2 = vector.load %arg0[%get3A, %get3A_0, %get3A_1] : memref<2x10240x128xf32, #tpu.memory_space<vmem>>, vector<2x10240x128xf32>
    %slice3A = vector.extract_strided_slice %get3A_2 {offsets = [0, 0, 0], sizes = [1, 10000, 128], strides = [1, 1, 1]} : vector<2x10240x128xf32> to vector<1x10000x128xf32>
    %squeeze3A = vector.shape_cast %slice3A : vector<1x10000x128xf32> to vector<10000x128xf32>
    %slice3A_3 = vector.extract_strided_slice %get3A_2 {offsets = [1, 0, 0], sizes = [1, 10000, 128], strides = [1, 1, 1]} : vector<2x10240x128xf32> to vector<1x10000x128xf32>
    %squeeze3A_4 = vector.shape_cast %slice3A_3 : vector<1x10000x128xf32> to vector<10000x128xf32>
    %add3A = arith.addf %squeeze3A, %squeeze3A_4 : vector<10000x128xf32>
    %get3A_5 = arith.constant 0 : index
    %get3A_6 = arith.constant 0 : index
    %get3A_7 = vector.load %arg1[%get3A_5, %get3A_6] : memref<2x10240xf32, #tpu.memory_space<vmem>>, vector<2x10240xf32>
    %slice3A_8 = vector.extract_strided_slice %get3A_7 {offsets = [0, 0], sizes = [1, 10240], strides = [1, 1]} : vector<2x10240xf32> to vector<1x10240xf32>
    %squeeze3A_9 = vector.shape_cast %slice3A_8 : vector<1x10240xf32> to vector<10240xf32>
    %slice3A_10 = vector.extract_strided_slice %get3A_7 {offsets = [1, 0], sizes = [1, 10240], strides = [1, 1]} : vector<2x10240xf32> to vector<1x10240xf32>
    %squeeze3A_11 = vector.shape_cast %slice3A_10 : vector<1x10240xf32> to vector<10240xf32>
    %add3A_12 = arith.addf %squeeze3A_9, %squeeze3A_11 : vector<10240xf32>
    %reshape3A = vector.shape_cast %add3A_12 : vector<10240xf32> to vector<10240x1xf32>
    %slice3A_13 = vector.extract_strided_slice %reshape3A {offsets = [0, 0], sizes = [10000, 1], strides = [1, 1]} : vector<10240x1xf32> to vector<10000x1xf32>
    %add3A_14 = arith.constant 9.99999993E-9 : f32
    %add3A_15 = vector.broadcast %add3A_14 : f32 to vector<10000x1xf32>
    %add3A_16 = arith.addf %slice3A_13, %add3A_15 : vector<10000x1xf32>
    %div3A = vector.broadcast %add3A_16 : vector<10000x1xf32> to vector<10000x128xf32>
    %div3A_17 = arith.divf %add3A, %div3A : vector<10000x128xf32>
    %gt3A = arith.constant 0.000000e+00 : f32
    %gt3A_18 = vector.broadcast %gt3A : f32 to vector<10000x128xf32>
    %gt3A_19 = arith.cmpf ogt, %div3A_17, %gt3A_18 : vector<10000x128xf32>
    %exp3A = math.exp %div3A_17 : vector<10000x128xf32>
    %sub3A = arith.constant 1.000000e+00 : f32
    %sub3A_20 = vector.broadcast %sub3A : f32 to vector<10000x128xf32>
    %sub3A_21 = arith.subf %exp3A, %sub3A_20 : vector<10000x128xf32>
    %select_n3A = arith.select %gt3A_19, %div3A_17, %sub3A_21 : vector<10000x128xi1>, vector<10000x128xf32>
    %swap3A = arith.constant 0 : index
    %swap3A_22 = arith.constant 0 : index
    %swap3A_23 = vector.load %arg2[%swap3A, %swap3A_22] : memref<10000x128xf32, #tpu.memory_space<vmem>>, vector<10000x128xf32>
    tpu.vector_store %arg2[%swap3A, %swap3A_22], %select_n3A {strides = array<i32>} : memref<10000x128xf32, #tpu.memory_space<vmem>>, vector<10000x128xf32>,
    return
  }
}

</mosaic_0001>

<sc_bundles>
// kernel: kernel.5.cloned.1.call-start
scs
__scs_entry_jumppad:
0x0: {  	(pc) =	sbr.rel $0x88, $3  }
0x1: {  	(tag) =	ssettag $0x0;
	lr =	simm.s32 $0x1  }
0x2: {  	[smem:$0x3F9E] =	sst lr;
	_ =	strace $0xD0000000  }
0x3: {  	_ = 	snop  }
0x4: {  	_ = 	snop  }
0x5: {  	_ = 	snop  }
0x6: {  	_ = 	snop  }
0x7: {  	_ = 	snop  }
__scs_overlays_trampoline_lowered:
0x8: {  	[smem:$0x3FAD] =	sst s0  }
0x9: {  	[smem:$0x3FAE] =	sst s1  }
0xa: {  	[smem:$0x3FAF] =	sst s2  }
0xb: {  	[smem:$0x3FB0] =	sst s3  }
0xc: {  	[smem:$0x3FB1] =	sst s4  }
0xd: {  	[smem:$0x3FB2] =	sst s5  }
0xe: {  	[smem:$0x3FB3] =	sst s6  }
0xf: {  	[smem:$0x3FB4] =	sst s7  }
0x10: {  	[smem:$0x3FB5] =	sst s8  }
0x11: {  	[smem:$0x3FB6] =	sst s9;
	s0 =	simm.s32 @!p0 $0x0  }
0x12: {  	s1 =	sld [smem:$0x3F9C];
	s0 =	simm.s32 @p0 $0x1  }
0x13: {  	[smem:$0x3FB7] =	sst s0;
	s0 =	simm.s32 @!p1 $0x0  }
0x14: {  	s2 =	sld [smem:$0x3F9B];
	s0 =	simm.s32 @p1 $0x1  }
0x15: {  	[smem:$0x3FB8] =	sst s0;
	s0 =	simm.s32 @!p2 $0x0  }
0x16: {  	s3 =	sld [smem:$0x3FDB];
	s0 =	simm.s32 @p2 $0x1  }
0x17: {  	s4 =	simm.s32 $0x1BF5;
	[smem:$0x3FBA] =	sst s0  }
0x18: {  	s0 =	sld [smem:$0x3F9D];
	_ =	swait.ge [sflag:s4], $0x0  }
0x19: {  	s7 =	sld [smem:$0x3F9E]  }
0x1a: {  	s8 =	sadd.s32 $0xFFFFE003, lr  }
0x1b: {  	s9 =	sadd.s32 $0xFFFFFEF7, lr;
	s5 =	simm.s32 $0xFFFFFFFF;
	p2 =	slt.u32 s8, $0xFFFFF086  }
0x1c: {  	p1 =	slt.u32 s9, $0xF7A;
	s5 =	simm.s32 @!p2 $0x0  }
0x1d: {  	s5 =	simm.s32 @p1 $0x1;
	p0 =	seq.s32 s7, s2  }
0x1e: {  	s7 =	smul.u32 @!p0 $0xF7A, s2;
	p2 =	seq.s32 @!p0 s5, $0x0  }
0x1f: {  	s9 =	smul.u32 $0xF7A, s1;
	s8 =	simm.s32 @!p0 $0x1BF5;
	p2 =	por !p2, p0  }
0x20: {  	[sflag:s8] =	ssyncset.s32 @!p0 $0xFFFFF086;
	s6 =	sadd.s32 @!p0 s3, s7;
	s7 =	simm.s32 @!p0 $0x108  }
0x21: {  	s3 =	sadd.s32 s3, s9;
	s6 =	sadd.s32 @!p0 $0x88, s6;
	s7 =	simm.s32 @p2 $0x1082  }
0x22: {  	[simem:s7], [sflag:s8] =	dma.local @!p0 [hbm:s6], $0xF7A  }
0x23: {  	s9 =	sor.u32 $0xD0000000, s2;
	s6 =	simm.s32 $0x108;
	_ =	swait.ge @!p0 [sflag:s8], $0x0  }
0x24: {  	s3 =	sadd.s32 $0x88, s3;
	s6 =	simm.s32 @!p1 $0x1082;
	[sflag:s4] =	ssyncset.s32 $0xFFFFF086  }
0x25: {  	[simem:s6], [sflag:s4] =	dma.local [hbm:s3], $0xF7A  }
0x26: {  	[smem:$0x3F9E] =	sst s1;
	(tag) =	ssettag s2;
	_ =	strace s9  }
0x27: {  	s1 =	sld [smem:$0x3FAE]  }
0x28: {  	s2 =	sld [smem:$0x3FAF]  }
0x29: {  	s4 =	sld [smem:$0x3FB1]  }
0x2a: {  	p0 =	seq.s32 s5, $0x0;
	s5 =	sld [smem:$0x3FB2]  }
0x2b: {  	s6 =	sld [smem:$0x3FB3]  }
0x2c: {  	s7 =	sld [smem:$0x3FB4]  }
0x2d: {  	s3 =	simm.s32 $0x108;
	s8 =	sld [smem:$0x3FB5]  }
0x2e: {  	s3 =	simm.s32 @!p0 $0x1082;
	s9 =	sld [smem:$0x3FB6]  }
0x2f: {  	lr =	sadd.s32 s0, s3;
	s0 =	sld [smem:$0x3FAD]  }
0x30: {  	s3 =	sld [smem:$0x3FB0]  }
0x31: {  	[smem:$0x3FB9] =	sst s10  }
0x32: {  	s10 =	sld [smem:$0x3FB7];
	_ =	sdelay $0x3  }
0x33: {  	p0 =	seq.s32 s10, $0x1;
	s10 =	sld [smem:$0x3FB9];
	_ =	sdelay $0x3  }
0x34: {  	[smem:$0x3FB9] =	sst s10  }
0x35: {  	s10 =	sld [smem:$0x3FB8];
	_ =	sdelay $0x3  }
0x36: {  	p1 =	seq.s32 s10, $0x1;
	s10 =	sld [smem:$0x3FB9];
	_ =	sdelay $0x3  }
0x37: {  	[smem:$0x3FB9] =	sst s10  }
0x38: {  	s10 =	sld [smem:$0x3FBA]  }
0x39: {  	_ = 	snop;
	(pc) =	sbr.ind lr, $3  }
0x3a: {  	_ = 	snop  }
0x3b: {  	_ = 	snop  }
0x3c: {  	p2 =	seq.s32 s10, $0x1;
	s10 =	sld [smem:$0x3FB9]  }
0x3d: {  	_ =	shalt  }
0x3e: {  	_ =	shalt  }
0x3f: {  	_ =	shalt  }
0x40: {  	_ =	shalt  }
0x41: {  	_ =	shalt  }
0x42: {  	_ =	shalt  }
0x43: {  	_ =	shalt  }
0x44: {  	_ =	shalt  }
0x45: {  	_ =	shalt  }
0x46: {  	_ =	shalt  }
0x47: {  	_ =	shalt  }
0x48: {  	_ =	shalt  }
0x49: {  	_ =	shalt  }
0x4a: {  	_ =	shalt  }
0x4b: {  	_ =	shalt  }
0x4c: {  	_ =	shalt  }
0x4d: {  	_ =	shalt  }
0x4e: {  	_ =	shalt  }
0x4f: {  	_ =	shalt  }
0x50: {  	_ =	shalt  }
0x51: {  	_ =	shalt  }
0x52: {  	_ =	shalt  }
0x53: {  	_ =	shalt  }
0x54: {  	_ =	shalt  }
0x55: {  	_ =	shalt  }
0x56: {  	_ =	shalt  }
0x57: {  	_ =	shalt  }
0x58: {  	_ =	shalt  }
0x59: {  	_ =	shalt  }
0x5a: {  	_ =	shalt  }
0x5b: {  	_ =	shalt  }
0x5c: {  	_ =	shalt  }
0x5d: {  	_ =	shalt  }
0x5e: {  	_ =	shalt  }
0x5f: {  	_ =	shalt  }
0x60: {  	_ =	shalt  }
0x61: {  	_ =	shalt  }
0x62: {  	_ =	shalt  }
0x63: {  	_ =	shalt  }
0x64: {  	_ =	shalt  }
0x65: {  	_ =	shalt  }
0x66: {  	_ =	shalt  }
0x67: {  	_ =	shalt  }
0x68: {  	_ =	shalt  }
0x69: {  	_ =	shalt  }
0x6a: {  	_ =	shalt  }
0x6b: {  	_ =	shalt  }
0x6c: {  	_ =	shalt  }
0x6d: {  	_ =	shalt  }
0x6e: {  	_ =	shalt  }
0x6f: {  	_ =	shalt  }
0x70: {  	_ =	shalt  }
0x71: {  	_ =	shalt  }
0x72: {  	_ =	shalt  }
0x73: {  	_ =	shalt  }
0x74: {  	_ =	shalt  }
0x75: {  	_ =	shalt  }
0x76: {  	_ =	shalt  }
0x77: {  	_ =	shalt  }
0x78: {  	_ =	shalt  }
0x79: {  	_ =	shalt  }
0x7a: {  	_ =	shalt  }
0x7b: {  	_ =	shalt  }
0x7c: {  	_ =	shalt  }
0x7d: {  	_ =	shalt  }
0x7e: {  	_ =	shalt  }
0x7f: {  	_ =	shalt  }
0x80: {  	_ =	shalt  }
0x81: {  	_ =	shalt  }
0x82: {  	_ =	shalt  }
0x83: {  	_ =	shalt  }
0x84: {  	_ =	shalt  }
0x85: {  	_ =	shalt  }
0x86: {  	_ =	shalt  }
0x87: {  	_ =	shalt  }
.Lfunc_end0:
.L_simem_size_0:
called_computation_lowered:
.L_overlay_start_0:
0x88: {  	s2 =	sld [smem:$0x3FD9]  }
0x89: {  	s3 =	sld [smem:$0x3FFE];
	_ =	sdelay $0x1  }
0x8a: {  	s1 =	srdreg.scid  }
0x8b: {  	s0 =	sand.u32 $0x1, s1  }
0x8c: {  	s17 =	sshll.u32 s0, $0xA;
	s2 =	sadd.s32 s3, s2  }
0x8d: {  	s2 =	sadd.s32 s2, s17  }
0x8e: {  	[smem:$0x3FC5] =	sst s2  }
0x8f: {  	_ = 	snop  }
0x90: {  	s2 =	sld [smem:$0x3FD0];
	(tm) =	ssettm $0x1  }
0x91: {  	s18 =	sld [smem:$0x3FFB];
	_ =	sdelay $0x3  }
0x92: {  	_ =	strace s18  }
0x93: {  	s3 =	sld [smem:$0x3FFC];
	_ =	sdelay $0x3  }
0x94: {  	_ =	strace s3  }
0x95: {  	s3 =	sld [smem:$0x3FFD];
	_ =	sdelay $0x3  }
0x96: {  	_ =	strace s3  }
0x97: {  	_ =	strace $0x8FFFFFFF  }
0x98: {  	s19 =	sld [smem:$0x3FDB];
	_ =	sdelay $0x1  }
0x99: {  	s4 =	simm.s32 $_scs_section_size  }
0x9a: {  	s5 =	simm.s32 $_size__tile_overlayer_lowered;
	s6 =	simm.s32 $_tile_overlayer_lowered  }
0x9b: {  	s22 =	simm.s32 $0x1BFF;
	s21 =	sshll.u32 s6, $0x1;
	s3 =	sadd.s32 s4, s19  }
0x9c: {  	s7 =	simm.s32 $0x0;
	s20 =	sshll.u32 s5, $0x1;
	s5 =	sadd.s32 s21, s3  }
0x9d: {  	[timem:s7], [sflag:s22] =	dma.local [hbm:s5], s20  }
0x9e: {  	_ =	swait.ge [sflag:s22], s20  }
0x9f: {  	s4 =	ssub.s32 $0x0, s20;
	[sflag:s22] =	ssyncset.done $0x0  }
0xa0: {  	[sflag:s22] =	ssyncadd.s32 s4;
	_ =	sdelay $0x1  }
0xa1: {  	s23 =	simm.s32 $0x1B8B  }
0xa2: {  	_ =	swait.ge [sflag:s23], $0x1  }
0xa3: {  	[sflag:s23] =	ssyncset.done $0x0  }
0xa4: {  	s25 =	simm.s32 $0x1B8E;
	s24 =	sld [smem:$0x3FFE];
	[sflag:s23] =	ssyncadd.s32 $0xFFFFFFFF  }
0xa5: {  	s26 =	simm.s32 $execute0_lowered;
	[smem:$0x3FD2] =	sst s25  }
0xa6: {  	s5 =	sshll.u32 s26, $0x1;
	_ =	strace $0x80000046;
	[dreg:$0x1] =	wrdreg $0xFFFFFFFF  }
0xa7: {  	s28 =	simm.s32 $_size_execute0_lowered;
	s3 =	sadd.s32 s3, s5;
	[dreg:$0x0] =	wrdreg $0x0  }
0xa8: {  	s5 =	sshll.u32 s28, $0x1;
	[dreg:$0x2] =	wrdreg s3  }
0xa9: {  	[dreg:$0x3] =	wrdreg s5  }
0xaa: {  	[dreg:$0x4] =	wrdreg $0xC0  }
0xab: {  	_ =	task [dreg:s7], $0x5FFFF  }
0xac: {  	[dreg:$0x1] =	wrdreg $0xFFFFFFFF  }
0xad: {  	[dreg:$0x0] =	wrdreg $0x60  }
0xae: {  	[dreg:$0x2] =	wrdreg s2  }
0xaf: {  	[dreg:$0x3] =	wrdreg s24  }
0xb0: {  	[dreg:$0x4] =	wrdreg $0xC0000  }
0xb1: {  	[dreg:$0x5] =	wrdreg $0x9  }
0xb2: {  	_ =	task.clear_ibuf [dreg:s7], $0x6FFFF;
	_ =	strace $0x90000046  }
0xb3: {  	s29 =	simm.s32 $0x9;
	_ =	strace $0x80000048  }
0xb4: {  	_ =	swait.ge [sflag:s29], $0x1  }
0xb5: {  	[sflag:s29] =	ssyncadd.s32 $0xFFFFFFFF  }
0xb6: {  	_ =	strace $0x90000048  }
0xb7: {  	_ =	sfence  }
0xb8: {  	s30 =	sld [smem:$0x0];
	_ =	sdelay $0x2  }
0xb9: {  	s31 =	sshll.u32 s1, $0xD;
	s1 =	sshrl.u32 s1, $0x2  }
0xba: {  	s3 =	sand.u32 $0x4000, s31;
	s1 =	sadd.s32 s1, s30  }
0xbb: {  	s0 =	sor.u32 s3, s0;
	s1 =	sshll.u32 s1, $0x11  }
0xbc: {  	s0 =	sor.u32 s1, s0  }
0xbd: {  	s0 =	sadd.s32 $0x8F2B, s0  }
0xbe: {  	[sflag:s0] =	ssyncadd.remote.s32 $0x1  }
0xbf: {  	_ =	sfence.sel $0xFFFF  }
0xc0: {  	[dreg:$0x0] =	wrdreg $0xFFFFFFFF;
	(pc) =	sbr.abs _section_cstart, $3  }
0xc1: {  	[dreg:$0x1] =	wrdreg $0xFFFFFFFF  }
0xc2: {  	_ =	task.clear_ibuf [dreg:s7], $0x2FFFF;
	_ =	strace $0x9FFFFFFF  }
0xc3: {  	(tm) =	ssettm $0x7FFFFFFF  }
tec
execute0_lowered:
.L_overlay_start_1:
0x0: {  	(tag) =	ssettag $0x1  }
0x1: {  	s2 =	rddreg [dreg:$0x0]  }
0x2: {  	s0 =	rddreg [dreg:$0x1]  }
0x3: {  	s3 =	rddreg [dreg:$0x2]  }
0x4: {  	s17 =	stileid.u32;
	s1 =	srdreg.scid  }
0x5: {  	s4 =	simm.s32 $0x0;
	s28 =	simm.s32 $0x200;
	s30 =	simm.s32 $0x9300  }
0x6: {  	s31 =	simm.s32 $0x4;
	s18 =	simm.s32 $0x6300;
	s29 =	simm.s32 $0x280  }
0x7: {  	s1 =	sand.u32 $0x1, s1;
	s9 =	smul.u32 $0x280, s17;
	[smem:$0x7FF] =	sst s4  }
0x8: {  	s10 =	smul.u32 $0x2800, s17;
	s5 =	sadd.s32 $0x600, s0;
	s6 =	sadd.s32 $0xA400, s0  }
0x9: {  	s19 =	sshll.u32 s17, $0x1;
	s13 =	smul.u32 $0x50000, s17;
	s23 =	sshll.u32 s17, $0x6  }
0xa: {  	s17 =	simm.s32 $0x7;
	s7 =	smul.u32 $0x2800, s1;
	_ =	strace $0x80000047  }
0xb: {  	s12 =	ssub.s32 $0x2, s1;
	s20 =	sor.u32 s1, s19;
	s1 =	smul.u32 $0x28000, s1  }
0xc: {  	s19 =	simm.s32 $0xA;
	s11 =	sadd.s32 s10, s0;
	s22 =	sshrl.u32 s13, $0x2  }
0xd: {  	s21 =	sshrl.u32 s12, $0x1;
	s7 =	sadd.s32 s9, s7;
	s16 =	sadd.s32 s22, s3  }
0xe: {  	s11 =	sadd.s32 $0x14200, s11;
	s10 =	sadd.s32 s10, s1;
	s13 =	sor.u32 s9, s1  }
0xf: {  	v0 =	vimm.s32 $0xFEDCBA98;
	v1 =	vimm.s32 $0x76543210;
	s9 =	simm.s32 $0x100;
	s22 =	simm.s32 $0x3;
	s8 =	sshll.u32 s7, $0x4  }
0x10: {  	v2 =	vimm.s32 $0x3210FEDC;
	v3 =	vimm.s32 $0xBA987654;
	v4 =	vimm.s32 $0x10FEDCBA;
	s7 =	sshrl.u32 s7, $0x3;
	[dreg:$0x4] =	wrdreg s11;
	s10 =	sshrl.u32 s10, $0x3  }
0x11: {  	v5 =	vimm.s32 $0x98765432;
	v6 =	vimm.s32 $0xFEDCBA9;
	v7 =	vimm.s32 $0x87654321;
	s1 =	sshrl.u32 s13, $0x3;
	s14 =	sadd.s32 s8, s0;
	s15 =	sadd.s32 s7, s0  }
0x12: {  	v0 =	vunpack.c.l.s4.s8 v0;
	v1 =	vunpack.c.l.s4.s8 v1;
	v2 =	vunpack.c.l.s4.s8 v2;
	s7 =	sadd.s32 $0x3C200, s0;
	s8 =	smul.u32 $0xD2, s20;
	s0 =	ssub.s32 s12, s21  }
0x13: {  	v3 =	vunpack.c.l.s4.s8 v3;
	v4 =	vunpack.c.l.s4.s8 v4;
	v5 =	vunpack.c.l.s4.s8 v5;
	s20 =	sor.u32 $0x1C0A, s23;
	s23 =	simm.s32 $0x1;
	s21 =	simm.s32 $0x0  }
0x14: {  	v6 =	vunpack.c.l.s4.s8 v6;
	v7 =	vunpack.c.l.s4.s8 v7;
	v0 =	vunpack.c.0.s8.s32 v0;
	s24 =	sadd.s32 $0x46C00, s14;
	s25 =	sadd.s32 $0x46200, s15;
	[dreg:$0x5] =	wrdreg s20  }
0x15: {  	v2 =	vunpack.c.0.s8.s32 v2;
	v3 =	vunpack.c.0.s8.s32 v3;
	v4 =	vunpack.c.0.s8.s32 v4;
	s26 =	sadd.s32 s7, s10;
	s1 =	sadd.s32 s7, s1;
	[dreg:$0x6] =	wrdreg s24  }
0x16: {  	v5 =	vunpack.c.0.s8.s32 v5;
	v6 =	vunpack.c.0.s8.s32 v6;
	v7 =	vunpack.c.0.s8.s32 v7;
	s0 =	smax.u32 s0, $0x1;
	s14 =	sshrl.u32 s16, $0x3;
	[dreg:$0x7] =	wrdreg s25  }
0x17: {  	v1 =	vunpack.c.0.s8.s32 v1;
	v2 =	vcombine.low v3, v2;
	s15 =	simm.s32 $0x8;
	s16 =	simm.s32 $0x2;
	[dreg:$0x8] =	wrdreg s26  }
0x18: {  	v3 =	vcombine.low v5, v4;
	v4 =	vand.u32 $0xF, v0;
	v5 =	vcombine.low v7, v6;
	s10 =	simm.s32 $0x5;
	s11 =	sadd.s32 $0xFFFFFFFF, s8;
	[dreg:$0x9] =	wrdreg s1  }
0x19: {  	v0 =	vimm.f32 $0.0e+00;
	v1 =	vcombine.low v4, v1;
	s12 =	sor.u32 $0x1, s8;
	[dreg:$0xa] =	wrdreg s0;
	s24 =	simm.s32 $0x30  }
0x1a: {  	v2 =	vand.u32 $0xF, v2;
	v3 =	vand.u32 $0xF, v3;
	v4 =	vand.u32 $0xF, v5;
	s26 =	simm.s32 $0x80;
	s1 =	simm.s32 $0x6;
	[dreg:$0xb] =	wrdreg s14  }
.LBB2_1:
0x1b: {  	[dreg:$0xc] =	wrdreg s21  }
0x1c: {  	s0 =	rddreg [dreg:$0x4]  }
0x1d: {  	[spmem:s14], [sflag:s20] =	dma.local [hbm:s0], $0x2800  }
0x1e: {  	_ =	swait.ge [sflag:s19], $0x2800  }
0x1f: {  	[sflag:s19] =	ssyncset.done $0x0  }
0x20: {  	s0 =	simm.s32 $0x40;
	s20 =	simm.s32 $0x0;
	[sflag:s19] =	ssyncadd.s32 $0xFFFFD800  }
.LBB2_2:
0x21: {  	p0 =	sne.s32 s0, $0x9FC0;
	[tilespmem:s20+$0x9300] =	vst v0;
	s20 =	smov.u32 s0;
	s0 =	sadd.s32 $0x40, s0  }
.Ltmp0:
0x22: {  	(pc) =	sbr.rel @p0 .LBB2_2-.Ltmp0, $2  }
0x23: {  	_ =	sdelay $0x2  }
0x24: {  	s20 =	sshra.s32 s20, $0x2  }
.Ltmp1:
0x25: {  	(pc) =	sbr.rel .LBB2_4-.Ltmp1, $4  }
0x26: {  	_ = 	snop  }
0x27: {  	[tilespmem:s20+$0x9300] =	vst v0  }
0x28: {  	[bflag:$0x0] =	sbarrier.arrive $0xFFFF  }
0x29: {  	s21 =	simm.s32 $0x0  }
.LBB2_15:
0x2a: {  	_ =	swait.ge [sflag:s23], $0x30  }
0x2b: {  	[sflag:s23] =	ssyncset.done $0x0  }
0x2c: {  	[sflag:s23] =	ssyncadd.s32 $0xFFFFFFD0  }
0x2d: {  	_ =	swait.ge [sflag:s23], $0x30  }
0x2e: {  	[sflag:s23] =	ssyncset.done $0x0  }
0x2f: {  	s0 =	simm.s32 $0x300;
	[sflag:s23] =	ssyncadd.s32 $0xFFFFFFD0  }
0x30: {  	[tilespmem:s0], [sflag:$0x4] =	stream.indirect.gather [hbm4b:s2+s24], $0x80, s4, s24, $0xb8;
	v63 =	vld [tilespmem:$0x0]  }
0x31: {  	s20 =	simm.s32 $0x180;
	s14 =	simm.s32 $0x4B00  }
0x32: {  	[tilespmem:s14], [sflag:$0x4] =	stream.indirect.gather [hbm4b:s2+s24], $0x80, s20, s24, $0xb8;
	v63 =	vld [tilespmem:$0x0]  }
.LBB2_16:
0x33: {  	s0 =	sadd.s32 s25, s12  }
0x34: {  	s0 =	smul.u32 $0x6, s0;
	_ =	sdelay $0x1  }
0x35: {  	s14 =	sadd.s32 s5, s0  }
0x36: {  	[tilespmem:s26], [sflag:$0x2] =	stream.linear.gather [hbm4b:s14+s4], $0x30, $0x38;
	v63 =	vld [tilespmem:$0x0]  }
0x37: {  	s0 =	sadd.s32 s6, s0  }
0x38: {  	[tilespmem:s28], [sflag:$0x2] =	stream.linear.gather [hbm4b:s0+s4], $0x30, $0x38;
	v63 =	vld [tilespmem:$0x0]  }
.LBB2_17:
0x39: {  	s21 =	sadd.s32 $0x1, s21  }
0x3a: {  	p0 =	sne.s32 s21, $0x47  }
.Ltmp2:
0x3b: {  	_ = 	snop;
	(pc) =	sbr.rel @!p0 .LBB2_18-.Ltmp2, $1  }
0x3c: {  	_ =	sdelay $0x3  }
.LBB2_4:
0x3d: {  	p0 =	seq.s32 s21, $0x0  }
.Ltmp3:
0x3e: {  	_ = 	snop;
	(pc) =	sbr.rel @p0 .LBB2_10-.Ltmp3, $2  }
0x3f: {  	_ =	sdelay $0x2  }
0x40: {  	s25 =	smul.u32 $0x3, s21  }
0x41: {  	_ =	swait.ge [sflag:s31], $0x1800  }
0x42: {  	[sflag:s31] =	ssyncset.done $0x0  }
0x43: {  	[sflag:s31] =	ssyncadd.s32 $0xFFFFE800  }
0x44: {  	_ =	swait.ge [sflag:s31], $0x1800  }
0x45: {  	[sflag:s31] =	ssyncset.done $0x0  }
0x46: {  	[sflag:s31] =	ssyncadd.s32 $0xFFFFE800  }
0x47: {  	_ =	swait.ge [sflag:s16], $0x30  }
0x48: {  	[sflag:s16] =	ssyncset.done $0x0  }
0x49: {  	[sflag:s16] =	ssyncadd.s32 $0xFFFFFFD0  }
0x4a: {  	_ =	swait.ge [sflag:s16], $0x30  }
0x4b: {  	[sflag:s16] =	ssyncset.done $0x0  }
0x4c: {  	s0 =	simm.s32 $0x1B00;
	[sflag:s16] =	ssyncadd.s32 $0xFFFFFFD0  }
0x4d: {  	[tilespmem:s0], [sflag:$0x5] =	stream.indirect.gather [hbm4b:s2+s24], $0x80, s26, s24, $0xb8;
	v63 =	vld [tilespmem:$0x0]  }
0x4e: {  	s20 =	simm.s32 $0x0  }
0x4f: {  	[tilespmem:s18], [sflag:$0x5] =	stream.indirect.gather [hbm4b:s2+s24], $0x80, s28, s24, $0xb8;
	v63 =	vld [tilespmem:$0x0]  }
.LBB2_6:
0x50: {  	s0 =	sshll.u32 s20, $0x7  }
0x51: {  	v5 =	vld [tilespmem:s0+$0x300]  }
0x52: {  	v6 =	vld [tilespmem:s0+$0x310]  }
0x53: {  	v7 =	vld [tilespmem:s0+$0x4B00]  }
0x54: {  	v8 =	vld [tilespmem:s0+$0x4B10]  }
0x55: {  	v9 =	vld [tilespmem:s0+$0x320]  }
0x56: {  	v10 =	vld [tilespmem:s0+$0x4B20]  }
0x57: {  	v11 =	vld [tilespmem:s0+$0x330]  }
0x58: {  	v12 =	vld [tilespmem:s0+$0x4B30]  }
0x59: {  	v13 =	vld [tilespmem:s0+$0x340];
	v5 =	vmul.f32 v7, v5;
	v6 =	vmul.f32 v8, v6  }
0x5a: {  	v14 =	vld [tilespmem:s0+$0x4B40]  }
0x5b: {  	v15 =	vld [tilespmem:s0+$0x350];
	v5 =	vadd.f32 v6, v5;
	v6 =	vmul.f32 v10, v9  }
0x5c: {  	v48 =	vld [tilespmem:s0+$0x4B50]  }
0x5d: {  	v16 =	vld [tilespmem:s0+$0x360];
	v5 =	vadd.f32 v6, v5;
	v6 =	vmul.f32 v12, v11  }
0x5e: {  	v49 =	vld [tilespmem:s0+$0x4B60]  }
0x5f: {  	v17 =	vld [tilespmem:s0+$0x370];
	v5 =	vadd.f32 v6, v5;
	v6 =	vmul.f32 v14, v13  }
0x60: {  	v50 =	vld [tilespmem:s0+$0x4B70]  }
0x61: {  	v5 =	vadd.f32 v6, v5;
	v6 =	vmul.f32 v48, v15;
	_ =	sdelay $0x1  }
0x62: {  	v5 =	vadd.f32 v6, v5;
	v6 =	vmul.f32 v49, v16;
	_ =	sdelay $0x1  }
0x63: {  	v5 =	vadd.f32 v6, v5;
	v6 =	vmul.f32 v50, v17;
	_ =	sdelay $0x1  }
0x64: {  	v5 =	vadd.f32 v6, v5;
	_ =	sdelay $0x1  }
0x65: {  	v6 =	vperm.xlane v5, v1;
	_ =	sdelay $0x1  }
0x66: {  	v5 =	vadd.f32 v5, v6;
	_ =	sdelay $0x1  }
0x67: {  	v6 =	vperm.xlane v5, v2;
	_ =	sdelay $0x1  }
0x68: {  	v5 =	vadd.f32 v5, v6;
	_ =	sdelay $0x1  }
0x69: {  	v6 =	vperm.xlane v5, v3;
	_ =	sdelay $0x1  }
0x6a: {  	v5 =	vadd.f32 v5, v6;
	_ =	sdelay $0x1  }
0x6b: {  	v6 =	vperm.xlane v5, v4;
	_ =	sdelay $0x1  }
0x6c: {  	v5 =	vadd.f32 v5, v6;
	_ =	sdelay $0x1  }
0x6d: {  	v6 =	vmul.f32 $2.000000030e-01, v5;
	_ =	sdelay $0x1  }
0x6e: {  	v5 =	vmax.f32 v5, v6  }
0x6f: {  	v5 =	vsub.f32 $0.0e+00, v5;
	_ =	sdelay $0x1  }
0x70: {  	v5 =	vmul.f32 $1.442695020e+00, v5;
	_ =	sdelay $0x1  }
0x71: {  	(erf) = vpow2.f32 v5;
	_ =	sdelay $0x8  }
0x72: {  	v5 =	vpop (erf)  }
0x73: {  	v6 =	vmul.f32 v5, v7  }
0x74: {  	v7 =	vmul.f32 v5, v8  }
0x75: {  	v51 =	vmov s20;
	[tilespmem:s0+$0x4B00] =	vst v6;
	v6 =	vmul.f32 v5, v10  }
0x76: {  	v8 =	vand.u32 $0xFFFFFFF8, v51;
	[tilespmem:s0+$0x4B10] =	vst v7;
	v7 =	vmul.f32 v5, v12  }
0x77: {  	v8 =	vbroadcast v8, $0x0;
	[tilespmem:s0+$0x4B20] =	vst v6;
	v6 =	vmul.f32 v5, v14  }
0x78: {  	[tilespmem:s0+$0x4B30] =	vst v7;
	v7 =	vmul.f32 v5, v48  }
0x79: {  	[tilespmem:s0+$0x4B40] =	vst v6;
	v6 =	vmul.f32 v5, v49  }
0x7a: {  	[tilespmem:s0+$0x4B50] =	vst v7;
	v7 =	vmul.f32 v5, v50  }
0x7b: {  	[tilespmem:s0+$0x4B60] =	vst v6  }
0x7c: {  	[tilespmem:s0+$0x4B70] =	vst v7  }
0x7d: {  	v6 =	vld.idx.msk [tilespmem:v8+s4+$0x0], $0xffff;
	_ =	sdelay $0x6  }
0x7e: {  	s14 =	sor.u32 $0x1, s20  }
0x7f: {  	s0 =	sshll.u32 s14, $0x7;
	[tilespmem:v6+s30+$0x0] =	vst.idx.add.f32.msk $0x1, v5  }
0x80: {  	v5 =	vld [tilespmem:s0+$0x300]  }
0x81: {  	v6 =	vld [tilespmem:s0+$0x310]  }
0x82: {  	v7 =	vld [tilespmem:s0+$0x4B00]  }
0x83: {  	v52 =	vld [tilespmem:s0+$0x4B10]  }
0x84: {  	v53 =	vld [tilespmem:s0+$0x320]  }
0x85: {  	v54 =	vld [tilespmem:s0+$0x4B20]  }
0x86: {  	v55 =	vld [tilespmem:s0+$0x330]  }
0x87: {  	v56 =	vld [tilespmem:s0+$0x4B30]  }
0x88: {  	v57 =	vld [tilespmem:s0+$0x340];
	v5 =	vmul.f32 v7, v5;
	v6 =	vmul.f32 v52, v6  }
0x89: {  	v58 =	vld [tilespmem:s0+$0x4B40]  }
0x8a: {  	v59 =	vld [tilespmem:s0+$0x350];
	v5 =	vadd.f32 v6, v5;
	v6 =	vmul.f32 v54, v53  }
0x8b: {  	v60 =	vld [tilespmem:s0+$0x4B50]  }
0x8c: {  	v61 =	vld [tilespmem:s0+$0x360];
	v5 =	vadd.f32 v6, v5;
	v6 =	vmul.f32 v56, v55  }
0x8d: {  	v62 =	vld [tilespmem:s0+$0x4B60]  }
0x8e: {  	v20 =	vld [tilespmem:s0+$0x370];
	v5 =	vadd.f32 v6, v5;
	v6 =	vmul.f32 v58, v57  }
0x8f: {  	v21 =	vld [tilespmem:s0+$0x4B70]  }
0x90: {  	v5 =	vadd.f32 v6, v5;
	v6 =	vmul.f32 v60, v59;
	_ =	sdelay $0x1  }
0x91: {  	v5 =	vadd.f32 v6, v5;
	v6 =	vmul.f32 v62, v61;
	_ =	sdelay $0x1  }
0x92: {  	v5 =	vadd.f32 v6, v5;
	v6 =	vmul.f32 v21, v20;
	_ =	sdelay $0x1  }
0x93: {  	v5 =	vadd.f32 v6, v5;
	_ =	sdelay $0x1  }
0x94: {  	v6 =	vperm.xlane v5, v1;
	_ =	sdelay $0x1  }
0x95: {  	v5 =	vadd.f32 v5, v6;
	_ =	sdelay $0x1  }
0x96: {  	v6 =	vperm.xlane v5, v2;
	_ =	sdelay $0x1  }
0x97: {  	v5 =	vadd.f32 v5, v6;
	_ =	sdelay $0x1  }
0x98: {  	v6 =	vperm.xlane v5, v3;
	_ =	sdelay $0x1  }
0x99: {  	v5 =	vadd.f32 v5, v6;
	_ =	sdelay $0x1  }
0x9a: {  	v6 =	vperm.xlane v5, v4;
	_ =	sdelay $0x1  }
0x9b: {  	v5 =	vadd.f32 v5, v6;
	_ =	sdelay $0x1  }
0x9c: {  	v6 =	vmul.f32 $2.000000030e-01, v5;
	_ =	sdelay $0x1  }
0x9d: {  	v5 =	vmax.f32 v5, v6  }
0x9e: {  	v5 =	vsub.f32 $0.0e+00, v5;
	_ =	sdelay $0x1  }
0x9f: {  	v5 =	vmul.f32 $1.442695020e+00, v5;
	_ =	sdelay $0x1  }
0xa0: {  	(erf) = vpow2.f32 v5;
	_ =	sdelay $0x8  }
0xa1: {  	v5 =	vpop (erf)  }
0xa2: {  	v6 =	vmul.f32 v5, v7  }
0xa3: {  	v7 =	vmul.f32 v5, v52  }
0xa4: {  	v22 =	vmov s14;
	[tilespmem:s0+$0x4B00] =	vst v6;
	v6 =	vmul.f32 v5, v54  }
0xa5: {  	v8 =	vand.u32 $0xFFFFFFF9, v22;
	[tilespmem:s0+$0x4B10] =	vst v7;
	v7 =	vmul.f32 v5, v56  }
0xa6: {  	v8 =	vbroadcast v8, $0x0;
	[tilespmem:s0+$0x4B20] =	vst v6;
	v6 =	vmul.f32 v5, v58  }
0xa7: {  	[tilespmem:s0+$0x4B30] =	vst v7;
	v7 =	vmul.f32 v5, v60  }
0xa8: {  	[tilespmem:s0+$0x4B40] =	vst v6;
	v6 =	vmul.f32 v5, v62  }
0xa9: {  	[tilespmem:s0+$0x4B50] =	vst v7;
	v7 =	vmul.f32 v5, v21  }
0xaa: {  	[tilespmem:s0+$0x4B60] =	vst v6  }
0xab: {  	[tilespmem:s0+$0x4B70] =	vst v7  }
0xac: {  	v6 =	vld.idx.msk [tilespmem:v8+s4+$0x0], $0xffff;
	_ =	sdelay $0x6  }
0xad: {  	s14 =	sor.u32 $0x2, s20  }
0xae: {  	s0 =	sshll.u32 s14, $0x7;
	[tilespmem:v6+s30+$0x0] =	vst.idx.add.f32.msk $0x1, v5  }
0xaf: {  	v5 =	vld [tilespmem:s0+$0x300]  }
0xb0: {  	v6 =	vld [tilespmem:s0+$0x310]  }
0xb1: {  	v7 =	vld [tilespmem:s0+$0x4B00]  }
0xb2: {  	v23 =	vld [tilespmem:s0+$0x4B10]  }
0xb3: {  	v24 =	vld [tilespmem:s0+$0x320]  }
0xb4: {  	v25 =	vld [tilespmem:s0+$0x4B20]  }
0xb5: {  	v26 =	vld [tilespmem:s0+$0x330]  }
0xb6: {  	v27 =	vld [tilespmem:s0+$0x4B30]  }
0xb7: {  	v28 =	vld [tilespmem:s0+$0x340];
	v5 =	vmul.f32 v7, v5;
	v6 =	vmul.f32 v23, v6  }
0xb8: {  	v29 =	vld [tilespmem:s0+$0x4B40]  }
0xb9: {  	v30 =	vld [tilespmem:s0+$0x350];
	v5 =	vadd.f32 v6, v5;
	v6 =	vmul.f32 v25, v24  }
0xba: {  	v31 =	vld [tilespmem:s0+$0x4B50]  }
0xbb: {  	v32 =	vld [tilespmem:s0+$0x360];
	v5 =	vadd.f32 v6, v5;
	v6 =	vmul.f32 v27, v26  }
0xbc: {  	v33 =	vld [tilespmem:s0+$0x4B60]  }
0xbd: {  	v34 =	vld [tilespmem:s0+$0x370];
	v5 =	vadd.f32 v6, v5;
	v6 =	vmul.f32 v29, v28  }
0xbe: {  	v35 =	vld [tilespmem:s0+$0x4B70]  }
0xbf: {  	v5 =	vadd.f32 v6, v5;
	v6 =	vmul.f32 v31, v30;
	_ =	sdelay $0x1  }
0xc0: {  	v5 =	vadd.f32 v6, v5;
	v6 =	vmul.f32 v33, v32;
	_ =	sdelay $0x1  }
0xc1: {  	v5 =	vadd.f32 v6, v5;
	v6 =	vmul.f32 v35, v34;
	_ =	sdelay $0x1  }
0xc2: {  	v5 =	vadd.f32 v6, v5;
	_ =	sdelay $0x1  }
0xc3: {  	v6 =	vperm.xlane v5, v1;
	_ =	sdelay $0x1  }
0xc4: {  	v5 =	vadd.f32 v5, v6;
	_ =	sdelay $0x1  }
0xc5: {  	v6 =	vperm.xlane v5, v2;
	_ =	sdelay $0x1  }
0xc6: {  	v5 =	vadd.f32 v5, v6;
	_ =	sdelay $0x1  }
0xc7: {  	v6 =	vperm.xlane v5, v3;
	_ =	sdelay $0x1  }
0xc8: {  	v5 =	vadd.f32 v5, v6;
	_ =	sdelay $0x1  }
0xc9: {  	v6 =	vperm.xlane v5, v4;
	_ =	sdelay $0x1  }
0xca: {  	v5 =	vadd.f32 v5, v6;
	_ =	sdelay $0x1  }
0xcb: {  	v6 =	vmul.f32 $2.000000030e-01, v5;
	_ =	sdelay $0x1  }
0xcc: {  	v5 =	vmax.f32 v5, v6  }
0xcd: {  	v5 =	vsub.f32 $0.0e+00, v5;
	_ =	sdelay $0x1  }
0xce: {  	v5 =	vmul.f32 $1.442695020e+00, v5;
	_ =	sdelay $0x1  }
0xcf: {  	(erf) = vpow2.f32 v5;
	_ =	sdelay $0x8  }
0xd0: {  	v5 =	vpop (erf)  }
0xd1: {  	v6 =	vmul.f32 v5, v7  }
0xd2: {  	v7 =	vmul.f32 v5, v23  }
0xd3: {  	v36 =	vmov s14;
	[tilespmem:s0+$0x4B00] =	vst v6;
	v6 =	vmul.f32 v5, v25  }
0xd4: {  	v8 =	vand.u32 $0xFFFFFFFA, v36;
	[tilespmem:s0+$0x4B10] =	vst v7;
	v7 =	vmul.f32 v5, v27  }
0xd5: {  	v8 =	vbroadcast v8, $0x0;
	[tilespmem:s0+$0x4B20] =	vst v6;
	v6 =	vmul.f32 v5, v29  }
0xd6: {  	[tilespmem:s0+$0x4B30] =	vst v7;
	v7 =	vmul.f32 v5, v31  }
0xd7: {  	[tilespmem:s0+$0x4B40] =	vst v6;
	v6 =	vmul.f32 v5, v33  }
0xd8: {  	[tilespmem:s0+$0x4B50] =	vst v7;
	v7 =	vmul.f32 v5, v35  }
0xd9: {  	[tilespmem:s0+$0x4B60] =	vst v6  }
0xda: {  	[tilespmem:s0+$0x4B70] =	vst v7  }
0xdb: {  	v6 =	vld.idx.msk [tilespmem:v8+s4+$0x0], $0xffff;
	_ =	sdelay $0x6  }
0xdc: {  	s14 =	sor.u32 $0x3, s20  }
0xdd: {  	s0 =	sshll.u32 s14, $0x7;
	[tilespmem:v6+s30+$0x0] =	vst.idx.add.f32.msk $0x1, v5  }
0xde: {  	v5 =	vld [tilespmem:s0+$0x300]  }
0xdf: {  	v6 =	vld [tilespmem:s0+$0x310]  }
0xe0: {  	v7 =	vld [tilespmem:s0+$0x4B00]  }
0xe1: {  	v37 =	vld [tilespmem:s0+$0x4B10]  }
0xe2: {  	v38 =	vld [tilespmem:s0+$0x320]  }
0xe3: {  	v39 =	vld [tilespmem:s0+$0x4B20]  }
0xe4: {  	v40 =	vld [tilespmem:s0+$0x330]  }
0xe5: {  	v41 =	vld [tilespmem:s0+$0x4B30]  }
0xe6: {  	v42 =	vld [tilespmem:s0+$0x340];
	v5 =	vmul.f32 v7, v5;
	v6 =	vmul.f32 v37, v6  }
0xe7: {  	v43 =	vld [tilespmem:s0+$0x4B40]  }
0xe8: {  	v44 =	vld [tilespmem:s0+$0x350];
	v5 =	vadd.f32 v6, v5;
	v6 =	vmul.f32 v39, v38  }
0xe9: {  	v45 =	vld [tilespmem:s0+$0x4B50]  }
0xea: {  	v46 =	vld [tilespmem:s0+$0x360];
	v5 =	vadd.f32 v6, v5;
	v6 =	vmul.f32 v41, v40  }
0xeb: {  	v47 =	vld [tilespmem:s0+$0x4B60]  }
0xec: {  	v48 =	vld [tilespmem:s0+$0x370];
	v5 =	vadd.f32 v6, v5;
	v6 =	vmul.f32 v43, v42  }
0xed: {  	v49 =	vld [tilespmem:s0+$0x4B70]  }
0xee: {  	v5 =	vadd.f32 v6, v5;
	v6 =	vmul.f32 v45, v44;
	_ =	sdelay $0x1  }
0xef: {  	v5 =	vadd.f32 v6, v5;
	v6 =	vmul.f32 v47, v46;
	_ =	sdelay $0x1  }
0xf0: {  	v5 =	vadd.f32 v6, v5;
	v6 =	vmul.f32 v49, v48;
	_ =	sdelay $0x1  }
0xf1: {  	v5 =	vadd.f32 v6, v5;
	_ =	sdelay $0x1  }
0xf2: {  	v6 =	vperm.xlane v5, v1;
	_ =	sdelay $0x1  }
0xf3: {  	v5 =	vadd.f32 v5, v6;
	_ =	sdelay $0x1  }
0xf4: {  	v6 =	vperm.xlane v5, v2;
	_ =	sdelay $0x1  }
0xf5: {  	v5 =	vadd.f32 v5, v6;
	_ =	sdelay $0x1  }
0xf6: {  	v6 =	vperm.xlane v5, v3;
	_ =	sdelay $0x1  }
0xf7: {  	v5 =	vadd.f32 v5, v6;
	_ =	sdelay $0x1  }
0xf8: {  	v6 =	vperm.xlane v5, v4;
	_ =	sdelay $0x1  }
0xf9: {  	v5 =	vadd.f32 v5, v6;
	_ =	sdelay $0x1  }
0xfa: {  	v6 =	vmul.f32 $2.000000030e-01, v5;
	_ =	sdelay $0x1  }
0xfb: {  	v5 =	vmax.f32 v5, v6  }
0xfc: {  	v5 =	vsub.f32 $0.0e+00, v5;
	_ =	sdelay $0x1  }
0xfd: {  	v5 =	vmul.f32 $1.442695020e+00, v5;
	_ =	sdelay $0x1  }
0xfe: {  	(erf) = vpow2.f32 v5;
	_ =	sdelay $0x8  }
0xff: {  	v5 =	vpop (erf)  }
0x100: {  	v6 =	vmul.f32 v5, v7  }
0x101: {  	v7 =	vmul.f32 v5, v37  }
0x102: {  	v50 =	vmov s14;
	[tilespmem:s0+$0x4B00] =	vst v6;
	v6 =	vmul.f32 v5, v39  }
0x103: {  	v8 =	vand.u32 $0xFFFFFFFB, v50;
	[tilespmem:s0+$0x4B10] =	vst v7;
	v7 =	vmul.f32 v5, v41  }
0x104: {  	v8 =	vbroadcast v8, $0x0;
	[tilespmem:s0+$0x4B20] =	vst v6;
	v6 =	vmul.f32 v5, v43  }
0x105: {  	[tilespmem:s0+$0x4B30] =	vst v7;
	v7 =	vmul.f32 v5, v45  }
0x106: {  	[tilespmem:s0+$0x4B40] =	vst v6;
	v6 =	vmul.f32 v5, v47  }
0x107: {  	[tilespmem:s0+$0x4B50] =	vst v7;
	v7 =	vmul.f32 v5, v49  }
0x108: {  	[tilespmem:s0+$0x4B60] =	vst v6  }
0x109: {  	[tilespmem:s0+$0x4B70] =	vst v7  }
0x10a: {  	v6 =	vld.idx.msk [tilespmem:v8+s4+$0x0], $0xffff;
	_ =	sdelay $0x6  }
0x10b: {  	s14 =	sor.u32 $0x4, s20  }
0x10c: {  	s0 =	sshll.u32 s14, $0x7;
	[tilespmem:v6+s30+$0x0] =	vst.idx.add.f32.msk $0x1, v5  }
0x10d: {  	v5 =	vld [tilespmem:s0+$0x300]  }
0x10e: {  	v6 =	vld [tilespmem:s0+$0x310]  }
0x10f: {  	v7 =	vld [tilespmem:s0+$0x4B00]  }
0x110: {  	v51 =	vld [tilespmem:s0+$0x4B10]  }
0x111: {  	v52 =	vld [tilespmem:s0+$0x320]  }
0x112: {  	v53 =	vld [tilespmem:s0+$0x4B20]  }
0x113: {  	v54 =	vld [tilespmem:s0+$0x330]  }
0x114: {  	v55 =	vld [tilespmem:s0+$0x4B30]  }
0x115: {  	v56 =	vld [tilespmem:s0+$0x340];
	v5 =	vmul.f32 v7, v5;
	v6 =	vmul.f32 v51, v6  }
0x116: {  	v57 =	vld [tilespmem:s0+$0x4B40]  }
0x117: {  	v58 =	vld [tilespmem:s0+$0x350];
	v5 =	vadd.f32 v6, v5;
	v6 =	vmul.f32 v53, v52  }
0x118: {  	v59 =	vld [tilespmem:s0+$0x4B50]  }
0x119: {  	v60 =	vld [tilespmem:s0+$0x360];
	v5 =	vadd.f32 v6, v5;
	v6 =	vmul.f32 v55, v54  }
0x11a: {  	v61 =	vld [tilespmem:s0+$0x4B60]  }
0x11b: {  	v62 =	vld [tilespmem:s0+$0x370];
	v5 =	vadd.f32 v6, v5;
	v6 =	vmul.f32 v57, v56  }
0x11c: {  	v19 =	vld [tilespmem:s0+$0x4B70]  }
0x11d: {  	v5 =	vadd.f32 v6, v5;
	v6 =	vmul.f32 v59, v58;
	_ =	sdelay $0x1  }
0x11e: {  	v5 =	vadd.f32 v6, v5;
	v6 =	vmul.f32 v61, v60;
	_ =	sdelay $0x1  }
0x11f: {  	v5 =	vadd.f32 v6, v5;
	v6 =	vmul.f32 v19, v62;
	_ =	sdelay $0x1  }
0x120: {  	v5 =	vadd.f32 v6, v5;
	_ =	sdelay $0x1  }
0x121: {  	v6 =	vperm.xlane v5, v1;
	_ =	sdelay $0x1  }
0x122: {  	v5 =	vadd.f32 v5, v6;
	_ =	sdelay $0x1  }
0x123: {  	v6 =	vperm.xlane v5, v2;
	_ =	sdelay $0x1  }
0x124: {  	v5 =	vadd.f32 v5, v6;
	_ =	sdelay $0x1  }
0x125: {  	v6 =	vperm.xlane v5, v3;
	_ =	sdelay $0x1  }
0x126: {  	v5 =	vadd.f32 v5, v6;
	_ =	sdelay $0x1  }
0x127: {  	v6 =	vperm.xlane v5, v4;
	_ =	sdelay $0x1  }
0x128: {  	v5 =	vadd.f32 v5, v6;
	_ =	sdelay $0x1  }
0x129: {  	v6 =	vmul.f32 $2.000000030e-01, v5;
	_ =	sdelay $0x1  }
0x12a: {  	v5 =	vmax.f32 v5, v6  }
0x12b: {  	v5 =	vsub.f32 $0.0e+00, v5;
	_ =	sdelay $0x1  }
0x12c: {  	v5 =	vmul.f32 $1.442695020e+00, v5;
	_ =	sdelay $0x1  }
0x12d: {  	(erf) = vpow2.f32 v5;
	_ =	sdelay $0x8  }
0x12e: {  	v5 =	vpop (erf)  }
0x12f: {  	v6 =	vmul.f32 v5, v7  }
0x130: {  	v7 =	vmul.f32 v5, v51  }
0x131: {  	v20 =	vmov s14;
	[tilespmem:s0+$0x4B00] =	vst v6;
	v6 =	vmul.f32 v5, v53  }
0x132: {  	v8 =	vand.u32 $0xFFFFFFFC, v20;
	[tilespmem:s0+$0x4B10] =	vst v7;
	v7 =	vmul.f32 v5, v55  }
0x133: {  	v8 =	vbroadcast v8, $0x0;
	[tilespmem:s0+$0x4B20] =	vst v6;
	v6 =	vmul.f32 v5, v57  }
0x134: {  	[tilespmem:s0+$0x4B30] =	vst v7;
	v7 =	vmul.f32 v5, v59  }
0x135: {  	[tilespmem:s0+$0x4B40] =	vst v6;
	v6 =	vmul.f32 v5, v61  }
0x136: {  	[tilespmem:s0+$0x4B50] =	vst v7;
	v7 =	vmul.f32 v5, v19  }
0x137: {  	[tilespmem:s0+$0x4B60] =	vst v6  }
0x138: {  	[tilespmem:s0+$0x4B70] =	vst v7  }
0x139: {  	v6 =	vld.idx.msk [tilespmem:v8+s4+$0x0], $0xffff;
	_ =	sdelay $0x6  }
0x13a: {  	s14 =	sor.u32 $0x5, s20  }
0x13b: {  	s0 =	sshll.u32 s14, $0x7;
	[tilespmem:v6+s30+$0x0] =	vst.idx.add.f32.msk $0x1, v5  }
0x13c: {  	v5 =	vld [tilespmem:s0+$0x300]  }
0x13d: {  	v6 =	vld [tilespmem:s0+$0x310]  }
0x13e: {  	v7 =	vld [tilespmem:s0+$0x4B00]  }
0x13f: {  	v21 =	vld [tilespmem:s0+$0x4B10]  }
0x140: {  	v22 =	vld [tilespmem:s0+$0x320]  }
0x141: {  	v23 =	vld [tilespmem:s0+$0x4B20]  }
0x142: {  	v24 =	vld [tilespmem:s0+$0x330]  }
0x143: {  	v25 =	vld [tilespmem:s0+$0x4B30]  }
0x144: {  	v26 =	vld [tilespmem:s0+$0x340];
	v5 =	vmul.f32 v7, v5;
	v6 =	vmul.f32 v21, v6  }
0x145: {  	v27 =	vld [tilespmem:s0+$0x4B40]  }
0x146: {  	v28 =	vld [tilespmem:s0+$0x350];
	v5 =	vadd.f32 v6, v5;
	v6 =	vmul.f32 v23, v22  }
0x147: {  	v29 =	vld [tilespmem:s0+$0x4B50]  }
0x148: {  	v30 =	vld [tilespmem:s0+$0x360];
	v5 =	vadd.f32 v6, v5;
	v6 =	vmul.f32 v25, v24  }
0x149: {  	v31 =	vld [tilespmem:s0+$0x4B60]  }
0x14a: {  	v32 =	vld [tilespmem:s0+$0x370];
	v5 =	vadd.f32 v6, v5;
	v6 =	vmul.f32 v27, v26  }
0x14b: {  	v33 =	vld [tilespmem:s0+$0x4B70]  }
0x14c: {  	v5 =	vadd.f32 v6, v5;
	v6 =	vmul.f32 v29, v28;
	_ =	sdelay $0x1  }
0x14d: {  	v5 =	vadd.f32 v6, v5;
	v6 =	vmul.f32 v31, v30;
	_ =	sdelay $0x1  }
0x14e: {  	v5 =	vadd.f32 v6, v5;
	v6 =	vmul.f32 v33, v32;
	_ =	sdelay $0x1  }
0x14f: {  	v5 =	vadd.f32 v6, v5;
	_ =	sdelay $0x1  }
0x150: {  	v6 =	vperm.xlane v5, v1;
	_ =	sdelay $0x1  }
0x151: {  	v5 =	vadd.f32 v5, v6;
	_ =	sdelay $0x1  }
0x152: {  	v6 =	vperm.xlane v5, v2;
	_ =	sdelay $0x1  }
0x153: {  	v5 =	vadd.f32 v5, v6;
	_ =	sdelay $0x1  }
0x154: {  	v6 =	vperm.xlane v5, v3;
	_ =	sdelay $0x1  }
0x155: {  	v5 =	vadd.f32 v5, v6;
	_ =	sdelay $0x1  }
0x156: {  	v6 =	vperm.xlane v5, v4;
	_ =	sdelay $0x1  }
0x157: {  	v5 =	vadd.f32 v5, v6;
	_ =	sdelay $0x1  }
0x158: {  	v6 =	vmul.f32 $2.000000030e-01, v5;
	_ =	sdelay $0x1  }
0x159: {  	v5 =	vmax.f32 v5, v6  }
0x15a: {  	v5 =	vsub.f32 $0.0e+00, v5;
	_ =	sdelay $0x1  }
0x15b: {  	v5 =	vmul.f32 $1.442695020e+00, v5;
	_ =	sdelay $0x1  }
0x15c: {  	(erf) = vpow2.f32 v5;
	_ =	sdelay $0x8  }
0x15d: {  	v5 =	vpop (erf)  }
0x15e: {  	v6 =	vmul.f32 v5, v7  }
0x15f: {  	v7 =	vmul.f32 v5, v21  }
0x160: {  	v34 =	vmov s14;
	[tilespmem:s0+$0x4B00] =	vst v6;
	v6 =	vmul.f32 v5, v23  }
0x161: {  	v8 =	vand.u32 $0xFFFFFFFD, v34;
	[tilespmem:s0+$0x4B10] =	vst v7;
	v7 =	vmul.f32 v5, v25  }
0x162: {  	v8 =	vbroadcast v8, $0x0;
	[tilespmem:s0+$0x4B20] =	vst v6;
	v6 =	vmul.f32 v5, v27  }
0x163: {  	[tilespmem:s0+$0x4B30] =	vst v7;
	v7 =	vmul.f32 v5, v29  }
0x164: {  	[tilespmem:s0+$0x4B40] =	vst v6;
	v6 =	vmul.f32 v5, v31  }
0x165: {  	[tilespmem:s0+$0x4B50] =	vst v7;
	v7 =	vmul.f32 v5, v33  }
0x166: {  	[tilespmem:s0+$0x4B60] =	vst v6  }
0x167: {  	[tilespmem:s0+$0x4B70] =	vst v7  }
0x168: {  	v6 =	vld.idx.msk [tilespmem:v8+s4+$0x0], $0xffff;
	_ =	sdelay $0x6  }
0x169: {  	s14 =	sor.u32 $0x6, s20  }
0x16a: {  	s0 =	sshll.u32 s14, $0x7;
	[tilespmem:v6+s30+$0x0] =	vst.idx.add.f32.msk $0x1, v5  }
0x16b: {  	v5 =	vld [tilespmem:s0+$0x300]  }
0x16c: {  	v6 =	vld [tilespmem:s0+$0x310]  }
0x16d: {  	v7 =	vld [tilespmem:s0+$0x4B00]  }
0x16e: {  	v35 =	vld [tilespmem:s0+$0x4B10]  }
0x16f: {  	v36 =	vld [tilespmem:s0+$0x320]  }
0x170: {  	v37 =	vld [tilespmem:s0+$0x4B20]  }
0x171: {  	v38 =	vld [tilespmem:s0+$0x330]  }
0x172: {  	v39 =	vld [tilespmem:s0+$0x4B30]  }
0x173: {  	v40 =	vld [tilespmem:s0+$0x340];
	v5 =	vmul.f32 v7, v5;
	v6 =	vmul.f32 v35, v6  }
0x174: {  	v41 =	vld [tilespmem:s0+$0x4B40]  }
0x175: {  	v42 =	vld [tilespmem:s0+$0x350];
	v5 =	vadd.f32 v6, v5;
	v6 =	vmul.f32 v37, v36  }
0x176: {  	v43 =	vld [tilespmem:s0+$0x4B50]  }
0x177: {  	v44 =	vld [tilespmem:s0+$0x360];
	v5 =	vadd.f32 v6, v5;
	v6 =	vmul.f32 v39, v38  }
0x178: {  	v45 =	vld [tilespmem:s0+$0x4B60]  }
0x179: {  	v46 =	vld [tilespmem:s0+$0x370];
	v5 =	vadd.f32 v6, v5;
	v6 =	vmul.f32 v41, v40  }
0x17a: {  	v47 =	vld [tilespmem:s0+$0x4B70]  }
0x17b: {  	v5 =	vadd.f32 v6, v5;
	v6 =	vmul.f32 v43, v42;
	_ =	sdelay $0x1  }
0x17c: {  	v5 =	vadd.f32 v6, v5;
	v6 =	vmul.f32 v45, v44;
	_ =	sdelay $0x1  }
0x17d: {  	v5 =	vadd.f32 v6, v5;
	v6 =	vmul.f32 v47, v46;
	_ =	sdelay $0x1  }
0x17e: {  	v5 =	vadd.f32 v6, v5;
	_ =	sdelay $0x1  }
0x17f: {  	v6 =	vperm.xlane v5, v1;
	_ =	sdelay $0x1  }
0x180: {  	v5 =	vadd.f32 v5, v6;
	_ =	sdelay $0x1  }
0x181: {  	v6 =	vperm.xlane v5, v2;
	_ =	sdelay $0x1  }
0x182: {  	v5 =	vadd.f32 v5, v6;
	_ =	sdelay $0x1  }
0x183: {  	v6 =	vperm.xlane v5, v3;
	_ =	sdelay $0x1  }
0x184: {  	v5 =	vadd.f32 v5, v6;
	_ =	sdelay $0x1  }
0x185: {  	v6 =	vperm.xlane v5, v4;
	_ =	sdelay $0x1  }
0x186: {  	v5 =	vadd.f32 v5, v6;
	_ =	sdelay $0x1  }
0x187: {  	v6 =	vmul.f32 $2.000000030e-01, v5;
	_ =	sdelay $0x1  }
0x188: {  	v5 =	vmax.f32 v5, v6  }
0x189: {  	v5 =	vsub.f32 $0.0e+00, v5;
	_ =	sdelay $0x1  }
0x18a: {  	v5 =	vmul.f32 $1.442695020e+00, v5;
	_ =	sdelay $0x1  }
0x18b: {  	(erf) = vpow2.f32 v5;
	_ =	sdelay $0x8  }
0x18c: {  	v5 =	vpop (erf)  }
0x18d: {  	v6 =	vmul.f32 v5, v7  }
0x18e: {  	v7 =	vmul.f32 v5, v35  }
0x18f: {  	v48 =	vmov s14;
	[tilespmem:s0+$0x4B00] =	vst v6;
	v6 =	vmul.f32 v5, v37  }
0x190: {  	v8 =	vand.u32 $0xFFFFFFFE, v48;
	[tilespmem:s0+$0x4B10] =	vst v7;
	v7 =	vmul.f32 v5, v39  }
0x191: {  	v8 =	vbroadcast v8, $0x0;
	[tilespmem:s0+$0x4B20] =	vst v6;
	v6 =	vmul.f32 v5, v41  }
0x192: {  	[tilespmem:s0+$0x4B30] =	vst v7;
	v7 =	vmul.f32 v5, v43  }
0x193: {  	[tilespmem:s0+$0x4B40] =	vst v6;
	v6 =	vmul.f32 v5, v45  }
0x194: {  	[tilespmem:s0+$0x4B50] =	vst v7;
	v7 =	vmul.f32 v5, v47  }
0x195: {  	[tilespmem:s0+$0x4B60] =	vst v6  }
0x196: {  	[tilespmem:s0+$0x4B70] =	vst v7  }
0x197: {  	v6 =	vld.idx.msk [tilespmem:v8+s4+$0x0], $0xffff;
	_ =	sdelay $0x6  }
0x198: {  	s0 =	sor.u32 $0x7, s20  }
0x199: {  	s14 =	sshll.u32 s0, $0x7;
	[tilespmem:v6+s30+$0x0] =	vst.idx.add.f32.msk $0x1, v5  }
0x19a: {  	v5 =	vld [tilespmem:s14+$0x300]  }
0x19b: {  	v6 =	vld [tilespmem:s14+$0x310]  }
0x19c: {  	v7 =	vld [tilespmem:s14+$0x4B00]  }
0x19d: {  	v49 =	vld [tilespmem:s14+$0x4B10]  }
0x19e: {  	v50 =	vld [tilespmem:s14+$0x320]  }
0x19f: {  	v51 =	vld [tilespmem:s14+$0x4B20]  }
0x1a0: {  	v52 =	vld [tilespmem:s14+$0x330]  }
0x1a1: {  	v53 =	vld [tilespmem:s14+$0x4B30]  }
0x1a2: {  	v54 =	vld [tilespmem:s14+$0x340];
	v5 =	vmul.f32 v7, v5;
	v6 =	vmul.f32 v49, v6  }
0x1a3: {  	v55 =	vld [tilespmem:s14+$0x4B40]  }
0x1a4: {  	v56 =	vld [tilespmem:s14+$0x350];
	v5 =	vadd.f32 v6, v5;
	v6 =	vmul.f32 v51, v50  }
0x1a5: {  	v57 =	vld [tilespmem:s14+$0x4B50]  }
0x1a6: {  	v58 =	vld [tilespmem:s14+$0x360];
	v5 =	vadd.f32 v6, v5;
	v6 =	vmul.f32 v53, v52  }
0x1a7: {  	v59 =	vld [tilespmem:s14+$0x4B60]  }
0x1a8: {  	v60 =	vld [tilespmem:s14+$0x370];
	v5 =	vadd.f32 v6, v5;
	v6 =	vmul.f32 v55, v54  }
0x1a9: {  	v61 =	vld [tilespmem:s14+$0x4B70]  }
0x1aa: {  	v5 =	vadd.f32 v6, v5;
	v6 =	vmul.f32 v57, v56;
	_ =	sdelay $0x1  }
0x1ab: {  	v5 =	vadd.f32 v6, v5;
	v6 =	vmul.f32 v59, v58;
	_ =	sdelay $0x1  }
0x1ac: {  	v5 =	vadd.f32 v6, v5;
	v6 =	vmul.f32 v61, v60;
	_ =	sdelay $0x1  }
0x1ad: {  	v5 =	vadd.f32 v6, v5;
	_ =	sdelay $0x1  }
0x1ae: {  	v6 =	vperm.xlane v5, v1;
	_ =	sdelay $0x1  }
0x1af: {  	v5 =	vadd.f32 v5, v6;
	_ =	sdelay $0x1  }
0x1b0: {  	v6 =	vperm.xlane v5, v2;
	_ =	sdelay $0x1  }
0x1b1: {  	v5 =	vadd.f32 v5, v6;
	_ =	sdelay $0x1  }
0x1b2: {  	v6 =	vperm.xlane v5, v3;
	_ =	sdelay $0x1  }
0x1b3: {  	v5 =	vadd.f32 v5, v6;
	_ =	sdelay $0x1  }
0x1b4: {  	v6 =	vperm.xlane v5, v4;
	_ =	sdelay $0x1  }
0x1b5: {  	v5 =	vadd.f32 v5, v6;
	_ =	sdelay $0x1  }
0x1b6: {  	v6 =	vmul.f32 $2.000000030e-01, v5;
	_ =	sdelay $0x1  }
0x1b7: {  	v5 =	vmax.f32 v5, v6  }
0x1b8: {  	v5 =	vsub.f32 $0.0e+00, v5;
	_ =	sdelay $0x1  }
0x1b9: {  	v5 =	vmul.f32 $1.442695020e+00, v5;
	_ =	sdelay $0x1  }
0x1ba: {  	(erf) = vpow2.f32 v5;
	_ =	sdelay $0x8  }
0x1bb: {  	v5 =	vpop (erf)  }
0x1bc: {  	v6 =	vmul.f32 v5, v7  }
0x1bd: {  	v7 =	vmul.f32 v5, v49  }
0x1be: {  	[tilespmem:s14+$0x4B00] =	vst v6;
	v6 =	vmul.f32 v5, v51  }
0x1bf: {  	[tilespmem:s14+$0x4B10] =	vst v7;
	v7 =	vmul.f32 v5, v53  }
0x1c0: {  	[tilespmem:s14+$0x4B20] =	vst v6;
	v6 =	vmul.f32 v5, v55  }
0x1c1: {  	v62 =	vmov s0;
	[tilespmem:s14+$0x4B30] =	vst v7;
	v7 =	vmul.f32 v5, v57  }
0x1c2: {  	[tilespmem:s14+$0x4B40] =	vst v6;
	v6 =	vmul.f32 v5, v59  }
0x1c3: {  	[tilespmem:s14+$0x4B50] =	vst v7;
	v7 =	vmul.f32 v5, v61  }
0x1c4: {  	[tilespmem:s14+$0x4B60] =	vst v6  }
0x1c5: {  	[tilespmem:s14+$0x4B70] =	vst v7  }
0x1c6: {  	v6 =	vld.idx.msk [tilespmem:v62+s4+$0x0], $0xffff;
	_ =	sdelay $0x2  }
0x1c7: {  	p1 =	slt.u32 s20, $0x28  }
.Ltmp4:
0x1c8: {  	_ = 	snop;
	(pc) =	sbr.rel @p1 .LBB2_6-.Ltmp4, $3  }
0x1c9: {  	_ =	sdelay $0x1  }
0x1ca: {  	s14 =	sadd.s32 $0x8, s20  }
0x1cb: {  	s20 =	smov.u32 s14;
	[tilespmem:v6+s30+$0x0] =	vst.idx.add.f32.msk $0x1, v5  }
0x1cc: {  	s0 =	simm.s32 $0x4B00;
	p1 =	seq.s32 s21, $0x1;
	s20 =	sadd.s32 s25, s11  }
0x1cd: {  	[spmem:s3] =	stream.indirect.scatter.add.f32 [tilespmem:s0], [sflag:$0x7], $0x80, s4, s24, $0xb8;
	v63 =	vld [tilespmem:$0x0]  }
0x1ce: {  	s14 =	simm.s32 @!p1 $0x9;
	s0 =	smul.u32 $0x30, s20  }
0x1cf: {  	_ =	swait.ge @!p1 [sflag:s14], $0x1800  }
0x1d0: {  	[sflag:s14] =	ssyncset.done @!p1 $0x0;
	s0 =	sshrl.u32 s0, $0x3  }
0x1d1: {  	s20 =	simm.s32 $0x0;
	[sflag:s14] =	ssyncadd.s32 @!p1 $0xFFFFE800;
	s14 =	sadd.s32 s5, s0  }
0x1d2: {  	[tilespmem:s9], [sflag:$0x3] =	stream.linear.gather [hbm4b:s14+s20], $0x30, $0x38;
	v63 =	vld [tilespmem:$0x0]  }
0x1d3: {  	s0 =	sadd.s32 s6, s0  }
0x1d4: {  	[tilespmem:s29], [sflag:$0x3] =	stream.linear.gather [hbm4b:s0+s20], $0x30, $0x38;
	v63 =	vld [tilespmem:$0x0]  }
0x1d5: {  	_ =	swait.ge [sflag:s10], $0x1800  }
0x1d6: {  	[sflag:s10] =	ssyncset.done $0x0  }
0x1d7: {  	[sflag:s10] =	ssyncadd.s32 $0xFFFFE800  }
0x1d8: {  	_ =	swait.ge [sflag:s10], $0x1800  }
0x1d9: {  	[sflag:s10] =	ssyncset.done $0x0  }
0x1da: {  	[sflag:s10] =	ssyncadd.s32 $0xFFFFE800  }
0x1db: {  	_ =	swait.ge [sflag:s22], $0x30  }
0x1dc: {  	[sflag:s22] =	ssyncset.done $0x0  }
0x1dd: {  	[sflag:s22] =	ssyncadd.s32 $0xFFFFFFD0  }
0x1de: {  	_ =	swait.ge [sflag:s22], $0x30  }
0x1df: {  	[sflag:s22] =	ssyncset.done $0x0  }
0x1e0: {  	s14 =	simm.s32 $0x3300;
	[sflag:s22] =	ssyncadd.s32 $0xFFFFFFD0  }
0x1e1: {  	[tilespmem:s14], [sflag:$0x6] =	stream.indirect.gather [hbm4b:s2+s24], $0x80, s9, s24, $0xb8;
	v63 =	vld [tilespmem:$0x0]  }
0x1e2: {  	s14 =	simm.s32 $0x7B00  }
0x1e3: {  	[tilespmem:s14], [sflag:$0x6] =	stream.indirect.gather [hbm4b:s2+s24], $0x80, s29, s24, $0xb8;
	v63 =	vld [tilespmem:$0x0]  }
.LBB2_8:
0x1e4: {  	s0 =	sshll.u32 s20, $0x7  }
0x1e5: {  	v5 =	vld [tilespmem:s0+$0x1B00]  }
0x1e6: {  	v6 =	vld [tilespmem:s0+$0x1B10]  }
0x1e7: {  	v7 =	vld [tilespmem:s0+$0x6300]  }
0x1e8: {  	v8 =	vld [tilespmem:s0+$0x6310]  }
0x1e9: {  	v9 =	vld [tilespmem:s0+$0x1B20]  }
0x1ea: {  	v10 =	vld [tilespmem:s0+$0x6320]  }
0x1eb: {  	v11 =	vld [tilespmem:s0+$0x1B30]  }
0x1ec: {  	v12 =	vld [tilespmem:s0+$0x6330]  }
0x1ed: {  	v13 =	vld [tilespmem:s0+$0x1B40];
	v5 =	vmul.f32 v7, v5;
	v6 =	vmul.f32 v8, v6  }
0x1ee: {  	v14 =	vld [tilespmem:s0+$0x6340]  }
0x1ef: {  	v15 =	vld [tilespmem:s0+$0x1B50];
	v5 =	vadd.f32 v6, v5;
	v6 =	vmul.f32 v10, v9  }
0x1f0: {  	v48 =	vld [tilespmem:s0+$0x6350]  }
0x1f1: {  	v16 =	vld [tilespmem:s0+$0x1B60];
	v5 =	vadd.f32 v6, v5;
	v6 =	vmul.f32 v12, v11  }
0x1f2: {  	v49 =	vld [tilespmem:s0+$0x6360]  }
0x1f3: {  	v17 =	vld [tilespmem:s0+$0x1B70];
	v5 =	vadd.f32 v6, v5;
	v6 =	vmul.f32 v14, v13  }
0x1f4: {  	v50 =	vld [tilespmem:s0+$0x6370]  }
0x1f5: {  	v5 =	vadd.f32 v6, v5;
	v6 =	vmul.f32 v48, v15;
	_ =	sdelay $0x1  }
0x1f6: {  	v5 =	vadd.f32 v6, v5;
	v6 =	vmul.f32 v49, v16;
	_ =	sdelay $0x1  }
0x1f7: {  	v5 =	vadd.f32 v6, v5;
	v6 =	vmul.f32 v50, v17;
	_ =	sdelay $0x1  }
0x1f8: {  	v5 =	vadd.f32 v6, v5;
	_ =	sdelay $0x1  }
0x1f9: {  	v6 =	vperm.xlane v5, v1;
	_ =	sdelay $0x1  }
0x1fa: {  	v5 =	vadd.f32 v5, v6;
	_ =	sdelay $0x1  }
0x1fb: {  	v6 =	vperm.xlane v5, v2;
	_ =	sdelay $0x1  }
0x1fc: {  	v5 =	vadd.f32 v5, v6;
	_ =	sdelay $0x1  }
0x1fd: {  	v6 =	vperm.xlane v5, v3;
	_ =	sdelay $0x1  }
0x1fe: {  	v5 =	vadd.f32 v5, v6;
	_ =	sdelay $0x1  }
0x1ff: {  	v6 =	vperm.xlane v5, v4;
	_ =	sdelay $0x1  }
0x200: {  	v5 =	vadd.f32 v5, v6;
	_ =	sdelay $0x1  }
0x201: {  	v6 =	vmul.f32 $2.000000030e-01, v5;
	_ =	sdelay $0x1  }
0x202: {  	v5 =	vmax.f32 v5, v6  }
0x203: {  	v5 =	vsub.f32 $0.0e+00, v5;
	_ =	sdelay $0x1  }
0x204: {  	v5 =	vmul.f32 $1.442695020e+00, v5;
	_ =	sdelay $0x1  }
0x205: {  	(erf) = vpow2.f32 v5;
	_ =	sdelay $0x8  }
0x206: {  	v5 =	vpop (erf)  }
0x207: {  	v6 =	vmul.f32 v5, v7  }
0x208: {  	v7 =	vmul.f32 v5, v8  }
0x209: {  	v51 =	vmov s20;
	[tilespmem:s0+$0x6300] =	vst v6;
	v6 =	vmul.f32 v5, v10  }
0x20a: {  	v8 =	vand.u32 $0xFFFFFFF8, v51;
	[tilespmem:s0+$0x6310] =	vst v7;
	v7 =	vmul.f32 v5, v12  }
0x20b: {  	v8 =	vbroadcast v8, $0x0;
	[tilespmem:s0+$0x6320] =	vst v6;
	v6 =	vmul.f32 v5, v14  }
0x20c: {  	[tilespmem:s0+$0x6330] =	vst v7;
	v7 =	vmul.f32 v5, v48  }
0x20d: {  	[tilespmem:s0+$0x6340] =	vst v6;
	v6 =	vmul.f32 v5, v49  }
0x20e: {  	[tilespmem:s0+$0x6350] =	vst v7;
	v7 =	vmul.f32 v5, v50  }
0x20f: {  	[tilespmem:s0+$0x6360] =	vst v6  }
0x210: {  	[tilespmem:s0+$0x6370] =	vst v7  }
0x211: {  	v6 =	vld.idx.msk [tilespmem:v8+s26+$0x0], $0xffff;
	_ =	sdelay $0x6  }
0x212: {  	s14 =	sor.u32 $0x1, s20  }
0x213: {  	s0 =	sshll.u32 s14, $0x7;
	[tilespmem:v6+s30+$0x0] =	vst.idx.add.f32.msk $0x1, v5  }
0x214: {  	v5 =	vld [tilespmem:s0+$0x1B00]  }
0x215: {  	v6 =	vld [tilespmem:s0+$0x1B10]  }
0x216: {  	v7 =	vld [tilespmem:s0+$0x6300]  }
0x217: {  	v52 =	vld [tilespmem:s0+$0x6310]  }
0x218: {  	v53 =	vld [tilespmem:s0+$0x1B20]  }
0x219: {  	v54 =	vld [tilespmem:s0+$0x6320]  }
0x21a: {  	v55 =	vld [tilespmem:s0+$0x1B30]  }
0x21b: {  	v56 =	vld [tilespmem:s0+$0x6330]  }
0x21c: {  	v57 =	vld [tilespmem:s0+$0x1B40];
	v5 =	vmul.f32 v7, v5;
	v6 =	vmul.f32 v52, v6  }
0x21d: {  	v58 =	vld [tilespmem:s0+$0x6340]  }
0x21e: {  	v59 =	vld [tilespmem:s0+$0x1B50];
	v5 =	vadd.f32 v6, v5;
	v6 =	vmul.f32 v54, v53  }
0x21f: {  	v60 =	vld [tilespmem:s0+$0x6350]  }
0x220: {  	v61 =	vld [tilespmem:s0+$0x1B60];
	v5 =	vadd.f32 v6, v5;
	v6 =	vmul.f32 v56, v55  }
0x221: {  	v62 =	vld [tilespmem:s0+$0x6360]  }
0x222: {  	v20 =	vld [tilespmem:s0+$0x1B70];
	v5 =	vadd.f32 v6, v5;
	v6 =	vmul.f32 v58, v57  }
0x223: {  	v21 =	vld [tilespmem:s0+$0x6370]  }
0x224: {  	v5 =	vadd.f32 v6, v5;
	v6 =	vmul.f32 v60, v59;
	_ =	sdelay $0x1  }
0x225: {  	v5 =	vadd.f32 v6, v5;
	v6 =	vmul.f32 v62, v61;
	_ =	sdelay $0x1  }
0x226: {  	v5 =	vadd.f32 v6, v5;
	v6 =	vmul.f32 v21, v20;
	_ =	sdelay $0x1  }
0x227: {  	v5 =	vadd.f32 v6, v5;
	_ =	sdelay $0x1  }
0x228: {  	v6 =	vperm.xlane v5, v1;
	_ =	sdelay $0x1  }
0x229: {  	v5 =	vadd.f32 v5, v6;
	_ =	sdelay $0x1  }
0x22a: {  	v6 =	vperm.xlane v5, v2;
	_ =	sdelay $0x1  }
0x22b: {  	v5 =	vadd.f32 v5, v6;
	_ =	sdelay $0x1  }
0x22c: {  	v6 =	vperm.xlane v5, v3;
	_ =	sdelay $0x1  }
0x22d: {  	v5 =	vadd.f32 v5, v6;
	_ =	sdelay $0x1  }
0x22e: {  	v6 =	vperm.xlane v5, v4;
	_ =	sdelay $0x1  }
0x22f: {  	v5 =	vadd.f32 v5, v6;
	_ =	sdelay $0x1  }
0x230: {  	v6 =	vmul.f32 $2.000000030e-01, v5;
	_ =	sdelay $0x1  }
0x231: {  	v5 =	vmax.f32 v5, v6  }
0x232: {  	v5 =	vsub.f32 $0.0e+00, v5;
	_ =	sdelay $0x1  }
0x233: {  	v5 =	vmul.f32 $1.442695020e+00, v5;
	_ =	sdelay $0x1  }
0x234: {  	(erf) = vpow2.f32 v5;
	_ =	sdelay $0x8  }
0x235: {  	v5 =	vpop (erf)  }
0x236: {  	v6 =	vmul.f32 v5, v7  }
0x237: {  	v7 =	vmul.f32 v5, v52  }
0x238: {  	v22 =	vmov s14;
	[tilespmem:s0+$0x6300] =	vst v6;
	v6 =	vmul.f32 v5, v54  }
0x239: {  	v8 =	vand.u32 $0xFFFFFFF9, v22;
	[tilespmem:s0+$0x6310] =	vst v7;
	v7 =	vmul.f32 v5, v56  }
0x23a: {  	v8 =	vbroadcast v8, $0x0;
	[tilespmem:s0+$0x6320] =	vst v6;
	v6 =	vmul.f32 v5, v58  }
0x23b: {  	[tilespmem:s0+$0x6330] =	vst v7;
	v7 =	vmul.f32 v5, v60  }
0x23c: {  	[tilespmem:s0+$0x6340] =	vst v6;
	v6 =	vmul.f32 v5, v62  }
0x23d: {  	[tilespmem:s0+$0x6350] =	vst v7;
	v7 =	vmul.f32 v5, v21  }
0x23e: {  	[tilespmem:s0+$0x6360] =	vst v6  }
0x23f: {  	[tilespmem:s0+$0x6370] =	vst v7  }
0x240: {  	v6 =	vld.idx.msk [tilespmem:v8+s26+$0x0], $0xffff;
	_ =	sdelay $0x6  }
0x241: {  	s14 =	sor.u32 $0x2, s20  }
0x242: {  	s0 =	sshll.u32 s14, $0x7;
	[tilespmem:v6+s30+$0x0] =	vst.idx.add.f32.msk $0x1, v5  }
0x243: {  	v5 =	vld [tilespmem:s0+$0x1B00]  }
0x244: {  	v6 =	vld [tilespmem:s0+$0x1B10]  }
0x245: {  	v7 =	vld [tilespmem:s0+$0x6300]  }
0x246: {  	v23 =	vld [tilespmem:s0+$0x6310]  }
0x247: {  	v24 =	vld [tilespmem:s0+$0x1B20]  }
0x248: {  	v25 =	vld [tilespmem:s0+$0x6320]  }
0x249: {  	v26 =	vld [tilespmem:s0+$0x1B30]  }
0x24a: {  	v27 =	vld [tilespmem:s0+$0x6330]  }
0x24b: {  	v28 =	vld [tilespmem:s0+$0x1B40];
	v5 =	vmul.f32 v7, v5;
	v6 =	vmul.f32 v23, v6  }
0x24c: {  	v29 =	vld [tilespmem:s0+$0x6340]  }
0x24d: {  	v30 =	vld [tilespmem:s0+$0x1B50];
	v5 =	vadd.f32 v6, v5;
	v6 =	vmul.f32 v25, v24  }
0x24e: {  	v31 =	vld [tilespmem:s0+$0x6350]  }
0x24f: {  	v32 =	vld [tilespmem:s0+$0x1B60];
	v5 =	vadd.f32 v6, v5;
	v6 =	vmul.f32 v27, v26  }
0x250: {  	v33 =	vld [tilespmem:s0+$0x6360]  }
0x251: {  	v34 =	vld [tilespmem:s0+$0x1B70];
	v5 =	vadd.f32 v6, v5;
	v6 =	vmul.f32 v29, v28  }
0x252: {  	v35 =	vld [tilespmem:s0+$0x6370]  }
0x253: {  	v5 =	vadd.f32 v6, v5;
	v6 =	vmul.f32 v31, v30;
	_ =	sdelay $0x1  }
0x254: {  	v5 =	vadd.f32 v6, v5;
	v6 =	vmul.f32 v33, v32;
	_ =	sdelay $0x1  }
0x255: {  	v5 =	vadd.f32 v6, v5;
	v6 =	vmul.f32 v35, v34;
	_ =	sdelay $0x1  }
0x256: {  	v5 =	vadd.f32 v6, v5;
	_ =	sdelay $0x1  }
0x257: {  	v6 =	vperm.xlane v5, v1;
	_ =	sdelay $0x1  }
0x258: {  	v5 =	vadd.f32 v5, v6;
	_ =	sdelay $0x1  }
0x259: {  	v6 =	vperm.xlane v5, v2;
	_ =	sdelay $0x1  }
0x25a: {  	v5 =	vadd.f32 v5, v6;
	_ =	sdelay $0x1  }
0x25b: {  	v6 =	vperm.xlane v5, v3;
	_ =	sdelay $0x1  }
0x25c: {  	v5 =	vadd.f32 v5, v6;
	_ =	sdelay $0x1  }
0x25d: {  	v6 =	vperm.xlane v5, v4;
	_ =	sdelay $0x1  }
0x25e: {  	v5 =	vadd.f32 v5, v6;
	_ =	sdelay $0x1  }
0x25f: {  	v6 =	vmul.f32 $2.000000030e-01, v5;
	_ =	sdelay $0x1  }
0x260: {  	v5 =	vmax.f32 v5, v6  }
0x261: {  	v5 =	vsub.f32 $0.0e+00, v5;
	_ =	sdelay $0x1  }
0x262: {  	v5 =	vmul.f32 $1.442695020e+00, v5;
	_ =	sdelay $0x1  }
0x263: {  	(erf) = vpow2.f32 v5;
	_ =	sdelay $0x8  }
0x264: {  	v5 =	vpop (erf)  }
0x265: {  	v6 =	vmul.f32 v5, v7  }
0x266: {  	v7 =	vmul.f32 v5, v23  }
0x267: {  	v36 =	vmov s14;
	[tilespmem:s0+$0x6300] =	vst v6;
	v6 =	vmul.f32 v5, v25  }
0x268: {  	v8 =	vand.u32 $0xFFFFFFFA, v36;
	[tilespmem:s0+$0x6310] =	vst v7;
	v7 =	vmul.f32 v5, v27  }
0x269: {  	v8 =	vbroadcast v8, $0x0;
	[tilespmem:s0+$0x6320] =	vst v6;
	v6 =	vmul.f32 v5, v29  }
0x26a: {  	[tilespmem:s0+$0x6330] =	vst v7;
	v7 =	vmul.f32 v5, v31  }
0x26b: {  	[tilespmem:s0+$0x6340] =	vst v6;
	v6 =	vmul.f32 v5, v33  }
0x26c: {  	[tilespmem:s0+$0x6350] =	vst v7;
	v7 =	vmul.f32 v5, v35  }
0x26d: {  	[tilespmem:s0+$0x6360] =	vst v6  }
0x26e: {  	[tilespmem:s0+$0x6370] =	vst v7  }
0x26f: {  	v6 =	vld.idx.msk [tilespmem:v8+s26+$0x0], $0xffff;
	_ =	sdelay $0x6  }
0x270: {  	s14 =	sor.u32 $0x3, s20  }
0x271: {  	s0 =	sshll.u32 s14, $0x7;
	[tilespmem:v6+s30+$0x0] =	vst.idx.add.f32.msk $0x1, v5  }
0x272: {  	v5 =	vld [tilespmem:s0+$0x1B00]  }
0x273: {  	v6 =	vld [tilespmem:s0+$0x1B10]  }
0x274: {  	v7 =	vld [tilespmem:s0+$0x6300]  }
0x275: {  	v37 =	vld [tilespmem:s0+$0x6310]  }
0x276: {  	v38 =	vld [tilespmem:s0+$0x1B20]  }
0x277: {  	v39 =	vld [tilespmem:s0+$0x6320]  }
0x278: {  	v40 =	vld [tilespmem:s0+$0x1B30]  }
0x279: {  	v41 =	vld [tilespmem:s0+$0x6330]  }
0x27a: {  	v42 =	vld [tilespmem:s0+$0x1B40];
	v5 =	vmul.f32 v7, v5;
	v6 =	vmul.f32 v37, v6  }
0x27b: {  	v43 =	vld [tilespmem:s0+$0x6340]  }
0x27c: {  	v44 =	vld [tilespmem:s0+$0x1B50];
	v5 =	vadd.f32 v6, v5;
	v6 =	vmul.f32 v39, v38  }
0x27d: {  	v45 =	vld [tilespmem:s0+$0x6350]  }
0x27e: {  	v46 =	vld [tilespmem:s0+$0x1B60];
	v5 =	vadd.f32 v6, v5;
	v6 =	vmul.f32 v41, v40  }
0x27f: {  	v47 =	vld [tilespmem:s0+$0x6360]  }
0x280: {  	v48 =	vld [tilespmem:s0+$0x1B70];
	v5 =	vadd.f32 v6, v5;
	v6 =	vmul.f32 v43, v42  }
0x281: {  	v49 =	vld [tilespmem:s0+$0x6370]  }
0x282: {  	v5 =	vadd.f32 v6, v5;
	v6 =	vmul.f32 v45, v44;
	_ =	sdelay $0x1  }
0x283: {  	v5 =	vadd.f32 v6, v5;
	v6 =	vmul.f32 v47, v46;
	_ =	sdelay $0x1  }
0x284: {  	v5 =	vadd.f32 v6, v5;
	v6 =	vmul.f32 v49, v48;
	_ =	sdelay $0x1  }
0x285: {  	v5 =	vadd.f32 v6, v5;
	_ =	sdelay $0x1  }
0x286: {  	v6 =	vperm.xlane v5, v1;
	_ =	sdelay $0x1  }
0x287: {  	v5 =	vadd.f32 v5, v6;
	_ =	sdelay $0x1  }
0x288: {  	v6 =	vperm.xlane v5, v2;
	_ =	sdelay $0x1  }
0x289: {  	v5 =	vadd.f32 v5, v6;
	_ =	sdelay $0x1  }
0x28a: {  	v6 =	vperm.xlane v5, v3;
	_ =	sdelay $0x1  }
0x28b: {  	v5 =	vadd.f32 v5, v6;
	_ =	sdelay $0x1  }
0x28c: {  	v6 =	vperm.xlane v5, v4;
	_ =	sdelay $0x1  }
0x28d: {  	v5 =	vadd.f32 v5, v6;
	_ =	sdelay $0x1  }
0x28e: {  	v6 =	vmul.f32 $2.000000030e-01, v5;
	_ =	sdelay $0x1  }
0x28f: {  	v5 =	vmax.f32 v5, v6  }
0x290: {  	v5 =	vsub.f32 $0.0e+00, v5;
	_ =	sdelay $0x1  }
0x291: {  	v5 =	vmul.f32 $1.442695020e+00, v5;
	_ =	sdelay $0x1  }
0x292: {  	(erf) = vpow2.f32 v5;
	_ =	sdelay $0x8  }
0x293: {  	v5 =	vpop (erf)  }
0x294: {  	v6 =	vmul.f32 v5, v7  }
0x295: {  	v7 =	vmul.f32 v5, v37  }
0x296: {  	v50 =	vmov s14;
	[tilespmem:s0+$0x6300] =	vst v6;
	v6 =	vmul.f32 v5, v39  }
0x297: {  	v8 =	vand.u32 $0xFFFFFFFB, v50;
	[tilespmem:s0+$0x6310] =	vst v7;
	v7 =	vmul.f32 v5, v41  }
0x298: {  	v8 =	vbroadcast v8, $0x0;
	[tilespmem:s0+$0x6320] =	vst v6;
	v6 =	vmul.f32 v5, v43  }
0x299: {  	[tilespmem:s0+$0x6330] =	vst v7;
	v7 =	vmul.f32 v5, v45  }
0x29a: {  	[tilespmem:s0+$0x6340] =	vst v6;
	v6 =	vmul.f32 v5, v47  }
0x29b: {  	[tilespmem:s0+$0x6350] =	vst v7;
	v7 =	vmul.f32 v5, v49  }
0x29c: {  	[tilespmem:s0+$0x6360] =	vst v6  }
0x29d: {  	[tilespmem:s0+$0x6370] =	vst v7  }
0x29e: {  	v6 =	vld.idx.msk [tilespmem:v8+s26+$0x0], $0xffff;
	_ =	sdelay $0x6  }
0x29f: {  	s14 =	sor.u32 $0x4, s20  }
0x2a0: {  	s0 =	sshll.u32 s14, $0x7;
	[tilespmem:v6+s30+$0x0] =	vst.idx.add.f32.msk $0x1, v5  }
0x2a1: {  	v5 =	vld [tilespmem:s0+$0x1B00]  }
0x2a2: {  	v6 =	vld [tilespmem:s0+$0x1B10]  }
0x2a3: {  	v7 =	vld [tilespmem:s0+$0x6300]  }
0x2a4: {  	v51 =	vld [tilespmem:s0+$0x6310]  }
0x2a5: {  	v52 =	vld [tilespmem:s0+$0x1B20]  }
0x2a6: {  	v53 =	vld [tilespmem:s0+$0x6320]  }
0x2a7: {  	v54 =	vld [tilespmem:s0+$0x1B30]  }
0x2a8: {  	v55 =	vld [tilespmem:s0+$0x6330]  }
0x2a9: {  	v56 =	vld [tilespmem:s0+$0x1B40];
	v5 =	vmul.f32 v7, v5;
	v6 =	vmul.f32 v51, v6  }
0x2aa: {  	v57 =	vld [tilespmem:s0+$0x6340]  }
0x2ab: {  	v58 =	vld [tilespmem:s0+$0x1B50];
	v5 =	vadd.f32 v6, v5;
	v6 =	vmul.f32 v53, v52  }
0x2ac: {  	v59 =	vld [tilespmem:s0+$0x6350]  }
0x2ad: {  	v60 =	vld [tilespmem:s0+$0x1B60];
	v5 =	vadd.f32 v6, v5;
	v6 =	vmul.f32 v55, v54  }
0x2ae: {  	v61 =	vld [tilespmem:s0+$0x6360]  }
0x2af: {  	v62 =	vld [tilespmem:s0+$0x1B70];
	v5 =	vadd.f32 v6, v5;
	v6 =	vmul.f32 v57, v56  }
0x2b0: {  	v19 =	vld [tilespmem:s0+$0x6370]  }
0x2b1: {  	v5 =	vadd.f32 v6, v5;
	v6 =	vmul.f32 v59, v58;
	_ =	sdelay $0x1  }
0x2b2: {  	v5 =	vadd.f32 v6, v5;
	v6 =	vmul.f32 v61, v60;
	_ =	sdelay $0x1  }
0x2b3: {  	v5 =	vadd.f32 v6, v5;
	v6 =	vmul.f32 v19, v62;
	_ =	sdelay $0x1  }
0x2b4: {  	v5 =	vadd.f32 v6, v5;
	_ =	sdelay $0x1  }
0x2b5: {  	v6 =	vperm.xlane v5, v1;
	_ =	sdelay $0x1  }
0x2b6: {  	v5 =	vadd.f32 v5, v6;
	_ =	sdelay $0x1  }
0x2b7: {  	v6 =	vperm.xlane v5, v2;
	_ =	sdelay $0x1  }
0x2b8: {  	v5 =	vadd.f32 v5, v6;
	_ =	sdelay $0x1  }
0x2b9: {  	v6 =	vperm.xlane v5, v3;
	_ =	sdelay $0x1  }
0x2ba: {  	v5 =	vadd.f32 v5, v6;
	_ =	sdelay $0x1  }
0x2bb: {  	v6 =	vperm.xlane v5, v4;
	_ =	sdelay $0x1  }
0x2bc: {  	v5 =	vadd.f32 v5, v6;
	_ =	sdelay $0x1  }
0x2bd: {  	v6 =	vmul.f32 $2.000000030e-01, v5;
	_ =	sdelay $0x1  }
0x2be: {  	v5 =	vmax.f32 v5, v6  }
0x2bf: {  	v5 =	vsub.f32 $0.0e+00, v5;
	_ =	sdelay $0x1  }
0x2c0: {  	v5 =	vmul.f32 $1.442695020e+00, v5;
	_ =	sdelay $0x1  }
0x2c1: {  	(erf) = vpow2.f32 v5;
	_ =	sdelay $0x8  }
0x2c2: {  	v5 =	vpop (erf)  }
0x2c3: {  	v6 =	vmul.f32 v5, v7  }
0x2c4: {  	v7 =	vmul.f32 v5, v51  }
0x2c5: {  	v20 =	vmov s14;
	[tilespmem:s0+$0x6300] =	vst v6;
	v6 =	vmul.f32 v5, v53  }
0x2c6: {  	v8 =	vand.u32 $0xFFFFFFFC, v20;
	[tilespmem:s0+$0x6310] =	vst v7;
	v7 =	vmul.f32 v5, v55  }
0x2c7: {  	v8 =	vbroadcast v8, $0x0;
	[tilespmem:s0+$0x6320] =	vst v6;
	v6 =	vmul.f32 v5, v57  }
0x2c8: {  	[tilespmem:s0+$0x6330] =	vst v7;
	v7 =	vmul.f32 v5, v59  }
0x2c9: {  	[tilespmem:s0+$0x6340] =	vst v6;
	v6 =	vmul.f32 v5, v61  }
0x2ca: {  	[tilespmem:s0+$0x6350] =	vst v7;
	v7 =	vmul.f32 v5, v19  }
0x2cb: {  	[tilespmem:s0+$0x6360] =	vst v6  }
0x2cc: {  	[tilespmem:s0+$0x6370] =	vst v7  }
0x2cd: {  	v6 =	vld.idx.msk [tilespmem:v8+s26+$0x0], $0xffff;
	_ =	sdelay $0x6  }
0x2ce: {  	s14 =	sor.u32 $0x5, s20  }
0x2cf: {  	s0 =	sshll.u32 s14, $0x7;
	[tilespmem:v6+s30+$0x0] =	vst.idx.add.f32.msk $0x1, v5  }
0x2d0: {  	v5 =	vld [tilespmem:s0+$0x1B00]  }
0x2d1: {  	v6 =	vld [tilespmem:s0+$0x1B10]  }
0x2d2: {  	v7 =	vld [tilespmem:s0+$0x6300]  }
0x2d3: {  	v21 =	vld [tilespmem:s0+$0x6310]  }
0x2d4: {  	v22 =	vld [tilespmem:s0+$0x1B20]  }
0x2d5: {  	v23 =	vld [tilespmem:s0+$0x6320]  }
0x2d6: {  	v24 =	vld [tilespmem:s0+$0x1B30]  }
0x2d7: {  	v25 =	vld [tilespmem:s0+$0x6330]  }
0x2d8: {  	v26 =	vld [tilespmem:s0+$0x1B40];
	v5 =	vmul.f32 v7, v5;
	v6 =	vmul.f32 v21, v6  }
0x2d9: {  	v27 =	vld [tilespmem:s0+$0x6340]  }
0x2da: {  	v28 =	vld [tilespmem:s0+$0x1B50];
	v5 =	vadd.f32 v6, v5;
	v6 =	vmul.f32 v23, v22  }
0x2db: {  	v29 =	vld [tilespmem:s0+$0x6350]  }
0x2dc: {  	v30 =	vld [tilespmem:s0+$0x1B60];
	v5 =	vadd.f32 v6, v5;
	v6 =	vmul.f32 v25, v24  }
0x2dd: {  	v31 =	vld [tilespmem:s0+$0x6360]  }
0x2de: {  	v32 =	vld [tilespmem:s0+$0x1B70];
	v5 =	vadd.f32 v6, v5;
	v6 =	vmul.f32 v27, v26  }
0x2df: {  	v33 =	vld [tilespmem:s0+$0x6370]  }
0x2e0: {  	v5 =	vadd.f32 v6, v5;
	v6 =	vmul.f32 v29, v28;
	_ =	sdelay $0x1  }
0x2e1: {  	v5 =	vadd.f32 v6, v5;
	v6 =	vmul.f32 v31, v30;
	_ =	sdelay $0x1  }
0x2e2: {  	v5 =	vadd.f32 v6, v5;
	v6 =	vmul.f32 v33, v32;
	_ =	sdelay $0x1  }
0x2e3: {  	v5 =	vadd.f32 v6, v5;
	_ =	sdelay $0x1  }
0x2e4: {  	v6 =	vperm.xlane v5, v1;
	_ =	sdelay $0x1  }
0x2e5: {  	v5 =	vadd.f32 v5, v6;
	_ =	sdelay $0x1  }
0x2e6: {  	v6 =	vperm.xlane v5, v2;
	_ =	sdelay $0x1  }
0x2e7: {  	v5 =	vadd.f32 v5, v6;
	_ =	sdelay $0x1  }
0x2e8: {  	v6 =	vperm.xlane v5, v3;
	_ =	sdelay $0x1  }
0x2e9: {  	v5 =	vadd.f32 v5, v6;
	_ =	sdelay $0x1  }
0x2ea: {  	v6 =	vperm.xlane v5, v4;
	_ =	sdelay $0x1  }
0x2eb: {  	v5 =	vadd.f32 v5, v6;
	_ =	sdelay $0x1  }
0x2ec: {  	v6 =	vmul.f32 $2.000000030e-01, v5;
	_ =	sdelay $0x1  }
0x2ed: {  	v5 =	vmax.f32 v5, v6  }
0x2ee: {  	v5 =	vsub.f32 $0.0e+00, v5;
	_ =	sdelay $0x1  }
0x2ef: {  	v5 =	vmul.f32 $1.442695020e+00, v5;
	_ =	sdelay $0x1  }
0x2f0: {  	(erf) = vpow2.f32 v5;
	_ =	sdelay $0x8  }
0x2f1: {  	v5 =	vpop (erf)  }
0x2f2: {  	v6 =	vmul.f32 v5, v7  }
0x2f3: {  	v7 =	vmul.f32 v5, v21  }
0x2f4: {  	v34 =	vmov s14;
	[tilespmem:s0+$0x6300] =	vst v6;
	v6 =	vmul.f32 v5, v23  }
0x2f5: {  	v8 =	vand.u32 $0xFFFFFFFD, v34;
	[tilespmem:s0+$0x6310] =	vst v7;
	v7 =	vmul.f32 v5, v25  }
0x2f6: {  	v8 =	vbroadcast v8, $0x0;
	[tilespmem:s0+$0x6320] =	vst v6;
	v6 =	vmul.f32 v5, v27  }
0x2f7: {  	[tilespmem:s0+$0x6330] =	vst v7;
	v7 =	vmul.f32 v5, v29  }
0x2f8: {  	[tilespmem:s0+$0x6340] =	vst v6;
	v6 =	vmul.f32 v5, v31  }
0x2f9: {  	[tilespmem:s0+$0x6350] =	vst v7;
	v7 =	vmul.f32 v5, v33  }
0x2fa: {  	[tilespmem:s0+$0x6360] =	vst v6  }
0x2fb: {  	[tilespmem:s0+$0x6370] =	vst v7  }
0x2fc: {  	v6 =	vld.idx.msk [tilespmem:v8+s26+$0x0], $0xffff;
	_ =	sdelay $0x6  }
0x2fd: {  	s14 =	sor.u32 $0x6, s20  }
0x2fe: {  	s0 =	sshll.u32 s14, $0x7;
	[tilespmem:v6+s30+$0x0] =	vst.idx.add.f32.msk $0x1, v5  }
0x2ff: {  	v5 =	vld [tilespmem:s0+$0x1B00]  }
0x300: {  	v6 =	vld [tilespmem:s0+$0x1B10]  }
0x301: {  	v7 =	vld [tilespmem:s0+$0x6300]  }
0x302: {  	v35 =	vld [tilespmem:s0+$0x6310]  }
0x303: {  	v36 =	vld [tilespmem:s0+$0x1B20]  }
0x304: {  	v37 =	vld [tilespmem:s0+$0x6320]  }
0x305: {  	v38 =	vld [tilespmem:s0+$0x1B30]  }
0x306: {  	v39 =	vld [tilespmem:s0+$0x6330]  }
0x307: {  	v40 =	vld [tilespmem:s0+$0x1B40];
	v5 =	vmul.f32 v7, v5;
	v6 =	vmul.f32 v35, v6  }
0x308: {  	v41 =	vld [tilespmem:s0+$0x6340]  }
0x309: {  	v42 =	vld [tilespmem:s0+$0x1B50];
	v5 =	vadd.f32 v6, v5;
	v6 =	vmul.f32 v37, v36  }
0x30a: {  	v43 =	vld [tilespmem:s0+$0x6350]  }
0x30b: {  	v44 =	vld [tilespmem:s0+$0x1B60];
	v5 =	vadd.f32 v6, v5;
	v6 =	vmul.f32 v39, v38  }
0x30c: {  	v45 =	vld [tilespmem:s0+$0x6360]  }
0x30d: {  	v46 =	vld [tilespmem:s0+$0x1B70];
	v5 =	vadd.f32 v6, v5;
	v6 =	vmul.f32 v41, v40  }
0x30e: {  	v47 =	vld [tilespmem:s0+$0x6370]  }
0x30f: {  	v5 =	vadd.f32 v6, v5;
	v6 =	vmul.f32 v43, v42;
	_ =	sdelay $0x1  }
0x310: {  	v5 =	vadd.f32 v6, v5;
	v6 =	vmul.f32 v45, v44;
	_ =	sdelay $0x1  }
0x311: {  	v5 =	vadd.f32 v6, v5;
	v6 =	vmul.f32 v47, v46;
	_ =	sdelay $0x1  }
0x312: {  	v5 =	vadd.f32 v6, v5;
	_ =	sdelay $0x1  }
0x313: {  	v6 =	vperm.xlane v5, v1;
	_ =	sdelay $0x1  }
0x314: {  	v5 =	vadd.f32 v5, v6;
	_ =	sdelay $0x1  }
0x315: {  	v6 =	vperm.xlane v5, v2;
	_ =	sdelay $0x1  }
0x316: {  	v5 =	vadd.f32 v5, v6;
	_ =	sdelay $0x1  }
0x317: {  	v6 =	vperm.xlane v5, v3;
	_ =	sdelay $0x1  }
0x318: {  	v5 =	vadd.f32 v5, v6;
	_ =	sdelay $0x1  }
0x319: {  	v6 =	vperm.xlane v5, v4;
	_ =	sdelay $0x1  }
0x31a: {  	v5 =	vadd.f32 v5, v6;
	_ =	sdelay $0x1  }
0x31b: {  	v6 =	vmul.f32 $2.000000030e-01, v5;
	_ =	sdelay $0x1  }
0x31c: {  	v5 =	vmax.f32 v5, v6  }
0x31d: {  	v5 =	vsub.f32 $0.0e+00, v5;
	_ =	sdelay $0x1  }
0x31e: {  	v5 =	vmul.f32 $1.442695020e+00, v5;
	_ =	sdelay $0x1  }
0x31f: {  	(erf) = vpow2.f32 v5;
	_ =	sdelay $0x8  }
0x320: {  	v5 =	vpop (erf)  }
0x321: {  	v6 =	vmul.f32 v5, v7  }
0x322: {  	v7 =	vmul.f32 v5, v35  }
0x323: {  	v48 =	vmov s14;
	[tilespmem:s0+$0x6300] =	vst v6;
	v6 =	vmul.f32 v5, v37  }
0x324: {  	v8 =	vand.u32 $0xFFFFFFFE, v48;
	[tilespmem:s0+$0x6310] =	vst v7;
	v7 =	vmul.f32 v5, v39  }
0x325: {  	v8 =	vbroadcast v8, $0x0;
	[tilespmem:s0+$0x6320] =	vst v6;
	v6 =	vmul.f32 v5, v41  }
0x326: {  	[tilespmem:s0+$0x6330] =	vst v7;
	v7 =	vmul.f32 v5, v43  }
0x327: {  	[tilespmem:s0+$0x6340] =	vst v6;
	v6 =	vmul.f32 v5, v45  }
0x328: {  	[tilespmem:s0+$0x6350] =	vst v7;
	v7 =	vmul.f32 v5, v47  }
0x329: {  	[tilespmem:s0+$0x6360] =	vst v6  }
0x32a: {  	[tilespmem:s0+$0x6370] =	vst v7  }
0x32b: {  	v6 =	vld.idx.msk [tilespmem:v8+s26+$0x0], $0xffff;
	_ =	sdelay $0x6  }
0x32c: {  	s0 =	sor.u32 $0x7, s20  }
0x32d: {  	s14 =	sshll.u32 s0, $0x7;
	[tilespmem:v6+s30+$0x0] =	vst.idx.add.f32.msk $0x1, v5  }
0x32e: {  	v5 =	vld [tilespmem:s14+$0x1B00]  }
0x32f: {  	v6 =	vld [tilespmem:s14+$0x1B10]  }
0x330: {  	v7 =	vld [tilespmem:s14+$0x6300]  }
0x331: {  	v49 =	vld [tilespmem:s14+$0x6310]  }
0x332: {  	v50 =	vld [tilespmem:s14+$0x1B20]  }
0x333: {  	v51 =	vld [tilespmem:s14+$0x6320]  }
0x334: {  	v52 =	vld [tilespmem:s14+$0x1B30]  }
0x335: {  	v53 =	vld [tilespmem:s14+$0x6330]  }
0x336: {  	v54 =	vld [tilespmem:s14+$0x1B40];
	v5 =	vmul.f32 v7, v5;
	v6 =	vmul.f32 v49, v6  }
0x337: {  	v55 =	vld [tilespmem:s14+$0x6340]  }
0x338: {  	v56 =	vld [tilespmem:s14+$0x1B50];
	v5 =	vadd.f32 v6, v5;
	v6 =	vmul.f32 v51, v50  }
0x339: {  	v57 =	vld [tilespmem:s14+$0x6350]  }
0x33a: {  	v58 =	vld [tilespmem:s14+$0x1B60];
	v5 =	vadd.f32 v6, v5;
	v6 =	vmul.f32 v53, v52  }
0x33b: {  	v59 =	vld [tilespmem:s14+$0x6360]  }
0x33c: {  	v60 =	vld [tilespmem:s14+$0x1B70];
	v5 =	vadd.f32 v6, v5;
	v6 =	vmul.f32 v55, v54  }
0x33d: {  	v61 =	vld [tilespmem:s14+$0x6370]  }
0x33e: {  	v5 =	vadd.f32 v6, v5;
	v6 =	vmul.f32 v57, v56;
	_ =	sdelay $0x1  }
0x33f: {  	v5 =	vadd.f32 v6, v5;
	v6 =	vmul.f32 v59, v58;
	_ =	sdelay $0x1  }
0x340: {  	v5 =	vadd.f32 v6, v5;
	v6 =	vmul.f32 v61, v60;
	_ =	sdelay $0x1  }
0x341: {  	v5 =	vadd.f32 v6, v5;
	_ =	sdelay $0x1  }
0x342: {  	v6 =	vperm.xlane v5, v1;
	_ =	sdelay $0x1  }
0x343: {  	v5 =	vadd.f32 v5, v6;
	_ =	sdelay $0x1  }
0x344: {  	v6 =	vperm.xlane v5, v2;
	_ =	sdelay $0x1  }
0x345: {  	v5 =	vadd.f32 v5, v6;
	_ =	sdelay $0x1  }
0x346: {  	v6 =	vperm.xlane v5, v3;
	_ =	sdelay $0x1  }
0x347: {  	v5 =	vadd.f32 v5, v6;
	_ =	sdelay $0x1  }
0x348: {  	v6 =	vperm.xlane v5, v4;
	_ =	sdelay $0x1  }
0x349: {  	v5 =	vadd.f32 v5, v6;
	_ =	sdelay $0x1  }
0x34a: {  	v6 =	vmul.f32 $2.000000030e-01, v5;
	_ =	sdelay $0x1  }
0x34b: {  	v5 =	vmax.f32 v5, v6  }
0x34c: {  	v5 =	vsub.f32 $0.0e+00, v5;
	_ =	sdelay $0x1  }
0x34d: {  	v5 =	vmul.f32 $1.442695020e+00, v5;
	_ =	sdelay $0x1  }
0x34e: {  	(erf) = vpow2.f32 v5;
	_ =	sdelay $0x8  }
0x34f: {  	v5 =	vpop (erf)  }
0x350: {  	v6 =	vmul.f32 v5, v7  }
0x351: {  	v7 =	vmul.f32 v5, v49  }
0x352: {  	[tilespmem:s14+$0x6300] =	vst v6;
	v6 =	vmul.f32 v5, v51  }
0x353: {  	[tilespmem:s14+$0x6310] =	vst v7;
	v7 =	vmul.f32 v5, v53  }
0x354: {  	[tilespmem:s14+$0x6320] =	vst v6;
	v6 =	vmul.f32 v5, v55  }
0x355: {  	v62 =	vmov s0;
	[tilespmem:s14+$0x6330] =	vst v7;
	v7 =	vmul.f32 v5, v57  }
0x356: {  	[tilespmem:s14+$0x6340] =	vst v6;
	v6 =	vmul.f32 v5, v59  }
0x357: {  	[tilespmem:s14+$0x6350] =	vst v7;
	v7 =	vmul.f32 v5, v61  }
0x358: {  	[tilespmem:s14+$0x6360] =	vst v6  }
0x359: {  	[tilespmem:s14+$0x6370] =	vst v7  }
0x35a: {  	v6 =	vld.idx.msk [tilespmem:v62+s26+$0x0], $0xffff;
	_ =	sdelay $0x2  }
0x35b: {  	p1 =	slt.u32 s20, $0x28  }
.Ltmp5:
0x35c: {  	_ = 	snop;
	(pc) =	sbr.rel @p1 .LBB2_8-.Ltmp5, $3  }
0x35d: {  	_ =	sdelay $0x1  }
0x35e: {  	s14 =	sadd.s32 $0x8, s20  }
0x35f: {  	s20 =	smov.u32 s14;
	[tilespmem:v6+s30+$0x0] =	vst.idx.add.f32.msk $0x1, v5  }
0x360: {  	p1 =	seq.s32 s21, $0x46  }
.Ltmp6:
0x361: {  	_ = 	snop;
	(pc) =	sbr.rel @p1 .LBB2_11-.Ltmp6, $4  }
0x362: {  	[spmem:s3] =	stream.indirect.scatter.add.f32 [tilespmem:s18], [sflag:$0x8], $0x80, s26, s24, $0xb8;
	v63 =	vld [tilespmem:$0x0]  }
0x363: {  	_ =	swait.ge [sflag:s17], $0x1800  }
0x364: {  	[sflag:s17] =	ssyncset.done $0x0  }
0x365: {  	[sflag:s17] =	ssyncadd.s32 $0xFFFFE800  }
.LBB2_10:
0x366: {  	_ = 	snop  }
0x367: {  	s0 =	sadd.s32 s8, s25  }
0x368: {  	s0 =	smul.u32 $0x6, s0  }
.Ltmp7:
0x369: {  	_ = 	snop;
	(pc) =	sbr.rel @p0 .LBB2_15-.Ltmp7, $4  }
0x36a: {  	s14 =	sadd.s32 s5, s0  }
0x36b: {  	[tilespmem:s4], [sflag:$0x1] =	stream.linear.gather [hbm4b:s14+s4], $0x30, $0x38;
	v63 =	vld [tilespmem:$0x0]  }
0x36c: {  	s20 =	simm.s32 $0x180;
	s0 =	sadd.s32 s6, s0  }
0x36d: {  	[tilespmem:s20], [sflag:$0x1] =	stream.linear.gather [hbm4b:s0+s4], $0x30, $0x38;
	v63 =	vld [tilespmem:$0x0]  }
.LBB2_11:
0x36e: {  	_ =	swait.ge [sflag:s1], $0x1800  }
0x36f: {  	[sflag:s1] =	ssyncset.done $0x0  }
0x370: {  	[sflag:s1] =	ssyncadd.s32 $0xFFFFE800  }
0x371: {  	_ =	swait.ge [sflag:s1], $0x1800  }
0x372: {  	p0 =	seq.s32 s21, $0x46;
	[sflag:s1] =	ssyncset.done $0x0  }
0x373: {  	s0 =	simm.s32 @!p0 $0x1;
	[sflag:s1] =	ssyncadd.s32 $0xFFFFE800  }
0x374: {  	_ =	swait.ge @!p0 [sflag:s0], $0x30  }
0x375: {  	[sflag:s0] =	ssyncset.done @!p0 $0x0  }
0x376: {  	p1 =	seq.s32 @!p0 s21, $0x0;
	[sflag:s0] =	ssyncadd.s32 @!p0 $0xFFFFFFD0  }
0x377: {  	p1 =	por p0, !p1;
	_ =	swait.ge @!p0 [sflag:s0], $0x30  }
.Ltmp8:
0x378: {  	s14 =	simm.s32 @!p0 $0x0;
	[sflag:s0] =	ssyncset.done @!p0 $0x0;
	(pc) =	sbr.rel @!p1 .LBB2_16-.Ltmp8, $4  }
0x379: {  	s20 =	simm.s32 @!p0 $0x300;
	[sflag:s0] =	ssyncadd.s32 @!p0 $0xFFFFFFD0;
	s0 =	simm.s32 @!p0 $0x30  }
0x37a: {  	[tilespmem:s20], [sflag:$0x4] =	stream.indirect.gather @!p0 [hbm4b:s2+s0], $0x80, s14, s0, $0xb8;
	v63 =	vld [tilespmem:$0x0]  }
0x37b: {  	s14 =	simm.s32 @!p0 $0x180;
	s20 =	simm.s32 @!p0 $0x4B00  }
0x37c: {  	[tilespmem:s20], [sflag:$0x4] =	stream.indirect.gather @!p0 [hbm4b:s2+s0], $0x80, s14, s0, $0xb8;
	v63 =	vld [tilespmem:$0x0]  }
0x37d: {  	s20 =	simm.s32 $0x0  }
.LBB2_13:
0x37e: {  	s0 =	sshll.u32 s20, $0x7  }
0x37f: {  	v5 =	vld [tilespmem:s0+$0x3300]  }
0x380: {  	v6 =	vld [tilespmem:s0+$0x3310]  }
0x381: {  	v7 =	vld [tilespmem:s0+$0x7B00]  }
0x382: {  	v8 =	vld [tilespmem:s0+$0x7B10]  }
0x383: {  	v9 =	vld [tilespmem:s0+$0x3320]  }
0x384: {  	v10 =	vld [tilespmem:s0+$0x7B20]  }
0x385: {  	v11 =	vld [tilespmem:s0+$0x3330]  }
0x386: {  	v12 =	vld [tilespmem:s0+$0x7B30]  }
0x387: {  	v13 =	vld [tilespmem:s0+$0x3340];
	v5 =	vmul.f32 v7, v5;
	v6 =	vmul.f32 v8, v6  }
0x388: {  	v14 =	vld [tilespmem:s0+$0x7B40]  }
0x389: {  	v15 =	vld [tilespmem:s0+$0x3350];
	v5 =	vadd.f32 v6, v5;
	v6 =	vmul.f32 v10, v9  }
0x38a: {  	v48 =	vld [tilespmem:s0+$0x7B50]  }
0x38b: {  	v16 =	vld [tilespmem:s0+$0x3360];
	v5 =	vadd.f32 v6, v5;
	v6 =	vmul.f32 v12, v11  }
0x38c: {  	v49 =	vld [tilespmem:s0+$0x7B60]  }
0x38d: {  	v17 =	vld [tilespmem:s0+$0x3370];
	v5 =	vadd.f32 v6, v5;
	v6 =	vmul.f32 v14, v13  }
0x38e: {  	v50 =	vld [tilespmem:s0+$0x7B70]  }
0x38f: {  	v5 =	vadd.f32 v6, v5;
	v6 =	vmul.f32 v48, v15;
	_ =	sdelay $0x1  }
0x390: {  	v5 =	vadd.f32 v6, v5;
	v6 =	vmul.f32 v49, v16;
	_ =	sdelay $0x1  }
0x391: {  	v5 =	vadd.f32 v6, v5;
	v6 =	vmul.f32 v50, v17;
	_ =	sdelay $0x1  }
0x392: {  	v5 =	vadd.f32 v6, v5;
	_ =	sdelay $0x1  }
0x393: {  	v6 =	vperm.xlane v5, v1;
	_ =	sdelay $0x1  }
0x394: {  	v5 =	vadd.f32 v5, v6;
	_ =	sdelay $0x1  }
0x395: {  	v6 =	vperm.xlane v5, v2;
	_ =	sdelay $0x1  }
0x396: {  	v5 =	vadd.f32 v5, v6;
	_ =	sdelay $0x1  }
0x397: {  	v6 =	vperm.xlane v5, v3;
	_ =	sdelay $0x1  }
0x398: {  	v5 =	vadd.f32 v5, v6;
	_ =	sdelay $0x1  }
0x399: {  	v6 =	vperm.xlane v5, v4;
	_ =	sdelay $0x1  }
0x39a: {  	v5 =	vadd.f32 v5, v6;
	_ =	sdelay $0x1  }
0x39b: {  	v6 =	vmul.f32 $2.000000030e-01, v5;
	_ =	sdelay $0x1  }
0x39c: {  	v5 =	vmax.f32 v5, v6  }
0x39d: {  	v5 =	vsub.f32 $0.0e+00, v5;
	_ =	sdelay $0x1  }
0x39e: {  	v5 =	vmul.f32 $1.442695020e+00, v5;
	_ =	sdelay $0x1  }
0x39f: {  	(erf) = vpow2.f32 v5;
	_ =	sdelay $0x8  }
0x3a0: {  	v5 =	vpop (erf)  }
0x3a1: {  	v6 =	vmul.f32 v5, v7  }
0x3a2: {  	v7 =	vmul.f32 v5, v8  }
0x3a3: {  	v51 =	vmov s20;
	[tilespmem:s0+$0x7B00] =	vst v6;
	v6 =	vmul.f32 v5, v10  }
0x3a4: {  	v8 =	vand.u32 $0xFFFFFFF8, v51;
	[tilespmem:s0+$0x7B10] =	vst v7;
	v7 =	vmul.f32 v5, v12  }
0x3a5: {  	v8 =	vbroadcast v8, $0x0;
	[tilespmem:s0+$0x7B20] =	vst v6;
	v6 =	vmul.f32 v5, v14  }
0x3a6: {  	[tilespmem:s0+$0x7B30] =	vst v7;
	v7 =	vmul.f32 v5, v48  }
0x3a7: {  	[tilespmem:s0+$0x7B40] =	vst v6;
	v6 =	vmul.f32 v5, v49  }
0x3a8: {  	[tilespmem:s0+$0x7B50] =	vst v7;
	v7 =	vmul.f32 v5, v50  }
0x3a9: {  	[tilespmem:s0+$0x7B60] =	vst v6  }
0x3aa: {  	[tilespmem:s0+$0x7B70] =	vst v7  }
0x3ab: {  	v6 =	vld.idx.msk [tilespmem:v8+s9+$0x0], $0xffff;
	_ =	sdelay $0x6  }
0x3ac: {  	s14 =	sor.u32 $0x1, s20  }
0x3ad: {  	s0 =	sshll.u32 s14, $0x7;
	[tilespmem:v6+s30+$0x0] =	vst.idx.add.f32.msk $0x1, v5  }
0x3ae: {  	v5 =	vld [tilespmem:s0+$0x3300]  }
0x3af: {  	v6 =	vld [tilespmem:s0+$0x3310]  }
0x3b0: {  	v7 =	vld [tilespmem:s0+$0x7B00]  }
0x3b1: {  	v52 =	vld [tilespmem:s0+$0x7B10]  }
0x3b2: {  	v53 =	vld [tilespmem:s0+$0x3320]  }
0x3b3: {  	v54 =	vld [tilespmem:s0+$0x7B20]  }
0x3b4: {  	v55 =	vld [tilespmem:s0+$0x3330]  }
0x3b5: {  	v56 =	vld [tilespmem:s0+$0x7B30]  }
0x3b6: {  	v57 =	vld [tilespmem:s0+$0x3340];
	v5 =	vmul.f32 v7, v5;
	v6 =	vmul.f32 v52, v6  }
0x3b7: {  	v58 =	vld [tilespmem:s0+$0x7B40]  }
0x3b8: {  	v59 =	vld [tilespmem:s0+$0x3350];
	v5 =	vadd.f32 v6, v5;
	v6 =	vmul.f32 v54, v53  }
0x3b9: {  	v60 =	vld [tilespmem:s0+$0x7B50]  }
0x3ba: {  	v61 =	vld [tilespmem:s0+$0x3360];
	v5 =	vadd.f32 v6, v5;
	v6 =	vmul.f32 v56, v55  }
0x3bb: {  	v62 =	vld [tilespmem:s0+$0x7B60]  }
0x3bc: {  	v20 =	vld [tilespmem:s0+$0x3370];
	v5 =	vadd.f32 v6, v5;
	v6 =	vmul.f32 v58, v57  }
0x3bd: {  	v21 =	vld [tilespmem:s0+$0x7B70]  }
0x3be: {  	v5 =	vadd.f32 v6, v5;
	v6 =	vmul.f32 v60, v59;
	_ =	sdelay $0x1  }
0x3bf: {  	v5 =	vadd.f32 v6, v5;
	v6 =	vmul.f32 v62, v61;
	_ =	sdelay $0x1  }
0x3c0: {  	v5 =	vadd.f32 v6, v5;
	v6 =	vmul.f32 v21, v20;
	_ =	sdelay $0x1  }
0x3c1: {  	v5 =	vadd.f32 v6, v5;
	_ =	sdelay $0x1  }
0x3c2: {  	v6 =	vperm.xlane v5, v1;
	_ =	sdelay $0x1  }
0x3c3: {  	v5 =	vadd.f32 v5, v6;
	_ =	sdelay $0x1  }
0x3c4: {  	v6 =	vperm.xlane v5, v2;
	_ =	sdelay $0x1  }
0x3c5: {  	v5 =	vadd.f32 v5, v6;
	_ =	sdelay $0x1  }
0x3c6: {  	v6 =	vperm.xlane v5, v3;
	_ =	sdelay $0x1  }
0x3c7: {  	v5 =	vadd.f32 v5, v6;
	_ =	sdelay $0x1  }
0x3c8: {  	v6 =	vperm.xlane v5, v4;
	_ =	sdelay $0x1  }
0x3c9: {  	v5 =	vadd.f32 v5, v6;
	_ =	sdelay $0x1  }
0x3ca: {  	v6 =	vmul.f32 $2.000000030e-01, v5;
	_ =	sdelay $0x1  }
0x3cb: {  	v5 =	vmax.f32 v5, v6  }
0x3cc: {  	v5 =	vsub.f32 $0.0e+00, v5;
	_ =	sdelay $0x1  }
0x3cd: {  	v5 =	vmul.f32 $1.442695020e+00, v5;
	_ =	sdelay $0x1  }
0x3ce: {  	(erf) = vpow2.f32 v5;
	_ =	sdelay $0x8  }
0x3cf: {  	v5 =	vpop (erf)  }
0x3d0: {  	v6 =	vmul.f32 v5, v7  }
0x3d1: {  	v7 =	vmul.f32 v5, v52  }
0x3d2: {  	v22 =	vmov s14;
	[tilespmem:s0+$0x7B00] =	vst v6;
	v6 =	vmul.f32 v5, v54  }
0x3d3: {  	v8 =	vand.u32 $0xFFFFFFF9, v22;
	[tilespmem:s0+$0x7B10] =	vst v7;
	v7 =	vmul.f32 v5, v56  }
0x3d4: {  	v8 =	vbroadcast v8, $0x0;
	[tilespmem:s0+$0x7B20] =	vst v6;
	v6 =	vmul.f32 v5, v58  }
0x3d5: {  	[tilespmem:s0+$0x7B30] =	vst v7;
	v7 =	vmul.f32 v5, v60  }
0x3d6: {  	[tilespmem:s0+$0x7B40] =	vst v6;
	v6 =	vmul.f32 v5, v62  }
0x3d7: {  	[tilespmem:s0+$0x7B50] =	vst v7;
	v7 =	vmul.f32 v5, v21  }
0x3d8: {  	[tilespmem:s0+$0x7B60] =	vst v6  }
0x3d9: {  	[tilespmem:s0+$0x7B70] =	vst v7  }
0x3da: {  	v6 =	vld.idx.msk [tilespmem:v8+s9+$0x0], $0xffff;
	_ =	sdelay $0x6  }
0x3db: {  	s14 =	sor.u32 $0x2, s20  }
0x3dc: {  	s0 =	sshll.u32 s14, $0x7;
	[tilespmem:v6+s30+$0x0] =	vst.idx.add.f32.msk $0x1, v5  }
0x3dd: {  	v5 =	vld [tilespmem:s0+$0x3300]  }
0x3de: {  	v6 =	vld [tilespmem:s0+$0x3310]  }
0x3df: {  	v7 =	vld [tilespmem:s0+$0x7B00]  }
0x3e0: {  	v23 =	vld [tilespmem:s0+$0x7B10]  }
0x3e1: {  	v24 =	vld [tilespmem:s0+$0x3320]  }
0x3e2: {  	v25 =	vld [tilespmem:s0+$0x7B20]  }
0x3e3: {  	v26 =	vld [tilespmem:s0+$0x3330]  }
0x3e4: {  	v27 =	vld [tilespmem:s0+$0x7B30]  }
0x3e5: {  	v28 =	vld [tilespmem:s0+$0x3340];
	v5 =	vmul.f32 v7, v5;
	v6 =	vmul.f32 v23, v6  }
0x3e6: {  	v29 =	vld [tilespmem:s0+$0x7B40]  }
0x3e7: {  	v30 =	vld [tilespmem:s0+$0x3350];
	v5 =	vadd.f32 v6, v5;
	v6 =	vmul.f32 v25, v24  }
0x3e8: {  	v31 =	vld [tilespmem:s0+$0x7B50]  }
0x3e9: {  	v32 =	vld [tilespmem:s0+$0x3360];
	v5 =	vadd.f32 v6, v5;
	v6 =	vmul.f32 v27, v26  }
0x3ea: {  	v33 =	vld [tilespmem:s0+$0x7B60]  }
0x3eb: {  	v34 =	vld [tilespmem:s0+$0x3370];
	v5 =	vadd.f32 v6, v5;
	v6 =	vmul.f32 v29, v28  }
0x3ec: {  	v35 =	vld [tilespmem:s0+$0x7B70]  }
0x3ed: {  	v5 =	vadd.f32 v6, v5;
	v6 =	vmul.f32 v31, v30;
	_ =	sdelay $0x1  }
0x3ee: {  	v5 =	vadd.f32 v6, v5;
	v6 =	vmul.f32 v33, v32;
	_ =	sdelay $0x1  }
0x3ef: {  	v5 =	vadd.f32 v6, v5;
	v6 =	vmul.f32 v35, v34;
	_ =	sdelay $0x1  }
0x3f0: {  	v5 =	vadd.f32 v6, v5;
	_ =	sdelay $0x1  }
0x3f1: {  	v6 =	vperm.xlane v5, v1;
	_ =	sdelay $0x1  }
0x3f2: {  	v5 =	vadd.f32 v5, v6;
	_ =	sdelay $0x1  }
0x3f3: {  	v6 =	vperm.xlane v5, v2;
	_ =	sdelay $0x1  }
0x3f4: {  	v5 =	vadd.f32 v5, v6;
	_ =	sdelay $0x1  }
0x3f5: {  	v6 =	vperm.xlane v5, v3;
	_ =	sdelay $0x1  }
0x3f6: {  	v5 =	vadd.f32 v5, v6;
	_ =	sdelay $0x1  }
0x3f7: {  	v6 =	vperm.xlane v5, v4;
	_ =	sdelay $0x1  }
0x3f8: {  	v5 =	vadd.f32 v5, v6;
	_ =	sdelay $0x1  }
0x3f9: {  	v6 =	vmul.f32 $2.000000030e-01, v5;
	_ =	sdelay $0x1  }
0x3fa: {  	v5 =	vmax.f32 v5, v6  }
0x3fb: {  	v5 =	vsub.f32 $0.0e+00, v5;
	_ =	sdelay $0x1  }
0x3fc: {  	v5 =	vmul.f32 $1.442695020e+00, v5;
	_ =	sdelay $0x1  }
0x3fd: {  	(erf) = vpow2.f32 v5;
	_ =	sdelay $0x8  }
0x3fe: {  	v5 =	vpop (erf)  }
0x3ff: {  	v6 =	vmul.f32 v5, v7  }
0x400: {  	v7 =	vmul.f32 v5, v23  }
0x401: {  	v36 =	vmov s14;
	[tilespmem:s0+$0x7B00] =	vst v6;
	v6 =	vmul.f32 v5, v25  }
0x402: {  	v8 =	vand.u32 $0xFFFFFFFA, v36;
	[tilespmem:s0+$0x7B10] =	vst v7;
	v7 =	vmul.f32 v5, v27  }
0x403: {  	v8 =	vbroadcast v8, $0x0;
	[tilespmem:s0+$0x7B20] =	vst v6;
	v6 =	vmul.f32 v5, v29  }
0x404: {  	[tilespmem:s0+$0x7B30] =	vst v7;
	v7 =	vmul.f32 v5, v31  }
0x405: {  	[tilespmem:s0+$0x7B40] =	vst v6;
	v6 =	vmul.f32 v5, v33  }
0x406: {  	[tilespmem:s0+$0x7B50] =	vst v7;
	v7 =	vmul.f32 v5, v35  }
0x407: {  	[tilespmem:s0+$0x7B60] =	vst v6  }
0x408: {  	[tilespmem:s0+$0x7B70] =	vst v7  }
0x409: {  	v6 =	vld.idx.msk [tilespmem:v8+s9+$0x0], $0xffff;
	_ =	sdelay $0x6  }
0x40a: {  	s14 =	sor.u32 $0x3, s20  }
0x40b: {  	s0 =	sshll.u32 s14, $0x7;
	[tilespmem:v6+s30+$0x0] =	vst.idx.add.f32.msk $0x1, v5  }
0x40c: {  	v5 =	vld [tilespmem:s0+$0x3300]  }
0x40d: {  	v6 =	vld [tilespmem:s0+$0x3310]  }
0x40e: {  	v7 =	vld [tilespmem:s0+$0x7B00]  }
0x40f: {  	v37 =	vld [tilespmem:s0+$0x7B10]  }
0x410: {  	v38 =	vld [tilespmem:s0+$0x3320]  }
0x411: {  	v39 =	vld [tilespmem:s0+$0x7B20]  }
0x412: {  	v40 =	vld [tilespmem:s0+$0x3330]  }
0x413: {  	v41 =	vld [tilespmem:s0+$0x7B30]  }
0x414: {  	v42 =	vld [tilespmem:s0+$0x3340];
	v5 =	vmul.f32 v7, v5;
	v6 =	vmul.f32 v37, v6  }
0x415: {  	v43 =	vld [tilespmem:s0+$0x7B40]  }
0x416: {  	v44 =	vld [tilespmem:s0+$0x3350];
	v5 =	vadd.f32 v6, v5;
	v6 =	vmul.f32 v39, v38  }
0x417: {  	v45 =	vld [tilespmem:s0+$0x7B50]  }
0x418: {  	v46 =	vld [tilespmem:s0+$0x3360];
	v5 =	vadd.f32 v6, v5;
	v6 =	vmul.f32 v41, v40  }
0x419: {  	v47 =	vld [tilespmem:s0+$0x7B60]  }
0x41a: {  	v48 =	vld [tilespmem:s0+$0x3370];
	v5 =	vadd.f32 v6, v5;
	v6 =	vmul.f32 v43, v42  }
0x41b: {  	v49 =	vld [tilespmem:s0+$0x7B70]  }
0x41c: {  	v5 =	vadd.f32 v6, v5;
	v6 =	vmul.f32 v45, v44;
	_ =	sdelay $0x1  }
0x41d: {  	v5 =	vadd.f32 v6, v5;
	v6 =	vmul.f32 v47, v46;
	_ =	sdelay $0x1  }
0x41e: {  	v5 =	vadd.f32 v6, v5;
	v6 =	vmul.f32 v49, v48;
	_ =	sdelay $0x1  }
0x41f: {  	v5 =	vadd.f32 v6, v5;
	_ =	sdelay $0x1  }
0x420: {  	v6 =	vperm.xlane v5, v1;
	_ =	sdelay $0x1  }
0x421: {  	v5 =	vadd.f32 v5, v6;
	_ =	sdelay $0x1  }
0x422: {  	v6 =	vperm.xlane v5, v2;
	_ =	sdelay $0x1  }
0x423: {  	v5 =	vadd.f32 v5, v6;
	_ =	sdelay $0x1  }
0x424: {  	v6 =	vperm.xlane v5, v3;
	_ =	sdelay $0x1  }
0x425: {  	v5 =	vadd.f32 v5, v6;
	_ =	sdelay $0x1  }
0x426: {  	v6 =	vperm.xlane v5, v4;
	_ =	sdelay $0x1  }
0x427: {  	v5 =	vadd.f32 v5, v6;
	_ =	sdelay $0x1  }
0x428: {  	v6 =	vmul.f32 $2.000000030e-01, v5;
	_ =	sdelay $0x1  }
0x429: {  	v5 =	vmax.f32 v5, v6  }
0x42a: {  	v5 =	vsub.f32 $0.0e+00, v5;
	_ =	sdelay $0x1  }
0x42b: {  	v5 =	vmul.f32 $1.442695020e+00, v5;
	_ =	sdelay $0x1  }
0x42c: {  	(erf) = vpow2.f32 v5;
	_ =	sdelay $0x8  }
0x42d: {  	v5 =	vpop (erf)  }
0x42e: {  	v6 =	vmul.f32 v5, v7  }
0x42f: {  	v7 =	vmul.f32 v5, v37  }
0x430: {  	v50 =	vmov s14;
	[tilespmem:s0+$0x7B00] =	vst v6;
	v6 =	vmul.f32 v5, v39  }
0x431: {  	v8 =	vand.u32 $0xFFFFFFFB, v50;
	[tilespmem:s0+$0x7B10] =	vst v7;
	v7 =	vmul.f32 v5, v41  }
0x432: {  	v8 =	vbroadcast v8, $0x0;
	[tilespmem:s0+$0x7B20] =	vst v6;
	v6 =	vmul.f32 v5, v43  }
0x433: {  	[tilespmem:s0+$0x7B30] =	vst v7;
	v7 =	vmul.f32 v5, v45  }
0x434: {  	[tilespmem:s0+$0x7B40] =	vst v6;
	v6 =	vmul.f32 v5, v47  }
0x435: {  	[tilespmem:s0+$0x7B50] =	vst v7;
	v7 =	vmul.f32 v5, v49  }
0x436: {  	[tilespmem:s0+$0x7B60] =	vst v6  }
0x437: {  	[tilespmem:s0+$0x7B70] =	vst v7  }
0x438: {  	v6 =	vld.idx.msk [tilespmem:v8+s9+$0x0], $0xffff;
	_ =	sdelay $0x6  }
0x439: {  	s14 =	sor.u32 $0x4, s20  }
0x43a: {  	s0 =	sshll.u32 s14, $0x7;
	[tilespmem:v6+s30+$0x0] =	vst.idx.add.f32.msk $0x1, v5  }
0x43b: {  	v5 =	vld [tilespmem:s0+$0x3300]  }
0x43c: {  	v6 =	vld [tilespmem:s0+$0x3310]  }
0x43d: {  	v7 =	vld [tilespmem:s0+$0x7B00]  }
0x43e: {  	v51 =	vld [tilespmem:s0+$0x7B10]  }
0x43f: {  	v52 =	vld [tilespmem:s0+$0x3320]  }
0x440: {  	v53 =	vld [tilespmem:s0+$0x7B20]  }
0x441: {  	v54 =	vld [tilespmem:s0+$0x3330]  }
0x442: {  	v55 =	vld [tilespmem:s0+$0x7B30]  }
0x443: {  	v56 =	vld [tilespmem:s0+$0x3340];
	v5 =	vmul.f32 v7, v5;
	v6 =	vmul.f32 v51, v6  }
0x444: {  	v57 =	vld [tilespmem:s0+$0x7B40]  }
0x445: {  	v58 =	vld [tilespmem:s0+$0x3350];
	v5 =	vadd.f32 v6, v5;
	v6 =	vmul.f32 v53, v52  }
0x446: {  	v59 =	vld [tilespmem:s0+$0x7B50]  }
0x447: {  	v60 =	vld [tilespmem:s0+$0x3360];
	v5 =	vadd.f32 v6, v5;
	v6 =	vmul.f32 v55, v54  }
0x448: {  	v61 =	vld [tilespmem:s0+$0x7B60]  }
0x449: {  	v62 =	vld [tilespmem:s0+$0x3370];
	v5 =	vadd.f32 v6, v5;
	v6 =	vmul.f32 v57, v56  }
0x44a: {  	v19 =	vld [tilespmem:s0+$0x7B70]  }
0x44b: {  	v5 =	vadd.f32 v6, v5;
	v6 =	vmul.f32 v59, v58;
	_ =	sdelay $0x1  }
0x44c: {  	v5 =	vadd.f32 v6, v5;
	v6 =	vmul.f32 v61, v60;
	_ =	sdelay $0x1  }
0x44d: {  	v5 =	vadd.f32 v6, v5;
	v6 =	vmul.f32 v19, v62;
	_ =	sdelay $0x1  }
0x44e: {  	v5 =	vadd.f32 v6, v5;
	_ =	sdelay $0x1  }
0x44f: {  	v6 =	vperm.xlane v5, v1;
	_ =	sdelay $0x1  }
0x450: {  	v5 =	vadd.f32 v5, v6;
	_ =	sdelay $0x1  }
0x451: {  	v6 =	vperm.xlane v5, v2;
	_ =	sdelay $0x1  }
0x452: {  	v5 =	vadd.f32 v5, v6;
	_ =	sdelay $0x1  }
0x453: {  	v6 =	vperm.xlane v5, v3;
	_ =	sdelay $0x1  }
0x454: {  	v5 =	vadd.f32 v5, v6;
	_ =	sdelay $0x1  }
0x455: {  	v6 =	vperm.xlane v5, v4;
	_ =	sdelay $0x1  }
0x456: {  	v5 =	vadd.f32 v5, v6;
	_ =	sdelay $0x1  }
0x457: {  	v6 =	vmul.f32 $2.000000030e-01, v5;
	_ =	sdelay $0x1  }
0x458: {  	v5 =	vmax.f32 v5, v6  }
0x459: {  	v5 =	vsub.f32 $0.0e+00, v5;
	_ =	sdelay $0x1  }
0x45a: {  	v5 =	vmul.f32 $1.442695020e+00, v5;
	_ =	sdelay $0x1  }
0x45b: {  	(erf) = vpow2.f32 v5;
	_ =	sdelay $0x8  }
0x45c: {  	v5 =	vpop (erf)  }
0x45d: {  	v6 =	vmul.f32 v5, v7  }
0x45e: {  	v7 =	vmul.f32 v5, v51  }
0x45f: {  	v20 =	vmov s14;
	[tilespmem:s0+$0x7B00] =	vst v6;
	v6 =	vmul.f32 v5, v53  }
0x460: {  	v8 =	vand.u32 $0xFFFFFFFC, v20;
	[tilespmem:s0+$0x7B10] =	vst v7;
	v7 =	vmul.f32 v5, v55  }
0x461: {  	v8 =	vbroadcast v8, $0x0;
	[tilespmem:s0+$0x7B20] =	vst v6;
	v6 =	vmul.f32 v5, v57  }
0x462: {  	[tilespmem:s0+$0x7B30] =	vst v7;
	v7 =	vmul.f32 v5, v59  }
0x463: {  	[tilespmem:s0+$0x7B40] =	vst v6;
	v6 =	vmul.f32 v5, v61  }
0x464: {  	[tilespmem:s0+$0x7B50] =	vst v7;
	v7 =	vmul.f32 v5, v19  }
0x465: {  	[tilespmem:s0+$0x7B60] =	vst v6  }
0x466: {  	[tilespmem:s0+$0x7B70] =	vst v7  }
0x467: {  	v6 =	vld.idx.msk [tilespmem:v8+s9+$0x0], $0xffff;
	_ =	sdelay $0x6  }
0x468: {  	s14 =	sor.u32 $0x5, s20  }
0x469: {  	s0 =	sshll.u32 s14, $0x7;
	[tilespmem:v6+s30+$0x0] =	vst.idx.add.f32.msk $0x1, v5  }
0x46a: {  	v5 =	vld [tilespmem:s0+$0x3300]  }
0x46b: {  	v6 =	vld [tilespmem:s0+$0x3310]  }
0x46c: {  	v7 =	vld [tilespmem:s0+$0x7B00]  }
0x46d: {  	v21 =	vld [tilespmem:s0+$0x7B10]  }
0x46e: {  	v22 =	vld [tilespmem:s0+$0x3320]  }
0x46f: {  	v23 =	vld [tilespmem:s0+$0x7B20]  }
0x470: {  	v24 =	vld [tilespmem:s0+$0x3330]  }
0x471: {  	v25 =	vld [tilespmem:s0+$0x7B30]  }
0x472: {  	v26 =	vld [tilespmem:s0+$0x3340];
	v5 =	vmul.f32 v7, v5;
	v6 =	vmul.f32 v21, v6  }
0x473: {  	v27 =	vld [tilespmem:s0+$0x7B40]  }
0x474: {  	v28 =	vld [tilespmem:s0+$0x3350];
	v5 =	vadd.f32 v6, v5;
	v6 =	vmul.f32 v23, v22  }
0x475: {  	v29 =	vld [tilespmem:s0+$0x7B50]  }
0x476: {  	v30 =	vld [tilespmem:s0+$0x3360];
	v5 =	vadd.f32 v6, v5;
	v6 =	vmul.f32 v25, v24  }
0x477: {  	v31 =	vld [tilespmem:s0+$0x7B60]  }
0x478: {  	v32 =	vld [tilespmem:s0+$0x3370];
	v5 =	vadd.f32 v6, v5;
	v6 =	vmul.f32 v27, v26  }
0x479: {  	v33 =	vld [tilespmem:s0+$0x7B70]  }
0x47a: {  	v5 =	vadd.f32 v6, v5;
	v6 =	vmul.f32 v29, v28;
	_ =	sdelay $0x1  }
0x47b: {  	v5 =	vadd.f32 v6, v5;
	v6 =	vmul.f32 v31, v30;
	_ =	sdelay $0x1  }
0x47c: {  	v5 =	vadd.f32 v6, v5;
	v6 =	vmul.f32 v33, v32;
	_ =	sdelay $0x1  }
0x47d: {  	v5 =	vadd.f32 v6, v5;
	_ =	sdelay $0x1  }
0x47e: {  	v6 =	vperm.xlane v5, v1;
	_ =	sdelay $0x1  }
0x47f: {  	v5 =	vadd.f32 v5, v6;
	_ =	sdelay $0x1  }
0x480: {  	v6 =	vperm.xlane v5, v2;
	_ =	sdelay $0x1  }
0x481: {  	v5 =	vadd.f32 v5, v6;
	_ =	sdelay $0x1  }
0x482: {  	v6 =	vperm.xlane v5, v3;
	_ =	sdelay $0x1  }
0x483: {  	v5 =	vadd.f32 v5, v6;
	_ =	sdelay $0x1  }
0x484: {  	v6 =	vperm.xlane v5, v4;
	_ =	sdelay $0x1  }
0x485: {  	v5 =	vadd.f32 v5, v6;
	_ =	sdelay $0x1  }
0x486: {  	v6 =	vmul.f32 $2.000000030e-01, v5;
	_ =	sdelay $0x1  }
0x487: {  	v5 =	vmax.f32 v5, v6  }
0x488: {  	v5 =	vsub.f32 $0.0e+00, v5;
	_ =	sdelay $0x1  }
0x489: {  	v5 =	vmul.f32 $1.442695020e+00, v5;
	_ =	sdelay $0x1  }
0x48a: {  	(erf) = vpow2.f32 v5;
	_ =	sdelay $0x8  }
0x48b: {  	v5 =	vpop (erf)  }
0x48c: {  	v6 =	vmul.f32 v5, v7  }
0x48d: {  	v7 =	vmul.f32 v5, v21  }
0x48e: {  	v34 =	vmov s14;
	[tilespmem:s0+$0x7B00] =	vst v6;
	v6 =	vmul.f32 v5, v23  }
0x48f: {  	v8 =	vand.u32 $0xFFFFFFFD, v34;
	[tilespmem:s0+$0x7B10] =	vst v7;
	v7 =	vmul.f32 v5, v25  }
0x490: {  	v8 =	vbroadcast v8, $0x0;
	[tilespmem:s0+$0x7B20] =	vst v6;
	v6 =	vmul.f32 v5, v27  }
0x491: {  	[tilespmem:s0+$0x7B30] =	vst v7;
	v7 =	vmul.f32 v5, v29  }
0x492: {  	[tilespmem:s0+$0x7B40] =	vst v6;
	v6 =	vmul.f32 v5, v31  }
0x493: {  	[tilespmem:s0+$0x7B50] =	vst v7;
	v7 =	vmul.f32 v5, v33  }
0x494: {  	[tilespmem:s0+$0x7B60] =	vst v6  }
0x495: {  	[tilespmem:s0+$0x7B70] =	vst v7  }
0x496: {  	v6 =	vld.idx.msk [tilespmem:v8+s9+$0x0], $0xffff;
	_ =	sdelay $0x6  }
0x497: {  	s14 =	sor.u32 $0x6, s20  }
0x498: {  	s0 =	sshll.u32 s14, $0x7;
	[tilespmem:v6+s30+$0x0] =	vst.idx.add.f32.msk $0x1, v5  }
0x499: {  	v5 =	vld [tilespmem:s0+$0x3300]  }
0x49a: {  	v6 =	vld [tilespmem:s0+$0x3310]  }
0x49b: {  	v7 =	vld [tilespmem:s0+$0x7B00]  }
0x49c: {  	v35 =	vld [tilespmem:s0+$0x7B10]  }
0x49d: {  	v36 =	vld [tilespmem:s0+$0x3320]  }
0x49e: {  	v37 =	vld [tilespmem:s0+$0x7B20]  }
0x49f: {  	v38 =	vld [tilespmem:s0+$0x3330]  }
0x4a0: {  	v39 =	vld [tilespmem:s0+$0x7B30]  }
0x4a1: {  	v40 =	vld [tilespmem:s0+$0x3340];
	v5 =	vmul.f32 v7, v5;
	v6 =	vmul.f32 v35, v6  }
0x4a2: {  	v41 =	vld [tilespmem:s0+$0x7B40]  }
0x4a3: {  	v42 =	vld [tilespmem:s0+$0x3350];
	v5 =	vadd.f32 v6, v5;
	v6 =	vmul.f32 v37, v36  }
0x4a4: {  	v43 =	vld [tilespmem:s0+$0x7B50]  }
0x4a5: {  	v44 =	vld [tilespmem:s0+$0x3360];
	v5 =	vadd.f32 v6, v5;
	v6 =	vmul.f32 v39, v38  }
0x4a6: {  	v45 =	vld [tilespmem:s0+$0x7B60]  }
0x4a7: {  	v46 =	vld [tilespmem:s0+$0x3370];
	v5 =	vadd.f32 v6, v5;
	v6 =	vmul.f32 v41, v40  }
0x4a8: {  	v47 =	vld [tilespmem:s0+$0x7B70]  }
0x4a9: {  	v5 =	vadd.f32 v6, v5;
	v6 =	vmul.f32 v43, v42;
	_ =	sdelay $0x1  }
0x4aa: {  	v5 =	vadd.f32 v6, v5;
	v6 =	vmul.f32 v45, v44;
	_ =	sdelay $0x1  }
0x4ab: {  	v5 =	vadd.f32 v6, v5;
	v6 =	vmul.f32 v47, v46;
	_ =	sdelay $0x1  }
0x4ac: {  	v5 =	vadd.f32 v6, v5;
	_ =	sdelay $0x1  }
0x4ad: {  	v6 =	vperm.xlane v5, v1;
	_ =	sdelay $0x1  }
0x4ae: {  	v5 =	vadd.f32 v5, v6;
	_ =	sdelay $0x1  }
0x4af: {  	v6 =	vperm.xlane v5, v2;
	_ =	sdelay $0x1  }
0x4b0: {  	v5 =	vadd.f32 v5, v6;
	_ =	sdelay $0x1  }
0x4b1: {  	v6 =	vperm.xlane v5, v3;
	_ =	sdelay $0x1  }
0x4b2: {  	v5 =	vadd.f32 v5, v6;
	_ =	sdelay $0x1  }
0x4b3: {  	v6 =	vperm.xlane v5, v4;
	_ =	sdelay $0x1  }
0x4b4: {  	v5 =	vadd.f32 v5, v6;
	_ =	sdelay $0x1  }
0x4b5: {  	v6 =	vmul.f32 $2.000000030e-01, v5;
	_ =	sdelay $0x1  }
0x4b6: {  	v5 =	vmax.f32 v5, v6  }
0x4b7: {  	v5 =	vsub.f32 $0.0e+00, v5;
	_ =	sdelay $0x1  }
0x4b8: {  	v5 =	vmul.f32 $1.442695020e+00, v5;
	_ =	sdelay $0x1  }
0x4b9: {  	(erf) = vpow2.f32 v5;
	_ =	sdelay $0x8  }
0x4ba: {  	v5 =	vpop (erf)  }
0x4bb: {  	v6 =	vmul.f32 v5, v7  }
0x4bc: {  	v7 =	vmul.f32 v5, v35  }
0x4bd: {  	v48 =	vmov s14;
	[tilespmem:s0+$0x7B00] =	vst v6;
	v6 =	vmul.f32 v5, v37  }
0x4be: {  	v8 =	vand.u32 $0xFFFFFFFE, v48;
	[tilespmem:s0+$0x7B10] =	vst v7;
	v7 =	vmul.f32 v5, v39  }
0x4bf: {  	v8 =	vbroadcast v8, $0x0;
	[tilespmem:s0+$0x7B20] =	vst v6;
	v6 =	vmul.f32 v5, v41  }
0x4c0: {  	[tilespmem:s0+$0x7B30] =	vst v7;
	v7 =	vmul.f32 v5, v43  }
0x4c1: {  	[tilespmem:s0+$0x7B40] =	vst v6;
	v6 =	vmul.f32 v5, v45  }
0x4c2: {  	[tilespmem:s0+$0x7B50] =	vst v7;
	v7 =	vmul.f32 v5, v47  }
0x4c3: {  	[tilespmem:s0+$0x7B60] =	vst v6  }
0x4c4: {  	[tilespmem:s0+$0x7B70] =	vst v7  }
0x4c5: {  	v6 =	vld.idx.msk [tilespmem:v8+s9+$0x0], $0xffff;
	_ =	sdelay $0x6  }
0x4c6: {  	s0 =	sor.u32 $0x7, s20  }
0x4c7: {  	s14 =	sshll.u32 s0, $0x7;
	[tilespmem:v6+s30+$0x0] =	vst.idx.add.f32.msk $0x1, v5  }
0x4c8: {  	v5 =	vld [tilespmem:s14+$0x3300]  }
0x4c9: {  	v6 =	vld [tilespmem:s14+$0x3310]  }
0x4ca: {  	v7 =	vld [tilespmem:s14+$0x7B00]  }
0x4cb: {  	v49 =	vld [tilespmem:s14+$0x7B10]  }
0x4cc: {  	v50 =	vld [tilespmem:s14+$0x3320]  }
0x4cd: {  	v51 =	vld [tilespmem:s14+$0x7B20]  }
0x4ce: {  	v52 =	vld [tilespmem:s14+$0x3330]  }
0x4cf: {  	v53 =	vld [tilespmem:s14+$0x7B30]  }
0x4d0: {  	v54 =	vld [tilespmem:s14+$0x3340];
	v5 =	vmul.f32 v7, v5;
	v6 =	vmul.f32 v49, v6  }
0x4d1: {  	v55 =	vld [tilespmem:s14+$0x7B40]  }
0x4d2: {  	v56 =	vld [tilespmem:s14+$0x3350];
	v5 =	vadd.f32 v6, v5;
	v6 =	vmul.f32 v51, v50  }
0x4d3: {  	v57 =	vld [tilespmem:s14+$0x7B50]  }
0x4d4: {  	v58 =	vld [tilespmem:s14+$0x3360];
	v5 =	vadd.f32 v6, v5;
	v6 =	vmul.f32 v53, v52  }
0x4d5: {  	v59 =	vld [tilespmem:s14+$0x7B60]  }
0x4d6: {  	v60 =	vld [tilespmem:s14+$0x3370];
	v5 =	vadd.f32 v6, v5;
	v6 =	vmul.f32 v55, v54  }
0x4d7: {  	v61 =	vld [tilespmem:s14+$0x7B70]  }
0x4d8: {  	v5 =	vadd.f32 v6, v5;
	v6 =	vmul.f32 v57, v56;
	_ =	sdelay $0x1  }
0x4d9: {  	v5 =	vadd.f32 v6, v5;
	v6 =	vmul.f32 v59, v58;
	_ =	sdelay $0x1  }
0x4da: {  	v5 =	vadd.f32 v6, v5;
	v6 =	vmul.f32 v61, v60;
	_ =	sdelay $0x1  }
0x4db: {  	v5 =	vadd.f32 v6, v5;
	_ =	sdelay $0x1  }
0x4dc: {  	v6 =	vperm.xlane v5, v1;
	_ =	sdelay $0x1  }
0x4dd: {  	v5 =	vadd.f32 v5, v6;
	_ =	sdelay $0x1  }
0x4de: {  	v6 =	vperm.xlane v5, v2;
	_ =	sdelay $0x1  }
0x4df: {  	v5 =	vadd.f32 v5, v6;
	_ =	sdelay $0x1  }
0x4e0: {  	v6 =	vperm.xlane v5, v3;
	_ =	sdelay $0x1  }
0x4e1: {  	v5 =	vadd.f32 v5, v6;
	_ =	sdelay $0x1  }
0x4e2: {  	v6 =	vperm.xlane v5, v4;
	_ =	sdelay $0x1  }
0x4e3: {  	v5 =	vadd.f32 v5, v6;
	_ =	sdelay $0x1  }
0x4e4: {  	v6 =	vmul.f32 $2.000000030e-01, v5;
	_ =	sdelay $0x1  }
0x4e5: {  	v5 =	vmax.f32 v5, v6  }
0x4e6: {  	v5 =	vsub.f32 $0.0e+00, v5;
	_ =	sdelay $0x1  }
0x4e7: {  	v5 =	vmul.f32 $1.442695020e+00, v5;
	_ =	sdelay $0x1  }
0x4e8: {  	(erf) = vpow2.f32 v5;
	_ =	sdelay $0x8  }
0x4e9: {  	v5 =	vpop (erf)  }
0x4ea: {  	v6 =	vmul.f32 v5, v7  }
0x4eb: {  	v7 =	vmul.f32 v5, v49  }
0x4ec: {  	[tilespmem:s14+$0x7B00] =	vst v6;
	v6 =	vmul.f32 v5, v51  }
0x4ed: {  	[tilespmem:s14+$0x7B10] =	vst v7;
	v7 =	vmul.f32 v5, v53  }
0x4ee: {  	[tilespmem:s14+$0x7B20] =	vst v6;
	v6 =	vmul.f32 v5, v55  }
0x4ef: {  	v62 =	vmov s0;
	[tilespmem:s14+$0x7B30] =	vst v7;
	v7 =	vmul.f32 v5, v57  }
0x4f0: {  	[tilespmem:s14+$0x7B40] =	vst v6;
	v6 =	vmul.f32 v5, v59  }
0x4f1: {  	[tilespmem:s14+$0x7B50] =	vst v7;
	v7 =	vmul.f32 v5, v61  }
0x4f2: {  	[tilespmem:s14+$0x7B60] =	vst v6  }
0x4f3: {  	[tilespmem:s14+$0x7B70] =	vst v7  }
0x4f4: {  	v6 =	vld.idx.msk [tilespmem:v62+s9+$0x0], $0xffff;
	_ =	sdelay $0x2  }
0x4f5: {  	p1 =	slt.u32 s20, $0x28  }
.Ltmp9:
0x4f6: {  	_ = 	snop;
	(pc) =	sbr.rel @p1 .LBB2_13-.Ltmp9, $3  }
0x4f7: {  	_ =	sdelay $0x1  }
0x4f8: {  	s14 =	sadd.s32 $0x8, s20  }
0x4f9: {  	s20 =	smov.u32 s14;
	[tilespmem:v6+s30+$0x0] =	vst.idx.add.f32.msk $0x1, v5  }
0x4fa: {  	s0 =	simm.s32 $0x7B00  }
0x4fb: {  	[spmem:s3] =	stream.indirect.scatter.add.f32 [tilespmem:s0], [sflag:$0x9], $0x80, s9, s24, $0xb8;
	v63 =	vld [tilespmem:$0x0]  }
.Ltmp10:
0x4fc: {  	_ = 	snop;
	(pc) =	sbr.rel @p0 .LBB2_17-.Ltmp10, $4  }
.Ltmp11:
0x4fd: {  	_ = 	snop;
	(pc) =	sbr.rel @!p0 .LBB2_16-.Ltmp11, $4  }
0x4fe: {  	_ =	swait.ge [sflag:s15], $0x1800  }
0x4ff: {  	[sflag:s15] =	ssyncset.done $0x0  }
0x500: {  	[sflag:s15] =	ssyncadd.s32 $0xFFFFE800  }
0x501: {  	_ = 	snop  }
.LBB2_18:
0x502: {  	s0 =	simm.s32 $0x9  }
0x503: {  	_ =	swait.ge [sflag:s0], $0x1800  }
0x504: {  	[sflag:s0] =	ssyncset.done $0x0  }
0x505: {  	s14 =	rddreg [dreg:$0x8];
	[sflag:s0] =	ssyncadd.s32 $0xFFFFE800;
	s0 =	simm.s32 $0x0  }
0x506: {  	[hbm4b:s14+s0] =	stream.linear.scatter [tilespmem:s30], [sflag:$0xA], $0x2800, $0x38;
	v63 =	vld [tilespmem:$0x0]  }
0x507: {  	_ =	swait.ge [sflag:s19], $0x2800  }
0x508: {  	[sflag:s19] =	ssyncset.done $0x0  }
0x509: {  	[sflag:s19] =	ssyncadd.s32 $0xFFFFD800  }
0x50a: {  	[bflag:$0x0] =	sbarrier.arrive $0xFFFF  }
0x50b: {  	s20 =	simm.s32 $0xBD80;
	s25 =	rddreg [dreg:$0x9]  }
0x50c: {  	[tilespmem:s20], [sflag:$0xA] =	stream.linear.gather [hbm4b:s25+s0], $0x280, $0x38;
	v63 =	vld [tilespmem:$0x0]  }
0x50d: {  	_ =	swait.ge [sflag:s19], $0x280  }
0x50e: {  	[sflag:s19] =	ssyncset.done $0x0  }
0x50f: {  	s20 =	simm.s32 $0x0;
	[sflag:s19] =	ssyncadd.s32 $0xFFFFFD80  }
.LBB2_20:
0x510: {  	s20 =	sadd.s32 $0x1, s20  }
0x511: {  	s14 =	smul.u32 $0x2800, s20;
	_ =	sdelay $0x1  }
0x512: {  	s14 =	sadd.s32 s14, s13  }
0x513: {  	s14 =	sshrl.u32 s14, $0x3  }
0x514: {  	s21 =	simm.s32 $0xBB00;
	s14 =	sadd.s32 s7, s14  }
0x515: {  	[tilespmem:s21], [sflag:$0xA] =	stream.linear.gather [hbm4b:s14+s0], $0x280, $0x38;
	v63 =	vld [tilespmem:$0x0]  }
0x516: {  	_ =	swait.ge [sflag:s19], $0x280  }
0x517: {  	[sflag:s19] =	ssyncset.done $0x0  }
0x518: {  	s21 =	simm.s32 $0x0;
	[sflag:s19] =	ssyncadd.s32 $0xFFFFFD80  }
0x519: {  	s25 =	simm.s32 $0x40;
	v5 =	vld [tilespmem:s21+$0xBB00]  }
.LBB2_21:
0x51a: {  	p0 =	seq.s32 s25, $0x9C0;
	v6 =	vld [tilespmem:s21+$0xBD80];
	_ =	sdelay $0x2  }
.Ltmp12:
0x51b: {  	(pc) =	sbr.rel @!p0 .LBB2_21-.Ltmp12, $4  }
0x51c: {  	_ = 	snop  }
0x51d: {  	v6 =	vadd.f32 v5, v6  }
0x51e: {  	s14 =	sshra.s32 s25, $0x2  }
0x51f: {  	s25 =	sadd.s32 $0x40, s25;
	v5 =	vld [tilespmem:s14+$0xBB00];
	[tilespmem:s21+$0xBD80] =	vst v6;
	s21 =	smov.u32 s14  }
0x520: {  	v6 =	vld [tilespmem:s21+$0xBD80];
	_ =	sdelay $0x4  }
0x521: {  	v5 =	vadd.f32 v5, v6;
	_ =	sdelay $0x1  }
0x522: {  	[tilespmem:s21+$0xBD80] =	vst v5  }
0x523: {  	p0 =	seq.s32 s20, $0xF  }
.Ltmp13:
0x524: {  	_ = 	snop;
	(pc) =	sbr.rel @!p0 .LBB2_20-.Ltmp13, $1  }
0x525: {  	_ =	sdelay $0x3  }
0x526: {  	s20 =	rddreg [dreg:$0x5]  }
0x527: {  	s0 =	rddreg [dreg:$0x6]  }
0x528: {  	s14 =	rddreg [dreg:$0xb]  }
0x529: {  	[hbm:s0], [sflag:s20] =	dma.local [spmem:s14], $0x2800  }
0x52a: {  	_ =	swait.ge [sflag:s19], $0x2800  }
0x52b: {  	[sflag:s19] =	ssyncset.done $0x0  }
0x52c: {  	s21 =	simm.s32 $0xBD80;
	s25 =	rddreg [dreg:$0x7];
	[sflag:s19] =	ssyncadd.s32 $0xFFFFD800  }
0x52d: {  	[hbm4b:s25+s4] =	stream.linear.scatter [tilespmem:s21], [sflag:$0xA], $0x280, $0x38;
	v63 =	vld [tilespmem:$0x0]  }
0x52e: {  	_ =	swait.ge [sflag:s19], $0x280  }
0x52f: {  	s0 =	rddreg [dreg:$0xc]  }
0x530: {  	s25 =	rddreg [dreg:$0xa];
	s21 =	sadd.s32 $0x1, s0  }
0x531: {  	p0 =	sne.s32 s21, s25  }
.Ltmp14:
0x532: {  	_ = 	snop;
	(pc) =	sbr.rel @p0 .LBB2_1-.Ltmp14, $3  }
0x533: {  	_ =	sdelay $0x1  }
0x534: {  	[sflag:s19] =	ssyncset.done $0x0  }
0x535: {  	[sflag:s19] =	ssyncadd.s32 $0xFFFFFD80  }
0x536: {  	_ =	sfence.sel $0x180000  }
0x537: {  	[bflag:$0x0] =	sbarrier.arrive $0xFFFF  }
0x538: {  	_ =	strace $0x90000047  }
0x539: {  	s0 =	stileid.u32;
	[bflag:$0x2] =	sbarrier.arrive $0xFFFF  }
0x53a: {  	p0 =	sne.s32 s0, $0x0;
	s0 =	rddreg [dreg:$0x3]  }
0x53b: {  	s0 =	sadd.s32 @!p0 $0x100000, s0  }
0x53c: {  	[sflag:s0] =	ssyncadd.tile.s32 @!p0 $0x1;
	_ =	shalt  }
.Lfunc_end2:
_tile_overlayer_lowered:
.L_overlay_start_2:
0x53d: {  	(tag) =	ssettag $0x2  }
0x53e: {  	s0 =	rddreg [dreg:$0x0];
	s2 =	stileid.u32  }
0x53f: {  	s1 =	rddreg [dreg:$0x1];
	p0 =	sne.s32 s2, $0x0  }
0x540: {  	s3 =	rddreg [dreg:$0x2];
	[bflag:$0x3] =	sbarrier.arrive $0xFFFF;
	s2 =	simm.s32 @!p0 $0x1C0A  }
0x541: {  	[timem:s3], [sflag:s2] =	dma.local @!p0 [hbm:s0], s1  }
0x542: {  	s0 =	simm.s32 @!p0 $0xA  }
0x543: {  	_ =	swait.ge @!p0 [sflag:s0], s1  }
0x544: {  	s1 =	ssub.s32 @!p0 $0x0, s1;
	[sflag:s0] =	ssyncset.done @!p0 $0x0  }
0x545: {  	[sflag:s0] =	ssyncadd.s32 @!p0 s1  }
0x546: {  	[bflag:$0x3] =	sbarrier.arrive $0xFFFF  }
0x547: {  	_ =	shalt  }

</sc_bundles>
